<compile_context>
chip_gen: v7x
topology: tpu7x:2x2x1
jax: 0.10.2.dev20260603
libtpu: 0.0.44.dev20260713+nightly
codegen_flags: <defaults>
</compile_context>

<pallas_src>
import functools

import jax
import jax.numpy as jnp
from jax import lax
from jax.experimental import pallas as pl
from jax.experimental.pallas import tpu as pltpu
from jax.experimental.pallas import tpu_sc as plsc

N = 10000
E = 160000
D_IN = 256
D_H = 1024
D_OUT = 128

NCORES = 2
NTILES = 16
K = 80
EPAD = 163840
CHUNKS_PER_TILE = EPAD // (K * NTILES)
NPAD_ROWS = 48
SHARE_ROWS = 640
AGG_OUT_ROWS = NTILES * SHARE_ROWS
NP1 = AGG_OUT_ROWS + NPAD_ROWS
DEG_PAD = 10240
DEG_SHARE = DEG_PAD // NTILES

BN = 2000
NB_N = N // BN



HK = 128


def _hist_body(srcp, dstp, dego, degi, deg_sp, idx_v, ones_v, zer_v):
    cid = lax.axis_index("c")
    sid = lax.axis_index("s")
    for i in range(HK // 16):
        ones_v[pl.ds(i * 16, 16)] = jnp.ones((16,), jnp.float32)

    def zfill(i, c):
        zer_v[pl.ds(i * 16, 16)] = jnp.zeros((16,), jnp.float32)
        return c
    lax.fori_loop(0, DEG_SHARE // 16, zfill, 0)

    base = pl.multiple_of(sid * DEG_SHARE, 8)
    pltpu.sync_copy(zer_v, deg_sp.at[pl.ds(base, DEG_SHARE)])
    plsc.subcore_barrier()

    total_chunks = E // HK
    nbase, nrem = divmod(total_chunks, NTILES)
    n_j = nbase + jnp.where(sid < nrem, 1, 0)

    def accumulate(edge_ref):
        def body(j, c):
            e0 = pl.multiple_of((sid + NTILES * j) * HK, 8)
            pltpu.sync_copy(edge_ref.at[pl.ds(e0, HK)], idx_v)
            pltpu.sync_copy(ones_v, deg_sp.at[idx_v], add=True)
            return c
        lax.fori_loop(0, n_j, body, 0)

    @pl.when(cid == 0)
    def _():
        accumulate(srcp)

    @pl.when(cid == 1)
    def _():
        accumulate(dstp)

    plsc.subcore_barrier()

    @pl.when(cid == 0)
    def _():
        pltpu.sync_copy(deg_sp.at[pl.ds(base, DEG_SHARE)],
                        dego.at[pl.ds(base, DEG_SHARE)])

    @pl.when(cid == 1)
    def _():
        pltpu.sync_copy(deg_sp.at[pl.ds(base, DEG_SHARE)],
                        degi.at[pl.ds(base, DEG_SHARE)])


def _hist(src_p, dst_p):
    mesh = plsc.VectorSubcoreMesh(core_axis_name="c", subcore_axis_name="s")
    return pl.kernel(
        _hist_body,
        out_type=(pltpu.HBM((DEG_PAD,), jnp.float32),
                  pltpu.HBM((DEG_PAD,), jnp.float32)),
        mesh=mesh,
        scratch_types=[
            pltpu.VMEM_SHARED((DEG_PAD,), jnp.float32),
            pltpu.VMEM((HK,), jnp.int32),
            pltpu.VMEM((HK,), jnp.float32),
            pltpu.VMEM((DEG_SHARE,), jnp.float32),
        ],
    )(src_p, dst_p)



_EDGES_PER_TILE = EPAD // NTILES


def _unpack_chunk(pk_v, j, sidx, didx):
    for t in range(K // 16):
        pk = pk_v[pl.ds(j * K + t * 16, 16)]
        didx[pl.ds(t * 16, 16)] = lax.shift_right_logical(pk, 14)
        sidx[pl.ds(t * 16, 16)] = lax.bitwise_and(pk, (1 << 14) - 1)


def _agg_body(nblk_per_core, xb, packed, zeros_hbm, out,
              agg_sp, pk_v, rows, sidx, didx, gs, ss):
    cid = lax.axis_index("c")
    sid = lax.axis_index("s")
    nch = CHUNKS_PER_TILE

    ebase = pl.multiple_of(sid * _EDGES_PER_TILE, 8)
    pltpu.sync_copy(packed.at[pl.ds(ebase, _EDGES_PER_TILE)], pk_v)

    rbase = sid * SHARE_ROWS
    for b in range(nblk_per_core):
        bg = cid * nblk_per_core + b
        pltpu.sync_copy(zeros_hbm, agg_sp.at[pl.ds(rbase, SHARE_ROWS)])
        plsc.subcore_barrier()

        xrows = xb.at[bg]

        def prefetch(j1, q1):
            @pl.when(j1 >= 3)
            def _():
                pltpu.make_async_copy(rows[q1], agg_sp.at[didx[q1]],
                                      ss[q1]).wait()
            _unpack_chunk(pk_v, j1, sidx[q1], didx[q1])
            pltpu.async_copy(xrows.at[sidx[q1]], rows[q1], gs[q1])

        def phase(j, q):
            @pl.when(j < nch)
            def _():
                @pl.when(j + 1 < nch)
                def _():
                    prefetch(j + 1, (q + 1) % 3)
                pltpu.make_async_copy(xrows.at[sidx[q]], rows[q],
                                      gs[q]).wait()
                pltpu.async_copy(rows[q], agg_sp.at[didx[q]], ss[q], add=True)

        prefetch(0, 0)

        def body(p, c):
            j = 3 * p
            phase(j, 0)
            phase(j + 1, 1)
            phase(j + 2, 2)
            return c
        lax.fori_loop(0, (nch + 2) // 3, body, 0)
        for q in range(3):
            pltpu.make_async_copy(rows[q], agg_sp.at[didx[q]], ss[q]).wait()
        plsc.subcore_barrier()

        pltpu.sync_copy(agg_sp.at[pl.ds(rbase, SHARE_ROWS)],
                        out.at[pl.ds(rbase, SHARE_ROWS), pl.ds(bg * 128, 128)])
        plsc.subcore_barrier()


def _agg(xb, packed, nblocks, dtype=jnp.float32):
    mesh = plsc.VectorSubcoreMesh(core_axis_name="c", subcore_axis_name="s")

    def body(xb_r, packed_r, zeros_r, out_r, agg_sp, pk_v,
             r0, r1, r2, si0, si1, si2, di0, di1, di2,
             g0, g1, g2, s0, s1, s2):
        _agg_body(nblocks // NCORES, xb_r, packed_r, zeros_r, out_r,
                  agg_sp, pk_v, (r0, r1, r2), (si0, si1, si2),
                  (di0, di1, di2), (g0, g1, g2), (s0, s1, s2))

    return pl.kernel(
        body,
        out_type=pltpu.HBM((AGG_OUT_ROWS, nblocks * 128), dtype),
        mesh=mesh,
        scratch_types=[
            pltpu.VMEM_SHARED((NP1, 128), dtype),
            pltpu.VMEM((_EDGES_PER_TILE,), jnp.int32),
            pltpu.VMEM((K, 128), dtype),
            pltpu.VMEM((K, 128), dtype),
            pltpu.VMEM((K, 128), dtype),
            pltpu.VMEM((K,), jnp.int32),
            pltpu.VMEM((K,), jnp.int32),
            pltpu.VMEM((K,), jnp.int32),
            pltpu.VMEM((K,), jnp.int32),
            pltpu.VMEM((K,), jnp.int32),
            pltpu.VMEM((K,), jnp.int32),
            pltpu.SemaphoreType.DMA,
            pltpu.SemaphoreType.DMA,
            pltpu.SemaphoreType.DMA,
            pltpu.SemaphoreType.DMA,
            pltpu.SemaphoreType.DMA,
            pltpu.SemaphoreType.DMA,
        ],
    )(xb, packed, jnp.zeros((SHARE_ROWS, 128), dtype))



def _prep_body(x_ref, dego_ref, xs_ref):
    s = lax.rsqrt(jnp.maximum(dego_ref[...], 1.0))
    xs_ref[0] = x_ref[...] * s


def _prep(x, dego2):
    nb_f = D_IN // 128
    return pl.pallas_call(
        _prep_body,
        grid=(nb_f, NB_N),
        in_specs=[
            pl.BlockSpec((BN, 128), lambda b, n: (n, b)),
            pl.BlockSpec((BN, 1), lambda b, n: (n, 0)),
        ],
        out_specs=pl.BlockSpec((1, BN, 128), lambda b, n: (b, n, 0)),
        out_shape=jax.ShapeDtypeStruct((nb_f, N, 128), jnp.float32),
    )(x, dego2)


def _mm1_body(agg_ref, degi_ref, dego_ref, w_ref, b_ref, out_ref, lhs_ref):
    o = pl.program_id(1)

    @pl.when(o == 0)
    def _():
        lhs_ref[...] = agg_ref[...].astype(jnp.bfloat16)

    acc = jnp.dot(lhs_ref[...], w_ref[...], preferred_element_type=jnp.float32)
    s_in = lax.rsqrt(jnp.maximum(degi_ref[...], 1.0))
    s_out = lax.rsqrt(jnp.maximum(dego_ref[...], 1.0))
    out_ref[0] = jnp.maximum(acc * s_in + b_ref[...], 0.0) * s_out


def _mm1(agg1, degi2, dego2, W1, b1r):
    no = W1.shape[1] // 128
    return pl.pallas_call(
        _mm1_body,
        grid=(NB_N, no),
        in_specs=[
            pl.BlockSpec((BN, D_IN), lambda n, o: (n, 0)),
            pl.BlockSpec((BN, 1), lambda n, o: (n, 0)),
            pl.BlockSpec((BN, 1), lambda n, o: (n, 0)),
            pl.BlockSpec((D_IN, 128), lambda n, o: (0, o)),
            pl.BlockSpec((1, 128), lambda n, o: (0, o)),
        ],
        out_specs=pl.BlockSpec((1, BN, 128), lambda n, o: (o, n, 0)),
        out_shape=jax.ShapeDtypeStruct((no, N, 128), jnp.float32),
        scratch_shapes=[pltpu.VMEM((BN, D_IN), jnp.bfloat16)],
    )(agg1, degi2, dego2, W1.astype(jnp.bfloat16), b1r)


def _mm2_body(aggA_ref, aggB_ref, degi_ref, w2a_ref, w2b_ref, b2_ref,
              wo_ref, bo_ref, out_ref, csum_ref, lhsA_ref, lhsB_ref):
    n = pl.program_id(0)
    o = pl.program_id(1)
    no = pl.num_programs(1)

    @pl.when(o == 0)
    def _():
        lhsA_ref[...] = aggA_ref[...].astype(jnp.bfloat16)
        lhsB_ref[...] = aggB_ref[...].astype(jnp.bfloat16)

    acc = (jnp.dot(lhsA_ref[...], w2a_ref[...],
                   preferred_element_type=jnp.float32) +
           jnp.dot(lhsB_ref[...], w2b_ref[...],
                   preferred_element_type=jnp.float32))
    s_in = lax.rsqrt(jnp.maximum(degi_ref[...], 1.0))
    h = jnp.maximum(acc * s_in + b2_ref[...], 0.0)
    part = jnp.sum(h, axis=0, keepdims=True)

    for oi in range(no):
        @pl.when(jnp.logical_and(o == oi, n == 0))
        def _():
            csum_ref[pl.ds(oi, 1), :] = part

        @pl.when(jnp.logical_and(o == oi, n > 0))
        def _():
            csum_ref[pl.ds(oi, 1), :] += part

    @pl.when(n == NB_N - 1)
    def _():
        for oi in range(no):
            @pl.when(o == oi)
            def _():
                mean_o = csum_ref[pl.ds(oi, 1), :] * (1.0 / N)
                contrib = jnp.dot(mean_o, wo_ref[...],
                                  preferred_element_type=jnp.float32)

                @pl.when(o == 0)
                def _():
                    out_ref[...] = contrib + bo_ref[...]

                @pl.when(o > 0)
                def _():
                    out_ref[...] += contrib


def _mm2(agg2a, agg2b, degi2, W2, b2r, W_out, bor):
    no = D_H // 128
    dh2 = D_H // 2
    w2bf = W2.astype(jnp.bfloat16)
    return pl.pallas_call(
        _mm2_body,
        grid=(NB_N, no),
        in_specs=[
            pl.BlockSpec((BN, dh2), lambda n, o: (n, 0)),
            pl.BlockSpec((BN, dh2), lambda n, o: (n, 0)),
            pl.BlockSpec((BN, 1), lambda n, o: (n, 0)),
            pl.BlockSpec((dh2, 128), lambda n, o: (0, o)),
            pl.BlockSpec((dh2, 128), lambda n, o: (0, o)),
            pl.BlockSpec((1, 128), lambda n, o: (0, o)),
            pl.BlockSpec((128, D_OUT), lambda n, o: (o, 0)),
            pl.BlockSpec((1, D_OUT), lambda n, o: (0, 0)),
        ],
        out_specs=pl.BlockSpec((1, D_OUT), lambda n, o: (0, 0)),
        out_shape=jax.ShapeDtypeStruct((1, D_OUT), jnp.float32),
        scratch_shapes=[pltpu.VMEM((no, 128), jnp.float32),
                        pltpu.VMEM((BN, dh2), jnp.bfloat16),
                        pltpu.VMEM((BN, dh2), jnp.bfloat16)],
    )(agg2a, agg2b, degi2, w2bf[:dh2], w2bf[dh2:], b2r, W_out, bor)



def kernel(x, edge_index, W1, b1, W2, b2, W_out, b_out):
    src = edge_index[0]
    dst = edge_index[1]
    pad_ids = jnp.arange(EPAD - E, dtype=jnp.int32) % NPAD_ROWS
    src_p = jnp.concatenate([src, pad_ids])
    dst_p = jnp.concatenate([dst, AGG_OUT_ROWS + pad_ids])
    packed = src_p + dst_p * (1 << 14)

    dego, degi = _hist(src, dst)
    dego2 = dego.reshape(DEG_PAD, 1)
    degi2 = degi.reshape(DEG_PAD, 1)

    xs = _prep(x, dego2)
    agg1 = _agg(xs, packed, D_IN // 128)
    dh2 = D_H // 2
    b1r = b1.reshape(1, -1)
    h1a = _mm1(agg1, degi2, dego2, W1[:, :dh2], b1r[:, :dh2])
    h1b = _mm1(agg1, degi2, dego2, W1[:, dh2:], b1r[:, dh2:])
    agg2a = _agg(h1a, packed, dh2 // 128)
    agg2b = _agg(h1b, packed, dh2 // 128)
    return _mm2(agg2a, agg2b, degi2, W2, b2.reshape(1, -1),
                W_out, b_out.reshape(1, -1))

# --- scband reference (transcript-rebuilt; emitter-appended) ---
"""Pipeline reference for scband-gcn-72232759984895 (READ-ONLY COPY).

The authoritative reference and input builder live on the scoring server;
editing this copy changes nothing except your own understanding.
"""

import jax, jax.numpy as jnp
import numpy as np

N = 10000
E = 160000
D_IN = 256
D_H = 1024
D_OUT = 128


def setup_inputs(seed: int = 0) -> dict:
    key = jax.random.key(seed)
    ks = jax.random.split(key, 9)
    x = jax.random.normal(ks[0], (N, D_IN), dtype=jnp.float32)
    edge_index = jax.random.randint(ks[1], (2, E), 0, N, dtype=jnp.int32)
    # GraphConv layer 1: input_dim -> hidden_dim (glorot-ish init)
    W1 = jax.random.normal(ks[2], (D_IN, D_H), dtype=jnp.float32) * (1.0 / np.sqrt(D_IN))
    b1 = jnp.zeros((D_H,), dtype=jnp.float32)
    # GraphConv layer 2: hidden_dim -> hidden_dim
    W2 = jax.random.normal(ks[3], (D_H, D_H), dtype=jnp.float32) * (1.0 / np.sqrt(D_H))
    b2 = jnp.zeros((D_H,), dtype=jnp.float32)
    # final linear output layer
    W_out = jax.random.normal(ks[4], (D_H, D_OUT), dtype=jnp.float32) * (1.0 / np.sqrt(D_H))
    b_out = jnp.zeros((D_OUT,), dtype=jnp.float32)
    return {"x": x, "edge_index": edge_index, "W1": W1, "b1": b1, "W2": W2, "b2": b2, "W_out": W_out, "b_out": b_out}


def _graph_conv(x, edge_index, W, b):
    # DGL GraphConv with norm='both': h = D_in^{-1/2} A D_out^{-1/2} x W + b, then relu
    src = edge_index[0]
    dst = edge_index[1]
    ones = jnp.ones((E,), dtype=jnp.float32)
    deg_out = jnp.zeros((N,), dtype=jnp.float32).at[src].add(ones)
    deg_in = jnp.zeros((N,), dtype=jnp.float32).at[dst].add(ones)
    deg_out = jnp.clip(deg_out, 1.0, None)
    deg_in = jnp.clip(deg_in, 1.0, None)
    h = x * jax.lax.rsqrt(deg_out)[:, None]
    h = h @ W
    msg = jnp.take(h, src, axis=0)
    agg = jnp.zeros((N, h.shape[1]), dtype=jnp.float32).at[dst].add(msg)
    h = agg * jax.lax.rsqrt(deg_in)[:, None] + b
    return jax.nn.relu(h)


def reference(x, edge_index, W1, b1, W2, b2, W_out, b_out):
    h = _graph_conv(x, edge_index, W1, b1)
    # dropout is identity at inference (eval mode)
    h = _graph_conv(h, edge_index, W2, b2)
    # dgl.mean_nodes over a single graph -> [1, hidden_dim]
    hg = jnp.mean(h, axis=0, keepdims=True)
    return hg @ W_out + b_out

if __name__ == "__main__":
    import jax
    _d = setup_inputs()
    print(jax.jit(kernel)(*tuple(_d.values())))

</pallas_src>

<mosaic_0001>
#map = affine_map<(d0, d1) -> (0)>
module attributes {stable_mosaic.version = 14 : i64} {
  func.func @_hist_body(%arg0: i32, %arg1: i32, %arg2: memref<160000xi32, #tpu.memory_space<hbm>>, %arg3: memref<160000xi32, #tpu.memory_space<hbm>>, %arg4: memref<10240xf32, #tpu.memory_space<hbm>>, %arg5: memref<10240xf32, #tpu.memory_space<hbm>>, %arg6: memref<10240xf32, #tpu.memory_space<vmem_shared>>, %arg7: memref<128xi32, #tpu.memory_space<vmem>>, %arg8: memref<128xf32, #tpu.memory_space<vmem>>, %arg9: memref<640xf32, #tpu.memory_space<vmem>>) attributes {dimension_semantics = [#tpu.dimension_semantics<core_parallel>, #tpu.dimension_semantics<subcore_parallel>], iteration_bounds = array<i64: 2, 16>, scalar_prefetch = 0 : i64, scratch_operands = 4 : i64, tpu.core_type = #tpu.core_type<sc_vector_subcore>, window_params = [{transform_indices = #map}, {transform_indices = #map}, {transform_indices = #map}, {transform_indices = #map}]} {
    %broadcast_in_dim3A = arith.constant 1.000000e+00 : f32
    %broadcast_in_dim3A_0 = vector.broadcast %broadcast_in_dim3A : f32 to vector<16xf32>
    %swap3A = arith.constant 0 : index
    %swap3A_1 = tpu.vector_load %arg8[%swap3A] {strides = array<i32>} : memref<128xf32, #tpu.memory_space<vmem>>, vector<16xf32>,
    %swap3A_2 = vector.shape_cast %swap3A_1 : vector<16xf32> to vector<16xf32>
    %swap3A_3 = vector.shape_cast %broadcast_in_dim3A_0 : vector<16xf32> to vector<16xf32>
    tpu.vector_store %arg8[%swap3A], %swap3A_3 {strides = array<i32>} : memref<128xf32, #tpu.memory_space<vmem>>, vector<16xf32>,
    %broadcast_in_dim3A_4 = arith.constant 1.000000e+00 : f32
    %broadcast_in_dim3A_5 = vector.broadcast %broadcast_in_dim3A_4 : f32 to vector<16xf32>
    %swap3A_6 = arith.constant 16 : index
    %swap3A_7 = tpu.vector_load %arg8[%swap3A_6] {strides = array<i32>} : memref<128xf32, #tpu.memory_space<vmem>>, vector<16xf32>,
    %swap3A_8 = vector.shape_cast %swap3A_7 : vector<16xf32> to vector<16xf32>
    %swap3A_9 = vector.shape_cast %broadcast_in_dim3A_5 : vector<16xf32> to vector<16xf32>
    tpu.vector_store %arg8[%swap3A_6], %swap3A_9 {strides = array<i32>} : memref<128xf32, #tpu.memory_space<vmem>>, vector<16xf32>,
    %broadcast_in_dim3A_10 = arith.constant 1.000000e+00 : f32
    %broadcast_in_dim3A_11 = vector.broadcast %broadcast_in_dim3A_10 : f32 to vector<16xf32>
    %swap3A_12 = arith.constant 32 : index
    %swap3A_13 = tpu.vector_load %arg8[%swap3A_12] {strides = array<i32>} : memref<128xf32, #tpu.memory_space<vmem>>, vector<16xf32>,
    %swap3A_14 = vector.shape_cast %swap3A_13 : vector<16xf32> to vector<16xf32>
    %swap3A_15 = vector.shape_cast %broadcast_in_dim3A_11 : vector<16xf32> to vector<16xf32>
    tpu.vector_store %arg8[%swap3A_12], %swap3A_15 {strides = array<i32>} : memref<128xf32, #tpu.memory_space<vmem>>, vector<16xf32>,
    %broadcast_in_dim3A_16 = arith.constant 1.000000e+00 : f32
    %broadcast_in_dim3A_17 = vector.broadcast %broadcast_in_dim3A_16 : f32 to vector<16xf32>
    %swap3A_18 = arith.constant 48 : index
    %swap3A_19 = tpu.vector_load %arg8[%swap3A_18] {strides = array<i32>} : memref<128xf32, #tpu.memory_space<vmem>>, vector<16xf32>,
    %swap3A_20 = vector.shape_cast %swap3A_19 : vector<16xf32> to vector<16xf32>
    %swap3A_21 = vector.shape_cast %broadcast_in_dim3A_17 : vector<16xf32> to vector<16xf32>
    tpu.vector_store %arg8[%swap3A_18], %swap3A_21 {strides = array<i32>} : memref<128xf32, #tpu.memory_space<vmem>>, vector<16xf32>,
    %broadcast_in_dim3A_22 = arith.constant 1.000000e+00 : f32
    %broadcast_in_dim3A_23 = vector.broadcast %broadcast_in_dim3A_22 : f32 to vector<16xf32>
    %swap3A_24 = arith.constant 64 : index
    %swap3A_25 = tpu.vector_load %arg8[%swap3A_24] {strides = array<i32>} : memref<128xf32, #tpu.memory_space<vmem>>, vector<16xf32>,
    %swap3A_26 = vector.shape_cast %swap3A_25 : vector<16xf32> to vector<16xf32>
    %swap3A_27 = vector.shape_cast %broadcast_in_dim3A_23 : vector<16xf32> to vector<16xf32>
    tpu.vector_store %arg8[%swap3A_24], %swap3A_27 {strides = array<i32>} : memref<128xf32, #tpu.memory_space<vmem>>, vector<16xf32>,
    %broadcast_in_dim3A_28 = arith.constant 1.000000e+00 : f32
    %broadcast_in_dim3A_29 = vector.broadcast %broadcast_in_dim3A_28 : f32 to vector<16xf32>
    %swap3A_30 = arith.constant 80 : index
    %swap3A_31 = tpu.vector_load %arg8[%swap3A_30] {strides = array<i32>} : memref<128xf32, #tpu.memory_space<vmem>>, vector<16xf32>,
    %swap3A_32 = vector.shape_cast %swap3A_31 : vector<16xf32> to vector<16xf32>
    %swap3A_33 = vector.shape_cast %broadcast_in_dim3A_29 : vector<16xf32> to vector<16xf32>
    tpu.vector_store %arg8[%swap3A_30], %swap3A_33 {strides = array<i32>} : memref<128xf32, #tpu.memory_space<vmem>>, vector<16xf32>,
    %broadcast_in_dim3A_34 = arith.constant 1.000000e+00 : f32
    %broadcast_in_dim3A_35 = vector.broadcast %broadcast_in_dim3A_34 : f32 to vector<16xf32>
    %swap3A_36 = arith.constant 96 : index
    %swap3A_37 = tpu.vector_load %arg8[%swap3A_36] {strides = array<i32>} : memref<128xf32, #tpu.memory_space<vmem>>, vector<16xf32>,
    %swap3A_38 = vector.shape_cast %swap3A_37 : vector<16xf32> to vector<16xf32>
    %swap3A_39 = vector.shape_cast %broadcast_in_dim3A_35 : vector<16xf32> to vector<16xf32>
    tpu.vector_store %arg8[%swap3A_36], %swap3A_39 {strides = array<i32>} : memref<128xf32, #tpu.memory_space<vmem>>, vector<16xf32>,
    %broadcast_in_dim3A_40 = arith.constant 1.000000e+00 : f32
    %broadcast_in_dim3A_41 = vector.broadcast %broadcast_in_dim3A_40 : f32 to vector<16xf32>
    %swap3A_42 = arith.constant 112 : index
    %swap3A_43 = tpu.vector_load %arg8[%swap3A_42] {strides = array<i32>} : memref<128xf32, #tpu.memory_space<vmem>>, vector<16xf32>,
    %swap3A_44 = vector.shape_cast %swap3A_43 : vector<16xf32> to vector<16xf32>
    %swap3A_45 = vector.shape_cast %broadcast_in_dim3A_41 : vector<16xf32> to vector<16xf32>
    tpu.vector_store %arg8[%swap3A_42], %swap3A_45 {strides = array<i32>} : memref<128xf32, #tpu.memory_space<vmem>>, vector<16xf32>,
    %scan3A = arith.constant 0 : i32
    %scan3A_46 = arith.constant 0 : i32
    %scan3A_47 = arith.constant 40 : i32
    %scan3A_48 = arith.addi %scan3A_46, %scan3A_47 : i32
    %scan3A_49 = arith.constant 1 : i32
    scf.for %scan3A_73 = %scan3A_46 to %scan3A_48 step %scan3A_49  : i32 {
      %broadcast_in_dim3A_74 = arith.constant 0.000000e+00 : f32
      %broadcast_in_dim3A_75 = vector.broadcast %broadcast_in_dim3A_74 : f32 to vector<16xf32>
      %mul3A_76 = arith.constant 16 : i32
      %mul3A_77 = arith.muli %scan3A_73, %mul3A_76 : i32
      %swap3A_78 = arith.index_cast %mul3A_77 : i32 to index
      %swap3A_79 = tpu.vector_load %arg9[%swap3A_78] {strides = array<i32>} : memref<640xf32, #tpu.memory_space<vmem>>, vector<16xf32>,
      %swap3A_80 = vector.shape_cast %swap3A_79 : vector<16xf32> to vector<16xf32>
      %swap3A_81 = vector.shape_cast %broadcast_in_dim3A_75 : vector<16xf32> to vector<16xf32>
      tpu.vector_store %arg9[%swap3A_78], %swap3A_81 {strides = array<i32>} : memref<640xf32, #tpu.memory_space<vmem>>, vector<16xf32>,
    }
    %scan3A_50 = arith.constant 40 : i32
    %mul3A = arith.constant 640 : i32
    %mul3A_51 = arith.muli %arg1, %mul3A : i32
    %multiple_of3A = tpu.assume_multiple %mul3A_51, 8 : i32
    "tpu.region"() ({
      %run_scoped3A = tpu.sem_alloc : memref<!tpu.dma_semaphore, #tpu.memory_space<semaphore_mem>>
      %dma_start3A = tpu.memref_slice %arg6[%multiple_of3A] : memref<10240xf32, #tpu.memory_space<vmem_shared>> -> memref<640xf32, #tpu.memory_space<vmem_shared>>
      %dma_start3A_73 = tpu.memref_slice %arg6[%multiple_of3A] : memref<10240xf32, #tpu.memory_space<vmem_shared>> -> memref<640xf32, #tpu.memory_space<vmem_shared>>
      tpu.enqueue_dma source(%arg9 : memref<640xf32, #tpu.memory_space<vmem>>) target(%dma_start3A_73 : memref<640xf32, #tpu.memory_space<vmem_shared>>) target_semaphore(%run_scoped3A : memref<!tpu.dma_semaphore, #tpu.memory_space<semaphore_mem>>)
      %dma_wait3A = tpu.memref_slice %arg6[%multiple_of3A] : memref<10240xf32, #tpu.memory_space<vmem_shared>> -> memref<640xf32, #tpu.memory_space<vmem_shared>>
      %dma_wait3A_74 = tpu.memref_slice %arg6[%multiple_of3A] : memref<10240xf32, #tpu.memory_space<vmem_shared>> -> memref<640xf32, #tpu.memory_space<vmem_shared>>
      tpu.wait_dma2 semaphore(%run_scoped3A : memref<!tpu.dma_semaphore, #tpu.memory_space<semaphore_mem>>) src(%arg9 : memref<640xf32, #tpu.memory_space<vmem>>) dst(%dma_wait3A_74 : memref<640xf32, #tpu.memory_space<vmem_shared>>)
      tpu.yield
    }) : () -> ()
    %barrier3A = arith.constant 0 : index
    tpu.barrier barrier_id(%barrier3A)
    %lt3A = arith.constant 2 : i32
    %lt3A_52 = arith.cmpi slt, %arg1, %lt3A : i32
    %jit3A = arith.constant 1 : i32
    %jit3A_53 = arith.constant 0 : i32
    %select_n3A = arith.select %lt3A_52, %jit3A, %jit3A_53 : i32
    %add3A = arith.constant 78 : i32
    %add3A_54 = arith.addi %add3A, %select_n3A : i32
    %eq3A = arith.constant 0 : i32
    %eq3A_55 = arith.cmpi eq, %arg0, %eq3A : i32
    %convert_element_type3A = arith.extui %eq3A_55 : i1 to i32
    %cond3A = arith.constant 0 : i32
    %cond3A_56 = arith.cmpi ne, %convert_element_type3A, %cond3A : i32
    scf.if %cond3A_56 {
      %while3A = arith.constant 0 : i32
      %while3A_73 = arith.constant 0 : i32
      %while3A_74 = arith.subi %add3A_54, %while3A_73 : i32
      %while3A_75 = arith.addi %while3A_73, %while3A_74 : i32
      %while3A_76 = arith.constant 1 : i32
      %while3A_77 = arith.divsi %while3A_74, %while3A_76 : i32
      %while3A_78 = arith.muli %while3A_77, %while3A_76 : i32
      %while3A_79 = arith.addi %while3A_73, %while3A_78 : i32
      %while3A_80 = arith.constant 1 : i32
      scf.for %while3A_82 = %while3A_73 to %while3A_79 step %while3A_80  : i32 {
        %mul3A_83 = arith.constant 16 : i32
        %mul3A_84 = arith.muli %mul3A_83, %while3A_82 : i32
        %add3A_85 = arith.addi %arg1, %mul3A_84 : i32
        %mul3A_86 = arith.constant 128 : i32
        %mul3A_87 = arith.muli %add3A_85, %mul3A_86 : i32
        %multiple_of3A_88 = tpu.assume_multiple %mul3A_87, 8 : i32
        "tpu.region"() ({
          %run_scoped3A = tpu.sem_alloc : memref<!tpu.dma_semaphore, #tpu.memory_space<semaphore_mem>>
          %dma_start3A = tpu.memref_slice %arg2[%multiple_of3A_88] : memref<160000xi32, #tpu.memory_space<hbm>> -> memref<128xi32, #tpu.memory_space<hbm>>
          %dma_start3A_89 = tpu.memref_slice %arg2[%multiple_of3A_88] : memref<160000xi32, #tpu.memory_space<hbm>> -> memref<128xi32, #tpu.memory_space<hbm>>
          tpu.enqueue_dma source(%dma_start3A_89 : memref<128xi32, #tpu.memory_space<hbm>>) target(%arg7 : memref<128xi32, #tpu.memory_space<vmem>>) target_semaphore(%run_scoped3A : memref<!tpu.dma_semaphore, #tpu.memory_space<semaphore_mem>>)
          %dma_wait3A = tpu.memref_slice %arg2[%multiple_of3A_88] : memref<160000xi32, #tpu.memory_space<hbm>> -> memref<128xi32, #tpu.memory_space<hbm>>
          %dma_wait3A_90 = tpu.memref_slice %arg2[%multiple_of3A_88] : memref<160000xi32, #tpu.memory_space<hbm>> -> memref<128xi32, #tpu.memory_space<hbm>>
          tpu.wait_dma2 semaphore(%run_scoped3A : memref<!tpu.dma_semaphore, #tpu.memory_space<semaphore_mem>>) src(%dma_wait3A_90 : memref<128xi32, #tpu.memory_space<hbm>>) dst(%arg7 : memref<128xi32, #tpu.memory_space<vmem>>)
          tpu.yield
        }) : () -> ()
        "tpu.region"() ({
          %run_scoped3A = tpu.sem_alloc : memref<!tpu.dma_semaphore, #tpu.memory_space<semaphore_mem>>
          %dma_start3A = arith.constant 0 : i32
          %dma_start3A_89 = tpu.memref_slice %arg6[%dma_start3A] : memref<10240xf32, #tpu.memory_space<vmem_shared>> -> memref<10240xf32, #tpu.memory_space<vmem_shared>>
          tpu.enqueue_indirect_dma source(%arg8 : memref<128xf32, #tpu.memory_space<vmem>>) target(%dma_start3A_89 : memref<10240xf32, #tpu.memory_space<vmem_shared>>) offsets(%arg7 : memref<128xi32, #tpu.memory_space<vmem>>) semaphore(%run_scoped3A : memref<!tpu.dma_semaphore, #tpu.memory_space<semaphore_mem>>) {add = true}
          %dma_wait3A = arith.constant 0 : i32
          %dma_wait3A_90 = tpu.memref_slice %arg6[%dma_wait3A] : memref<10240xf32, #tpu.memory_space<vmem_shared>> -> memref<10240xf32, #tpu.memory_space<vmem_shared>>
          tpu.wait_indirect_dma semaphore(%run_scoped3A : memref<!tpu.dma_semaphore, #tpu.memory_space<semaphore_mem>>) src(%arg8 : memref<128xf32, #tpu.memory_space<vmem>>) dst(%dma_wait3A_90 : memref<10240xf32, #tpu.memory_space<vmem_shared>>)
          tpu.yield
        }) : () -> ()
      }
      %while3A_81 = arith.constant 1 : i32
      scf.for %while3A_82 = %while3A_79 to %while3A_75 step %while3A_81  : i32 {
        %mul3A_83 = arith.constant 16 : i32
        %mul3A_84 = arith.muli %mul3A_83, %while3A_82 : i32
        %add3A_85 = arith.addi %arg1, %mul3A_84 : i32
        %mul3A_86 = arith.constant 128 : i32
        %mul3A_87 = arith.muli %add3A_85, %mul3A_86 : i32
        %multiple_of3A_88 = tpu.assume_multiple %mul3A_87, 8 : i32
        "tpu.region"() ({
          %run_scoped3A = tpu.sem_alloc : memref<!tpu.dma_semaphore, #tpu.memory_space<semaphore_mem>>
          %dma_start3A = tpu.memref_slice %arg2[%multiple_of3A_88] : memref<160000xi32, #tpu.memory_space<hbm>> -> memref<128xi32, #tpu.memory_space<hbm>>
          %dma_start3A_89 = tpu.memref_slice %arg2[%multiple_of3A_88] : memref<160000xi32, #tpu.memory_space<hbm>> -> memref<128xi32, #tpu.memory_space<hbm>>
          tpu.enqueue_dma source(%dma_start3A_89 : memref<128xi32, #tpu.memory_space<hbm>>) target(%arg7 : memref<128xi32, #tpu.memory_space<vmem>>) target_semaphore(%run_scoped3A : memref<!tpu.dma_semaphore, #tpu.memory_space<semaphore_mem>>)
          %dma_wait3A = tpu.memref_slice %arg2[%multiple_of3A_88] : memref<160000xi32, #tpu.memory_space<hbm>> -> memref<128xi32, #tpu.memory_space<hbm>>
          %dma_wait3A_90 = tpu.memref_slice %arg2[%multiple_of3A_88] : memref<160000xi32, #tpu.memory_space<hbm>> -> memref<128xi32, #tpu.memory_space<hbm>>
          tpu.wait_dma2 semaphore(%run_scoped3A : memref<!tpu.dma_semaphore, #tpu.memory_space<semaphore_mem>>) src(%dma_wait3A_90 : memref<128xi32, #tpu.memory_space<hbm>>) dst(%arg7 : memref<128xi32, #tpu.memory_space<vmem>>)
          tpu.yield
        }) : () -> ()
        "tpu.region"() ({
          %run_scoped3A = tpu.sem_alloc : memref<!tpu.dma_semaphore, #tpu.memory_space<semaphore_mem>>
          %dma_start3A = arith.constant 0 : i32
          %dma_start3A_89 = tpu.memref_slice %arg6[%dma_start3A] : memref<10240xf32, #tpu.memory_space<vmem_shared>> -> memref<10240xf32, #tpu.memory_space<vmem_shared>>
          tpu.enqueue_indirect_dma source(%arg8 : memref<128xf32, #tpu.memory_space<vmem>>) target(%dma_start3A_89 : memref<10240xf32, #tpu.memory_space<vmem_shared>>) offsets(%arg7 : memref<128xi32, #tpu.memory_space<vmem>>) semaphore(%run_scoped3A : memref<!tpu.dma_semaphore, #tpu.memory_space<semaphore_mem>>) {add = true}
          %dma_wait3A = arith.constant 0 : i32
          %dma_wait3A_90 = tpu.memref_slice %arg6[%dma_wait3A] : memref<10240xf32, #tpu.memory_space<vmem_shared>> -> memref<10240xf32, #tpu.memory_space<vmem_shared>>
          tpu.wait_indirect_dma semaphore(%run_scoped3A : memref<!tpu.dma_semaphore, #tpu.memory_space<semaphore_mem>>) src(%arg8 : memref<128xf32, #tpu.memory_space<vmem>>) dst(%dma_wait3A_90 : memref<10240xf32, #tpu.memory_space<vmem_shared>>)
          tpu.yield
        }) : () -> ()
      }
    } else {
    }
    %eq3A_57 = arith.constant 1 : i32
    %eq3A_58 = arith.cmpi eq, %arg0, %eq3A_57 : i32
    %convert_element_type3A_59 = arith.extui %eq3A_58 : i1 to i32
    %cond3A_60 = arith.constant 0 : i32
    %cond3A_61 = arith.cmpi ne, %convert_element_type3A_59, %cond3A_60 : i32
    scf.if %cond3A_61 {
      %while3A = arith.constant 0 : i32
      %while3A_73 = arith.constant 0 : i32
      %while3A_74 = arith.subi %add3A_54, %while3A_73 : i32
      %while3A_75 = arith.addi %while3A_73, %while3A_74 : i32
      %while3A_76 = arith.constant 1 : i32
      %while3A_77 = arith.divsi %while3A_74, %while3A_76 : i32
      %while3A_78 = arith.muli %while3A_77, %while3A_76 : i32
      %while3A_79 = arith.addi %while3A_73, %while3A_78 : i32
      %while3A_80 = arith.constant 1 : i32
      scf.for %while3A_82 = %while3A_73 to %while3A_79 step %while3A_80  : i32 {
        %mul3A_83 = arith.constant 16 : i32
        %mul3A_84 = arith.muli %mul3A_83, %while3A_82 : i32
        %add3A_85 = arith.addi %arg1, %mul3A_84 : i32
        %mul3A_86 = arith.constant 128 : i32
        %mul3A_87 = arith.muli %add3A_85, %mul3A_86 : i32
        %multiple_of3A_88 = tpu.assume_multiple %mul3A_87, 8 : i32
        "tpu.region"() ({
          %run_scoped3A = tpu.sem_alloc : memref<!tpu.dma_semaphore, #tpu.memory_space<semaphore_mem>>
          %dma_start3A = tpu.memref_slice %arg3[%multiple_of3A_88] : memref<160000xi32, #tpu.memory_space<hbm>> -> memref<128xi32, #tpu.memory_space<hbm>>
          %dma_start3A_89 = tpu.memref_slice %arg3[%multiple_of3A_88] : memref<160000xi32, #tpu.memory_space<hbm>> -> memref<128xi32, #tpu.memory_space<hbm>>
          tpu.enqueue_dma source(%dma_start3A_89 : memref<128xi32, #tpu.memory_space<hbm>>) target(%arg7 : memref<128xi32, #tpu.memory_space<vmem>>) target_semaphore(%run_scoped3A : memref<!tpu.dma_semaphore, #tpu.memory_space<semaphore_mem>>)
          %dma_wait3A = tpu.memref_slice %arg3[%multiple_of3A_88] : memref<160000xi32, #tpu.memory_space<hbm>> -> memref<128xi32, #tpu.memory_space<hbm>>
          %dma_wait3A_90 = tpu.memref_slice %arg3[%multiple_of3A_88] : memref<160000xi32, #tpu.memory_space<hbm>> -> memref<128xi32, #tpu.memory_space<hbm>>
          tpu.wait_dma2 semaphore(%run_scoped3A : memref<!tpu.dma_semaphore, #tpu.memory_space<semaphore_mem>>) src(%dma_wait3A_90 : memref<128xi32, #tpu.memory_space<hbm>>) dst(%arg7 : memref<128xi32, #tpu.memory_space<vmem>>)
          tpu.yield
        }) : () -> ()
        "tpu.region"() ({
          %run_scoped3A = tpu.sem_alloc : memref<!tpu.dma_semaphore, #tpu.memory_space<semaphore_mem>>
          %dma_start3A = arith.constant 0 : i32
          %dma_start3A_89 = tpu.memref_slice %arg6[%dma_start3A] : memref<10240xf32, #tpu.memory_space<vmem_shared>> -> memref<10240xf32, #tpu.memory_space<vmem_shared>>
          tpu.enqueue_indirect_dma source(%arg8 : memref<128xf32, #tpu.memory_space<vmem>>) target(%dma_start3A_89 : memref<10240xf32, #tpu.memory_space<vmem_shared>>) offsets(%arg7 : memref<128xi32, #tpu.memory_space<vmem>>) semaphore(%run_scoped3A : memref<!tpu.dma_semaphore, #tpu.memory_space<semaphore_mem>>) {add = true}
          %dma_wait3A = arith.constant 0 : i32
          %dma_wait3A_90 = tpu.memref_slice %arg6[%dma_wait3A] : memref<10240xf32, #tpu.memory_space<vmem_shared>> -> memref<10240xf32, #tpu.memory_space<vmem_shared>>
          tpu.wait_indirect_dma semaphore(%run_scoped3A : memref<!tpu.dma_semaphore, #tpu.memory_space<semaphore_mem>>) src(%arg8 : memref<128xf32, #tpu.memory_space<vmem>>) dst(%dma_wait3A_90 : memref<10240xf32, #tpu.memory_space<vmem_shared>>)
          tpu.yield
        }) : () -> ()
      }
      %while3A_81 = arith.constant 1 : i32
      scf.for %while3A_82 = %while3A_79 to %while3A_75 step %while3A_81  : i32 {
        %mul3A_83 = arith.constant 16 : i32
        %mul3A_84 = arith.muli %mul3A_83, %while3A_82 : i32
        %add3A_85 = arith.addi %arg1, %mul3A_84 : i32
        %mul3A_86 = arith.constant 128 : i32
        %mul3A_87 = arith.muli %add3A_85, %mul3A_86 : i32
        %multiple_of3A_88 = tpu.assume_multiple %mul3A_87, 8 : i32
        "tpu.region"() ({
          %run_scoped3A = tpu.sem_alloc : memref<!tpu.dma_semaphore, #tpu.memory_space<semaphore_mem>>
          %dma_start3A = tpu.memref_slice %arg3[%multiple_of3A_88] : memref<160000xi32, #tpu.memory_space<hbm>> -> memref<128xi32, #tpu.memory_space<hbm>>
          %dma_start3A_89 = tpu.memref_slice %arg3[%multiple_of3A_88] : memref<160000xi32, #tpu.memory_space<hbm>> -> memref<128xi32, #tpu.memory_space<hbm>>
          tpu.enqueue_dma source(%dma_start3A_89 : memref<128xi32, #tpu.memory_space<hbm>>) target(%arg7 : memref<128xi32, #tpu.memory_space<vmem>>) target_semaphore(%run_scoped3A : memref<!tpu.dma_semaphore, #tpu.memory_space<semaphore_mem>>)
          %dma_wait3A = tpu.memref_slice %arg3[%multiple_of3A_88] : memref<160000xi32, #tpu.memory_space<hbm>> -> memref<128xi32, #tpu.memory_space<hbm>>
          %dma_wait3A_90 = tpu.memref_slice %arg3[%multiple_of3A_88] : memref<160000xi32, #tpu.memory_space<hbm>> -> memref<128xi32, #tpu.memory_space<hbm>>
          tpu.wait_dma2 semaphore(%run_scoped3A : memref<!tpu.dma_semaphore, #tpu.memory_space<semaphore_mem>>) src(%dma_wait3A_90 : memref<128xi32, #tpu.memory_space<hbm>>) dst(%arg7 : memref<128xi32, #tpu.memory_space<vmem>>)
          tpu.yield
        }) : () -> ()
        "tpu.region"() ({
          %run_scoped3A = tpu.sem_alloc : memref<!tpu.dma_semaphore, #tpu.memory_space<semaphore_mem>>
          %dma_start3A = arith.constant 0 : i32
          %dma_start3A_89 = tpu.memref_slice %arg6[%dma_start3A] : memref<10240xf32, #tpu.memory_space<vmem_shared>> -> memref<10240xf32, #tpu.memory_space<vmem_shared>>
          tpu.enqueue_indirect_dma source(%arg8 : memref<128xf32, #tpu.memory_space<vmem>>) target(%dma_start3A_89 : memref<10240xf32, #tpu.memory_space<vmem_shared>>) offsets(%arg7 : memref<128xi32, #tpu.memory_space<vmem>>) semaphore(%run_scoped3A : memref<!tpu.dma_semaphore, #tpu.memory_space<semaphore_mem>>) {add = true}
          %dma_wait3A = arith.constant 0 : i32
          %dma_wait3A_90 = tpu.memref_slice %arg6[%dma_wait3A] : memref<10240xf32, #tpu.memory_space<vmem_shared>> -> memref<10240xf32, #tpu.memory_space<vmem_shared>>
          tpu.wait_indirect_dma semaphore(%run_scoped3A : memref<!tpu.dma_semaphore, #tpu.memory_space<semaphore_mem>>) src(%arg8 : memref<128xf32, #tpu.memory_space<vmem>>) dst(%dma_wait3A_90 : memref<10240xf32, #tpu.memory_space<vmem_shared>>)
          tpu.yield
        }) : () -> ()
      }
    } else {
    }
    %barrier3A_62 = arith.constant 0 : index
    tpu.barrier barrier_id(%barrier3A_62)
    %eq3A_63 = arith.constant 0 : i32
    %eq3A_64 = arith.cmpi eq, %arg0, %eq3A_63 : i32
    %convert_element_type3A_65 = arith.extui %eq3A_64 : i1 to i32
    %cond3A_66 = arith.constant 0 : i32
    %cond3A_67 = arith.cmpi ne, %convert_element_type3A_65, %cond3A_66 : i32
    scf.if %cond3A_67 {
      "tpu.region"() ({
        %run_scoped3A = tpu.sem_alloc : memref<!tpu.dma_semaphore, #tpu.memory_space<semaphore_mem>>
        %dma_start3A = tpu.memref_slice %arg4[%multiple_of3A] : memref<10240xf32, #tpu.memory_space<hbm>> -> memref<640xf32, #tpu.memory_space<hbm>>
        %dma_start3A_73 = tpu.memref_slice %arg6[%multiple_of3A] : memref<10240xf32, #tpu.memory_space<vmem_shared>> -> memref<640xf32, #tpu.memory_space<vmem_shared>>
        tpu.enqueue_dma source(%dma_start3A_73 : memref<640xf32, #tpu.memory_space<vmem_shared>>) target(%dma_start3A : memref<640xf32, #tpu.memory_space<hbm>>) target_semaphore(%run_scoped3A : memref<!tpu.dma_semaphore, #tpu.memory_space<semaphore_mem>>)
        %dma_wait3A = tpu.memref_slice %arg4[%multiple_of3A] : memref<10240xf32, #tpu.memory_space<hbm>> -> memref<640xf32, #tpu.memory_space<hbm>>
        %dma_wait3A_74 = tpu.memref_slice %arg6[%multiple_of3A] : memref<10240xf32, #tpu.memory_space<vmem_shared>> -> memref<640xf32, #tpu.memory_space<vmem_shared>>
        tpu.wait_dma2 semaphore(%run_scoped3A : memref<!tpu.dma_semaphore, #tpu.memory_space<semaphore_mem>>) src(%dma_wait3A_74 : memref<640xf32, #tpu.memory_space<vmem_shared>>) dst(%dma_wait3A : memref<640xf32, #tpu.memory_space<hbm>>)
        tpu.yield
      }) : () -> ()
    } else {
    }
    %eq3A_68 = arith.constant 1 : i32
    %eq3A_69 = arith.cmpi eq, %arg0, %eq3A_68 : i32
    %convert_element_type3A_70 = arith.extui %eq3A_69 : i1 to i32
    %cond3A_71 = arith.constant 0 : i32
    %cond3A_72 = arith.cmpi ne, %convert_element_type3A_70, %cond3A_71 : i32
    scf.if %cond3A_72 {
      "tpu.region"() ({
        %run_scoped3A = tpu.sem_alloc : memref<!tpu.dma_semaphore, #tpu.memory_space<semaphore_mem>>
        %dma_start3A = tpu.memref_slice %arg5[%multiple_of3A] : memref<10240xf32, #tpu.memory_space<hbm>> -> memref<640xf32, #tpu.memory_space<hbm>>
        %dma_start3A_73 = tpu.memref_slice %arg6[%multiple_of3A] : memref<10240xf32, #tpu.memory_space<vmem_shared>> -> memref<640xf32, #tpu.memory_space<vmem_shared>>
        tpu.enqueue_dma source(%dma_start3A_73 : memref<640xf32, #tpu.memory_space<vmem_shared>>) target(%dma_start3A : memref<640xf32, #tpu.memory_space<hbm>>) target_semaphore(%run_scoped3A : memref<!tpu.dma_semaphore, #tpu.memory_space<semaphore_mem>>)
        %dma_wait3A = tpu.memref_slice %arg5[%multiple_of3A] : memref<10240xf32, #tpu.memory_space<hbm>> -> memref<640xf32, #tpu.memory_space<hbm>>
        %dma_wait3A_74 = tpu.memref_slice %arg6[%multiple_of3A] : memref<10240xf32, #tpu.memory_space<vmem_shared>> -> memref<640xf32, #tpu.memory_space<vmem_shared>>
        tpu.wait_dma2 semaphore(%run_scoped3A : memref<!tpu.dma_semaphore, #tpu.memory_space<semaphore_mem>>) src(%dma_wait3A_74 : memref<640xf32, #tpu.memory_space<vmem_shared>>) dst(%dma_wait3A : memref<640xf32, #tpu.memory_space<hbm>>)
        tpu.yield
      }) : () -> ()
    } else {
    }
    return
  }
}

#map = affine_map<(d0, d1) -> (0, 0, 0)>
#map1 = affine_map<(d0, d1) -> (0)>
#map2 = affine_map<(d0, d1) -> (0, 0)>
module attributes {stable_mosaic.version = 14 : i64} {
  func.func @body(%arg0: i32, %arg1: i32, %arg2: memref<4x10000x128xf32, #tpu.memory_space<hbm>>, %arg3: memref<163840xi32, #tpu.memory_space<hbm>>, %arg4: memref<640x128xf32, #tpu.memory_space<hbm>>, %arg5: memref<10240x512xf32, #tpu.memory_space<hbm>>, %arg6: memref<10288x128xf32, #tpu.memory_space<vmem_shared>>, %arg7: memref<10240xi32, #tpu.memory_space<vmem>>, %arg8: memref<80x128xf32, #tpu.memory_space<vmem>>, %arg9: memref<80x128xf32, #tpu.memory_space<vmem>>, %arg10: memref<80x128xf32, #tpu.memory_space<vmem>>, %arg11: memref<80xi32, #tpu.memory_space<vmem>>, %arg12: memref<80xi32, #tpu.memory_space<vmem>>, %arg13: memref<80xi32, #tpu.memory_space<vmem>>, %arg14: memref<80xi32, #tpu.memory_space<vmem>>, %arg15: memref<80xi32, #tpu.memory_space<vmem>>, %arg16: memref<80xi32, #tpu.memory_space<vmem>>, %arg17: memref<!tpu.dma_semaphore, #tpu.memory_space<semaphore_mem>>, %arg18: memref<!tpu.dma_semaphore, #tpu.memory_space<semaphore_mem>>, %arg19: memref<!tpu.dma_semaphore, #tpu.memory_space<semaphore_mem>>, %arg20: memref<!tpu.dma_semaphore, #tpu.memory_space<semaphore_mem>>, %arg21: memref<!tpu.dma_semaphore, #tpu.memory_space<semaphore_mem>>, %arg22: memref<!tpu.dma_semaphore, #tpu.memory_space<semaphore_mem>>) attributes {dimension_semantics = [#tpu.dimension_semantics<core_parallel>, #tpu.dimension_semantics<subcore_parallel>], iteration_bounds = array<i64: 2, 16>, scalar_prefetch = 0 : i64, scratch_operands = 17 : i64, tpu.core_type = #tpu.core_type<sc_vector_subcore>, window_params = [{transform_indices = #map}, {transform_indices = #map1}, {transform_indices = #map2}, {transform_indices = #map2}]} {
    %mul3A = arith.constant 10240 : i32
    %mul3A_0 = arith.muli %arg1, %mul3A : i32
    %multiple_of3A = tpu.assume_multiple %mul3A_0, 8 : i32
    "tpu.region"() ({
      %run_scoped3A = tpu.sem_alloc : memref<!tpu.dma_semaphore, #tpu.memory_space<semaphore_mem>>
      %dma_start3A_226 = tpu.memref_slice %arg3[%multiple_of3A] : memref<163840xi32, #tpu.memory_space<hbm>> -> memref<10240xi32, #tpu.memory_space<hbm>>
      %dma_start3A_227 = tpu.memref_slice %arg3[%multiple_of3A] : memref<163840xi32, #tpu.memory_space<hbm>> -> memref<10240xi32, #tpu.memory_space<hbm>>
      tpu.enqueue_dma source(%dma_start3A_227 : memref<10240xi32, #tpu.memory_space<hbm>>) target(%arg7 : memref<10240xi32, #tpu.memory_space<vmem>>) target_semaphore(%run_scoped3A : memref<!tpu.dma_semaphore, #tpu.memory_space<semaphore_mem>>)
      %dma_wait3A_228 = tpu.memref_slice %arg3[%multiple_of3A] : memref<163840xi32, #tpu.memory_space<hbm>> -> memref<10240xi32, #tpu.memory_space<hbm>>
      %dma_wait3A_229 = tpu.memref_slice %arg3[%multiple_of3A] : memref<163840xi32, #tpu.memory_space<hbm>> -> memref<10240xi32, #tpu.memory_space<hbm>>
      tpu.wait_dma2 semaphore(%run_scoped3A : memref<!tpu.dma_semaphore, #tpu.memory_space<semaphore_mem>>) src(%dma_wait3A_229 : memref<10240xi32, #tpu.memory_space<hbm>>) dst(%arg7 : memref<10240xi32, #tpu.memory_space<vmem>>)
      tpu.yield
    }) : () -> ()
    %mul3A_1 = arith.constant 640 : i32
    %mul3A_2 = arith.muli %arg1, %mul3A_1 : i32
    %mul3A_3 = arith.constant 2 : i32
    %mul3A_4 = arith.muli %arg0, %mul3A_3 : i32
    %add3A = arith.constant 0 : i32
    %add3A_5 = arith.addi %mul3A_4, %add3A : i32
    "tpu.region"() ({
      %run_scoped3A = tpu.sem_alloc : memref<!tpu.dma_semaphore, #tpu.memory_space<semaphore_mem>>
      %dma_start3A_226 = arith.constant 0 : i32
      %dma_start3A_227 = tpu.memref_slice %arg6[%mul3A_2, %dma_start3A_226] : memref<10288x128xf32, #tpu.memory_space<vmem_shared>> -> memref<640x128xf32, #tpu.memory_space<vmem_shared>>
      tpu.enqueue_dma source(%arg4 : memref<640x128xf32, #tpu.memory_space<hbm>>) target(%dma_start3A_227 : memref<640x128xf32, #tpu.memory_space<vmem_shared>>) target_semaphore(%run_scoped3A : memref<!tpu.dma_semaphore, #tpu.memory_space<semaphore_mem>>)
      %dma_wait3A_228 = arith.constant 0 : i32
      %dma_wait3A_229 = tpu.memref_slice %arg6[%mul3A_2, %dma_wait3A_228] : memref<10288x128xf32, #tpu.memory_space<vmem_shared>> -> memref<640x128xf32, #tpu.memory_space<vmem_shared>>
      tpu.wait_dma2 semaphore(%run_scoped3A : memref<!tpu.dma_semaphore, #tpu.memory_space<semaphore_mem>>) src(%arg4 : memref<640x128xf32, #tpu.memory_space<hbm>>) dst(%dma_wait3A_229 : memref<640x128xf32, #tpu.memory_space<vmem_shared>>)
      tpu.yield
    }) : () -> ()
    %barrier3A = arith.constant 0 : index
    tpu.barrier barrier_id(%barrier3A)
    %get3A = arith.constant 0 : index
    %get3A_6 = tpu.vector_load %arg7[%get3A] {strides = array<i32>} : memref<10240xi32, #tpu.memory_space<vmem>>, vector<16xi32>,
    %get3A_7 = vector.shape_cast %get3A_6 : vector<16xi32> to vector<16xi32>
    %shift_right_logical3A = arith.constant 14 : i32
    %shift_right_logical3A_8 = vector.broadcast %shift_right_logical3A : i32 to vector<16xi32>
    %shift_right_logical3A_9 = arith.shrui %get3A_7, %shift_right_logical3A_8 : vector<16xi32>
    %swap3A = arith.constant 0 : index
    %swap3A_10 = tpu.vector_load %arg14[%swap3A] {strides = array<i32>} : memref<80xi32, #tpu.memory_space<vmem>>, vector<16xi32>,
    %swap3A_11 = vector.shape_cast %swap3A_10 : vector<16xi32> to vector<16xi32>
    %swap3A_12 = vector.shape_cast %shift_right_logical3A_9 : vector<16xi32> to vector<16xi32>
    tpu.vector_store %arg14[%swap3A], %swap3A_12 {strides = array<i32>} : memref<80xi32, #tpu.memory_space<vmem>>, vector<16xi32>,
    %and3A = arith.constant 16383 : i32
    %and3A_13 = vector.broadcast %and3A : i32 to vector<16xi32>
    %and3A_14 = arith.andi %get3A_7, %and3A_13 : vector<16xi32>
    %swap3A_15 = arith.constant 0 : index
    %swap3A_16 = tpu.vector_load %arg11[%swap3A_15] {strides = array<i32>} : memref<80xi32, #tpu.memory_space<vmem>>, vector<16xi32>,
    %swap3A_17 = vector.shape_cast %swap3A_16 : vector<16xi32> to vector<16xi32>
    %swap3A_18 = vector.shape_cast %and3A_14 : vector<16xi32> to vector<16xi32>
    tpu.vector_store %arg11[%swap3A_15], %swap3A_18 {strides = array<i32>} : memref<80xi32, #tpu.memory_space<vmem>>, vector<16xi32>,
    %get3A_19 = arith.constant 16 : index
    %get3A_20 = tpu.vector_load %arg7[%get3A_19] {strides = array<i32>} : memref<10240xi32, #tpu.memory_space<vmem>>, vector<16xi32>,
    %get3A_21 = vector.shape_cast %get3A_20 : vector<16xi32> to vector<16xi32>
    %shift_right_logical3A_22 = arith.constant 14 : i32
    %shift_right_logical3A_23 = vector.broadcast %shift_right_logical3A_22 : i32 to vector<16xi32>
    %shift_right_logical3A_24 = arith.shrui %get3A_21, %shift_right_logical3A_23 : vector<16xi32>
    %swap3A_25 = arith.constant 16 : index
    %swap3A_26 = tpu.vector_load %arg14[%swap3A_25] {strides = array<i32>} : memref<80xi32, #tpu.memory_space<vmem>>, vector<16xi32>,
    %swap3A_27 = vector.shape_cast %swap3A_26 : vector<16xi32> to vector<16xi32>
    %swap3A_28 = vector.shape_cast %shift_right_logical3A_24 : vector<16xi32> to vector<16xi32>
    tpu.vector_store %arg14[%swap3A_25], %swap3A_28 {strides = array<i32>} : memref<80xi32, #tpu.memory_space<vmem>>, vector<16xi32>,
    %and3A_29 = arith.constant 16383 : i32
    %and3A_30 = vector.broadcast %and3A_29 : i32 to vector<16xi32>
    %and3A_31 = arith.andi %get3A_21, %and3A_30 : vector<16xi32>
    %swap3A_32 = arith.constant 16 : index
    %swap3A_33 = tpu.vector_load %arg11[%swap3A_32] {strides = array<i32>} : memref<80xi32, #tpu.memory_space<vmem>>, vector<16xi32>,
    %swap3A_34 = vector.shape_cast %swap3A_33 : vector<16xi32> to vector<16xi32>
    %swap3A_35 = vector.shape_cast %and3A_31 : vector<16xi32> to vector<16xi32>
    tpu.vector_store %arg11[%swap3A_32], %swap3A_35 {strides = array<i32>} : memref<80xi32, #tpu.memory_space<vmem>>, vector<16xi32>,
    %get3A_36 = arith.constant 32 : index
    %get3A_37 = tpu.vector_load %arg7[%get3A_36] {strides = array<i32>} : memref<10240xi32, #tpu.memory_space<vmem>>, vector<16xi32>,
    %get3A_38 = vector.shape_cast %get3A_37 : vector<16xi32> to vector<16xi32>
    %shift_right_logical3A_39 = arith.constant 14 : i32
    %shift_right_logical3A_40 = vector.broadcast %shift_right_logical3A_39 : i32 to vector<16xi32>
    %shift_right_logical3A_41 = arith.shrui %get3A_38, %shift_right_logical3A_40 : vector<16xi32>
    %swap3A_42 = arith.constant 32 : index
    %swap3A_43 = tpu.vector_load %arg14[%swap3A_42] {strides = array<i32>} : memref<80xi32, #tpu.memory_space<vmem>>, vector<16xi32>,
    %swap3A_44 = vector.shape_cast %swap3A_43 : vector<16xi32> to vector<16xi32>
    %swap3A_45 = vector.shape_cast %shift_right_logical3A_41 : vector<16xi32> to vector<16xi32>
    tpu.vector_store %arg14[%swap3A_42], %swap3A_45 {strides = array<i32>} : memref<80xi32, #tpu.memory_space<vmem>>, vector<16xi32>,
    %and3A_46 = arith.constant 16383 : i32
    %and3A_47 = vector.broadcast %and3A_46 : i32 to vector<16xi32>
    %and3A_48 = arith.andi %get3A_38, %and3A_47 : vector<16xi32>
    %swap3A_49 = arith.constant 32 : index
    %swap3A_50 = tpu.vector_load %arg11[%swap3A_49] {strides = array<i32>} : memref<80xi32, #tpu.memory_space<vmem>>, vector<16xi32>,
    %swap3A_51 = vector.shape_cast %swap3A_50 : vector<16xi32> to vector<16xi32>
    %swap3A_52 = vector.shape_cast %and3A_48 : vector<16xi32> to vector<16xi32>
    tpu.vector_store %arg11[%swap3A_49], %swap3A_52 {strides = array<i32>} : memref<80xi32, #tpu.memory_space<vmem>>, vector<16xi32>,
    %get3A_53 = arith.constant 48 : index
    %get3A_54 = tpu.vector_load %arg7[%get3A_53] {strides = array<i32>} : memref<10240xi32, #tpu.memory_space<vmem>>, vector<16xi32>,
    %get3A_55 = vector.shape_cast %get3A_54 : vector<16xi32> to vector<16xi32>
    %shift_right_logical3A_56 = arith.constant 14 : i32
    %shift_right_logical3A_57 = vector.broadcast %shift_right_logical3A_56 : i32 to vector<16xi32>
    %shift_right_logical3A_58 = arith.shrui %get3A_55, %shift_right_logical3A_57 : vector<16xi32>
    %swap3A_59 = arith.constant 48 : index
    %swap3A_60 = tpu.vector_load %arg14[%swap3A_59] {strides = array<i32>} : memref<80xi32, #tpu.memory_space<vmem>>, vector<16xi32>,
    %swap3A_61 = vector.shape_cast %swap3A_60 : vector<16xi32> to vector<16xi32>
    %swap3A_62 = vector.shape_cast %shift_right_logical3A_58 : vector<16xi32> to vector<16xi32>
    tpu.vector_store %arg14[%swap3A_59], %swap3A_62 {strides = array<i32>} : memref<80xi32, #tpu.memory_space<vmem>>, vector<16xi32>,
    %and3A_63 = arith.constant 16383 : i32
    %and3A_64 = vector.broadcast %and3A_63 : i32 to vector<16xi32>
    %and3A_65 = arith.andi %get3A_55, %and3A_64 : vector<16xi32>
    %swap3A_66 = arith.constant 48 : index
    %swap3A_67 = tpu.vector_load %arg11[%swap3A_66] {strides = array<i32>} : memref<80xi32, #tpu.memory_space<vmem>>, vector<16xi32>,
    %swap3A_68 = vector.shape_cast %swap3A_67 : vector<16xi32> to vector<16xi32>
    %swap3A_69 = vector.shape_cast %and3A_65 : vector<16xi32> to vector<16xi32>
    tpu.vector_store %arg11[%swap3A_66], %swap3A_69 {strides = array<i32>} : memref<80xi32, #tpu.memory_space<vmem>>, vector<16xi32>,
    %get3A_70 = arith.constant 64 : index
    %get3A_71 = tpu.vector_load %arg7[%get3A_70] {strides = array<i32>} : memref<10240xi32, #tpu.memory_space<vmem>>, vector<16xi32>,
    %get3A_72 = vector.shape_cast %get3A_71 : vector<16xi32> to vector<16xi32>
    %shift_right_logical3A_73 = arith.constant 14 : i32
    %shift_right_logical3A_74 = vector.broadcast %shift_right_logical3A_73 : i32 to vector<16xi32>
    %shift_right_logical3A_75 = arith.shrui %get3A_72, %shift_right_logical3A_74 : vector<16xi32>
    %swap3A_76 = arith.constant 64 : index
    %swap3A_77 = tpu.vector_load %arg14[%swap3A_76] {strides = array<i32>} : memref<80xi32, #tpu.memory_space<vmem>>, vector<16xi32>,
    %swap3A_78 = vector.shape_cast %swap3A_77 : vector<16xi32> to vector<16xi32>
    %swap3A_79 = vector.shape_cast %shift_right_logical3A_75 : vector<16xi32> to vector<16xi32>
    tpu.vector_store %arg14[%swap3A_76], %swap3A_79 {strides = array<i32>} : memref<80xi32, #tpu.memory_space<vmem>>, vector<16xi32>,
    %and3A_80 = arith.constant 16383 : i32
    %and3A_81 = vector.broadcast %and3A_80 : i32 to vector<16xi32>
    %and3A_82 = arith.andi %get3A_72, %and3A_81 : vector<16xi32>
    %swap3A_83 = arith.constant 64 : index
    %swap3A_84 = tpu.vector_load %arg11[%swap3A_83] {strides = array<i32>} : memref<80xi32, #tpu.memory_space<vmem>>, vector<16xi32>,
    %swap3A_85 = vector.shape_cast %swap3A_84 : vector<16xi32> to vector<16xi32>
    %swap3A_86 = vector.shape_cast %and3A_82 : vector<16xi32> to vector<16xi32>
    tpu.vector_store %arg11[%swap3A_83], %swap3A_86 {strides = array<i32>} : memref<80xi32, #tpu.memory_space<vmem>>, vector<16xi32>,
    %dma_start3A = arith.constant 0 : i32
    %dma_start3A_87 = arith.constant 0 : i32
    %dma_start3A_88 = tpu.memref_slice %arg2[%add3A_5, %dma_start3A, %dma_start3A_87] : memref<4x10000x128xf32, #tpu.memory_space<hbm>> -> memref<1x10000x128xf32, #tpu.memory_space<hbm>>
    %dma_start3A_89 = tpu.memref_squeeze %dma_start3A_88 : memref<1x10000x128xf32, #tpu.memory_space<hbm>> -> memref<10000x128xf32, #tpu.memory_space<hbm>>
    %dma_start3A_90 = arith.constant 0 : i32
    %dma_start3A_91 = arith.constant 0 : i32
    %dma_start3A_92 = tpu.memref_slice %dma_start3A_89[%dma_start3A_90, %dma_start3A_91] : memref<10000x128xf32, #tpu.memory_space<hbm>> -> memref<10000x128xf32, #tpu.memory_space<hbm>>
    tpu.enqueue_indirect_dma source(%dma_start3A_92 : memref<10000x128xf32, #tpu.memory_space<hbm>>) target(%arg8 : memref<80x128xf32, #tpu.memory_space<vmem>>) offsets(%arg11 : memref<80xi32, #tpu.memory_space<vmem>>) semaphore(%arg17 : memref<!tpu.dma_semaphore, #tpu.memory_space<semaphore_mem>>)
    %scan3A = arith.constant 0 : i32
    %scan3A_93 = arith.constant 0 : i32
    %scan3A_94 = arith.constant 43 : i32
    %scan3A_95 = arith.addi %scan3A_93, %scan3A_94 : i32
    %scan3A_96 = arith.constant 1 : i32
    scf.for %scan3A_226 = %scan3A_93 to %scan3A_95 step %scan3A_96  : i32 {
      %mul3A_227 = arith.constant 3 : i32
      %mul3A_228 = arith.muli %mul3A_227, %scan3A_226 : i32
      %lt3A = arith.constant 128 : i32
      %lt3A_229 = arith.cmpi slt, %mul3A_228, %lt3A : i32
      %convert_element_type3A = arith.extui %lt3A_229 : i1 to i32
      %cond3A = arith.constant 0 : i32
      %cond3A_230 = arith.cmpi ne, %convert_element_type3A, %cond3A : i32
      scf.if %cond3A_230 {
        %add3A_245 = arith.constant 1 : i32
        %add3A_246 = arith.addi %mul3A_228, %add3A_245 : i32
        %lt3A_247 = arith.constant 128 : i32
        %lt3A_248 = arith.cmpi slt, %add3A_246, %lt3A_247 : i32
        %convert_element_type3A_249 = arith.extui %lt3A_248 : i1 to i32
        %cond3A_250 = arith.constant 0 : i32
        %cond3A_251 = arith.cmpi ne, %convert_element_type3A_249, %cond3A_250 : i32
        scf.if %cond3A_251 {
          %add3A_262 = arith.constant 1 : i32
          %add3A_263 = arith.addi %mul3A_228, %add3A_262 : i32
          %ge3A = arith.constant 3 : i32
          %ge3A_264 = arith.cmpi sge, %add3A_263, %ge3A : i32
          %convert_element_type3A_265 = arith.extui %ge3A_264 : i1 to i32
          %cond3A_266 = arith.constant 0 : i32
          %cond3A_267 = arith.cmpi ne, %convert_element_type3A_265, %cond3A_266 : i32
          scf.if %cond3A_267 {
            %dma_wait3A_380 = arith.constant 0 : i32
            %dma_wait3A_381 = arith.constant 0 : i32
            %dma_wait3A_382 = tpu.memref_slice %arg6[%dma_wait3A_380, %dma_wait3A_381] : memref<10288x128xf32, #tpu.memory_space<vmem_shared>> -> memref<10288x128xf32, #tpu.memory_space<vmem_shared>>
            tpu.wait_indirect_dma semaphore(%arg21 : memref<!tpu.dma_semaphore, #tpu.memory_space<semaphore_mem>>) src(%arg9 : memref<80x128xf32, #tpu.memory_space<vmem>>) dst(%dma_wait3A_382 : memref<10288x128xf32, #tpu.memory_space<vmem_shared>>)
          } else {
          }
          %mul3A_268 = arith.constant 80 : i32
          %mul3A_269 = arith.muli %add3A_263, %mul3A_268 : i32
          %add3A_270 = arith.constant 0 : i32
          %add3A_271 = arith.addi %mul3A_269, %add3A_270 : i32
          %get3A_272 = arith.index_cast %add3A_271 : i32 to index
          %get3A_273 = tpu.vector_load %arg7[%get3A_272] {strides = array<i32>} : memref<10240xi32, #tpu.memory_space<vmem>>, vector<16xi32>,
          %get3A_274 = vector.shape_cast %get3A_273 : vector<16xi32> to vector<16xi32>
          %shift_right_logical3A_275 = arith.constant 14 : i32
          %shift_right_logical3A_276 = vector.broadcast %shift_right_logical3A_275 : i32 to vector<16xi32>
          %shift_right_logical3A_277 = arith.shrui %get3A_274, %shift_right_logical3A_276 : vector<16xi32>
          %swap3A_278 = arith.constant 0 : index
          %swap3A_279 = tpu.vector_load %arg15[%swap3A_278] {strides = array<i32>} : memref<80xi32, #tpu.memory_space<vmem>>, vector<16xi32>,
          %swap3A_280 = vector.shape_cast %swap3A_279 : vector<16xi32> to vector<16xi32>
          %swap3A_281 = vector.shape_cast %shift_right_logical3A_277 : vector<16xi32> to vector<16xi32>
          tpu.vector_store %arg15[%swap3A_278], %swap3A_281 {strides = array<i32>} : memref<80xi32, #tpu.memory_space<vmem>>, vector<16xi32>,
          %and3A_282 = arith.constant 16383 : i32
          %and3A_283 = vector.broadcast %and3A_282 : i32 to vector<16xi32>
          %and3A_284 = arith.andi %get3A_274, %and3A_283 : vector<16xi32>
          %swap3A_285 = arith.constant 0 : index
          %swap3A_286 = tpu.vector_load %arg12[%swap3A_285] {strides = array<i32>} : memref<80xi32, #tpu.memory_space<vmem>>, vector<16xi32>,
          %swap3A_287 = vector.shape_cast %swap3A_286 : vector<16xi32> to vector<16xi32>
          %swap3A_288 = vector.shape_cast %and3A_284 : vector<16xi32> to vector<16xi32>
          tpu.vector_store %arg12[%swap3A_285], %swap3A_288 {strides = array<i32>} : memref<80xi32, #tpu.memory_space<vmem>>, vector<16xi32>,
          %mul3A_289 = arith.constant 80 : i32
          %mul3A_290 = arith.muli %add3A_263, %mul3A_289 : i32
          %add3A_291 = arith.constant 16 : i32
          %add3A_292 = arith.addi %mul3A_290, %add3A_291 : i32
          %get3A_293 = arith.index_cast %add3A_292 : i32 to index
          %get3A_294 = tpu.vector_load %arg7[%get3A_293] {strides = array<i32>} : memref<10240xi32, #tpu.memory_space<vmem>>, vector<16xi32>,
          %get3A_295 = vector.shape_cast %get3A_294 : vector<16xi32> to vector<16xi32>
          %shift_right_logical3A_296 = arith.constant 14 : i32
          %shift_right_logical3A_297 = vector.broadcast %shift_right_logical3A_296 : i32 to vector<16xi32>
          %shift_right_logical3A_298 = arith.shrui %get3A_295, %shift_right_logical3A_297 : vector<16xi32>
          %swap3A_299 = arith.constant 16 : index
          %swap3A_300 = tpu.vector_load %arg15[%swap3A_299] {strides = array<i32>} : memref<80xi32, #tpu.memory_space<vmem>>, vector<16xi32>,
          %swap3A_301 = vector.shape_cast %swap3A_300 : vector<16xi32> to vector<16xi32>
          %swap3A_302 = vector.shape_cast %shift_right_logical3A_298 : vector<16xi32> to vector<16xi32>
          tpu.vector_store %arg15[%swap3A_299], %swap3A_302 {strides = array<i32>} : memref<80xi32, #tpu.memory_space<vmem>>, vector<16xi32>,
          %and3A_303 = arith.constant 16383 : i32
          %and3A_304 = vector.broadcast %and3A_303 : i32 to vector<16xi32>
          %and3A_305 = arith.andi %get3A_295, %and3A_304 : vector<16xi32>
          %swap3A_306 = arith.constant 16 : index
          %swap3A_307 = tpu.vector_load %arg12[%swap3A_306] {strides = array<i32>} : memref<80xi32, #tpu.memory_space<vmem>>, vector<16xi32>,
          %swap3A_308 = vector.shape_cast %swap3A_307 : vector<16xi32> to vector<16xi32>
          %swap3A_309 = vector.shape_cast %and3A_305 : vector<16xi32> to vector<16xi32>
          tpu.vector_store %arg12[%swap3A_306], %swap3A_309 {strides = array<i32>} : memref<80xi32, #tpu.memory_space<vmem>>, vector<16xi32>,
          %mul3A_310 = arith.constant 80 : i32
          %mul3A_311 = arith.muli %add3A_263, %mul3A_310 : i32
          %add3A_312 = arith.constant 32 : i32
          %add3A_313 = arith.addi %mul3A_311, %add3A_312 : i32
          %get3A_314 = arith.index_cast %add3A_313 : i32 to index
          %get3A_315 = tpu.vector_load %arg7[%get3A_314] {strides = array<i32>} : memref<10240xi32, #tpu.memory_space<vmem>>, vector<16xi32>,
          %get3A_316 = vector.shape_cast %get3A_315 : vector<16xi32> to vector<16xi32>
          %shift_right_logical3A_317 = arith.constant 14 : i32
          %shift_right_logical3A_318 = vector.broadcast %shift_right_logical3A_317 : i32 to vector<16xi32>
          %shift_right_logical3A_319 = arith.shrui %get3A_316, %shift_right_logical3A_318 : vector<16xi32>
          %swap3A_320 = arith.constant 32 : index
          %swap3A_321 = tpu.vector_load %arg15[%swap3A_320] {strides = array<i32>} : memref<80xi32, #tpu.memory_space<vmem>>, vector<16xi32>,
          %swap3A_322 = vector.shape_cast %swap3A_321 : vector<16xi32> to vector<16xi32>
          %swap3A_323 = vector.shape_cast %shift_right_logical3A_319 : vector<16xi32> to vector<16xi32>
          tpu.vector_store %arg15[%swap3A_320], %swap3A_323 {strides = array<i32>} : memref<80xi32, #tpu.memory_space<vmem>>, vector<16xi32>,
          %and3A_324 = arith.constant 16383 : i32
          %and3A_325 = vector.broadcast %and3A_324 : i32 to vector<16xi32>
          %and3A_326 = arith.andi %get3A_316, %and3A_325 : vector<16xi32>
          %swap3A_327 = arith.constant 32 : index
          %swap3A_328 = tpu.vector_load %arg12[%swap3A_327] {strides = array<i32>} : memref<80xi32, #tpu.memory_space<vmem>>, vector<16xi32>,
          %swap3A_329 = vector.shape_cast %swap3A_328 : vector<16xi32> to vector<16xi32>
          %swap3A_330 = vector.shape_cast %and3A_326 : vector<16xi32> to vector<16xi32>
          tpu.vector_store %arg12[%swap3A_327], %swap3A_330 {strides = array<i32>} : memref<80xi32, #tpu.memory_space<vmem>>, vector<16xi32>,
          %mul3A_331 = arith.constant 80 : i32
          %mul3A_332 = arith.muli %add3A_263, %mul3A_331 : i32
          %add3A_333 = arith.constant 48 : i32
          %add3A_334 = arith.addi %mul3A_332, %add3A_333 : i32
          %get3A_335 = arith.index_cast %add3A_334 : i32 to index
          %get3A_336 = tpu.vector_load %arg7[%get3A_335] {strides = array<i32>} : memref<10240xi32, #tpu.memory_space<vmem>>, vector<16xi32>,
          %get3A_337 = vector.shape_cast %get3A_336 : vector<16xi32> to vector<16xi32>
          %shift_right_logical3A_338 = arith.constant 14 : i32
          %shift_right_logical3A_339 = vector.broadcast %shift_right_logical3A_338 : i32 to vector<16xi32>
          %shift_right_logical3A_340 = arith.shrui %get3A_337, %shift_right_logical3A_339 : vector<16xi32>
          %swap3A_341 = arith.constant 48 : index
          %swap3A_342 = tpu.vector_load %arg15[%swap3A_341] {strides = array<i32>} : memref<80xi32, #tpu.memory_space<vmem>>, vector<16xi32>,
          %swap3A_343 = vector.shape_cast %swap3A_342 : vector<16xi32> to vector<16xi32>
          %swap3A_344 = vector.shape_cast %shift_right_logical3A_340 : vector<16xi32> to vector<16xi32>
          tpu.vector_store %arg15[%swap3A_341], %swap3A_344 {strides = array<i32>} : memref<80xi32, #tpu.memory_space<vmem>>, vector<16xi32>,
          %and3A_345 = arith.constant 16383 : i32
          %and3A_346 = vector.broadcast %and3A_345 : i32 to vector<16xi32>
          %and3A_347 = arith.andi %get3A_337, %and3A_346 : vector<16xi32>
          %swap3A_348 = arith.constant 48 : index
          %swap3A_349 = tpu.vector_load %arg12[%swap3A_348] {strides = array<i32>} : memref<80xi32, #tpu.memory_space<vmem>>, vector<16xi32>,
          %swap3A_350 = vector.shape_cast %swap3A_349 : vector<16xi32> to vector<16xi32>
          %swap3A_351 = vector.shape_cast %and3A_347 : vector<16xi32> to vector<16xi32>
          tpu.vector_store %arg12[%swap3A_348], %swap3A_351 {strides = array<i32>} : memref<80xi32, #tpu.memory_space<vmem>>, vector<16xi32>,
          %mul3A_352 = arith.constant 80 : i32
          %mul3A_353 = arith.muli %add3A_263, %mul3A_352 : i32
          %add3A_354 = arith.constant 64 : i32
          %add3A_355 = arith.addi %mul3A_353, %add3A_354 : i32
          %get3A_356 = arith.index_cast %add3A_355 : i32 to index
          %get3A_357 = tpu.vector_load %arg7[%get3A_356] {strides = array<i32>} : memref<10240xi32, #tpu.memory_space<vmem>>, vector<16xi32>,
          %get3A_358 = vector.shape_cast %get3A_357 : vector<16xi32> to vector<16xi32>
          %shift_right_logical3A_359 = arith.constant 14 : i32
          %shift_right_logical3A_360 = vector.broadcast %shift_right_logical3A_359 : i32 to vector<16xi32>
          %shift_right_logical3A_361 = arith.shrui %get3A_358, %shift_right_logical3A_360 : vector<16xi32>
          %swap3A_362 = arith.constant 64 : index
          %swap3A_363 = tpu.vector_load %arg15[%swap3A_362] {strides = array<i32>} : memref<80xi32, #tpu.memory_space<vmem>>, vector<16xi32>,
          %swap3A_364 = vector.shape_cast %swap3A_363 : vector<16xi32> to vector<16xi32>
          %swap3A_365 = vector.shape_cast %shift_right_logical3A_361 : vector<16xi32> to vector<16xi32>
          tpu.vector_store %arg15[%swap3A_362], %swap3A_365 {strides = array<i32>} : memref<80xi32, #tpu.memory_space<vmem>>, vector<16xi32>,
          %and3A_366 = arith.constant 16383 : i32
          %and3A_367 = vector.broadcast %and3A_366 : i32 to vector<16xi32>
          %and3A_368 = arith.andi %get3A_358, %and3A_367 : vector<16xi32>
          %swap3A_369 = arith.constant 64 : index
          %swap3A_370 = tpu.vector_load %arg12[%swap3A_369] {strides = array<i32>} : memref<80xi32, #tpu.memory_space<vmem>>, vector<16xi32>,
          %swap3A_371 = vector.shape_cast %swap3A_370 : vector<16xi32> to vector<16xi32>
          %swap3A_372 = vector.shape_cast %and3A_368 : vector<16xi32> to vector<16xi32>
          tpu.vector_store %arg12[%swap3A_369], %swap3A_372 {strides = array<i32>} : memref<80xi32, #tpu.memory_space<vmem>>, vector<16xi32>,
          %dma_start3A_373 = arith.constant 0 : i32
          %dma_start3A_374 = arith.constant 0 : i32
          %dma_start3A_375 = tpu.memref_slice %arg2[%add3A_5, %dma_start3A_373, %dma_start3A_374] : memref<4x10000x128xf32, #tpu.memory_space<hbm>> -> memref<1x10000x128xf32, #tpu.memory_space<hbm>>
          %dma_start3A_376 = tpu.memref_squeeze %dma_start3A_375 : memref<1x10000x128xf32, #tpu.memory_space<hbm>> -> memref<10000x128xf32, #tpu.memory_space<hbm>>
          %dma_start3A_377 = arith.constant 0 : i32
          %dma_start3A_378 = arith.constant 0 : i32
          %dma_start3A_379 = tpu.memref_slice %dma_start3A_376[%dma_start3A_377, %dma_start3A_378] : memref<10000x128xf32, #tpu.memory_space<hbm>> -> memref<10000x128xf32, #tpu.memory_space<hbm>>
          tpu.enqueue_indirect_dma source(%dma_start3A_379 : memref<10000x128xf32, #tpu.memory_space<hbm>>) target(%arg9 : memref<80x128xf32, #tpu.memory_space<vmem>>) offsets(%arg12 : memref<80xi32, #tpu.memory_space<vmem>>) semaphore(%arg18 : memref<!tpu.dma_semaphore, #tpu.memory_space<semaphore_mem>>)
        } else {
        }
        %dma_wait3A_252 = arith.constant 0 : i32
        %dma_wait3A_253 = arith.constant 0 : i32
        %dma_wait3A_254 = tpu.memref_slice %arg2[%add3A_5, %dma_wait3A_252, %dma_wait3A_253] : memref<4x10000x128xf32, #tpu.memory_space<hbm>> -> memref<1x10000x128xf32, #tpu.memory_space<hbm>>
        %dma_wait3A_255 = tpu.memref_squeeze %dma_wait3A_254 : memref<1x10000x128xf32, #tpu.memory_space<hbm>> -> memref<10000x128xf32, #tpu.memory_space<hbm>>
        %dma_wait3A_256 = arith.constant 0 : i32
        %dma_wait3A_257 = arith.constant 0 : i32
        %dma_wait3A_258 = tpu.memref_slice %dma_wait3A_255[%dma_wait3A_256, %dma_wait3A_257] : memref<10000x128xf32, #tpu.memory_space<hbm>> -> memref<10000x128xf32, #tpu.memory_space<hbm>>
        tpu.wait_indirect_dma semaphore(%arg17 : memref<!tpu.dma_semaphore, #tpu.memory_space<semaphore_mem>>) src(%dma_wait3A_258 : memref<10000x128xf32, #tpu.memory_space<hbm>>) dst(%arg8 : memref<80x128xf32, #tpu.memory_space<vmem>>)
        %dma_start3A_259 = arith.constant 0 : i32
        %dma_start3A_260 = arith.constant 0 : i32
        %dma_start3A_261 = tpu.memref_slice %arg6[%dma_start3A_259, %dma_start3A_260] : memref<10288x128xf32, #tpu.memory_space<vmem_shared>> -> memref<10288x128xf32, #tpu.memory_space<vmem_shared>>
        tpu.enqueue_indirect_dma source(%arg8 : memref<80x128xf32, #tpu.memory_space<vmem>>) target(%dma_start3A_261 : memref<10288x128xf32, #tpu.memory_space<vmem_shared>>) offsets(%arg14 : memref<80xi32, #tpu.memory_space<vmem>>) semaphore(%arg20 : memref<!tpu.dma_semaphore, #tpu.memory_space<semaphore_mem>>) {add = true}
      } else {
      }
      %add3A_231 = arith.constant 1 : i32
      %add3A_232 = arith.addi %mul3A_228, %add3A_231 : i32
      %lt3A_233 = arith.constant 128 : i32
      %lt3A_234 = arith.cmpi slt, %add3A_232, %lt3A_233 : i32
      %convert_element_type3A_235 = arith.extui %lt3A_234 : i1 to i32
      %cond3A_236 = arith.constant 0 : i32
      %cond3A_237 = arith.cmpi ne, %convert_element_type3A_235, %cond3A_236 : i32
      scf.if %cond3A_237 {
        %add3A_245 = arith.constant 1 : i32
        %add3A_246 = arith.addi %add3A_232, %add3A_245 : i32
        %lt3A_247 = arith.constant 128 : i32
        %lt3A_248 = arith.cmpi slt, %add3A_246, %lt3A_247 : i32
        %convert_element_type3A_249 = arith.extui %lt3A_248 : i1 to i32
        %cond3A_250 = arith.constant 0 : i32
        %cond3A_251 = arith.cmpi ne, %convert_element_type3A_249, %cond3A_250 : i32
        scf.if %cond3A_251 {
          %add3A_262 = arith.constant 1 : i32
          %add3A_263 = arith.addi %add3A_232, %add3A_262 : i32
          %ge3A = arith.constant 3 : i32
          %ge3A_264 = arith.cmpi sge, %add3A_263, %ge3A : i32
          %convert_element_type3A_265 = arith.extui %ge3A_264 : i1 to i32
          %cond3A_266 = arith.constant 0 : i32
          %cond3A_267 = arith.cmpi ne, %convert_element_type3A_265, %cond3A_266 : i32
          scf.if %cond3A_267 {
            %dma_wait3A_380 = arith.constant 0 : i32
            %dma_wait3A_381 = arith.constant 0 : i32
            %dma_wait3A_382 = tpu.memref_slice %arg6[%dma_wait3A_380, %dma_wait3A_381] : memref<10288x128xf32, #tpu.memory_space<vmem_shared>> -> memref<10288x128xf32, #tpu.memory_space<vmem_shared>>
            tpu.wait_indirect_dma semaphore(%arg22 : memref<!tpu.dma_semaphore, #tpu.memory_space<semaphore_mem>>) src(%arg10 : memref<80x128xf32, #tpu.memory_space<vmem>>) dst(%dma_wait3A_382 : memref<10288x128xf32, #tpu.memory_space<vmem_shared>>)
          } else {
          }
          %mul3A_268 = arith.constant 80 : i32
          %mul3A_269 = arith.muli %add3A_263, %mul3A_268 : i32
          %add3A_270 = arith.constant 0 : i32
          %add3A_271 = arith.addi %mul3A_269, %add3A_270 : i32
          %get3A_272 = arith.index_cast %add3A_271 : i32 to index
          %get3A_273 = tpu.vector_load %arg7[%get3A_272] {strides = array<i32>} : memref<10240xi32, #tpu.memory_space<vmem>>, vector<16xi32>,
          %get3A_274 = vector.shape_cast %get3A_273 : vector<16xi32> to vector<16xi32>
          %shift_right_logical3A_275 = arith.constant 14 : i32
          %shift_right_logical3A_276 = vector.broadcast %shift_right_logical3A_275 : i32 to vector<16xi32>
          %shift_right_logical3A_277 = arith.shrui %get3A_274, %shift_right_logical3A_276 : vector<16xi32>
          %swap3A_278 = arith.constant 0 : index
          %swap3A_279 = tpu.vector_load %arg16[%swap3A_278] {strides = array<i32>} : memref<80xi32, #tpu.memory_space<vmem>>, vector<16xi32>,
          %swap3A_280 = vector.shape_cast %swap3A_279 : vector<16xi32> to vector<16xi32>
          %swap3A_281 = vector.shape_cast %shift_right_logical3A_277 : vector<16xi32> to vector<16xi32>
          tpu.vector_store %arg16[%swap3A_278], %swap3A_281 {strides = array<i32>} : memref<80xi32, #tpu.memory_space<vmem>>, vector<16xi32>,
          %and3A_282 = arith.constant 16383 : i32
          %and3A_283 = vector.broadcast %and3A_282 : i32 to vector<16xi32>
          %and3A_284 = arith.andi %get3A_274, %and3A_283 : vector<16xi32>
          %swap3A_285 = arith.constant 0 : index
          %swap3A_286 = tpu.vector_load %arg13[%swap3A_285] {strides = array<i32>} : memref<80xi32, #tpu.memory_space<vmem>>, vector<16xi32>,
          %swap3A_287 = vector.shape_cast %swap3A_286 : vector<16xi32> to vector<16xi32>
          %swap3A_288 = vector.shape_cast %and3A_284 : vector<16xi32> to vector<16xi32>
          tpu.vector_store %arg13[%swap3A_285], %swap3A_288 {strides = array<i32>} : memref<80xi32, #tpu.memory_space<vmem>>, vector<16xi32>,
          %mul3A_289 = arith.constant 80 : i32
          %mul3A_290 = arith.muli %add3A_263, %mul3A_289 : i32
          %add3A_291 = arith.constant 16 : i32
          %add3A_292 = arith.addi %mul3A_290, %add3A_291 : i32
          %get3A_293 = arith.index_cast %add3A_292 : i32 to index
          %get3A_294 = tpu.vector_load %arg7[%get3A_293] {strides = array<i32>} : memref<10240xi32, #tpu.memory_space<vmem>>, vector<16xi32>,
          %get3A_295 = vector.shape_cast %get3A_294 : vector<16xi32> to vector<16xi32>
          %shift_right_logical3A_296 = arith.constant 14 : i32
          %shift_right_logical3A_297 = vector.broadcast %shift_right_logical3A_296 : i32 to vector<16xi32>
          %shift_right_logical3A_298 = arith.shrui %get3A_295, %shift_right_logical3A_297 : vector<16xi32>
          %swap3A_299 = arith.constant 16 : index
          %swap3A_300 = tpu.vector_load %arg16[%swap3A_299] {strides = array<i32>} : memref<80xi32, #tpu.memory_space<vmem>>, vector<16xi32>,
          %swap3A_301 = vector.shape_cast %swap3A_300 : vector<16xi32> to vector<16xi32>
          %swap3A_302 = vector.shape_cast %shift_right_logical3A_298 : vector<16xi32> to vector<16xi32>
          tpu.vector_store %arg16[%swap3A_299], %swap3A_302 {strides = array<i32>} : memref<80xi32, #tpu.memory_space<vmem>>, vector<16xi32>,
          %and3A_303 = arith.constant 16383 : i32
          %and3A_304 = vector.broadcast %and3A_303 : i32 to vector<16xi32>
          %and3A_305 = arith.andi %get3A_295, %and3A_304 : vector<16xi32>
          %swap3A_306 = arith.constant 16 : index
          %swap3A_307 = tpu.vector_load %arg13[%swap3A_306] {strides = array<i32>} : memref<80xi32, #tpu.memory_space<vmem>>, vector<16xi32>,
          %swap3A_308 = vector.shape_cast %swap3A_307 : vector<16xi32> to vector<16xi32>
          %swap3A_309 = vector.shape_cast %and3A_305 : vector<16xi32> to vector<16xi32>
          tpu.vector_store %arg13[%swap3A_306], %swap3A_309 {strides = array<i32>} : memref<80xi32, #tpu.memory_space<vmem>>, vector<16xi32>,
          %mul3A_310 = arith.constant 80 : i32
          %mul3A_311 = arith.muli %add3A_263, %mul3A_310 : i32
          %add3A_312 = arith.constant 32 : i32
          %add3A_313 = arith.addi %mul3A_311, %add3A_312 : i32
          %get3A_314 = arith.index_cast %add3A_313 : i32 to index
          %get3A_315 = tpu.vector_load %arg7[%get3A_314] {strides = array<i32>} : memref<10240xi32, #tpu.memory_space<vmem>>, vector<16xi32>,
          %get3A_316 = vector.shape_cast %get3A_315 : vector<16xi32> to vector<16xi32>
          %shift_right_logical3A_317 = arith.constant 14 : i32
          %shift_right_logical3A_318 = vector.broadcast %shift_right_logical3A_317 : i32 to vector<16xi32>
          %shift_right_logical3A_319 = arith.shrui %get3A_316, %shift_right_logical3A_318 : vector<16xi32>
          %swap3A_320 = arith.constant 32 : index
          %swap3A_321 = tpu.vector_load %arg16[%swap3A_320] {strides = array<i32>} : memref<80xi32, #tpu.memory_space<vmem>>, vector<16xi32>,
          %swap3A_322 = vector.shape_cast %swap3A_321 : vector<16xi32> to vector<16xi32>
          %swap3A_323 = vector.shape_cast %shift_right_logical3A_319 : vector<16xi32> to vector<16xi32>
          tpu.vector_store %arg16[%swap3A_320], %swap3A_323 {strides = array<i32>} : memref<80xi32, #tpu.memory_space<vmem>>, vector<16xi32>,
          %and3A_324 = arith.constant 16383 : i32
          %and3A_325 = vector.broadcast %and3A_324 : i32 to vector<16xi32>
          %and3A_326 = arith.andi %get3A_316, %and3A_325 : vector<16xi32>
          %swap3A_327 = arith.constant 32 : index
          %swap3A_328 = tpu.vector_load %arg13[%swap3A_327] {strides = array<i32>} : memref<80xi32, #tpu.memory_space<vmem>>, vector<16xi32>,
          %swap3A_329 = vector.shape_cast %swap3A_328 : vector<16xi32> to vector<16xi32>
          %swap3A_330 = vector.shape_cast %and3A_326 : vector<16xi32> to vector<16xi32>
          tpu.vector_store %arg13[%swap3A_327], %swap3A_330 {strides = array<i32>} : memref<80xi32, #tpu.memory_space<vmem>>, vector<16xi32>,
          %mul3A_331 = arith.constant 80 : i32
          %mul3A_332 = arith.muli %add3A_263, %mul3A_331 : i32
          %add3A_333 = arith.constant 48 : i32
          %add3A_334 = arith.addi %mul3A_332, %add3A_333 : i32
          %get3A_335 = arith.index_cast %add3A_334 : i32 to index
          %get3A_336 = tpu.vector_load %arg7[%get3A_335] {strides = array<i32>} : memref<10240xi32, #tpu.memory_space<vmem>>, vector<16xi32>,
          %get3A_337 = vector.shape_cast %get3A_336 : vector<16xi32> to vector<16xi32>
          %shift_right_logical3A_338 = arith.constant 14 : i32
          %shift_right_logical3A_339 = vector.broadcast %shift_right_logical3A_338 : i32 to vector<16xi32>
          %shift_right_logical3A_340 = arith.shrui %get3A_337, %shift_right_logical3A_339 : vector<16xi32>
          %swap3A_341 = arith.constant 48 : index
          %swap3A_342 = tpu.vector_load %arg16[%swap3A_341] {strides = array<i32>} : memref<80xi32, #tpu.memory_space<vmem>>, vector<16xi32>,
          %swap3A_343 = vector.shape_cast %swap3A_342 : vector<16xi32> to vector<16xi32>
          %swap3A_344 = vector.shape_cast %shift_right_logical3A_340 : vector<16xi32> to vector<16xi32>
          tpu.vector_store %arg16[%swap3A_341], %swap3A_344 {strides = array<i32>} : memref<80xi32, #tpu.memory_space<vmem>>, vector<16xi32>,
          %and3A_345 = arith.constant 16383 : i32
          %and3A_346 = vector.broadcast %and3A_345 : i32 to vector<16xi32>
          %and3A_347 = arith.andi %get3A_337, %and3A_346 : vector<16xi32>
          %swap3A_348 = arith.constant 48 : index
          %swap3A_349 = tpu.vector_load %arg13[%swap3A_348] {strides = array<i32>} : memref<80xi32, #tpu.memory_space<vmem>>, vector<16xi32>,
          %swap3A_350 = vector.shape_cast %swap3A_349 : vector<16xi32> to vector<16xi32>
          %swap3A_351 = vector.shape_cast %and3A_347 : vector<16xi32> to vector<16xi32>
          tpu.vector_store %arg13[%swap3A_348], %swap3A_351 {strides = array<i32>} : memref<80xi32, #tpu.memory_space<vmem>>, vector<16xi32>,
          %mul3A_352 = arith.constant 80 : i32
          %mul3A_353 = arith.muli %add3A_263, %mul3A_352 : i32
          %add3A_354 = arith.constant 64 : i32
          %add3A_355 = arith.addi %mul3A_353, %add3A_354 : i32
          %get3A_356 = arith.index_cast %add3A_355 : i32 to index
          %get3A_357 = tpu.vector_load %arg7[%get3A_356] {strides = array<i32>} : memref<10240xi32, #tpu.memory_space<vmem>>, vector<16xi32>,
          %get3A_358 = vector.shape_cast %get3A_357 : vector<16xi32> to vector<16xi32>
          %shift_right_logical3A_359 = arith.constant 14 : i32
          %shift_right_logical3A_360 = vector.broadcast %shift_right_logical3A_359 : i32 to vector<16xi32>
          %shift_right_logical3A_361 = arith.shrui %get3A_358, %shift_right_logical3A_360 : vector<16xi32>
          %swap3A_362 = arith.constant 64 : index
          %swap3A_363 = tpu.vector_load %arg16[%swap3A_362] {strides = array<i32>} : memref<80xi32, #tpu.memory_space<vmem>>, vector<16xi32>,
          %swap3A_364 = vector.shape_cast %swap3A_363 : vector<16xi32> to vector<16xi32>
          %swap3A_365 = vector.shape_cast %shift_right_logical3A_361 : vector<16xi32> to vector<16xi32>
          tpu.vector_store %arg16[%swap3A_362], %swap3A_365 {strides = array<i32>} : memref<80xi32, #tpu.memory_space<vmem>>, vector<16xi32>,
          %and3A_366 = arith.constant 16383 : i32
          %and3A_367 = vector.broadcast %and3A_366 : i32 to vector<16xi32>
          %and3A_368 = arith.andi %get3A_358, %and3A_367 : vector<16xi32>
          %swap3A_369 = arith.constant 64 : index
          %swap3A_370 = tpu.vector_load %arg13[%swap3A_369] {strides = array<i32>} : memref<80xi32, #tpu.memory_space<vmem>>, vector<16xi32>,
          %swap3A_371 = vector.shape_cast %swap3A_370 : vector<16xi32> to vector<16xi32>
          %swap3A_372 = vector.shape_cast %and3A_368 : vector<16xi32> to vector<16xi32>
          tpu.vector_store %arg13[%swap3A_369], %swap3A_372 {strides = array<i32>} : memref<80xi32, #tpu.memory_space<vmem>>, vector<16xi32>,
          %dma_start3A_373 = arith.constant 0 : i32
          %dma_start3A_374 = arith.constant 0 : i32
          %dma_start3A_375 = tpu.memref_slice %arg2[%add3A_5, %dma_start3A_373, %dma_start3A_374] : memref<4x10000x128xf32, #tpu.memory_space<hbm>> -> memref<1x10000x128xf32, #tpu.memory_space<hbm>>
          %dma_start3A_376 = tpu.memref_squeeze %dma_start3A_375 : memref<1x10000x128xf32, #tpu.memory_space<hbm>> -> memref<10000x128xf32, #tpu.memory_space<hbm>>
          %dma_start3A_377 = arith.constant 0 : i32
          %dma_start3A_378 = arith.constant 0 : i32
          %dma_start3A_379 = tpu.memref_slice %dma_start3A_376[%dma_start3A_377, %dma_start3A_378] : memref<10000x128xf32, #tpu.memory_space<hbm>> -> memref<10000x128xf32, #tpu.memory_space<hbm>>
          tpu.enqueue_indirect_dma source(%dma_start3A_379 : memref<10000x128xf32, #tpu.memory_space<hbm>>) target(%arg10 : memref<80x128xf32, #tpu.memory_space<vmem>>) offsets(%arg13 : memref<80xi32, #tpu.memory_space<vmem>>) semaphore(%arg19 : memref<!tpu.dma_semaphore, #tpu.memory_space<semaphore_mem>>)
        } else {
        }
        %dma_wait3A_252 = arith.constant 0 : i32
        %dma_wait3A_253 = arith.constant 0 : i32
        %dma_wait3A_254 = tpu.memref_slice %arg2[%add3A_5, %dma_wait3A_252, %dma_wait3A_253] : memref<4x10000x128xf32, #tpu.memory_space<hbm>> -> memref<1x10000x128xf32, #tpu.memory_space<hbm>>
        %dma_wait3A_255 = tpu.memref_squeeze %dma_wait3A_254 : memref<1x10000x128xf32, #tpu.memory_space<hbm>> -> memref<10000x128xf32, #tpu.memory_space<hbm>>
        %dma_wait3A_256 = arith.constant 0 : i32
        %dma_wait3A_257 = arith.constant 0 : i32
        %dma_wait3A_258 = tpu.memref_slice %dma_wait3A_255[%dma_wait3A_256, %dma_wait3A_257] : memref<10000x128xf32, #tpu.memory_space<hbm>> -> memref<10000x128xf32, #tpu.memory_space<hbm>>
        tpu.wait_indirect_dma semaphore(%arg18 : memref<!tpu.dma_semaphore, #tpu.memory_space<semaphore_mem>>) src(%dma_wait3A_258 : memref<10000x128xf32, #tpu.memory_space<hbm>>) dst(%arg9 : memref<80x128xf32, #tpu.memory_space<vmem>>)
        %dma_start3A_259 = arith.constant 0 : i32
        %dma_start3A_260 = arith.constant 0 : i32
        %dma_start3A_261 = tpu.memref_slice %arg6[%dma_start3A_259, %dma_start3A_260] : memref<10288x128xf32, #tpu.memory_space<vmem_shared>> -> memref<10288x128xf32, #tpu.memory_space<vmem_shared>>
        tpu.enqueue_indirect_dma source(%arg9 : memref<80x128xf32, #tpu.memory_space<vmem>>) target(%dma_start3A_261 : memref<10288x128xf32, #tpu.memory_space<vmem_shared>>) offsets(%arg15 : memref<80xi32, #tpu.memory_space<vmem>>) semaphore(%arg21 : memref<!tpu.dma_semaphore, #tpu.memory_space<semaphore_mem>>) {add = true}
      } else {
      }
      %add3A_238 = arith.constant 2 : i32
      %add3A_239 = arith.addi %mul3A_228, %add3A_238 : i32
      %lt3A_240 = arith.constant 128 : i32
      %lt3A_241 = arith.cmpi slt, %add3A_239, %lt3A_240 : i32
      %convert_element_type3A_242 = arith.extui %lt3A_241 : i1 to i32
      %cond3A_243 = arith.constant 0 : i32
      %cond3A_244 = arith.cmpi ne, %convert_element_type3A_242, %cond3A_243 : i32
      scf.if %cond3A_244 {
        %add3A_245 = arith.constant 1 : i32
        %add3A_246 = arith.addi %add3A_239, %add3A_245 : i32
        %lt3A_247 = arith.constant 128 : i32
        %lt3A_248 = arith.cmpi slt, %add3A_246, %lt3A_247 : i32
        %convert_element_type3A_249 = arith.extui %lt3A_248 : i1 to i32
        %cond3A_250 = arith.constant 0 : i32
        %cond3A_251 = arith.cmpi ne, %convert_element_type3A_249, %cond3A_250 : i32
        scf.if %cond3A_251 {
          %add3A_262 = arith.constant 1 : i32
          %add3A_263 = arith.addi %add3A_239, %add3A_262 : i32
          %ge3A = arith.constant 3 : i32
          %ge3A_264 = arith.cmpi sge, %add3A_263, %ge3A : i32
          %convert_element_type3A_265 = arith.extui %ge3A_264 : i1 to i32
          %cond3A_266 = arith.constant 0 : i32
          %cond3A_267 = arith.cmpi ne, %convert_element_type3A_265, %cond3A_266 : i32
          scf.if %cond3A_267 {
            %dma_wait3A_380 = arith.constant 0 : i32
            %dma_wait3A_381 = arith.constant 0 : i32
            %dma_wait3A_382 = tpu.memref_slice %arg6[%dma_wait3A_380, %dma_wait3A_381] : memref<10288x128xf32, #tpu.memory_space<vmem_shared>> -> memref<10288x128xf32, #tpu.memory_space<vmem_shared>>
            tpu.wait_indirect_dma semaphore(%arg20 : memref<!tpu.dma_semaphore, #tpu.memory_space<semaphore_mem>>) src(%arg8 : memref<80x128xf32, #tpu.memory_space<vmem>>) dst(%dma_wait3A_382 : memref<10288x128xf32, #tpu.memory_space<vmem_shared>>)
          } else {
          }
          %mul3A_268 = arith.constant 80 : i32
          %mul3A_269 = arith.muli %add3A_263, %mul3A_268 : i32
          %add3A_270 = arith.constant 0 : i32
          %add3A_271 = arith.addi %mul3A_269, %add3A_270 : i32
          %get3A_272 = arith.index_cast %add3A_271 : i32 to index
          %get3A_273 = tpu.vector_load %arg7[%get3A_272] {strides = array<i32>} : memref<10240xi32, #tpu.memory_space<vmem>>, vector<16xi32>,
          %get3A_274 = vector.shape_cast %get3A_273 : vector<16xi32> to vector<16xi32>
          %shift_right_logical3A_275 = arith.constant 14 : i32
          %shift_right_logical3A_276 = vector.broadcast %shift_right_logical3A_275 : i32 to vector<16xi32>
          %shift_right_logical3A_277 = arith.shrui %get3A_274, %shift_right_logical3A_276 : vector<16xi32>
          %swap3A_278 = arith.constant 0 : index
          %swap3A_279 = tpu.vector_load %arg14[%swap3A_278] {strides = array<i32>} : memref<80xi32, #tpu.memory_space<vmem>>, vector<16xi32>,
          %swap3A_280 = vector.shape_cast %swap3A_279 : vector<16xi32> to vector<16xi32>
          %swap3A_281 = vector.shape_cast %shift_right_logical3A_277 : vector<16xi32> to vector<16xi32>
          tpu.vector_store %arg14[%swap3A_278], %swap3A_281 {strides = array<i32>} : memref<80xi32, #tpu.memory_space<vmem>>, vector<16xi32>,
          %and3A_282 = arith.constant 16383 : i32
          %and3A_283 = vector.broadcast %and3A_282 : i32 to vector<16xi32>
          %and3A_284 = arith.andi %get3A_274, %and3A_283 : vector<16xi32>
          %swap3A_285 = arith.constant 0 : index
          %swap3A_286 = tpu.vector_load %arg11[%swap3A_285] {strides = array<i32>} : memref<80xi32, #tpu.memory_space<vmem>>, vector<16xi32>,
          %swap3A_287 = vector.shape_cast %swap3A_286 : vector<16xi32> to vector<16xi32>
          %swap3A_288 = vector.shape_cast %and3A_284 : vector<16xi32> to vector<16xi32>
          tpu.vector_store %arg11[%swap3A_285], %swap3A_288 {strides = array<i32>} : memref<80xi32, #tpu.memory_space<vmem>>, vector<16xi32>,
          %mul3A_289 = arith.constant 80 : i32
          %mul3A_290 = arith.muli %add3A_263, %mul3A_289 : i32
          %add3A_291 = arith.constant 16 : i32
          %add3A_292 = arith.addi %mul3A_290, %add3A_291 : i32
          %get3A_293 = arith.index_cast %add3A_292 : i32 to index
          %get3A_294 = tpu.vector_load %arg7[%get3A_293] {strides = array<i32>} : memref<10240xi32, #tpu.memory_space<vmem>>, vector<16xi32>,
          %get3A_295 = vector.shape_cast %get3A_294 : vector<16xi32> to vector<16xi32>
          %shift_right_logical3A_296 = arith.constant 14 : i32
          %shift_right_logical3A_297 = vector.broadcast %shift_right_logical3A_296 : i32 to vector<16xi32>
          %shift_right_logical3A_298 = arith.shrui %get3A_295, %shift_right_logical3A_297 : vector<16xi32>
          %swap3A_299 = arith.constant 16 : index
          %swap3A_300 = tpu.vector_load %arg14[%swap3A_299] {strides = array<i32>} : memref<80xi32, #tpu.memory_space<vmem>>, vector<16xi32>,
          %swap3A_301 = vector.shape_cast %swap3A_300 : vector<16xi32> to vector<16xi32>
          %swap3A_302 = vector.shape_cast %shift_right_logical3A_298 : vector<16xi32> to vector<16xi32>
          tpu.vector_store %arg14[%swap3A_299], %swap3A_302 {strides = array<i32>} : memref<80xi32, #tpu.memory_space<vmem>>, vector<16xi32>,
          %and3A_303 = arith.constant 16383 : i32
          %and3A_304 = vector.broadcast %and3A_303 : i32 to vector<16xi32>
          %and3A_305 = arith.andi %get3A_295, %and3A_304 : vector<16xi32>
          %swap3A_306 = arith.constant 16 : index
          %swap3A_307 = tpu.vector_load %arg11[%swap3A_306] {strides = array<i32>} : memref<80xi32, #tpu.memory_space<vmem>>, vector<16xi32>,
          %swap3A_308 = vector.shape_cast %swap3A_307 : vector<16xi32> to vector<16xi32>
          %swap3A_309 = vector.shape_cast %and3A_305 : vector<16xi32> to vector<16xi32>
          tpu.vector_store %arg11[%swap3A_306], %swap3A_309 {strides = array<i32>} : memref<80xi32, #tpu.memory_space<vmem>>, vector<16xi32>,
          %mul3A_310 = arith.constant 80 : i32
          %mul3A_311 = arith.muli %add3A_263, %mul3A_310 : i32
          %add3A_312 = arith.constant 32 : i32
          %add3A_313 = arith.addi %mul3A_311, %add3A_312 : i32
          %get3A_314 = arith.index_cast %add3A_313 : i32 to index
          %get3A_315 = tpu.vector_load %arg7[%get3A_314] {strides = array<i32>} : memref<10240xi32, #tpu.memory_space<vmem>>, vector<16xi32>,
          %get3A_316 = vector.shape_cast %get3A_315 : vector<16xi32> to vector<16xi32>
          %shift_right_logical3A_317 = arith.constant 14 : i32
          %shift_right_logical3A_318 = vector.broadcast %shift_right_logical3A_317 : i32 to vector<16xi32>
          %shift_right_logical3A_319 = arith.shrui %get3A_316, %shift_right_logical3A_318 : vector<16xi32>
          %swap3A_320 = arith.constant 32 : index
          %swap3A_321 = tpu.vector_load %arg14[%swap3A_320] {strides = array<i32>} : memref<80xi32, #tpu.memory_space<vmem>>, vector<16xi32>,
          %swap3A_322 = vector.shape_cast %swap3A_321 : vector<16xi32> to vector<16xi32>
          %swap3A_323 = vector.shape_cast %shift_right_logical3A_319 : vector<16xi32> to vector<16xi32>
          tpu.vector_store %arg14[%swap3A_320], %swap3A_323 {strides = array<i32>} : memref<80xi32, #tpu.memory_space<vmem>>, vector<16xi32>,
          %and3A_324 = arith.constant 16383 : i32
          %and3A_325 = vector.broadcast %and3A_324 : i32 to vector<16xi32>
          %and3A_326 = arith.andi %get3A_316, %and3A_325 : vector<16xi32>
          %swap3A_327 = arith.constant 32 : index
          %swap3A_328 = tpu.vector_load %arg11[%swap3A_327] {strides = array<i32>} : memref<80xi32, #tpu.memory_space<vmem>>, vector<16xi32>,
          %swap3A_329 = vector.shape_cast %swap3A_328 : vector<16xi32> to vector<16xi32>
          %swap3A_330 = vector.shape_cast %and3A_326 : vector<16xi32> to vector<16xi32>
          tpu.vector_store %arg11[%swap3A_327], %swap3A_330 {strides = array<i32>} : memref<80xi32, #tpu.memory_space<vmem>>, vector<16xi32>,
          %mul3A_331 = arith.constant 80 : i32
          %mul3A_332 = arith.muli %add3A_263, %mul3A_331 : i32
          %add3A_333 = arith.constant 48 : i32
          %add3A_334 = arith.addi %mul3A_332, %add3A_333 : i32
          %get3A_335 = arith.index_cast %add3A_334 : i32 to index
          %get3A_336 = tpu.vector_load %arg7[%get3A_335] {strides = array<i32>} : memref<10240xi32, #tpu.memory_space<vmem>>, vector<16xi32>,
          %get3A_337 = vector.shape_cast %get3A_336 : vector<16xi32> to vector<16xi32>
          %shift_right_logical3A_338 = arith.constant 14 : i32
          %shift_right_logical3A_339 = vector.broadcast %shift_right_logical3A_338 : i32 to vector<16xi32>
          %shift_right_logical3A_340 = arith.shrui %get3A_337, %shift_right_logical3A_339 : vector<16xi32>
          %swap3A_341 = arith.constant 48 : index
          %swap3A_342 = tpu.vector_load %arg14[%swap3A_341] {strides = array<i32>} : memref<80xi32, #tpu.memory_space<vmem>>, vector<16xi32>,
          %swap3A_343 = vector.shape_cast %swap3A_342 : vector<16xi32> to vector<16xi32>
          %swap3A_344 = vector.shape_cast %shift_right_logical3A_340 : vector<16xi32> to vector<16xi32>
          tpu.vector_store %arg14[%swap3A_341], %swap3A_344 {strides = array<i32>} : memref<80xi32, #tpu.memory_space<vmem>>, vector<16xi32>,
          %and3A_345 = arith.constant 16383 : i32
          %and3A_346 = vector.broadcast %and3A_345 : i32 to vector<16xi32>
          %and3A_347 = arith.andi %get3A_337, %and3A_346 : vector<16xi32>
          %swap3A_348 = arith.constant 48 : index
          %swap3A_349 = tpu.vector_load %arg11[%swap3A_348] {strides = array<i32>} : memref<80xi32, #tpu.memory_space<vmem>>, vector<16xi32>,
          %swap3A_350 = vector.shape_cast %swap3A_349 : vector<16xi32> to vector<16xi32>
          %swap3A_351 = vector.shape_cast %and3A_347 : vector<16xi32> to vector<16xi32>
          tpu.vector_store %arg11[%swap3A_348], %swap3A_351 {strides = array<i32>} : memref<80xi32, #tpu.memory_space<vmem>>, vector<16xi32>,
          %mul3A_352 = arith.constant 80 : i32
          %mul3A_353 = arith.muli %add3A_263, %mul3A_352 : i32
          %add3A_354 = arith.constant 64 : i32
          %add3A_355 = arith.addi %mul3A_353, %add3A_354 : i32
          %get3A_356 = arith.index_cast %add3A_355 : i32 to index
          %get3A_357 = tpu.vector_load %arg7[%get3A_356] {strides = array<i32>} : memref<10240xi32, #tpu.memory_space<vmem>>, vector<16xi32>,
          %get3A_358 = vector.shape_cast %get3A_357 : vector<16xi32> to vector<16xi32>
          %shift_right_logical3A_359 = arith.constant 14 : i32
          %shift_right_logical3A_360 = vector.broadcast %shift_right_logical3A_359 : i32 to vector<16xi32>
          %shift_right_logical3A_361 = arith.shrui %get3A_358, %shift_right_logical3A_360 : vector<16xi32>
          %swap3A_362 = arith.constant 64 : index
          %swap3A_363 = tpu.vector_load %arg14[%swap3A_362] {strides = array<i32>} : memref<80xi32, #tpu.memory_space<vmem>>, vector<16xi32>,
          %swap3A_364 = vector.shape_cast %swap3A_363 : vector<16xi32> to vector<16xi32>
          %swap3A_365 = vector.shape_cast %shift_right_logical3A_361 : vector<16xi32> to vector<16xi32>
          tpu.vector_store %arg14[%swap3A_362], %swap3A_365 {strides = array<i32>} : memref<80xi32, #tpu.memory_space<vmem>>, vector<16xi32>,
          %and3A_366 = arith.constant 16383 : i32
          %and3A_367 = vector.broadcast %and3A_366 : i32 to vector<16xi32>
          %and3A_368 = arith.andi %get3A_358, %and3A_367 : vector<16xi32>
          %swap3A_369 = arith.constant 64 : index
          %swap3A_370 = tpu.vector_load %arg11[%swap3A_369] {strides = array<i32>} : memref<80xi32, #tpu.memory_space<vmem>>, vector<16xi32>,
          %swap3A_371 = vector.shape_cast %swap3A_370 : vector<16xi32> to vector<16xi32>
          %swap3A_372 = vector.shape_cast %and3A_368 : vector<16xi32> to vector<16xi32>
          tpu.vector_store %arg11[%swap3A_369], %swap3A_372 {strides = array<i32>} : memref<80xi32, #tpu.memory_space<vmem>>, vector<16xi32>,
          %dma_start3A_373 = arith.constant 0 : i32
          %dma_start3A_374 = arith.constant 0 : i32
          %dma_start3A_375 = tpu.memref_slice %arg2[%add3A_5, %dma_start3A_373, %dma_start3A_374] : memref<4x10000x128xf32, #tpu.memory_space<hbm>> -> memref<1x10000x128xf32, #tpu.memory_space<hbm>>
          %dma_start3A_376 = tpu.memref_squeeze %dma_start3A_375 : memref<1x10000x128xf32, #tpu.memory_space<hbm>> -> memref<10000x128xf32, #tpu.memory_space<hbm>>
          %dma_start3A_377 = arith.constant 0 : i32
          %dma_start3A_378 = arith.constant 0 : i32
          %dma_start3A_379 = tpu.memref_slice %dma_start3A_376[%dma_start3A_377, %dma_start3A_378] : memref<10000x128xf32, #tpu.memory_space<hbm>> -> memref<10000x128xf32, #tpu.memory_space<hbm>>
          tpu.enqueue_indirect_dma source(%dma_start3A_379 : memref<10000x128xf32, #tpu.memory_space<hbm>>) target(%arg8 : memref<80x128xf32, #tpu.memory_space<vmem>>) offsets(%arg11 : memref<80xi32, #tpu.memory_space<vmem>>) semaphore(%arg17 : memref<!tpu.dma_semaphore, #tpu.memory_space<semaphore_mem>>)
        } else {
        }
        %dma_wait3A_252 = arith.constant 0 : i32
        %dma_wait3A_253 = arith.constant 0 : i32
        %dma_wait3A_254 = tpu.memref_slice %arg2[%add3A_5, %dma_wait3A_252, %dma_wait3A_253] : memref<4x10000x128xf32, #tpu.memory_space<hbm>> -> memref<1x10000x128xf32, #tpu.memory_space<hbm>>
        %dma_wait3A_255 = tpu.memref_squeeze %dma_wait3A_254 : memref<1x10000x128xf32, #tpu.memory_space<hbm>> -> memref<10000x128xf32, #tpu.memory_space<hbm>>
        %dma_wait3A_256 = arith.constant 0 : i32
        %dma_wait3A_257 = arith.constant 0 : i32
        %dma_wait3A_258 = tpu.memref_slice %dma_wait3A_255[%dma_wait3A_256, %dma_wait3A_257] : memref<10000x128xf32, #tpu.memory_space<hbm>> -> memref<10000x128xf32, #tpu.memory_space<hbm>>
        tpu.wait_indirect_dma semaphore(%arg19 : memref<!tpu.dma_semaphore, #tpu.memory_space<semaphore_mem>>) src(%dma_wait3A_258 : memref<10000x128xf32, #tpu.memory_space<hbm>>) dst(%arg10 : memref<80x128xf32, #tpu.memory_space<vmem>>)
        %dma_start3A_259 = arith.constant 0 : i32
        %dma_start3A_260 = arith.constant 0 : i32
        %dma_start3A_261 = tpu.memref_slice %arg6[%dma_start3A_259, %dma_start3A_260] : memref<10288x128xf32, #tpu.memory_space<vmem_shared>> -> memref<10288x128xf32, #tpu.memory_space<vmem_shared>>
        tpu.enqueue_indirect_dma source(%arg10 : memref<80x128xf32, #tpu.memory_space<vmem>>) target(%dma_start3A_261 : memref<10288x128xf32, #tpu.memory_space<vmem_shared>>) offsets(%arg16 : memref<80xi32, #tpu.memory_space<vmem>>) semaphore(%arg22 : memref<!tpu.dma_semaphore, #tpu.memory_space<semaphore_mem>>) {add = true}
      } else {
      }
    }
    %scan3A_97 = arith.constant 43 : i32
    %dma_wait3A = arith.constant 0 : i32
    %dma_wait3A_98 = arith.constant 0 : i32
    %dma_wait3A_99 = tpu.memref_slice %arg6[%dma_wait3A, %dma_wait3A_98] : memref<10288x128xf32, #tpu.memory_space<vmem_shared>> -> memref<10288x128xf32, #tpu.memory_space<vmem_shared>>
    tpu.wait_indirect_dma semaphore(%arg20 : memref<!tpu.dma_semaphore, #tpu.memory_space<semaphore_mem>>) src(%arg8 : memref<80x128xf32, #tpu.memory_space<vmem>>) dst(%dma_wait3A_99 : memref<10288x128xf32, #tpu.memory_space<vmem_shared>>)
    %dma_wait3A_100 = arith.constant 0 : i32
    %dma_wait3A_101 = arith.constant 0 : i32
    %dma_wait3A_102 = tpu.memref_slice %arg6[%dma_wait3A_100, %dma_wait3A_101] : memref<10288x128xf32, #tpu.memory_space<vmem_shared>> -> memref<10288x128xf32, #tpu.memory_space<vmem_shared>>
    tpu.wait_indirect_dma semaphore(%arg21 : memref<!tpu.dma_semaphore, #tpu.memory_space<semaphore_mem>>) src(%arg9 : memref<80x128xf32, #tpu.memory_space<vmem>>) dst(%dma_wait3A_102 : memref<10288x128xf32, #tpu.memory_space<vmem_shared>>)
    %dma_wait3A_103 = arith.constant 0 : i32
    %dma_wait3A_104 = arith.constant 0 : i32
    %dma_wait3A_105 = tpu.memref_slice %arg6[%dma_wait3A_103, %dma_wait3A_104] : memref<10288x128xf32, #tpu.memory_space<vmem_shared>> -> memref<10288x128xf32, #tpu.memory_space<vmem_shared>>
    tpu.wait_indirect_dma semaphore(%arg22 : memref<!tpu.dma_semaphore, #tpu.memory_space<semaphore_mem>>) src(%arg10 : memref<80x128xf32, #tpu.memory_space<vmem>>) dst(%dma_wait3A_105 : memref<10288x128xf32, #tpu.memory_space<vmem_shared>>)
    %barrier3A_106 = arith.constant 0 : index
    tpu.barrier barrier_id(%barrier3A_106)
    %mul3A_107 = arith.constant 128 : i32
    %mul3A_108 = arith.muli %add3A_5, %mul3A_107 : i32
    "tpu.region"() ({
      %run_scoped3A = tpu.sem_alloc : memref<!tpu.dma_semaphore, #tpu.memory_space<semaphore_mem>>
      %dma_start3A_226 = tpu.memref_slice %arg5[%mul3A_2, %mul3A_108] : memref<10240x512xf32, #tpu.memory_space<hbm>> -> memref<640x128xf32, #tpu.memory_space<hbm>>
      %dma_start3A_227 = arith.constant 0 : i32
      %dma_start3A_228 = tpu.memref_slice %arg6[%mul3A_2, %dma_start3A_227] : memref<10288x128xf32, #tpu.memory_space<vmem_shared>> -> memref<640x128xf32, #tpu.memory_space<vmem_shared>>
      tpu.enqueue_dma source(%dma_start3A_228 : memref<640x128xf32, #tpu.memory_space<vmem_shared>>) target(%dma_start3A_226 : memref<640x128xf32, #tpu.memory_space<hbm>>) target_semaphore(%run_scoped3A : memref<!tpu.dma_semaphore, #tpu.memory_space<semaphore_mem>>)
      %dma_wait3A_229 = tpu.memref_slice %arg5[%mul3A_2, %mul3A_108] : memref<10240x512xf32, #tpu.memory_space<hbm>> -> memref<640x128xf32, #tpu.memory_space<hbm>>
      %dma_wait3A_230 = arith.constant 0 : i32
      %dma_wait3A_231 = tpu.memref_slice %arg6[%mul3A_2, %dma_wait3A_230] : memref<10288x128xf32, #tpu.memory_space<vmem_shared>> -> memref<640x128xf32, #tpu.memory_space<vmem_shared>>
      tpu.wait_dma2 semaphore(%run_scoped3A : memref<!tpu.dma_semaphore, #tpu.memory_space<semaphore_mem>>) src(%dma_wait3A_231 : memref<640x128xf32, #tpu.memory_space<vmem_shared>>) dst(%dma_wait3A_229 : memref<640x128xf32, #tpu.memory_space<hbm>>)
      tpu.yield
    }) : () -> ()
    %barrier3A_109 = arith.constant 0 : index
    tpu.barrier barrier_id(%barrier3A_109)
    %mul3A_110 = arith.constant 2 : i32
    %mul3A_111 = arith.muli %arg0, %mul3A_110 : i32
    %add3A_112 = arith.constant 1 : i32
    %add3A_113 = arith.addi %mul3A_111, %add3A_112 : i32
    "tpu.region"() ({
      %run_scoped3A = tpu.sem_alloc : memref<!tpu.dma_semaphore, #tpu.memory_space<semaphore_mem>>
      %dma_start3A_226 = arith.constant 0 : i32
      %dma_start3A_227 = tpu.memref_slice %arg6[%mul3A_2, %dma_start3A_226] : memref<10288x128xf32, #tpu.memory_space<vmem_shared>> -> memref<640x128xf32, #tpu.memory_space<vmem_shared>>
      tpu.enqueue_dma source(%arg4 : memref<640x128xf32, #tpu.memory_space<hbm>>) target(%dma_start3A_227 : memref<640x128xf32, #tpu.memory_space<vmem_shared>>) target_semaphore(%run_scoped3A : memref<!tpu.dma_semaphore, #tpu.memory_space<semaphore_mem>>)
      %dma_wait3A_228 = arith.constant 0 : i32
      %dma_wait3A_229 = tpu.memref_slice %arg6[%mul3A_2, %dma_wait3A_228] : memref<10288x128xf32, #tpu.memory_space<vmem_shared>> -> memref<640x128xf32, #tpu.memory_space<vmem_shared>>
      tpu.wait_dma2 semaphore(%run_scoped3A : memref<!tpu.dma_semaphore, #tpu.memory_space<semaphore_mem>>) src(%arg4 : memref<640x128xf32, #tpu.memory_space<hbm>>) dst(%dma_wait3A_229 : memref<640x128xf32, #tpu.memory_space<vmem_shared>>)
      tpu.yield
    }) : () -> ()
    %barrier3A_114 = arith.constant 0 : index
    tpu.barrier barrier_id(%barrier3A_114)
    %get3A_115 = arith.constant 0 : index
    %get3A_116 = tpu.vector_load %arg7[%get3A_115] {strides = array<i32>} : memref<10240xi32, #tpu.memory_space<vmem>>, vector<16xi32>,
    %get3A_117 = vector.shape_cast %get3A_116 : vector<16xi32> to vector<16xi32>
    %shift_right_logical3A_118 = arith.constant 14 : i32
    %shift_right_logical3A_119 = vector.broadcast %shift_right_logical3A_118 : i32 to vector<16xi32>
    %shift_right_logical3A_120 = arith.shrui %get3A_117, %shift_right_logical3A_119 : vector<16xi32>
    %swap3A_121 = arith.constant 0 : index
    %swap3A_122 = tpu.vector_load %arg14[%swap3A_121] {strides = array<i32>} : memref<80xi32, #tpu.memory_space<vmem>>, vector<16xi32>,
    %swap3A_123 = vector.shape_cast %swap3A_122 : vector<16xi32> to vector<16xi32>
    %swap3A_124 = vector.shape_cast %shift_right_logical3A_120 : vector<16xi32> to vector<16xi32>
    tpu.vector_store %arg14[%swap3A_121], %swap3A_124 {strides = array<i32>} : memref<80xi32, #tpu.memory_space<vmem>>, vector<16xi32>,
    %and3A_125 = arith.constant 16383 : i32
    %and3A_126 = vector.broadcast %and3A_125 : i32 to vector<16xi32>
    %and3A_127 = arith.andi %get3A_117, %and3A_126 : vector<16xi32>
    %swap3A_128 = arith.constant 0 : index
    %swap3A_129 = tpu.vector_load %arg11[%swap3A_128] {strides = array<i32>} : memref<80xi32, #tpu.memory_space<vmem>>, vector<16xi32>,
    %swap3A_130 = vector.shape_cast %swap3A_129 : vector<16xi32> to vector<16xi32>
    %swap3A_131 = vector.shape_cast %and3A_127 : vector<16xi32> to vector<16xi32>
    tpu.vector_store %arg11[%swap3A_128], %swap3A_131 {strides = array<i32>} : memref<80xi32, #tpu.memory_space<vmem>>, vector<16xi32>,
    %get3A_132 = arith.constant 16 : index
    %get3A_133 = tpu.vector_load %arg7[%get3A_132] {strides = array<i32>} : memref<10240xi32, #tpu.memory_space<vmem>>, vector<16xi32>,
    %get3A_134 = vector.shape_cast %get3A_133 : vector<16xi32> to vector<16xi32>
    %shift_right_logical3A_135 = arith.constant 14 : i32
    %shift_right_logical3A_136 = vector.broadcast %shift_right_logical3A_135 : i32 to vector<16xi32>
    %shift_right_logical3A_137 = arith.shrui %get3A_134, %shift_right_logical3A_136 : vector<16xi32>
    %swap3A_138 = arith.constant 16 : index
    %swap3A_139 = tpu.vector_load %arg14[%swap3A_138] {strides = array<i32>} : memref<80xi32, #tpu.memory_space<vmem>>, vector<16xi32>,
    %swap3A_140 = vector.shape_cast %swap3A_139 : vector<16xi32> to vector<16xi32>
    %swap3A_141 = vector.shape_cast %shift_right_logical3A_137 : vector<16xi32> to vector<16xi32>
    tpu.vector_store %arg14[%swap3A_138], %swap3A_141 {strides = array<i32>} : memref<80xi32, #tpu.memory_space<vmem>>, vector<16xi32>,
    %and3A_142 = arith.constant 16383 : i32
    %and3A_143 = vector.broadcast %and3A_142 : i32 to vector<16xi32>
    %and3A_144 = arith.andi %get3A_134, %and3A_143 : vector<16xi32>
    %swap3A_145 = arith.constant 16 : index
    %swap3A_146 = tpu.vector_load %arg11[%swap3A_145] {strides = array<i32>} : memref<80xi32, #tpu.memory_space<vmem>>, vector<16xi32>,
    %swap3A_147 = vector.shape_cast %swap3A_146 : vector<16xi32> to vector<16xi32>
    %swap3A_148 = vector.shape_cast %and3A_144 : vector<16xi32> to vector<16xi32>
    tpu.vector_store %arg11[%swap3A_145], %swap3A_148 {strides = array<i32>} : memref<80xi32, #tpu.memory_space<vmem>>, vector<16xi32>,
    %get3A_149 = arith.constant 32 : index
    %get3A_150 = tpu.vector_load %arg7[%get3A_149] {strides = array<i32>} : memref<10240xi32, #tpu.memory_space<vmem>>, vector<16xi32>,
    %get3A_151 = vector.shape_cast %get3A_150 : vector<16xi32> to vector<16xi32>
    %shift_right_logical3A_152 = arith.constant 14 : i32
    %shift_right_logical3A_153 = vector.broadcast %shift_right_logical3A_152 : i32 to vector<16xi32>
    %shift_right_logical3A_154 = arith.shrui %get3A_151, %shift_right_logical3A_153 : vector<16xi32>
    %swap3A_155 = arith.constant 32 : index
    %swap3A_156 = tpu.vector_load %arg14[%swap3A_155] {strides = array<i32>} : memref<80xi32, #tpu.memory_space<vmem>>, vector<16xi32>,
    %swap3A_157 = vector.shape_cast %swap3A_156 : vector<16xi32> to vector<16xi32>
    %swap3A_158 = vector.shape_cast %shift_right_logical3A_154 : vector<16xi32> to vector<16xi32>
    tpu.vector_store %arg14[%swap3A_155], %swap3A_158 {strides = array<i32>} : memref<80xi32, #tpu.memory_space<vmem>>, vector<16xi32>,
    %and3A_159 = arith.constant 16383 : i32
    %and3A_160 = vector.broadcast %and3A_159 : i32 to vector<16xi32>
    %and3A_161 = arith.andi %get3A_151, %and3A_160 : vector<16xi32>
    %swap3A_162 = arith.constant 32 : index
    %swap3A_163 = tpu.vector_load %arg11[%swap3A_162] {strides = array<i32>} : memref<80xi32, #tpu.memory_space<vmem>>, vector<16xi32>,
    %swap3A_164 = vector.shape_cast %swap3A_163 : vector<16xi32> to vector<16xi32>
    %swap3A_165 = vector.shape_cast %and3A_161 : vector<16xi32> to vector<16xi32>
    tpu.vector_store %arg11[%swap3A_162], %swap3A_165 {strides = array<i32>} : memref<80xi32, #tpu.memory_space<vmem>>, vector<16xi32>,
    %get3A_166 = arith.constant 48 : index
    %get3A_167 = tpu.vector_load %arg7[%get3A_166] {strides = array<i32>} : memref<10240xi32, #tpu.memory_space<vmem>>, vector<16xi32>,
    %get3A_168 = vector.shape_cast %get3A_167 : vector<16xi32> to vector<16xi32>
    %shift_right_logical3A_169 = arith.constant 14 : i32
    %shift_right_logical3A_170 = vector.broadcast %shift_right_logical3A_169 : i32 to vector<16xi32>
    %shift_right_logical3A_171 = arith.shrui %get3A_168, %shift_right_logical3A_170 : vector<16xi32>
    %swap3A_172 = arith.constant 48 : index
    %swap3A_173 = tpu.vector_load %arg14[%swap3A_172] {strides = array<i32>} : memref<80xi32, #tpu.memory_space<vmem>>, vector<16xi32>,
    %swap3A_174 = vector.shape_cast %swap3A_173 : vector<16xi32> to vector<16xi32>
    %swap3A_175 = vector.shape_cast %shift_right_logical3A_171 : vector<16xi32> to vector<16xi32>
    tpu.vector_store %arg14[%swap3A_172], %swap3A_175 {strides = array<i32>} : memref<80xi32, #tpu.memory_space<vmem>>, vector<16xi32>,
    %and3A_176 = arith.constant 16383 : i32
    %and3A_177 = vector.broadcast %and3A_176 : i32 to vector<16xi32>
    %and3A_178 = arith.andi %get3A_168, %and3A_177 : vector<16xi32>
    %swap3A_179 = arith.constant 48 : index
    %swap3A_180 = tpu.vector_load %arg11[%swap3A_179] {strides = array<i32>} : memref<80xi32, #tpu.memory_space<vmem>>, vector<16xi32>,
    %swap3A_181 = vector.shape_cast %swap3A_180 : vector<16xi32> to vector<16xi32>
    %swap3A_182 = vector.shape_cast %and3A_178 : vector<16xi32> to vector<16xi32>
    tpu.vector_store %arg11[%swap3A_179], %swap3A_182 {strides = array<i32>} : memref<80xi32, #tpu.memory_space<vmem>>, vector<16xi32>,
    %get3A_183 = arith.constant 64 : index
    %get3A_184 = tpu.vector_load %arg7[%get3A_183] {strides = array<i32>} : memref<10240xi32, #tpu.memory_space<vmem>>, vector<16xi32>,
    %get3A_185 = vector.shape_cast %get3A_184 : vector<16xi32> to vector<16xi32>
    %shift_right_logical3A_186 = arith.constant 14 : i32
    %shift_right_logical3A_187 = vector.broadcast %shift_right_logical3A_186 : i32 to vector<16xi32>
    %shift_right_logical3A_188 = arith.shrui %get3A_185, %shift_right_logical3A_187 : vector<16xi32>
    %swap3A_189 = arith.constant 64 : index
    %swap3A_190 = tpu.vector_load %arg14[%swap3A_189] {strides = array<i32>} : memref<80xi32, #tpu.memory_space<vmem>>, vector<16xi32>,
    %swap3A_191 = vector.shape_cast %swap3A_190 : vector<16xi32> to vector<16xi32>
    %swap3A_192 = vector.shape_cast %shift_right_logical3A_188 : vector<16xi32> to vector<16xi32>
    tpu.vector_store %arg14[%swap3A_189], %swap3A_192 {strides = array<i32>} : memref<80xi32, #tpu.memory_space<vmem>>, vector<16xi32>,
    %and3A_193 = arith.constant 16383 : i32
    %and3A_194 = vector.broadcast %and3A_193 : i32 to vector<16xi32>
    %and3A_195 = arith.andi %get3A_185, %and3A_194 : vector<16xi32>
    %swap3A_196 = arith.constant 64 : index
    %swap3A_197 = tpu.vector_load %arg11[%swap3A_196] {strides = array<i32>} : memref<80xi32, #tpu.memory_space<vmem>>, vector<16xi32>,
    %swap3A_198 = vector.shape_cast %swap3A_197 : vector<16xi32> to vector<16xi32>
    %swap3A_199 = vector.shape_cast %and3A_195 : vector<16xi32> to vector<16xi32>
    tpu.vector_store %arg11[%swap3A_196], %swap3A_199 {strides = array<i32>} : memref<80xi32, #tpu.memory_space<vmem>>, vector<16xi32>,
    %dma_start3A_200 = arith.constant 0 : i32
    %dma_start3A_201 = arith.constant 0 : i32
    %dma_start3A_202 = tpu.memref_slice %arg2[%add3A_113, %dma_start3A_200, %dma_start3A_201] : memref<4x10000x128xf32, #tpu.memory_space<hbm>> -> memref<1x10000x128xf32, #tpu.memory_space<hbm>>
    %dma_start3A_203 = tpu.memref_squeeze %dma_start3A_202 : memref<1x10000x128xf32, #tpu.memory_space<hbm>> -> memref<10000x128xf32, #tpu.memory_space<hbm>>
    %dma_start3A_204 = arith.constant 0 : i32
    %dma_start3A_205 = arith.constant 0 : i32
    %dma_start3A_206 = tpu.memref_slice %dma_start3A_203[%dma_start3A_204, %dma_start3A_205] : memref<10000x128xf32, #tpu.memory_space<hbm>> -> memref<10000x128xf32, #tpu.memory_space<hbm>>
    tpu.enqueue_indirect_dma source(%dma_start3A_206 : memref<10000x128xf32, #tpu.memory_space<hbm>>) target(%arg8 : memref<80x128xf32, #tpu.memory_space<vmem>>) offsets(%arg11 : memref<80xi32, #tpu.memory_space<vmem>>) semaphore(%arg17 : memref<!tpu.dma_semaphore, #tpu.memory_space<semaphore_mem>>)
    %scan3A_207 = arith.constant 0 : i32
    %scan3A_208 = arith.constant 0 : i32
    %scan3A_209 = arith.constant 43 : i32
    %scan3A_210 = arith.addi %scan3A_208, %scan3A_209 : i32
    %scan3A_211 = arith.constant 1 : i32
    scf.for %scan3A_226 = %scan3A_208 to %scan3A_210 step %scan3A_211  : i32 {
      %mul3A_227 = arith.constant 3 : i32
      %mul3A_228 = arith.muli %mul3A_227, %scan3A_226 : i32
      %lt3A = arith.constant 128 : i32
      %lt3A_229 = arith.cmpi slt, %mul3A_228, %lt3A : i32
      %convert_element_type3A = arith.extui %lt3A_229 : i1 to i32
      %cond3A = arith.constant 0 : i32
      %cond3A_230 = arith.cmpi ne, %convert_element_type3A, %cond3A : i32
      scf.if %cond3A_230 {
        %add3A_245 = arith.constant 1 : i32
        %add3A_246 = arith.addi %mul3A_228, %add3A_245 : i32
        %lt3A_247 = arith.constant 128 : i32
        %lt3A_248 = arith.cmpi slt, %add3A_246, %lt3A_247 : i32
        %convert_element_type3A_249 = arith.extui %lt3A_248 : i1 to i32
        %cond3A_250 = arith.constant 0 : i32
        %cond3A_251 = arith.cmpi ne, %convert_element_type3A_249, %cond3A_250 : i32
        scf.if %cond3A_251 {
          %add3A_262 = arith.constant 1 : i32
          %add3A_263 = arith.addi %mul3A_228, %add3A_262 : i32
          %ge3A = arith.constant 3 : i32
          %ge3A_264 = arith.cmpi sge, %add3A_263, %ge3A : i32
          %convert_element_type3A_265 = arith.extui %ge3A_264 : i1 to i32
          %cond3A_266 = arith.constant 0 : i32
          %cond3A_267 = arith.cmpi ne, %convert_element_type3A_265, %cond3A_266 : i32
          scf.if %cond3A_267 {
            %dma_wait3A_380 = arith.constant 0 : i32
            %dma_wait3A_381 = arith.constant 0 : i32
            %dma_wait3A_382 = tpu.memref_slice %arg6[%dma_wait3A_380, %dma_wait3A_381] : memref<10288x128xf32, #tpu.memory_space<vmem_shared>> -> memref<10288x128xf32, #tpu.memory_space<vmem_shared>>
            tpu.wait_indirect_dma semaphore(%arg21 : memref<!tpu.dma_semaphore, #tpu.memory_space<semaphore_mem>>) src(%arg9 : memref<80x128xf32, #tpu.memory_space<vmem>>) dst(%dma_wait3A_382 : memref<10288x128xf32, #tpu.memory_space<vmem_shared>>)
          } else {
          }
          %mul3A_268 = arith.constant 80 : i32
          %mul3A_269 = arith.muli %add3A_263, %mul3A_268 : i32
          %add3A_270 = arith.constant 0 : i32
          %add3A_271 = arith.addi %mul3A_269, %add3A_270 : i32
          %get3A_272 = arith.index_cast %add3A_271 : i32 to index
          %get3A_273 = tpu.vector_load %arg7[%get3A_272] {strides = array<i32>} : memref<10240xi32, #tpu.memory_space<vmem>>, vector<16xi32>,
          %get3A_274 = vector.shape_cast %get3A_273 : vector<16xi32> to vector<16xi32>
          %shift_right_logical3A_275 = arith.constant 14 : i32
          %shift_right_logical3A_276 = vector.broadcast %shift_right_logical3A_275 : i32 to vector<16xi32>
          %shift_right_logical3A_277 = arith.shrui %get3A_274, %shift_right_logical3A_276 : vector<16xi32>
          %swap3A_278 = arith.constant 0 : index
          %swap3A_279 = tpu.vector_load %arg15[%swap3A_278] {strides = array<i32>} : memref<80xi32, #tpu.memory_space<vmem>>, vector<16xi32>,
          %swap3A_280 = vector.shape_cast %swap3A_279 : vector<16xi32> to vector<16xi32>
          %swap3A_281 = vector.shape_cast %shift_right_logical3A_277 : vector<16xi32> to vector<16xi32>
          tpu.vector_store %arg15[%swap3A_278], %swap3A_281 {strides = array<i32>} : memref<80xi32, #tpu.memory_space<vmem>>, vector<16xi32>,
          %and3A_282 = arith.constant 16383 : i32
          %and3A_283 = vector.broadcast %and3A_282 : i32 to vector<16xi32>
          %and3A_284 = arith.andi %get3A_274, %and3A_283 : vector<16xi32>
          %swap3A_285 = arith.constant 0 : index
          %swap3A_286 = tpu.vector_load %arg12[%swap3A_285] {strides = array<i32>} : memref<80xi32, #tpu.memory_space<vmem>>, vector<16xi32>,
          %swap3A_287 = vector.shape_cast %swap3A_286 : vector<16xi32> to vector<16xi32>
          %swap3A_288 = vector.shape_cast %and3A_284 : vector<16xi32> to vector<16xi32>
          tpu.vector_store %arg12[%swap3A_285], %swap3A_288 {strides = array<i32>} : memref<80xi32, #tpu.memory_space<vmem>>, vector<16xi32>,
          %mul3A_289 = arith.constant 80 : i32
          %mul3A_290 = arith.muli %add3A_263, %mul3A_289 : i32
          %add3A_291 = arith.constant 16 : i32
          %add3A_292 = arith.addi %mul3A_290, %add3A_291 : i32
          %get3A_293 = arith.index_cast %add3A_292 : i32 to index
          %get3A_294 = tpu.vector_load %arg7[%get3A_293] {strides = array<i32>} : memref<10240xi32, #tpu.memory_space<vmem>>, vector<16xi32>,
          %get3A_295 = vector.shape_cast %get3A_294 : vector<16xi32> to vector<16xi32>
          %shift_right_logical3A_296 = arith.constant 14 : i32
          %shift_right_logical3A_297 = vector.broadcast %shift_right_logical3A_296 : i32 to vector<16xi32>
          %shift_right_logical3A_298 = arith.shrui %get3A_295, %shift_right_logical3A_297 : vector<16xi32>
          %swap3A_299 = arith.constant 16 : index
          %swap3A_300 = tpu.vector_load %arg15[%swap3A_299] {strides = array<i32>} : memref<80xi32, #tpu.memory_space<vmem>>, vector<16xi32>,
          %swap3A_301 = vector.shape_cast %swap3A_300 : vector<16xi32> to vector<16xi32>
          %swap3A_302 = vector.shape_cast %shift_right_logical3A_298 : vector<16xi32> to vector<16xi32>
          tpu.vector_store %arg15[%swap3A_299], %swap3A_302 {strides = array<i32>} : memref<80xi32, #tpu.memory_space<vmem>>, vector<16xi32>,
          %and3A_303 = arith.constant 16383 : i32
          %and3A_304 = vector.broadcast %and3A_303 : i32 to vector<16xi32>
          %and3A_305 = arith.andi %get3A_295, %and3A_304 : vector<16xi32>
          %swap3A_306 = arith.constant 16 : index
          %swap3A_307 = tpu.vector_load %arg12[%swap3A_306] {strides = array<i32>} : memref<80xi32, #tpu.memory_space<vmem>>, vector<16xi32>,
          %swap3A_308 = vector.shape_cast %swap3A_307 : vector<16xi32> to vector<16xi32>
          %swap3A_309 = vector.shape_cast %and3A_305 : vector<16xi32> to vector<16xi32>
          tpu.vector_store %arg12[%swap3A_306], %swap3A_309 {strides = array<i32>} : memref<80xi32, #tpu.memory_space<vmem>>, vector<16xi32>,
          %mul3A_310 = arith.constant 80 : i32
          %mul3A_311 = arith.muli %add3A_263, %mul3A_310 : i32
          %add3A_312 = arith.constant 32 : i32
          %add3A_313 = arith.addi %mul3A_311, %add3A_312 : i32
          %get3A_314 = arith.index_cast %add3A_313 : i32 to index
          %get3A_315 = tpu.vector_load %arg7[%get3A_314] {strides = array<i32>} : memref<10240xi32, #tpu.memory_space<vmem>>, vector<16xi32>,
          %get3A_316 = vector.shape_cast %get3A_315 : vector<16xi32> to vector<16xi32>
          %shift_right_logical3A_317 = arith.constant 14 : i32
          %shift_right_logical3A_318 = vector.broadcast %shift_right_logical3A_317 : i32 to vector<16xi32>
          %shift_right_logical3A_319 = arith.shrui %get3A_316, %shift_right_logical3A_318 : vector<16xi32>
          %swap3A_320 = arith.constant 32 : index
          %swap3A_321 = tpu.vector_load %arg15[%swap3A_320] {strides = array<i32>} : memref<80xi32, #tpu.memory_space<vmem>>, vector<16xi32>,
          %swap3A_322 = vector.shape_cast %swap3A_321 : vector<16xi32> to vector<16xi32>
          %swap3A_323 = vector.shape_cast %shift_right_logical3A_319 : vector<16xi32> to vector<16xi32>
          tpu.vector_store %arg15[%swap3A_320], %swap3A_323 {strides = array<i32>} : memref<80xi32, #tpu.memory_space<vmem>>, vector<16xi32>,
          %and3A_324 = arith.constant 16383 : i32
          %and3A_325 = vector.broadcast %and3A_324 : i32 to vector<16xi32>
          %and3A_326 = arith.andi %get3A_316, %and3A_325 : vector<16xi32>
          %swap3A_327 = arith.constant 32 : index
          %swap3A_328 = tpu.vector_load %arg12[%swap3A_327] {strides = array<i32>} : memref<80xi32, #tpu.memory_space<vmem>>, vector<16xi32>,
          %swap3A_329 = vector.shape_cast %swap3A_328 : vector<16xi32> to vector<16xi32>
          %swap3A_330 = vector.shape_cast %and3A_326 : vector<16xi32> to vector<16xi32>
          tpu.vector_store %arg12[%swap3A_327], %swap3A_330 {strides = array<i32>} : memref<80xi32, #tpu.memory_space<vmem>>, vector<16xi32>,
          %mul3A_331 = arith.constant 80 : i32
          %mul3A_332 = arith.muli %add3A_263, %mul3A_331 : i32
          %add3A_333 = arith.constant 48 : i32
          %add3A_334 = arith.addi %mul3A_332, %add3A_333 : i32
          %get3A_335 = arith.index_cast %add3A_334 : i32 to index
          %get3A_336 = tpu.vector_load %arg7[%get3A_335] {strides = array<i32>} : memref<10240xi32, #tpu.memory_space<vmem>>, vector<16xi32>,
          %get3A_337 = vector.shape_cast %get3A_336 : vector<16xi32> to vector<16xi32>
          %shift_right_logical3A_338 = arith.constant 14 : i32
          %shift_right_logical3A_339 = vector.broadcast %shift_right_logical3A_338 : i32 to vector<16xi32>
          %shift_right_logical3A_340 = arith.shrui %get3A_337, %shift_right_logical3A_339 : vector<16xi32>
          %swap3A_341 = arith.constant 48 : index
          %swap3A_342 = tpu.vector_load %arg15[%swap3A_341] {strides = array<i32>} : memref<80xi32, #tpu.memory_space<vmem>>, vector<16xi32>,
          %swap3A_343 = vector.shape_cast %swap3A_342 : vector<16xi32> to vector<16xi32>
          %swap3A_344 = vector.shape_cast %shift_right_logical3A_340 : vector<16xi32> to vector<16xi32>
          tpu.vector_store %arg15[%swap3A_341], %swap3A_344 {strides = array<i32>} : memref<80xi32, #tpu.memory_space<vmem>>, vector<16xi32>,
          %and3A_345 = arith.constant 16383 : i32
          %and3A_346 = vector.broadcast %and3A_345 : i32 to vector<16xi32>
          %and3A_347 = arith.andi %get3A_337, %and3A_346 : vector<16xi32>
          %swap3A_348 = arith.constant 48 : index
          %swap3A_349 = tpu.vector_load %arg12[%swap3A_348] {strides = array<i32>} : memref<80xi32, #tpu.memory_space<vmem>>, vector<16xi32>,
          %swap3A_350 = vector.shape_cast %swap3A_349 : vector<16xi32> to vector<16xi32>
          %swap3A_351 = vector.shape_cast %and3A_347 : vector<16xi32> to vector<16xi32>
          tpu.vector_store %arg12[%swap3A_348], %swap3A_351 {strides = array<i32>} : memref<80xi32, #tpu.memory_space<vmem>>, vector<16xi32>,
          %mul3A_352 = arith.constant 80 : i32
          %mul3A_353 = arith.muli %add3A_263, %mul3A_352 : i32
          %add3A_354 = arith.constant 64 : i32
          %add3A_355 = arith.addi %mul3A_353, %add3A_354 : i32
          %get3A_356 = arith.index_cast %add3A_355 : i32 to index
          %get3A_357 = tpu.vector_load %arg7[%get3A_356] {strides = array<i32>} : memref<10240xi32, #tpu.memory_space<vmem>>, vector<16xi32>,
          %get3A_358 = vector.shape_cast %get3A_357 : vector<16xi32> to vector<16xi32>
          %shift_right_logical3A_359 = arith.constant 14 : i32
          %shift_right_logical3A_360 = vector.broadcast %shift_right_logical3A_359 : i32 to vector<16xi32>
          %shift_right_logical3A_361 = arith.shrui %get3A_358, %shift_right_logical3A_360 : vector<16xi32>
          %swap3A_362 = arith.constant 64 : index
          %swap3A_363 = tpu.vector_load %arg15[%swap3A_362] {strides = array<i32>} : memref<80xi32, #tpu.memory_space<vmem>>, vector<16xi32>,
          %swap3A_364 = vector.shape_cast %swap3A_363 : vector<16xi32> to vector<16xi32>
          %swap3A_365 = vector.shape_cast %shift_right_logical3A_361 : vector<16xi32> to vector<16xi32>
          tpu.vector_store %arg15[%swap3A_362], %swap3A_365 {strides = array<i32>} : memref<80xi32, #tpu.memory_space<vmem>>, vector<16xi32>,
          %and3A_366 = arith.constant 16383 : i32
          %and3A_367 = vector.broadcast %and3A_366 : i32 to vector<16xi32>
          %and3A_368 = arith.andi %get3A_358, %and3A_367 : vector<16xi32>
          %swap3A_369 = arith.constant 64 : index
          %swap3A_370 = tpu.vector_load %arg12[%swap3A_369] {strides = array<i32>} : memref<80xi32, #tpu.memory_space<vmem>>, vector<16xi32>,
          %swap3A_371 = vector.shape_cast %swap3A_370 : vector<16xi32> to vector<16xi32>
          %swap3A_372 = vector.shape_cast %and3A_368 : vector<16xi32> to vector<16xi32>
          tpu.vector_store %arg12[%swap3A_369], %swap3A_372 {strides = array<i32>} : memref<80xi32, #tpu.memory_space<vmem>>, vector<16xi32>,
          %dma_start3A_373 = arith.constant 0 : i32
          %dma_start3A_374 = arith.constant 0 : i32
          %dma_start3A_375 = tpu.memref_slice %arg2[%add3A_113, %dma_start3A_373, %dma_start3A_374] : memref<4x10000x128xf32, #tpu.memory_space<hbm>> -> memref<1x10000x128xf32, #tpu.memory_space<hbm>>
          %dma_start3A_376 = tpu.memref_squeeze %dma_start3A_375 : memref<1x10000x128xf32, #tpu.memory_space<hbm>> -> memref<10000x128xf32, #tpu.memory_space<hbm>>
          %dma_start3A_377 = arith.constant 0 : i32
          %dma_start3A_378 = arith.constant 0 : i32
          %dma_start3A_379 = tpu.memref_slice %dma_start3A_376[%dma_start3A_377, %dma_start3A_378] : memref<10000x128xf32, #tpu.memory_space<hbm>> -> memref<10000x128xf32, #tpu.memory_space<hbm>>
          tpu.enqueue_indirect_dma source(%dma_start3A_379 : memref<10000x128xf32, #tpu.memory_space<hbm>>) target(%arg9 : memref<80x128xf32, #tpu.memory_space<vmem>>) offsets(%arg12 : memref<80xi32, #tpu.memory_space<vmem>>) semaphore(%arg18 : memref<!tpu.dma_semaphore, #tpu.memory_space<semaphore_mem>>)
        } else {
        }
        %dma_wait3A_252 = arith.constant 0 : i32
        %dma_wait3A_253 = arith.constant 0 : i32
        %dma_wait3A_254 = tpu.memref_slice %arg2[%add3A_113, %dma_wait3A_252, %dma_wait3A_253] : memref<4x10000x128xf32, #tpu.memory_space<hbm>> -> memref<1x10000x128xf32, #tpu.memory_space<hbm>>
        %dma_wait3A_255 = tpu.memref_squeeze %dma_wait3A_254 : memref<1x10000x128xf32, #tpu.memory_space<hbm>> -> memref<10000x128xf32, #tpu.memory_space<hbm>>
        %dma_wait3A_256 = arith.constant 0 : i32
        %dma_wait3A_257 = arith.constant 0 : i32
        %dma_wait3A_258 = tpu.memref_slice %dma_wait3A_255[%dma_wait3A_256, %dma_wait3A_257] : memref<10000x128xf32, #tpu.memory_space<hbm>> -> memref<10000x128xf32, #tpu.memory_space<hbm>>
        tpu.wait_indirect_dma semaphore(%arg17 : memref<!tpu.dma_semaphore, #tpu.memory_space<semaphore_mem>>) src(%dma_wait3A_258 : memref<10000x128xf32, #tpu.memory_space<hbm>>) dst(%arg8 : memref<80x128xf32, #tpu.memory_space<vmem>>)
        %dma_start3A_259 = arith.constant 0 : i32
        %dma_start3A_260 = arith.constant 0 : i32
        %dma_start3A_261 = tpu.memref_slice %arg6[%dma_start3A_259, %dma_start3A_260] : memref<10288x128xf32, #tpu.memory_space<vmem_shared>> -> memref<10288x128xf32, #tpu.memory_space<vmem_shared>>
        tpu.enqueue_indirect_dma source(%arg8 : memref<80x128xf32, #tpu.memory_space<vmem>>) target(%dma_start3A_261 : memref<10288x128xf32, #tpu.memory_space<vmem_shared>>) offsets(%arg14 : memref<80xi32, #tpu.memory_space<vmem>>) semaphore(%arg20 : memref<!tpu.dma_semaphore, #tpu.memory_space<semaphore_mem>>) {add = true}
      } else {
      }
      %add3A_231 = arith.constant 1 : i32
      %add3A_232 = arith.addi %mul3A_228, %add3A_231 : i32
      %lt3A_233 = arith.constant 128 : i32
      %lt3A_234 = arith.cmpi slt, %add3A_232, %lt3A_233 : i32
      %convert_element_type3A_235 = arith.extui %lt3A_234 : i1 to i32
      %cond3A_236 = arith.constant 0 : i32
      %cond3A_237 = arith.cmpi ne, %convert_element_type3A_235, %cond3A_236 : i32
      scf.if %cond3A_237 {
        %add3A_245 = arith.constant 1 : i32
        %add3A_246 = arith.addi %add3A_232, %add3A_245 : i32
        %lt3A_247 = arith.constant 128 : i32
        %lt3A_248 = arith.cmpi slt, %add3A_246, %lt3A_247 : i32
        %convert_element_type3A_249 = arith.extui %lt3A_248 : i1 to i32
        %cond3A_250 = arith.constant 0 : i32
        %cond3A_251 = arith.cmpi ne, %convert_element_type3A_249, %cond3A_250 : i32
        scf.if %cond3A_251 {
          %add3A_262 = arith.constant 1 : i32
          %add3A_263 = arith.addi %add3A_232, %add3A_262 : i32
          %ge3A = arith.constant 3 : i32
          %ge3A_264 = arith.cmpi sge, %add3A_263, %ge3A : i32
          %convert_element_type3A_265 = arith.extui %ge3A_264 : i1 to i32
          %cond3A_266 = arith.constant 0 : i32
          %cond3A_267 = arith.cmpi ne, %convert_element_type3A_265, %cond3A_266 : i32
          scf.if %cond3A_267 {
            %dma_wait3A_380 = arith.constant 0 : i32
            %dma_wait3A_381 = arith.constant 0 : i32
            %dma_wait3A_382 = tpu.memref_slice %arg6[%dma_wait3A_380, %dma_wait3A_381] : memref<10288x128xf32, #tpu.memory_space<vmem_shared>> -> memref<10288x128xf32, #tpu.memory_space<vmem_shared>>
            tpu.wait_indirect_dma semaphore(%arg22 : memref<!tpu.dma_semaphore, #tpu.memory_space<semaphore_mem>>) src(%arg10 : memref<80x128xf32, #tpu.memory_space<vmem>>) dst(%dma_wait3A_382 : memref<10288x128xf32, #tpu.memory_space<vmem_shared>>)
          } else {
          }
          %mul3A_268 = arith.constant 80 : i32
          %mul3A_269 = arith.muli %add3A_263, %mul3A_268 : i32
          %add3A_270 = arith.constant 0 : i32
          %add3A_271 = arith.addi %mul3A_269, %add3A_270 : i32
          %get3A_272 = arith.index_cast %add3A_271 : i32 to index
          %get3A_273 = tpu.vector_load %arg7[%get3A_272] {strides = array<i32>} : memref<10240xi32, #tpu.memory_space<vmem>>, vector<16xi32>,
          %get3A_274 = vector.shape_cast %get3A_273 : vector<16xi32> to vector<16xi32>
          %shift_right_logical3A_275 = arith.constant 14 : i32
          %shift_right_logical3A_276 = vector.broadcast %shift_right_logical3A_275 : i32 to vector<16xi32>
          %shift_right_logical3A_277 = arith.shrui %get3A_274, %shift_right_logical3A_276 : vector<16xi32>
          %swap3A_278 = arith.constant 0 : index
          %swap3A_279 = tpu.vector_load %arg16[%swap3A_278] {strides = array<i32>} : memref<80xi32, #tpu.memory_space<vmem>>, vector<16xi32>,
          %swap3A_280 = vector.shape_cast %swap3A_279 : vector<16xi32> to vector<16xi32>
          %swap3A_281 = vector.shape_cast %shift_right_logical3A_277 : vector<16xi32> to vector<16xi32>
          tpu.vector_store %arg16[%swap3A_278], %swap3A_281 {strides = array<i32>} : memref<80xi32, #tpu.memory_space<vmem>>, vector<16xi32>,
          %and3A_282 = arith.constant 16383 : i32
          %and3A_283 = vector.broadcast %and3A_282 : i32 to vector<16xi32>
          %and3A_284 = arith.andi %get3A_274, %and3A_283 : vector<16xi32>
          %swap3A_285 = arith.constant 0 : index
          %swap3A_286 = tpu.vector_load %arg13[%swap3A_285] {strides = array<i32>} : memref<80xi32, #tpu.memory_space<vmem>>, vector<16xi32>,
          %swap3A_287 = vector.shape_cast %swap3A_286 : vector<16xi32> to vector<16xi32>
          %swap3A_288 = vector.shape_cast %and3A_284 : vector<16xi32> to vector<16xi32>
          tpu.vector_store %arg13[%swap3A_285], %swap3A_288 {strides = array<i32>} : memref<80xi32, #tpu.memory_space<vmem>>, vector<16xi32>,
          %mul3A_289 = arith.constant 80 : i32
          %mul3A_290 = arith.muli %add3A_263, %mul3A_289 : i32
          %add3A_291 = arith.constant 16 : i32
          %add3A_292 = arith.addi %mul3A_290, %add3A_291 : i32
          %get3A_293 = arith.index_cast %add3A_292 : i32 to index
          %get3A_294 = tpu.vector_load %arg7[%get3A_293] {strides = array<i32>} : memref<10240xi32, #tpu.memory_space<vmem>>, vector<16xi32>,
          %get3A_295 = vector.shape_cast %get3A_294 : vector<16xi32> to vector<16xi32>
          %shift_right_logical3A_296 = arith.constant 14 : i32
          %shift_right_logical3A_297 = vector.broadcast %shift_right_logical3A_296 : i32 to vector<16xi32>
          %shift_right_logical3A_298 = arith.shrui %get3A_295, %shift_right_logical3A_297 : vector<16xi32>
          %swap3A_299 = arith.constant 16 : index
          %swap3A_300 = tpu.vector_load %arg16[%swap3A_299] {strides = array<i32>} : memref<80xi32, #tpu.memory_space<vmem>>, vector<16xi32>,
          %swap3A_301 = vector.shape_cast %swap3A_300 : vector<16xi32> to vector<16xi32>
          %swap3A_302 = vector.shape_cast %shift_right_logical3A_298 : vector<16xi32> to vector<16xi32>
          tpu.vector_store %arg16[%swap3A_299], %swap3A_302 {strides = array<i32>} : memref<80xi32, #tpu.memory_space<vmem>>, vector<16xi32>,
          %and3A_303 = arith.constant 16383 : i32
          %and3A_304 = vector.broadcast %and3A_303 : i32 to vector<16xi32>
          %and3A_305 = arith.andi %get3A_295, %and3A_304 : vector<16xi32>
          %swap3A_306 = arith.constant 16 : index
          %swap3A_307 = tpu.vector_load %arg13[%swap3A_306] {strides = array<i32>} : memref<80xi32, #tpu.memory_space<vmem>>, vector<16xi32>,
          %swap3A_308 = vector.shape_cast %swap3A_307 : vector<16xi32> to vector<16xi32>
          %swap3A_309 = vector.shape_cast %and3A_305 : vector<16xi32> to vector<16xi32>
          tpu.vector_store %arg13[%swap3A_306], %swap3A_309 {strides = array<i32>} : memref<80xi32, #tpu.memory_space<vmem>>, vector<16xi32>,
          %mul3A_310 = arith.constant 80 : i32
          %mul3A_311 = arith.muli %add3A_263, %mul3A_310 : i32
          %add3A_312 = arith.constant 32 : i32
          %add3A_313 = arith.addi %mul3A_311, %add3A_312 : i32
          %get3A_314 = arith.index_cast %add3A_313 : i32 to index
          %get3A_315 = tpu.vector_load %arg7[%get3A_314] {strides = array<i32>} : memref<10240xi32, #tpu.memory_space<vmem>>, vector<16xi32>,
          %get3A_316 = vector.shape_cast %get3A_315 : vector<16xi32> to vector<16xi32>
          %shift_right_logical3A_317 = arith.constant 14 : i32
          %shift_right_logical3A_318 = vector.broadcast %shift_right_logical3A_317 : i32 to vector<16xi32>
          %shift_right_logical3A_319 = arith.shrui %get3A_316, %shift_right_logical3A_318 : vector<16xi32>
          %swap3A_320 = arith.constant 32 : index
          %swap3A_321 = tpu.vector_load %arg16[%swap3A_320] {strides = array<i32>} : memref<80xi32, #tpu.memory_space<vmem>>, vector<16xi32>,
          %swap3A_322 = vector.shape_cast %swap3A_321 : vector<16xi32> to vector<16xi32>
          %swap3A_323 = vector.shape_cast %shift_right_logical3A_319 : vector<16xi32> to vector<16xi32>
          tpu.vector_store %arg16[%swap3A_320], %swap3A_323 {strides = array<i32>} : memref<80xi32, #tpu.memory_space<vmem>>, vector<16xi32>,
          %and3A_324 = arith.constant 16383 : i32
          %and3A_325 = vector.broadcast %and3A_324 : i32 to vector<16xi32>
          %and3A_326 = arith.andi %get3A_316, %and3A_325 : vector<16xi32>
          %swap3A_327 = arith.constant 32 : index
          %swap3A_328 = tpu.vector_load %arg13[%swap3A_327] {strides = array<i32>} : memref<80xi32, #tpu.memory_space<vmem>>, vector<16xi32>,
          %swap3A_329 = vector.shape_cast %swap3A_328 : vector<16xi32> to vector<16xi32>
          %swap3A_330 = vector.shape_cast %and3A_326 : vector<16xi32> to vector<16xi32>
          tpu.vector_store %arg13[%swap3A_327], %swap3A_330 {strides = array<i32>} : memref<80xi32, #tpu.memory_space<vmem>>, vector<16xi32>,
          %mul3A_331 = arith.constant 80 : i32
          %mul3A_332 = arith.muli %add3A_263, %mul3A_331 : i32
          %add3A_333 = arith.constant 48 : i32
          %add3A_334 = arith.addi %mul3A_332, %add3A_333 : i32
          %get3A_335 = arith.index_cast %add3A_334 : i32 to index
          %get3A_336 = tpu.vector_load %arg7[%get3A_335] {strides = array<i32>} : memref<10240xi32, #tpu.memory_space<vmem>>, vector<16xi32>,
          %get3A_337 = vector.shape_cast %get3A_336 : vector<16xi32> to vector<16xi32>
          %shift_right_logical3A_338 = arith.constant 14 : i32
          %shift_right_logical3A_339 = vector.broadcast %shift_right_logical3A_338 : i32 to vector<16xi32>
          %shift_right_logical3A_340 = arith.shrui %get3A_337, %shift_right_logical3A_339 : vector<16xi32>
          %swap3A_341 = arith.constant 48 : index
          %swap3A_342 = tpu.vector_load %arg16[%swap3A_341] {strides = array<i32>} : memref<80xi32, #tpu.memory_space<vmem>>, vector<16xi32>,
          %swap3A_343 = vector.shape_cast %swap3A_342 : vector<16xi32> to vector<16xi32>
          %swap3A_344 = vector.shape_cast %shift_right_logical3A_340 : vector<16xi32> to vector<16xi32>
          tpu.vector_store %arg16[%swap3A_341], %swap3A_344 {strides = array<i32>} : memref<80xi32, #tpu.memory_space<vmem>>, vector<16xi32>,
          %and3A_345 = arith.constant 16383 : i32
          %and3A_346 = vector.broadcast %and3A_345 : i32 to vector<16xi32>
          %and3A_347 = arith.andi %get3A_337, %and3A_346 : vector<16xi32>
          %swap3A_348 = arith.constant 48 : index
          %swap3A_349 = tpu.vector_load %arg13[%swap3A_348] {strides = array<i32>} : memref<80xi32, #tpu.memory_space<vmem>>, vector<16xi32>,
          %swap3A_350 = vector.shape_cast %swap3A_349 : vector<16xi32> to vector<16xi32>
          %swap3A_351 = vector.shape_cast %and3A_347 : vector<16xi32> to vector<16xi32>
          tpu.vector_store %arg13[%swap3A_348], %swap3A_351 {strides = array<i32>} : memref<80xi32, #tpu.memory_space<vmem>>, vector<16xi32>,
          %mul3A_352 = arith.constant 80 : i32
          %mul3A_353 = arith.muli %add3A_263, %mul3A_352 : i32
          %add3A_354 = arith.constant 64 : i32
          %add3A_355 = arith.addi %mul3A_353, %add3A_354 : i32
          %get3A_356 = arith.index_cast %add3A_355 : i32 to index
          %get3A_357 = tpu.vector_load %arg7[%get3A_356] {strides = array<i32>} : memref<10240xi32, #tpu.memory_space<vmem>>, vector<16xi32>,
          %get3A_358 = vector.shape_cast %get3A_357 : vector<16xi32> to vector<16xi32>
          %shift_right_logical3A_359 = arith.constant 14 : i32
          %shift_right_logical3A_360 = vector.broadcast %shift_right_logical3A_359 : i32 to vector<16xi32>
          %shift_right_logical3A_361 = arith.shrui %get3A_358, %shift_right_logical3A_360 : vector<16xi32>
          %swap3A_362 = arith.constant 64 : index
          %swap3A_363 = tpu.vector_load %arg16[%swap3A_362] {strides = array<i32>} : memref<80xi32, #tpu.memory_space<vmem>>, vector<16xi32>,
          %swap3A_364 = vector.shape_cast %swap3A_363 : vector<16xi32> to vector<16xi32>
          %swap3A_365 = vector.shape_cast %shift_right_logical3A_361 : vector<16xi32> to vector<16xi32>
          tpu.vector_store %arg16[%swap3A_362], %swap3A_365 {strides = array<i32>} : memref<80xi32, #tpu.memory_space<vmem>>, vector<16xi32>,
          %and3A_366 = arith.constant 16383 : i32
          %and3A_367 = vector.broadcast %and3A_366 : i32 to vector<16xi32>
          %and3A_368 = arith.andi %get3A_358, %and3A_367 : vector<16xi32>
          %swap3A_369 = arith.constant 64 : index
          %swap3A_370 = tpu.vector_load %arg13[%swap3A_369] {strides = array<i32>} : memref<80xi32, #tpu.memory_space<vmem>>, vector<16xi32>,
          %swap3A_371 = vector.shape_cast %swap3A_370 : vector<16xi32> to vector<16xi32>
          %swap3A_372 = vector.shape_cast %and3A_368 : vector<16xi32> to vector<16xi32>
          tpu.vector_store %arg13[%swap3A_369], %swap3A_372 {strides = array<i32>} : memref<80xi32, #tpu.memory_space<vmem>>, vector<16xi32>,
          %dma_start3A_373 = arith.constant 0 : i32
          %dma_start3A_374 = arith.constant 0 : i32
          %dma_start3A_375 = tpu.memref_slice %arg2[%add3A_113, %dma_start3A_373, %dma_start3A_374] : memref<4x10000x128xf32, #tpu.memory_space<hbm>> -> memref<1x10000x128xf32, #tpu.memory_space<hbm>>
          %dma_start3A_376 = tpu.memref_squeeze %dma_start3A_375 : memref<1x10000x128xf32, #tpu.memory_space<hbm>> -> memref<10000x128xf32, #tpu.memory_space<hbm>>
          %dma_start3A_377 = arith.constant 0 : i32
          %dma_start3A_378 = arith.constant 0 : i32
          %dma_start3A_379 = tpu.memref_slice %dma_start3A_376[%dma_start3A_377, %dma_start3A_378] : memref<10000x128xf32, #tpu.memory_space<hbm>> -> memref<10000x128xf32, #tpu.memory_space<hbm>>
          tpu.enqueue_indirect_dma source(%dma_start3A_379 : memref<10000x128xf32, #tpu.memory_space<hbm>>) target(%arg10 : memref<80x128xf32, #tpu.memory_space<vmem>>) offsets(%arg13 : memref<80xi32, #tpu.memory_space<vmem>>) semaphore(%arg19 : memref<!tpu.dma_semaphore, #tpu.memory_space<semaphore_mem>>)
        } else {
        }
        %dma_wait3A_252 = arith.constant 0 : i32
        %dma_wait3A_253 = arith.constant 0 : i32
        %dma_wait3A_254 = tpu.memref_slice %arg2[%add3A_113, %dma_wait3A_252, %dma_wait3A_253] : memref<4x10000x128xf32, #tpu.memory_space<hbm>> -> memref<1x10000x128xf32, #tpu.memory_space<hbm>>
        %dma_wait3A_255 = tpu.memref_squeeze %dma_wait3A_254 : memref<1x10000x128xf32, #tpu.memory_space<hbm>> -> memref<10000x128xf32, #tpu.memory_space<hbm>>
        %dma_wait3A_256 = arith.constant 0 : i32
        %dma_wait3A_257 = arith.constant 0 : i32
        %dma_wait3A_258 = tpu.memref_slice %dma_wait3A_255[%dma_wait3A_256, %dma_wait3A_257] : memref<10000x128xf32, #tpu.memory_space<hbm>> -> memref<10000x128xf32, #tpu.memory_space<hbm>>
        tpu.wait_indirect_dma semaphore(%arg18 : memref<!tpu.dma_semaphore, #tpu.memory_space<semaphore_mem>>) src(%dma_wait3A_258 : memref<10000x128xf32, #tpu.memory_space<hbm>>) dst(%arg9 : memref<80x128xf32, #tpu.memory_space<vmem>>)
        %dma_start3A_259 = arith.constant 0 : i32
        %dma_start3A_260 = arith.constant 0 : i32
        %dma_start3A_261 = tpu.memref_slice %arg6[%dma_start3A_259, %dma_start3A_260] : memref<10288x128xf32, #tpu.memory_space<vmem_shared>> -> memref<10288x128xf32, #tpu.memory_space<vmem_shared>>
        tpu.enqueue_indirect_dma source(%arg9 : memref<80x128xf32, #tpu.memory_space<vmem>>) target(%dma_start3A_261 : memref<10288x128xf32, #tpu.memory_space<vmem_shared>>) offsets(%arg15 : memref<80xi32, #tpu.memory_space<vmem>>) semaphore(%arg21 : memref<!tpu.dma_semaphore, #tpu.memory_space<semaphore_mem>>) {add = true}
      } else {
      }
      %add3A_238 = arith.constant 2 : i32
      %add3A_239 = arith.addi %mul3A_228, %add3A_238 : i32
      %lt3A_240 = arith.constant 128 : i32
      %lt3A_241 = arith.cmpi slt, %add3A_239, %lt3A_240 : i32
      %convert_element_type3A_242 = arith.extui %lt3A_241 : i1 to i32
      %cond3A_243 = arith.constant 0 : i32
      %cond3A_244 = arith.cmpi ne, %convert_element_type3A_242, %cond3A_243 : i32
      scf.if %cond3A_244 {
        %add3A_245 = arith.constant 1 : i32
        %add3A_246 = arith.addi %add3A_239, %add3A_245 : i32
        %lt3A_247 = arith.constant 128 : i32
        %lt3A_248 = arith.cmpi slt, %add3A_246, %lt3A_247 : i32
        %convert_element_type3A_249 = arith.extui %lt3A_248 : i1 to i32
        %cond3A_250 = arith.constant 0 : i32
        %cond3A_251 = arith.cmpi ne, %convert_element_type3A_249, %cond3A_250 : i32
        scf.if %cond3A_251 {
          %add3A_262 = arith.constant 1 : i32
          %add3A_263 = arith.addi %add3A_239, %add3A_262 : i32
          %ge3A = arith.constant 3 : i32
          %ge3A_264 = arith.cmpi sge, %add3A_263, %ge3A : i32
          %convert_element_type3A_265 = arith.extui %ge3A_264 : i1 to i32
          %cond3A_266 = arith.constant 0 : i32
          %cond3A_267 = arith.cmpi ne, %convert_element_type3A_265, %cond3A_266 : i32
          scf.if %cond3A_267 {
            %dma_wait3A_380 = arith.constant 0 : i32
            %dma_wait3A_381 = arith.constant 0 : i32
            %dma_wait3A_382 = tpu.memref_slice %arg6[%dma_wait3A_380, %dma_wait3A_381] : memref<10288x128xf32, #tpu.memory_space<vmem_shared>> -> memref<10288x128xf32, #tpu.memory_space<vmem_shared>>
            tpu.wait_indirect_dma semaphore(%arg20 : memref<!tpu.dma_semaphore, #tpu.memory_space<semaphore_mem>>) src(%arg8 : memref<80x128xf32, #tpu.memory_space<vmem>>) dst(%dma_wait3A_382 : memref<10288x128xf32, #tpu.memory_space<vmem_shared>>)
          } else {
          }
          %mul3A_268 = arith.constant 80 : i32
          %mul3A_269 = arith.muli %add3A_263, %mul3A_268 : i32
          %add3A_270 = arith.constant 0 : i32
          %add3A_271 = arith.addi %mul3A_269, %add3A_270 : i32
          %get3A_272 = arith.index_cast %add3A_271 : i32 to index
          %get3A_273 = tpu.vector_load %arg7[%get3A_272] {strides = array<i32>} : memref<10240xi32, #tpu.memory_space<vmem>>, vector<16xi32>,
          %get3A_274 = vector.shape_cast %get3A_273 : vector<16xi32> to vector<16xi32>
          %shift_right_logical3A_275 = arith.constant 14 : i32
          %shift_right_logical3A_276 = vector.broadcast %shift_right_logical3A_275 : i32 to vector<16xi32>
          %shift_right_logical3A_277 = arith.shrui %get3A_274, %shift_right_logical3A_276 : vector<16xi32>
          %swap3A_278 = arith.constant 0 : index
          %swap3A_279 = tpu.vector_load %arg14[%swap3A_278] {strides = array<i32>} : memref<80xi32, #tpu.memory_space<vmem>>, vector<16xi32>,
          %swap3A_280 = vector.shape_cast %swap3A_279 : vector<16xi32> to vector<16xi32>
          %swap3A_281 = vector.shape_cast %shift_right_logical3A_277 : vector<16xi32> to vector<16xi32>
          tpu.vector_store %arg14[%swap3A_278], %swap3A_281 {strides = array<i32>} : memref<80xi32, #tpu.memory_space<vmem>>, vector<16xi32>,
          %and3A_282 = arith.constant 16383 : i32
          %and3A_283 = vector.broadcast %and3A_282 : i32 to vector<16xi32>
          %and3A_284 = arith.andi %get3A_274, %and3A_283 : vector<16xi32>
          %swap3A_285 = arith.constant 0 : index
          %swap3A_286 = tpu.vector_load %arg11[%swap3A_285] {strides = array<i32>} : memref<80xi32, #tpu.memory_space<vmem>>, vector<16xi32>,
          %swap3A_287 = vector.shape_cast %swap3A_286 : vector<16xi32> to vector<16xi32>
          %swap3A_288 = vector.shape_cast %and3A_284 : vector<16xi32> to vector<16xi32>
          tpu.vector_store %arg11[%swap3A_285], %swap3A_288 {strides = array<i32>} : memref<80xi32, #tpu.memory_space<vmem>>, vector<16xi32>,
          %mul3A_289 = arith.constant 80 : i32
          %mul3A_290 = arith.muli %add3A_263, %mul3A_289 : i32
          %add3A_291 = arith.constant 16 : i32
          %add3A_292 = arith.addi %mul3A_290, %add3A_291 : i32
          %get3A_293 = arith.index_cast %add3A_292 : i32 to index
          %get3A_294 = tpu.vector_load %arg7[%get3A_293] {strides = array<i32>} : memref<10240xi32, #tpu.memory_space<vmem>>, vector<16xi32>,
          %get3A_295 = vector.shape_cast %get3A_294 : vector<16xi32> to vector<16xi32>
          %shift_right_logical3A_296 = arith.constant 14 : i32
          %shift_right_logical3A_297 = vector.broadcast %shift_right_logical3A_296 : i32 to vector<16xi32>
          %shift_right_logical3A_298 = arith.shrui %get3A_295, %shift_right_logical3A_297 : vector<16xi32>
          %swap3A_299 = arith.constant 16 : index
          %swap3A_300 = tpu.vector_load %arg14[%swap3A_299] {strides = array<i32>} : memref<80xi32, #tpu.memory_space<vmem>>, vector<16xi32>,
          %swap3A_301 = vector.shape_cast %swap3A_300 : vector<16xi32> to vector<16xi32>
          %swap3A_302 = vector.shape_cast %shift_right_logical3A_298 : vector<16xi32> to vector<16xi32>
          tpu.vector_store %arg14[%swap3A_299], %swap3A_302 {strides = array<i32>} : memref<80xi32, #tpu.memory_space<vmem>>, vector<16xi32>,
          %and3A_303 = arith.constant 16383 : i32
          %and3A_304 = vector.broadcast %and3A_303 : i32 to vector<16xi32>
          %and3A_305 = arith.andi %get3A_295, %and3A_304 : vector<16xi32>
          %swap3A_306 = arith.constant 16 : index
          %swap3A_307 = tpu.vector_load %arg11[%swap3A_306] {strides = array<i32>} : memref<80xi32, #tpu.memory_space<vmem>>, vector<16xi32>,
          %swap3A_308 = vector.shape_cast %swap3A_307 : vector<16xi32> to vector<16xi32>
          %swap3A_309 = vector.shape_cast %and3A_305 : vector<16xi32> to vector<16xi32>
          tpu.vector_store %arg11[%swap3A_306], %swap3A_309 {strides = array<i32>} : memref<80xi32, #tpu.memory_space<vmem>>, vector<16xi32>,
          %mul3A_310 = arith.constant 80 : i32
          %mul3A_311 = arith.muli %add3A_263, %mul3A_310 : i32
          %add3A_312 = arith.constant 32 : i32
          %add3A_313 = arith.addi %mul3A_311, %add3A_312 : i32
          %get3A_314 = arith.index_cast %add3A_313 : i32 to index
          %get3A_315 = tpu.vector_load %arg7[%get3A_314] {strides = array<i32>} : memref<10240xi32, #tpu.memory_space<vmem>>, vector<16xi32>,
          %get3A_316 = vector.shape_cast %get3A_315 : vector<16xi32> to vector<16xi32>
          %shift_right_logical3A_317 = arith.constant 14 : i32
          %shift_right_logical3A_318 = vector.broadcast %shift_right_logical3A_317 : i32 to vector<16xi32>
          %shift_right_logical3A_319 = arith.shrui %get3A_316, %shift_right_logical3A_318 : vector<16xi32>
          %swap3A_320 = arith.constant 32 : index
          %swap3A_321 = tpu.vector_load %arg14[%swap3A_320] {strides = array<i32>} : memref<80xi32, #tpu.memory_space<vmem>>, vector<16xi32>,
          %swap3A_322 = vector.shape_cast %swap3A_321 : vector<16xi32> to vector<16xi32>
          %swap3A_323 = vector.shape_cast %shift_right_logical3A_319 : vector<16xi32> to vector<16xi32>
          tpu.vector_store %arg14[%swap3A_320], %swap3A_323 {strides = array<i32>} : memref<80xi32, #tpu.memory_space<vmem>>, vector<16xi32>,
          %and3A_324 = arith.constant 16383 : i32
          %and3A_325 = vector.broadcast %and3A_324 : i32 to vector<16xi32>
          %and3A_326 = arith.andi %get3A_316, %and3A_325 : vector<16xi32>
          %swap3A_327 = arith.constant 32 : index
          %swap3A_328 = tpu.vector_load %arg11[%swap3A_327] {strides = array<i32>} : memref<80xi32, #tpu.memory_space<vmem>>, vector<16xi32>,
          %swap3A_329 = vector.shape_cast %swap3A_328 : vector<16xi32> to vector<16xi32>
          %swap3A_330 = vector.shape_cast %and3A_326 : vector<16xi32> to vector<16xi32>
          tpu.vector_store %arg11[%swap3A_327], %swap3A_330 {strides = array<i32>} : memref<80xi32, #tpu.memory_space<vmem>>, vector<16xi32>,
          %mul3A_331 = arith.constant 80 : i32
          %mul3A_332 = arith.muli %add3A_263, %mul3A_331 : i32
          %add3A_333 = arith.constant 48 : i32
          %add3A_334 = arith.addi %mul3A_332, %add3A_333 : i32
          %get3A_335 = arith.index_cast %add3A_334 : i32 to index
          %get3A_336 = tpu.vector_load %arg7[%get3A_335] {strides = array<i32>} : memref<10240xi32, #tpu.memory_space<vmem>>, vector<16xi32>,
          %get3A_337 = vector.shape_cast %get3A_336 : vector<16xi32> to vector<16xi32>
          %shift_right_logical3A_338 = arith.constant 14 : i32
          %shift_right_logical3A_339 = vector.broadcast %shift_right_logical3A_338 : i32 to vector<16xi32>
          %shift_right_logical3A_340 = arith.shrui %get3A_337, %shift_right_logical3A_339 : vector<16xi32>
          %swap3A_341 = arith.constant 48 : index
          %swap3A_342 = tpu.vector_load %arg14[%swap3A_341] {strides = array<i32>} : memref<80xi32, #tpu.memory_space<vmem>>, vector<16xi32>,
          %swap3A_343 = vector.shape_cast %swap3A_342 : vector<16xi32> to vector<16xi32>
          %swap3A_344 = vector.shape_cast %shift_right_logical3A_340 : vector<16xi32> to vector<16xi32>
          tpu.vector_store %arg14[%swap3A_341], %swap3A_344 {strides = array<i32>} : memref<80xi32, #tpu.memory_space<vmem>>, vector<16xi32>,
          %and3A_345 = arith.constant 16383 : i32
          %and3A_346 = vector.broadcast %and3A_345 : i32 to vector<16xi32>
          %and3A_347 = arith.andi %get3A_337, %and3A_346 : vector<16xi32>
          %swap3A_348 = arith.constant 48 : index
          %swap3A_349 = tpu.vector_load %arg11[%swap3A_348] {strides = array<i32>} : memref<80xi32, #tpu.memory_space<vmem>>, vector<16xi32>,
          %swap3A_350 = vector.shape_cast %swap3A_349 : vector<16xi32> to vector<16xi32>
          %swap3A_351 = vector.shape_cast %and3A_347 : vector<16xi32> to vector<16xi32>
          tpu.vector_store %arg11[%swap3A_348], %swap3A_351 {strides = array<i32>} : memref<80xi32, #tpu.memory_space<vmem>>, vector<16xi32>,
          %mul3A_352 = arith.constant 80 : i32
          %mul3A_353 = arith.muli %add3A_263, %mul3A_352 : i32
          %add3A_354 = arith.constant 64 : i32
          %add3A_355 = arith.addi %mul3A_353, %add3A_354 : i32
          %get3A_356 = arith.index_cast %add3A_355 : i32 to index
          %get3A_357 = tpu.vector_load %arg7[%get3A_356] {strides = array<i32>} : memref<10240xi32, #tpu.memory_space<vmem>>, vector<16xi32>,
          %get3A_358 = vector.shape_cast %get3A_357 : vector<16xi32> to vector<16xi32>
          %shift_right_logical3A_359 = arith.constant 14 : i32
          %shift_right_logical3A_360 = vector.broadcast %shift_right_logical3A_359 : i32 to vector<16xi32>
          %shift_right_logical3A_361 = arith.shrui %get3A_358, %shift_right_logical3A_360 : vector<16xi32>
          %swap3A_362 = arith.constant 64 : index
          %swap3A_363 = tpu.vector_load %arg14[%swap3A_362] {strides = array<i32>} : memref<80xi32, #tpu.memory_space<vmem>>, vector<16xi32>,
          %swap3A_364 = vector.shape_cast %swap3A_363 : vector<16xi32> to vector<16xi32>
          %swap3A_365 = vector.shape_cast %shift_right_logical3A_361 : vector<16xi32> to vector<16xi32>
          tpu.vector_store %arg14[%swap3A_362], %swap3A_365 {strides = array<i32>} : memref<80xi32, #tpu.memory_space<vmem>>, vector<16xi32>,
          %and3A_366 = arith.constant 16383 : i32
          %and3A_367 = vector.broadcast %and3A_366 : i32 to vector<16xi32>
          %and3A_368 = arith.andi %get3A_358, %and3A_367 : vector<16xi32>
          %swap3A_369 = arith.constant 64 : index
          %swap3A_370 = tpu.vector_load %arg11[%swap3A_369] {strides = array<i32>} : memref<80xi32, #tpu.memory_space<vmem>>, vector<16xi32>,
          %swap3A_371 = vector.shape_cast %swap3A_370 : vector<16xi32> to vector<16xi32>
          %swap3A_372 = vector.shape_cast %and3A_368 : vector<16xi32> to vector<16xi32>
          tpu.vector_store %arg11[%swap3A_369], %swap3A_372 {strides = array<i32>} : memref<80xi32, #tpu.memory_space<vmem>>, vector<16xi32>,
          %dma_start3A_373 = arith.constant 0 : i32
          %dma_start3A_374 = arith.constant 0 : i32
          %dma_start3A_375 = tpu.memref_slice %arg2[%add3A_113, %dma_start3A_373, %dma_start3A_374] : memref<4x10000x128xf32, #tpu.memory_space<hbm>> -> memref<1x10000x128xf32, #tpu.memory_space<hbm>>
          %dma_start3A_376 = tpu.memref_squeeze %dma_start3A_375 : memref<1x10000x128xf32, #tpu.memory_space<hbm>> -> memref<10000x128xf32, #tpu.memory_space<hbm>>
          %dma_start3A_377 = arith.constant 0 : i32
          %dma_start3A_378 = arith.constant 0 : i32
          %dma_start3A_379 = tpu.memref_slice %dma_start3A_376[%dma_start3A_377, %dma_start3A_378] : memref<10000x128xf32, #tpu.memory_space<hbm>> -> memref<10000x128xf32, #tpu.memory_space<hbm>>
          tpu.enqueue_indirect_dma source(%dma_start3A_379 : memref<10000x128xf32, #tpu.memory_space<hbm>>) target(%arg8 : memref<80x128xf32, #tpu.memory_space<vmem>>) offsets(%arg11 : memref<80xi32, #tpu.memory_space<vmem>>) semaphore(%arg17 : memref<!tpu.dma_semaphore, #tpu.memory_space<semaphore_mem>>)
        } else {
        }
        %dma_wait3A_252 = arith.constant 0 : i32
        %dma_wait3A_253 = arith.constant 0 : i32
        %dma_wait3A_254 = tpu.memref_slice %arg2[%add3A_113, %dma_wait3A_252, %dma_wait3A_253] : memref<4x10000x128xf32, #tpu.memory_space<hbm>> -> memref<1x10000x128xf32, #tpu.memory_space<hbm>>
        %dma_wait3A_255 = tpu.memref_squeeze %dma_wait3A_254 : memref<1x10000x128xf32, #tpu.memory_space<hbm>> -> memref<10000x128xf32, #tpu.memory_space<hbm>>
        %dma_wait3A_256 = arith.constant 0 : i32
        %dma_wait3A_257 = arith.constant 0 : i32
        %dma_wait3A_258 = tpu.memref_slice %dma_wait3A_255[%dma_wait3A_256, %dma_wait3A_257] : memref<10000x128xf32, #tpu.memory_space<hbm>> -> memref<10000x128xf32, #tpu.memory_space<hbm>>
        tpu.wait_indirect_dma semaphore(%arg19 : memref<!tpu.dma_semaphore, #tpu.memory_space<semaphore_mem>>) src(%dma_wait3A_258 : memref<10000x128xf32, #tpu.memory_space<hbm>>) dst(%arg10 : memref<80x128xf32, #tpu.memory_space<vmem>>)
        %dma_start3A_259 = arith.constant 0 : i32
        %dma_start3A_260 = arith.constant 0 : i32
        %dma_start3A_261 = tpu.memref_slice %arg6[%dma_start3A_259, %dma_start3A_260] : memref<10288x128xf32, #tpu.memory_space<vmem_shared>> -> memref<10288x128xf32, #tpu.memory_space<vmem_shared>>
        tpu.enqueue_indirect_dma source(%arg10 : memref<80x128xf32, #tpu.memory_space<vmem>>) target(%dma_start3A_261 : memref<10288x128xf32, #tpu.memory_space<vmem_shared>>) offsets(%arg16 : memref<80xi32, #tpu.memory_space<vmem>>) semaphore(%arg22 : memref<!tpu.dma_semaphore, #tpu.memory_space<semaphore_mem>>) {add = true}
      } else {
      }
    }
    %scan3A_212 = arith.constant 43 : i32
    %dma_wait3A_213 = arith.constant 0 : i32
    %dma_wait3A_214 = arith.constant 0 : i32
    %dma_wait3A_215 = tpu.memref_slice %arg6[%dma_wait3A_213, %dma_wait3A_214] : memref<10288x128xf32, #tpu.memory_space<vmem_shared>> -> memref<10288x128xf32, #tpu.memory_space<vmem_shared>>
    tpu.wait_indirect_dma semaphore(%arg20 : memref<!tpu.dma_semaphore, #tpu.memory_space<semaphore_mem>>) src(%arg8 : memref<80x128xf32, #tpu.memory_space<vmem>>) dst(%dma_wait3A_215 : memref<10288x128xf32, #tpu.memory_space<vmem_shared>>)
    %dma_wait3A_216 = arith.constant 0 : i32
    %dma_wait3A_217 = arith.constant 0 : i32
    %dma_wait3A_218 = tpu.memref_slice %arg6[%dma_wait3A_216, %dma_wait3A_217] : memref<10288x128xf32, #tpu.memory_space<vmem_shared>> -> memref<10288x128xf32, #tpu.memory_space<vmem_shared>>
    tpu.wait_indirect_dma semaphore(%arg21 : memref<!tpu.dma_semaphore, #tpu.memory_space<semaphore_mem>>) src(%arg9 : memref<80x128xf32, #tpu.memory_space<vmem>>) dst(%dma_wait3A_218 : memref<10288x128xf32, #tpu.memory_space<vmem_shared>>)
    %dma_wait3A_219 = arith.constant 0 : i32
    %dma_wait3A_220 = arith.constant 0 : i32
    %dma_wait3A_221 = tpu.memref_slice %arg6[%dma_wait3A_219, %dma_wait3A_220] : memref<10288x128xf32, #tpu.memory_space<vmem_shared>> -> memref<10288x128xf32, #tpu.memory_space<vmem_shared>>
    tpu.wait_indirect_dma semaphore(%arg22 : memref<!tpu.dma_semaphore, #tpu.memory_space<semaphore_mem>>) src(%arg10 : memref<80x128xf32, #tpu.memory_space<vmem>>) dst(%dma_wait3A_221 : memref<10288x128xf32, #tpu.memory_space<vmem_shared>>)
    %barrier3A_222 = arith.constant 0 : index
    tpu.barrier barrier_id(%barrier3A_222)
    %mul3A_223 = arith.constant 128 : i32
    %mul3A_224 = arith.muli %add3A_113, %mul3A_223 : i32
    "tpu.region"() ({
      %run_scoped3A = tpu.sem_alloc : memref<!tpu.dma_semaphore, #tpu.memory_space<semaphore_mem>>
      %dma_start3A_226 = tpu.memref_slice %arg5[%mul3A_2, %mul3A_224] : memref<10240x512xf32, #tpu.memory_space<hbm>> -> memref<640x128xf32, #tpu.memory_space<hbm>>
      %dma_start3A_227 = arith.constant 0 : i32
      %dma_start3A_228 = tpu.memref_slice %arg6[%mul3A_2, %dma_start3A_227] : memref<10288x128xf32, #tpu.memory_space<vmem_shared>> -> memref<640x128xf32, #tpu.memory_space<vmem_shared>>
      tpu.enqueue_dma source(%dma_start3A_228 : memref<640x128xf32, #tpu.memory_space<vmem_shared>>) target(%dma_start3A_226 : memref<640x128xf32, #tpu.memory_space<hbm>>) target_semaphore(%run_scoped3A : memref<!tpu.dma_semaphore, #tpu.memory_space<semaphore_mem>>)
      %dma_wait3A_229 = tpu.memref_slice %arg5[%mul3A_2, %mul3A_224] : memref<10240x512xf32, #tpu.memory_space<hbm>> -> memref<640x128xf32, #tpu.memory_space<hbm>>
      %dma_wait3A_230 = arith.constant 0 : i32
      %dma_wait3A_231 = tpu.memref_slice %arg6[%mul3A_2, %dma_wait3A_230] : memref<10288x128xf32, #tpu.memory_space<vmem_shared>> -> memref<640x128xf32, #tpu.memory_space<vmem_shared>>
      tpu.wait_dma2 semaphore(%run_scoped3A : memref<!tpu.dma_semaphore, #tpu.memory_space<semaphore_mem>>) src(%dma_wait3A_231 : memref<640x128xf32, #tpu.memory_space<vmem_shared>>) dst(%dma_wait3A_229 : memref<640x128xf32, #tpu.memory_space<hbm>>)
      tpu.yield
    }) : () -> ()
    %barrier3A_225 = arith.constant 0 : index
    tpu.barrier barrier_id(%barrier3A_225)
    return
  }
}

#map = affine_map<(d0, d1) -> (0, 0, 0)>
#map1 = affine_map<(d0, d1) -> (0)>
#map2 = affine_map<(d0, d1) -> (0, 0)>
module attributes {stable_mosaic.version = 14 : i64} {
  func.func @body(%arg0: i32, %arg1: i32, %arg2: memref<2x10000x128xf32, #tpu.memory_space<hbm>>, %arg3: memref<163840xi32, #tpu.memory_space<hbm>>, %arg4: memref<640x128xf32, #tpu.memory_space<hbm>>, %arg5: memref<10240x256xf32, #tpu.memory_space<hbm>>, %arg6: memref<10288x128xf32, #tpu.memory_space<vmem_shared>>, %arg7: memref<10240xi32, #tpu.memory_space<vmem>>, %arg8: memref<80x128xf32, #tpu.memory_space<vmem>>, %arg9: memref<80x128xf32, #tpu.memory_space<vmem>>, %arg10: memref<80x128xf32, #tpu.memory_space<vmem>>, %arg11: memref<80xi32, #tpu.memory_space<vmem>>, %arg12: memref<80xi32, #tpu.memory_space<vmem>>, %arg13: memref<80xi32, #tpu.memory_space<vmem>>, %arg14: memref<80xi32, #tpu.memory_space<vmem>>, %arg15: memref<80xi32, #tpu.memory_space<vmem>>, %arg16: memref<80xi32, #tpu.memory_space<vmem>>, %arg17: memref<!tpu.dma_semaphore, #tpu.memory_space<semaphore_mem>>, %arg18: memref<!tpu.dma_semaphore, #tpu.memory_space<semaphore_mem>>, %arg19: memref<!tpu.dma_semaphore, #tpu.memory_space<semaphore_mem>>, %arg20: memref<!tpu.dma_semaphore, #tpu.memory_space<semaphore_mem>>, %arg21: memref<!tpu.dma_semaphore, #tpu.memory_space<semaphore_mem>>, %arg22: memref<!tpu.dma_semaphore, #tpu.memory_space<semaphore_mem>>) attributes {dimension_semantics = [#tpu.dimension_semantics<core_parallel>, #tpu.dimension_semantics<subcore_parallel>], iteration_bounds = array<i64: 2, 16>, scalar_prefetch = 0 : i64, scratch_operands = 17 : i64, tpu.core_type = #tpu.core_type<sc_vector_subcore>, window_params = [{transform_indices = #map}, {transform_indices = #map1}, {transform_indices = #map2}, {transform_indices = #map2}]} {
    %mul3A = arith.constant 10240 : i32
    %mul3A_0 = arith.muli %arg1, %mul3A : i32
    %multiple_of3A = tpu.assume_multiple %mul3A_0, 8 : i32
    "tpu.region"() ({
      %run_scoped3A = tpu.sem_alloc : memref<!tpu.dma_semaphore, #tpu.memory_space<semaphore_mem>>
      %dma_start3A_110 = tpu.memref_slice %arg3[%multiple_of3A] : memref<163840xi32, #tpu.memory_space<hbm>> -> memref<10240xi32, #tpu.memory_space<hbm>>
      %dma_start3A_111 = tpu.memref_slice %arg3[%multiple_of3A] : memref<163840xi32, #tpu.memory_space<hbm>> -> memref<10240xi32, #tpu.memory_space<hbm>>
      tpu.enqueue_dma source(%dma_start3A_111 : memref<10240xi32, #tpu.memory_space<hbm>>) target(%arg7 : memref<10240xi32, #tpu.memory_space<vmem>>) target_semaphore(%run_scoped3A : memref<!tpu.dma_semaphore, #tpu.memory_space<semaphore_mem>>)
      %dma_wait3A_112 = tpu.memref_slice %arg3[%multiple_of3A] : memref<163840xi32, #tpu.memory_space<hbm>> -> memref<10240xi32, #tpu.memory_space<hbm>>
      %dma_wait3A_113 = tpu.memref_slice %arg3[%multiple_of3A] : memref<163840xi32, #tpu.memory_space<hbm>> -> memref<10240xi32, #tpu.memory_space<hbm>>
      tpu.wait_dma2 semaphore(%run_scoped3A : memref<!tpu.dma_semaphore, #tpu.memory_space<semaphore_mem>>) src(%dma_wait3A_113 : memref<10240xi32, #tpu.memory_space<hbm>>) dst(%arg7 : memref<10240xi32, #tpu.memory_space<vmem>>)
      tpu.yield
    }) : () -> ()
    %mul3A_1 = arith.constant 640 : i32
    %mul3A_2 = arith.muli %arg1, %mul3A_1 : i32
    %mul3A_3 = arith.constant 1 : i32
    %mul3A_4 = arith.muli %arg0, %mul3A_3 : i32
    %add3A = arith.constant 0 : i32
    %add3A_5 = arith.addi %mul3A_4, %add3A : i32
    "tpu.region"() ({
      %run_scoped3A = tpu.sem_alloc : memref<!tpu.dma_semaphore, #tpu.memory_space<semaphore_mem>>
      %dma_start3A_110 = arith.constant 0 : i32
      %dma_start3A_111 = tpu.memref_slice %arg6[%mul3A_2, %dma_start3A_110] : memref<10288x128xf32, #tpu.memory_space<vmem_shared>> -> memref<640x128xf32, #tpu.memory_space<vmem_shared>>
      tpu.enqueue_dma source(%arg4 : memref<640x128xf32, #tpu.memory_space<hbm>>) target(%dma_start3A_111 : memref<640x128xf32, #tpu.memory_space<vmem_shared>>) target_semaphore(%run_scoped3A : memref<!tpu.dma_semaphore, #tpu.memory_space<semaphore_mem>>)
      %dma_wait3A_112 = arith.constant 0 : i32
      %dma_wait3A_113 = tpu.memref_slice %arg6[%mul3A_2, %dma_wait3A_112] : memref<10288x128xf32, #tpu.memory_space<vmem_shared>> -> memref<640x128xf32, #tpu.memory_space<vmem_shared>>
      tpu.wait_dma2 semaphore(%run_scoped3A : memref<!tpu.dma_semaphore, #tpu.memory_space<semaphore_mem>>) src(%arg4 : memref<640x128xf32, #tpu.memory_space<hbm>>) dst(%dma_wait3A_113 : memref<640x128xf32, #tpu.memory_space<vmem_shared>>)
      tpu.yield
    }) : () -> ()
    %barrier3A = arith.constant 0 : index
    tpu.barrier barrier_id(%barrier3A)
    %get3A = arith.constant 0 : index
    %get3A_6 = tpu.vector_load %arg7[%get3A] {strides = array<i32>} : memref<10240xi32, #tpu.memory_space<vmem>>, vector<16xi32>,
    %get3A_7 = vector.shape_cast %get3A_6 : vector<16xi32> to vector<16xi32>
    %shift_right_logical3A = arith.constant 14 : i32
    %shift_right_logical3A_8 = vector.broadcast %shift_right_logical3A : i32 to vector<16xi32>
    %shift_right_logical3A_9 = arith.shrui %get3A_7, %shift_right_logical3A_8 : vector<16xi32>
    %swap3A = arith.constant 0 : index
    %swap3A_10 = tpu.vector_load %arg14[%swap3A] {strides = array<i32>} : memref<80xi32, #tpu.memory_space<vmem>>, vector<16xi32>,
    %swap3A_11 = vector.shape_cast %swap3A_10 : vector<16xi32> to vector<16xi32>
    %swap3A_12 = vector.shape_cast %shift_right_logical3A_9 : vector<16xi32> to vector<16xi32>
    tpu.vector_store %arg14[%swap3A], %swap3A_12 {strides = array<i32>} : memref<80xi32, #tpu.memory_space<vmem>>, vector<16xi32>,
    %and3A = arith.constant 16383 : i32
    %and3A_13 = vector.broadcast %and3A : i32 to vector<16xi32>
    %and3A_14 = arith.andi %get3A_7, %and3A_13 : vector<16xi32>
    %swap3A_15 = arith.constant 0 : index
    %swap3A_16 = tpu.vector_load %arg11[%swap3A_15] {strides = array<i32>} : memref<80xi32, #tpu.memory_space<vmem>>, vector<16xi32>,
    %swap3A_17 = vector.shape_cast %swap3A_16 : vector<16xi32> to vector<16xi32>
    %swap3A_18 = vector.shape_cast %and3A_14 : vector<16xi32> to vector<16xi32>
    tpu.vector_store %arg11[%swap3A_15], %swap3A_18 {strides = array<i32>} : memref<80xi32, #tpu.memory_space<vmem>>, vector<16xi32>,
    %get3A_19 = arith.constant 16 : index
    %get3A_20 = tpu.vector_load %arg7[%get3A_19] {strides = array<i32>} : memref<10240xi32, #tpu.memory_space<vmem>>, vector<16xi32>,
    %get3A_21 = vector.shape_cast %get3A_20 : vector<16xi32> to vector<16xi32>
    %shift_right_logical3A_22 = arith.constant 14 : i32
    %shift_right_logical3A_23 = vector.broadcast %shift_right_logical3A_22 : i32 to vector<16xi32>
    %shift_right_logical3A_24 = arith.shrui %get3A_21, %shift_right_logical3A_23 : vector<16xi32>
    %swap3A_25 = arith.constant 16 : index
    %swap3A_26 = tpu.vector_load %arg14[%swap3A_25] {strides = array<i32>} : memref<80xi32, #tpu.memory_space<vmem>>, vector<16xi32>,
    %swap3A_27 = vector.shape_cast %swap3A_26 : vector<16xi32> to vector<16xi32>
    %swap3A_28 = vector.shape_cast %shift_right_logical3A_24 : vector<16xi32> to vector<16xi32>
    tpu.vector_store %arg14[%swap3A_25], %swap3A_28 {strides = array<i32>} : memref<80xi32, #tpu.memory_space<vmem>>, vector<16xi32>,
    %and3A_29 = arith.constant 16383 : i32
    %and3A_30 = vector.broadcast %and3A_29 : i32 to vector<16xi32>
    %and3A_31 = arith.andi %get3A_21, %and3A_30 : vector<16xi32>
    %swap3A_32 = arith.constant 16 : index
    %swap3A_33 = tpu.vector_load %arg11[%swap3A_32] {strides = array<i32>} : memref<80xi32, #tpu.memory_space<vmem>>, vector<16xi32>,
    %swap3A_34 = vector.shape_cast %swap3A_33 : vector<16xi32> to vector<16xi32>
    %swap3A_35 = vector.shape_cast %and3A_31 : vector<16xi32> to vector<16xi32>
    tpu.vector_store %arg11[%swap3A_32], %swap3A_35 {strides = array<i32>} : memref<80xi32, #tpu.memory_space<vmem>>, vector<16xi32>,
    %get3A_36 = arith.constant 32 : index
    %get3A_37 = tpu.vector_load %arg7[%get3A_36] {strides = array<i32>} : memref<10240xi32, #tpu.memory_space<vmem>>, vector<16xi32>,
    %get3A_38 = vector.shape_cast %get3A_37 : vector<16xi32> to vector<16xi32>
    %shift_right_logical3A_39 = arith.constant 14 : i32
    %shift_right_logical3A_40 = vector.broadcast %shift_right_logical3A_39 : i32 to vector<16xi32>
    %shift_right_logical3A_41 = arith.shrui %get3A_38, %shift_right_logical3A_40 : vector<16xi32>
    %swap3A_42 = arith.constant 32 : index
    %swap3A_43 = tpu.vector_load %arg14[%swap3A_42] {strides = array<i32>} : memref<80xi32, #tpu.memory_space<vmem>>, vector<16xi32>,
    %swap3A_44 = vector.shape_cast %swap3A_43 : vector<16xi32> to vector<16xi32>
    %swap3A_45 = vector.shape_cast %shift_right_logical3A_41 : vector<16xi32> to vector<16xi32>
    tpu.vector_store %arg14[%swap3A_42], %swap3A_45 {strides = array<i32>} : memref<80xi32, #tpu.memory_space<vmem>>, vector<16xi32>,
    %and3A_46 = arith.constant 16383 : i32
    %and3A_47 = vector.broadcast %and3A_46 : i32 to vector<16xi32>
    %and3A_48 = arith.andi %get3A_38, %and3A_47 : vector<16xi32>
    %swap3A_49 = arith.constant 32 : index
    %swap3A_50 = tpu.vector_load %arg11[%swap3A_49] {strides = array<i32>} : memref<80xi32, #tpu.memory_space<vmem>>, vector<16xi32>,
    %swap3A_51 = vector.shape_cast %swap3A_50 : vector<16xi32> to vector<16xi32>
    %swap3A_52 = vector.shape_cast %and3A_48 : vector<16xi32> to vector<16xi32>
    tpu.vector_store %arg11[%swap3A_49], %swap3A_52 {strides = array<i32>} : memref<80xi32, #tpu.memory_space<vmem>>, vector<16xi32>,
    %get3A_53 = arith.constant 48 : index
    %get3A_54 = tpu.vector_load %arg7[%get3A_53] {strides = array<i32>} : memref<10240xi32, #tpu.memory_space<vmem>>, vector<16xi32>,
    %get3A_55 = vector.shape_cast %get3A_54 : vector<16xi32> to vector<16xi32>
    %shift_right_logical3A_56 = arith.constant 14 : i32
    %shift_right_logical3A_57 = vector.broadcast %shift_right_logical3A_56 : i32 to vector<16xi32>
    %shift_right_logical3A_58 = arith.shrui %get3A_55, %shift_right_logical3A_57 : vector<16xi32>
    %swap3A_59 = arith.constant 48 : index
    %swap3A_60 = tpu.vector_load %arg14[%swap3A_59] {strides = array<i32>} : memref<80xi32, #tpu.memory_space<vmem>>, vector<16xi32>,
    %swap3A_61 = vector.shape_cast %swap3A_60 : vector<16xi32> to vector<16xi32>
    %swap3A_62 = vector.shape_cast %shift_right_logical3A_58 : vector<16xi32> to vector<16xi32>
    tpu.vector_store %arg14[%swap3A_59], %swap3A_62 {strides = array<i32>} : memref<80xi32, #tpu.memory_space<vmem>>, vector<16xi32>,
    %and3A_63 = arith.constant 16383 : i32
    %and3A_64 = vector.broadcast %and3A_63 : i32 to vector<16xi32>
    %and3A_65 = arith.andi %get3A_55, %and3A_64 : vector<16xi32>
    %swap3A_66 = arith.constant 48 : index
    %swap3A_67 = tpu.vector_load %arg11[%swap3A_66] {strides = array<i32>} : memref<80xi32, #tpu.memory_space<vmem>>, vector<16xi32>,
    %swap3A_68 = vector.shape_cast %swap3A_67 : vector<16xi32> to vector<16xi32>
    %swap3A_69 = vector.shape_cast %and3A_65 : vector<16xi32> to vector<16xi32>
    tpu.vector_store %arg11[%swap3A_66], %swap3A_69 {strides = array<i32>} : memref<80xi32, #tpu.memory_space<vmem>>, vector<16xi32>,
    %get3A_70 = arith.constant 64 : index
    %get3A_71 = tpu.vector_load %arg7[%get3A_70] {strides = array<i32>} : memref<10240xi32, #tpu.memory_space<vmem>>, vector<16xi32>,
    %get3A_72 = vector.shape_cast %get3A_71 : vector<16xi32> to vector<16xi32>
    %shift_right_logical3A_73 = arith.constant 14 : i32
    %shift_right_logical3A_74 = vector.broadcast %shift_right_logical3A_73 : i32 to vector<16xi32>
    %shift_right_logical3A_75 = arith.shrui %get3A_72, %shift_right_logical3A_74 : vector<16xi32>
    %swap3A_76 = arith.constant 64 : index
    %swap3A_77 = tpu.vector_load %arg14[%swap3A_76] {strides = array<i32>} : memref<80xi32, #tpu.memory_space<vmem>>, vector<16xi32>,
    %swap3A_78 = vector.shape_cast %swap3A_77 : vector<16xi32> to vector<16xi32>
    %swap3A_79 = vector.shape_cast %shift_right_logical3A_75 : vector<16xi32> to vector<16xi32>
    tpu.vector_store %arg14[%swap3A_76], %swap3A_79 {strides = array<i32>} : memref<80xi32, #tpu.memory_space<vmem>>, vector<16xi32>,
    %and3A_80 = arith.constant 16383 : i32
    %and3A_81 = vector.broadcast %and3A_80 : i32 to vector<16xi32>
    %and3A_82 = arith.andi %get3A_72, %and3A_81 : vector<16xi32>
    %swap3A_83 = arith.constant 64 : index
    %swap3A_84 = tpu.vector_load %arg11[%swap3A_83] {strides = array<i32>} : memref<80xi32, #tpu.memory_space<vmem>>, vector<16xi32>,
    %swap3A_85 = vector.shape_cast %swap3A_84 : vector<16xi32> to vector<16xi32>
    %swap3A_86 = vector.shape_cast %and3A_82 : vector<16xi32> to vector<16xi32>
    tpu.vector_store %arg11[%swap3A_83], %swap3A_86 {strides = array<i32>} : memref<80xi32, #tpu.memory_space<vmem>>, vector<16xi32>,
    %dma_start3A = arith.constant 0 : i32
    %dma_start3A_87 = arith.constant 0 : i32
    %dma_start3A_88 = tpu.memref_slice %arg2[%add3A_5, %dma_start3A, %dma_start3A_87] : memref<2x10000x128xf32, #tpu.memory_space<hbm>> -> memref<1x10000x128xf32, #tpu.memory_space<hbm>>
    %dma_start3A_89 = tpu.memref_squeeze %dma_start3A_88 : memref<1x10000x128xf32, #tpu.memory_space<hbm>> -> memref<10000x128xf32, #tpu.memory_space<hbm>>
    %dma_start3A_90 = arith.constant 0 : i32
    %dma_start3A_91 = arith.constant 0 : i32
    %dma_start3A_92 = tpu.memref_slice %dma_start3A_89[%dma_start3A_90, %dma_start3A_91] : memref<10000x128xf32, #tpu.memory_space<hbm>> -> memref<10000x128xf32, #tpu.memory_space<hbm>>
    tpu.enqueue_indirect_dma source(%dma_start3A_92 : memref<10000x128xf32, #tpu.memory_space<hbm>>) target(%arg8 : memref<80x128xf32, #tpu.memory_space<vmem>>) offsets(%arg11 : memref<80xi32, #tpu.memory_space<vmem>>) semaphore(%arg17 : memref<!tpu.dma_semaphore, #tpu.memory_space<semaphore_mem>>)
    %scan3A = arith.constant 0 : i32
    %scan3A_93 = arith.constant 0 : i32
    %scan3A_94 = arith.constant 43 : i32
    %scan3A_95 = arith.addi %scan3A_93, %scan3A_94 : i32
    %scan3A_96 = arith.constant 1 : i32
    scf.for %scan3A_110 = %scan3A_93 to %scan3A_95 step %scan3A_96  : i32 {
      %mul3A_111 = arith.constant 3 : i32
      %mul3A_112 = arith.muli %mul3A_111, %scan3A_110 : i32
      %lt3A = arith.constant 128 : i32
      %lt3A_113 = arith.cmpi slt, %mul3A_112, %lt3A : i32
      %convert_element_type3A = arith.extui %lt3A_113 : i1 to i32
      %cond3A = arith.constant 0 : i32
      %cond3A_114 = arith.cmpi ne, %convert_element_type3A, %cond3A : i32
      scf.if %cond3A_114 {
        %add3A_129 = arith.constant 1 : i32
        %add3A_130 = arith.addi %mul3A_112, %add3A_129 : i32
        %lt3A_131 = arith.constant 128 : i32
        %lt3A_132 = arith.cmpi slt, %add3A_130, %lt3A_131 : i32
        %convert_element_type3A_133 = arith.extui %lt3A_132 : i1 to i32
        %cond3A_134 = arith.constant 0 : i32
        %cond3A_135 = arith.cmpi ne, %convert_element_type3A_133, %cond3A_134 : i32
        scf.if %cond3A_135 {
          %add3A_146 = arith.constant 1 : i32
          %add3A_147 = arith.addi %mul3A_112, %add3A_146 : i32
          %ge3A = arith.constant 3 : i32
          %ge3A_148 = arith.cmpi sge, %add3A_147, %ge3A : i32
          %convert_element_type3A_149 = arith.extui %ge3A_148 : i1 to i32
          %cond3A_150 = arith.constant 0 : i32
          %cond3A_151 = arith.cmpi ne, %convert_element_type3A_149, %cond3A_150 : i32
          scf.if %cond3A_151 {
            %dma_wait3A_264 = arith.constant 0 : i32
            %dma_wait3A_265 = arith.constant 0 : i32
            %dma_wait3A_266 = tpu.memref_slice %arg6[%dma_wait3A_264, %dma_wait3A_265] : memref<10288x128xf32, #tpu.memory_space<vmem_shared>> -> memref<10288x128xf32, #tpu.memory_space<vmem_shared>>
            tpu.wait_indirect_dma semaphore(%arg21 : memref<!tpu.dma_semaphore, #tpu.memory_space<semaphore_mem>>) src(%arg9 : memref<80x128xf32, #tpu.memory_space<vmem>>) dst(%dma_wait3A_266 : memref<10288x128xf32, #tpu.memory_space<vmem_shared>>)
          } else {
          }
          %mul3A_152 = arith.constant 80 : i32
          %mul3A_153 = arith.muli %add3A_147, %mul3A_152 : i32
          %add3A_154 = arith.constant 0 : i32
          %add3A_155 = arith.addi %mul3A_153, %add3A_154 : i32
          %get3A_156 = arith.index_cast %add3A_155 : i32 to index
          %get3A_157 = tpu.vector_load %arg7[%get3A_156] {strides = array<i32>} : memref<10240xi32, #tpu.memory_space<vmem>>, vector<16xi32>,
          %get3A_158 = vector.shape_cast %get3A_157 : vector<16xi32> to vector<16xi32>
          %shift_right_logical3A_159 = arith.constant 14 : i32
          %shift_right_logical3A_160 = vector.broadcast %shift_right_logical3A_159 : i32 to vector<16xi32>
          %shift_right_logical3A_161 = arith.shrui %get3A_158, %shift_right_logical3A_160 : vector<16xi32>
          %swap3A_162 = arith.constant 0 : index
          %swap3A_163 = tpu.vector_load %arg15[%swap3A_162] {strides = array<i32>} : memref<80xi32, #tpu.memory_space<vmem>>, vector<16xi32>,
          %swap3A_164 = vector.shape_cast %swap3A_163 : vector<16xi32> to vector<16xi32>
          %swap3A_165 = vector.shape_cast %shift_right_logical3A_161 : vector<16xi32> to vector<16xi32>
          tpu.vector_store %arg15[%swap3A_162], %swap3A_165 {strides = array<i32>} : memref<80xi32, #tpu.memory_space<vmem>>, vector<16xi32>,
          %and3A_166 = arith.constant 16383 : i32
          %and3A_167 = vector.broadcast %and3A_166 : i32 to vector<16xi32>
          %and3A_168 = arith.andi %get3A_158, %and3A_167 : vector<16xi32>
          %swap3A_169 = arith.constant 0 : index
          %swap3A_170 = tpu.vector_load %arg12[%swap3A_169] {strides = array<i32>} : memref<80xi32, #tpu.memory_space<vmem>>, vector<16xi32>,
          %swap3A_171 = vector.shape_cast %swap3A_170 : vector<16xi32> to vector<16xi32>
          %swap3A_172 = vector.shape_cast %and3A_168 : vector<16xi32> to vector<16xi32>
          tpu.vector_store %arg12[%swap3A_169], %swap3A_172 {strides = array<i32>} : memref<80xi32, #tpu.memory_space<vmem>>, vector<16xi32>,
          %mul3A_173 = arith.constant 80 : i32
          %mul3A_174 = arith.muli %add3A_147, %mul3A_173 : i32
          %add3A_175 = arith.constant 16 : i32
          %add3A_176 = arith.addi %mul3A_174, %add3A_175 : i32
          %get3A_177 = arith.index_cast %add3A_176 : i32 to index
          %get3A_178 = tpu.vector_load %arg7[%get3A_177] {strides = array<i32>} : memref<10240xi32, #tpu.memory_space<vmem>>, vector<16xi32>,
          %get3A_179 = vector.shape_cast %get3A_178 : vector<16xi32> to vector<16xi32>
          %shift_right_logical3A_180 = arith.constant 14 : i32
          %shift_right_logical3A_181 = vector.broadcast %shift_right_logical3A_180 : i32 to vector<16xi32>
          %shift_right_logical3A_182 = arith.shrui %get3A_179, %shift_right_logical3A_181 : vector<16xi32>
          %swap3A_183 = arith.constant 16 : index
          %swap3A_184 = tpu.vector_load %arg15[%swap3A_183] {strides = array<i32>} : memref<80xi32, #tpu.memory_space<vmem>>, vector<16xi32>,
          %swap3A_185 = vector.shape_cast %swap3A_184 : vector<16xi32> to vector<16xi32>
          %swap3A_186 = vector.shape_cast %shift_right_logical3A_182 : vector<16xi32> to vector<16xi32>
          tpu.vector_store %arg15[%swap3A_183], %swap3A_186 {strides = array<i32>} : memref<80xi32, #tpu.memory_space<vmem>>, vector<16xi32>,
          %and3A_187 = arith.constant 16383 : i32
          %and3A_188 = vector.broadcast %and3A_187 : i32 to vector<16xi32>
          %and3A_189 = arith.andi %get3A_179, %and3A_188 : vector<16xi32>
          %swap3A_190 = arith.constant 16 : index
          %swap3A_191 = tpu.vector_load %arg12[%swap3A_190] {strides = array<i32>} : memref<80xi32, #tpu.memory_space<vmem>>, vector<16xi32>,
          %swap3A_192 = vector.shape_cast %swap3A_191 : vector<16xi32> to vector<16xi32>
          %swap3A_193 = vector.shape_cast %and3A_189 : vector<16xi32> to vector<16xi32>
          tpu.vector_store %arg12[%swap3A_190], %swap3A_193 {strides = array<i32>} : memref<80xi32, #tpu.memory_space<vmem>>, vector<16xi32>,
          %mul3A_194 = arith.constant 80 : i32
          %mul3A_195 = arith.muli %add3A_147, %mul3A_194 : i32
          %add3A_196 = arith.constant 32 : i32
          %add3A_197 = arith.addi %mul3A_195, %add3A_196 : i32
          %get3A_198 = arith.index_cast %add3A_197 : i32 to index
          %get3A_199 = tpu.vector_load %arg7[%get3A_198] {strides = array<i32>} : memref<10240xi32, #tpu.memory_space<vmem>>, vector<16xi32>,
          %get3A_200 = vector.shape_cast %get3A_199 : vector<16xi32> to vector<16xi32>
          %shift_right_logical3A_201 = arith.constant 14 : i32
          %shift_right_logical3A_202 = vector.broadcast %shift_right_logical3A_201 : i32 to vector<16xi32>
          %shift_right_logical3A_203 = arith.shrui %get3A_200, %shift_right_logical3A_202 : vector<16xi32>
          %swap3A_204 = arith.constant 32 : index
          %swap3A_205 = tpu.vector_load %arg15[%swap3A_204] {strides = array<i32>} : memref<80xi32, #tpu.memory_space<vmem>>, vector<16xi32>,
          %swap3A_206 = vector.shape_cast %swap3A_205 : vector<16xi32> to vector<16xi32>
          %swap3A_207 = vector.shape_cast %shift_right_logical3A_203 : vector<16xi32> to vector<16xi32>
          tpu.vector_store %arg15[%swap3A_204], %swap3A_207 {strides = array<i32>} : memref<80xi32, #tpu.memory_space<vmem>>, vector<16xi32>,
          %and3A_208 = arith.constant 16383 : i32
          %and3A_209 = vector.broadcast %and3A_208 : i32 to vector<16xi32>
          %and3A_210 = arith.andi %get3A_200, %and3A_209 : vector<16xi32>
          %swap3A_211 = arith.constant 32 : index
          %swap3A_212 = tpu.vector_load %arg12[%swap3A_211] {strides = array<i32>} : memref<80xi32, #tpu.memory_space<vmem>>, vector<16xi32>,
          %swap3A_213 = vector.shape_cast %swap3A_212 : vector<16xi32> to vector<16xi32>
          %swap3A_214 = vector.shape_cast %and3A_210 : vector<16xi32> to vector<16xi32>
          tpu.vector_store %arg12[%swap3A_211], %swap3A_214 {strides = array<i32>} : memref<80xi32, #tpu.memory_space<vmem>>, vector<16xi32>,
          %mul3A_215 = arith.constant 80 : i32
          %mul3A_216 = arith.muli %add3A_147, %mul3A_215 : i32
          %add3A_217 = arith.constant 48 : i32
          %add3A_218 = arith.addi %mul3A_216, %add3A_217 : i32
          %get3A_219 = arith.index_cast %add3A_218 : i32 to index
          %get3A_220 = tpu.vector_load %arg7[%get3A_219] {strides = array<i32>} : memref<10240xi32, #tpu.memory_space<vmem>>, vector<16xi32>,
          %get3A_221 = vector.shape_cast %get3A_220 : vector<16xi32> to vector<16xi32>
          %shift_right_logical3A_222 = arith.constant 14 : i32
          %shift_right_logical3A_223 = vector.broadcast %shift_right_logical3A_222 : i32 to vector<16xi32>
          %shift_right_logical3A_224 = arith.shrui %get3A_221, %shift_right_logical3A_223 : vector<16xi32>
          %swap3A_225 = arith.constant 48 : index
          %swap3A_226 = tpu.vector_load %arg15[%swap3A_225] {strides = array<i32>} : memref<80xi32, #tpu.memory_space<vmem>>, vector<16xi32>,
          %swap3A_227 = vector.shape_cast %swap3A_226 : vector<16xi32> to vector<16xi32>
          %swap3A_228 = vector.shape_cast %shift_right_logical3A_224 : vector<16xi32> to vector<16xi32>
          tpu.vector_store %arg15[%swap3A_225], %swap3A_228 {strides = array<i32>} : memref<80xi32, #tpu.memory_space<vmem>>, vector<16xi32>,
          %and3A_229 = arith.constant 16383 : i32
          %and3A_230 = vector.broadcast %and3A_229 : i32 to vector<16xi32>
          %and3A_231 = arith.andi %get3A_221, %and3A_230 : vector<16xi32>
          %swap3A_232 = arith.constant 48 : index
          %swap3A_233 = tpu.vector_load %arg12[%swap3A_232] {strides = array<i32>} : memref<80xi32, #tpu.memory_space<vmem>>, vector<16xi32>,
          %swap3A_234 = vector.shape_cast %swap3A_233 : vector<16xi32> to vector<16xi32>
          %swap3A_235 = vector.shape_cast %and3A_231 : vector<16xi32> to vector<16xi32>
          tpu.vector_store %arg12[%swap3A_232], %swap3A_235 {strides = array<i32>} : memref<80xi32, #tpu.memory_space<vmem>>, vector<16xi32>,
          %mul3A_236 = arith.constant 80 : i32
          %mul3A_237 = arith.muli %add3A_147, %mul3A_236 : i32
          %add3A_238 = arith.constant 64 : i32
          %add3A_239 = arith.addi %mul3A_237, %add3A_238 : i32
          %get3A_240 = arith.index_cast %add3A_239 : i32 to index
          %get3A_241 = tpu.vector_load %arg7[%get3A_240] {strides = array<i32>} : memref<10240xi32, #tpu.memory_space<vmem>>, vector<16xi32>,
          %get3A_242 = vector.shape_cast %get3A_241 : vector<16xi32> to vector<16xi32>
          %shift_right_logical3A_243 = arith.constant 14 : i32
          %shift_right_logical3A_244 = vector.broadcast %shift_right_logical3A_243 : i32 to vector<16xi32>
          %shift_right_logical3A_245 = arith.shrui %get3A_242, %shift_right_logical3A_244 : vector<16xi32>
          %swap3A_246 = arith.constant 64 : index
          %swap3A_247 = tpu.vector_load %arg15[%swap3A_246] {strides = array<i32>} : memref<80xi32, #tpu.memory_space<vmem>>, vector<16xi32>,
          %swap3A_248 = vector.shape_cast %swap3A_247 : vector<16xi32> to vector<16xi32>
          %swap3A_249 = vector.shape_cast %shift_right_logical3A_245 : vector<16xi32> to vector<16xi32>
          tpu.vector_store %arg15[%swap3A_246], %swap3A_249 {strides = array<i32>} : memref<80xi32, #tpu.memory_space<vmem>>, vector<16xi32>,
          %and3A_250 = arith.constant 16383 : i32
          %and3A_251 = vector.broadcast %and3A_250 : i32 to vector<16xi32>
          %and3A_252 = arith.andi %get3A_242, %and3A_251 : vector<16xi32>
          %swap3A_253 = arith.constant 64 : index
          %swap3A_254 = tpu.vector_load %arg12[%swap3A_253] {strides = array<i32>} : memref<80xi32, #tpu.memory_space<vmem>>, vector<16xi32>,
          %swap3A_255 = vector.shape_cast %swap3A_254 : vector<16xi32> to vector<16xi32>
          %swap3A_256 = vector.shape_cast %and3A_252 : vector<16xi32> to vector<16xi32>
          tpu.vector_store %arg12[%swap3A_253], %swap3A_256 {strides = array<i32>} : memref<80xi32, #tpu.memory_space<vmem>>, vector<16xi32>,
          %dma_start3A_257 = arith.constant 0 : i32
          %dma_start3A_258 = arith.constant 0 : i32
          %dma_start3A_259 = tpu.memref_slice %arg2[%add3A_5, %dma_start3A_257, %dma_start3A_258] : memref<2x10000x128xf32, #tpu.memory_space<hbm>> -> memref<1x10000x128xf32, #tpu.memory_space<hbm>>
          %dma_start3A_260 = tpu.memref_squeeze %dma_start3A_259 : memref<1x10000x128xf32, #tpu.memory_space<hbm>> -> memref<10000x128xf32, #tpu.memory_space<hbm>>
          %dma_start3A_261 = arith.constant 0 : i32
          %dma_start3A_262 = arith.constant 0 : i32
          %dma_start3A_263 = tpu.memref_slice %dma_start3A_260[%dma_start3A_261, %dma_start3A_262] : memref<10000x128xf32, #tpu.memory_space<hbm>> -> memref<10000x128xf32, #tpu.memory_space<hbm>>
          tpu.enqueue_indirect_dma source(%dma_start3A_263 : memref<10000x128xf32, #tpu.memory_space<hbm>>) target(%arg9 : memref<80x128xf32, #tpu.memory_space<vmem>>) offsets(%arg12 : memref<80xi32, #tpu.memory_space<vmem>>) semaphore(%arg18 : memref<!tpu.dma_semaphore, #tpu.memory_space<semaphore_mem>>)
        } else {
        }
        %dma_wait3A_136 = arith.constant 0 : i32
        %dma_wait3A_137 = arith.constant 0 : i32
        %dma_wait3A_138 = tpu.memref_slice %arg2[%add3A_5, %dma_wait3A_136, %dma_wait3A_137] : memref<2x10000x128xf32, #tpu.memory_space<hbm>> -> memref<1x10000x128xf32, #tpu.memory_space<hbm>>
        %dma_wait3A_139 = tpu.memref_squeeze %dma_wait3A_138 : memref<1x10000x128xf32, #tpu.memory_space<hbm>> -> memref<10000x128xf32, #tpu.memory_space<hbm>>
        %dma_wait3A_140 = arith.constant 0 : i32
        %dma_wait3A_141 = arith.constant 0 : i32
        %dma_wait3A_142 = tpu.memref_slice %dma_wait3A_139[%dma_wait3A_140, %dma_wait3A_141] : memref<10000x128xf32, #tpu.memory_space<hbm>> -> memref<10000x128xf32, #tpu.memory_space<hbm>>
        tpu.wait_indirect_dma semaphore(%arg17 : memref<!tpu.dma_semaphore, #tpu.memory_space<semaphore_mem>>) src(%dma_wait3A_142 : memref<10000x128xf32, #tpu.memory_space<hbm>>) dst(%arg8 : memref<80x128xf32, #tpu.memory_space<vmem>>)
        %dma_start3A_143 = arith.constant 0 : i32
        %dma_start3A_144 = arith.constant 0 : i32
        %dma_start3A_145 = tpu.memref_slice %arg6[%dma_start3A_143, %dma_start3A_144] : memref<10288x128xf32, #tpu.memory_space<vmem_shared>> -> memref<10288x128xf32, #tpu.memory_space<vmem_shared>>
        tpu.enqueue_indirect_dma source(%arg8 : memref<80x128xf32, #tpu.memory_space<vmem>>) target(%dma_start3A_145 : memref<10288x128xf32, #tpu.memory_space<vmem_shared>>) offsets(%arg14 : memref<80xi32, #tpu.memory_space<vmem>>) semaphore(%arg20 : memref<!tpu.dma_semaphore, #tpu.memory_space<semaphore_mem>>) {add = true}
      } else {
      }
      %add3A_115 = arith.constant 1 : i32
      %add3A_116 = arith.addi %mul3A_112, %add3A_115 : i32
      %lt3A_117 = arith.constant 128 : i32
      %lt3A_118 = arith.cmpi slt, %add3A_116, %lt3A_117 : i32
      %convert_element_type3A_119 = arith.extui %lt3A_118 : i1 to i32
      %cond3A_120 = arith.constant 0 : i32
      %cond3A_121 = arith.cmpi ne, %convert_element_type3A_119, %cond3A_120 : i32
      scf.if %cond3A_121 {
        %add3A_129 = arith.constant 1 : i32
        %add3A_130 = arith.addi %add3A_116, %add3A_129 : i32
        %lt3A_131 = arith.constant 128 : i32
        %lt3A_132 = arith.cmpi slt, %add3A_130, %lt3A_131 : i32
        %convert_element_type3A_133 = arith.extui %lt3A_132 : i1 to i32
        %cond3A_134 = arith.constant 0 : i32
        %cond3A_135 = arith.cmpi ne, %convert_element_type3A_133, %cond3A_134 : i32
        scf.if %cond3A_135 {
          %add3A_146 = arith.constant 1 : i32
          %add3A_147 = arith.addi %add3A_116, %add3A_146 : i32
          %ge3A = arith.constant 3 : i32
          %ge3A_148 = arith.cmpi sge, %add3A_147, %ge3A : i32
          %convert_element_type3A_149 = arith.extui %ge3A_148 : i1 to i32
          %cond3A_150 = arith.constant 0 : i32
          %cond3A_151 = arith.cmpi ne, %convert_element_type3A_149, %cond3A_150 : i32
          scf.if %cond3A_151 {
            %dma_wait3A_264 = arith.constant 0 : i32
            %dma_wait3A_265 = arith.constant 0 : i32
            %dma_wait3A_266 = tpu.memref_slice %arg6[%dma_wait3A_264, %dma_wait3A_265] : memref<10288x128xf32, #tpu.memory_space<vmem_shared>> -> memref<10288x128xf32, #tpu.memory_space<vmem_shared>>
            tpu.wait_indirect_dma semaphore(%arg22 : memref<!tpu.dma_semaphore, #tpu.memory_space<semaphore_mem>>) src(%arg10 : memref<80x128xf32, #tpu.memory_space<vmem>>) dst(%dma_wait3A_266 : memref<10288x128xf32, #tpu.memory_space<vmem_shared>>)
          } else {
          }
          %mul3A_152 = arith.constant 80 : i32
          %mul3A_153 = arith.muli %add3A_147, %mul3A_152 : i32
          %add3A_154 = arith.constant 0 : i32
          %add3A_155 = arith.addi %mul3A_153, %add3A_154 : i32
          %get3A_156 = arith.index_cast %add3A_155 : i32 to index
          %get3A_157 = tpu.vector_load %arg7[%get3A_156] {strides = array<i32>} : memref<10240xi32, #tpu.memory_space<vmem>>, vector<16xi32>,
          %get3A_158 = vector.shape_cast %get3A_157 : vector<16xi32> to vector<16xi32>
          %shift_right_logical3A_159 = arith.constant 14 : i32
          %shift_right_logical3A_160 = vector.broadcast %shift_right_logical3A_159 : i32 to vector<16xi32>
          %shift_right_logical3A_161 = arith.shrui %get3A_158, %shift_right_logical3A_160 : vector<16xi32>
          %swap3A_162 = arith.constant 0 : index
          %swap3A_163 = tpu.vector_load %arg16[%swap3A_162] {strides = array<i32>} : memref<80xi32, #tpu.memory_space<vmem>>, vector<16xi32>,
          %swap3A_164 = vector.shape_cast %swap3A_163 : vector<16xi32> to vector<16xi32>
          %swap3A_165 = vector.shape_cast %shift_right_logical3A_161 : vector<16xi32> to vector<16xi32>
          tpu.vector_store %arg16[%swap3A_162], %swap3A_165 {strides = array<i32>} : memref<80xi32, #tpu.memory_space<vmem>>, vector<16xi32>,
          %and3A_166 = arith.constant 16383 : i32
          %and3A_167 = vector.broadcast %and3A_166 : i32 to vector<16xi32>
          %and3A_168 = arith.andi %get3A_158, %and3A_167 : vector<16xi32>
          %swap3A_169 = arith.constant 0 : index
          %swap3A_170 = tpu.vector_load %arg13[%swap3A_169] {strides = array<i32>} : memref<80xi32, #tpu.memory_space<vmem>>, vector<16xi32>,
          %swap3A_171 = vector.shape_cast %swap3A_170 : vector<16xi32> to vector<16xi32>
          %swap3A_172 = vector.shape_cast %and3A_168 : vector<16xi32> to vector<16xi32>
          tpu.vector_store %arg13[%swap3A_169], %swap3A_172 {strides = array<i32>} : memref<80xi32, #tpu.memory_space<vmem>>, vector<16xi32>,
          %mul3A_173 = arith.constant 80 : i32
          %mul3A_174 = arith.muli %add3A_147, %mul3A_173 : i32
          %add3A_175 = arith.constant 16 : i32
          %add3A_176 = arith.addi %mul3A_174, %add3A_175 : i32
          %get3A_177 = arith.index_cast %add3A_176 : i32 to index
          %get3A_178 = tpu.vector_load %arg7[%get3A_177] {strides = array<i32>} : memref<10240xi32, #tpu.memory_space<vmem>>, vector<16xi32>,
          %get3A_179 = vector.shape_cast %get3A_178 : vector<16xi32> to vector<16xi32>
          %shift_right_logical3A_180 = arith.constant 14 : i32
          %shift_right_logical3A_181 = vector.broadcast %shift_right_logical3A_180 : i32 to vector<16xi32>
          %shift_right_logical3A_182 = arith.shrui %get3A_179, %shift_right_logical3A_181 : vector<16xi32>
          %swap3A_183 = arith.constant 16 : index
          %swap3A_184 = tpu.vector_load %arg16[%swap3A_183] {strides = array<i32>} : memref<80xi32, #tpu.memory_space<vmem>>, vector<16xi32>,
          %swap3A_185 = vector.shape_cast %swap3A_184 : vector<16xi32> to vector<16xi32>
          %swap3A_186 = vector.shape_cast %shift_right_logical3A_182 : vector<16xi32> to vector<16xi32>
          tpu.vector_store %arg16[%swap3A_183], %swap3A_186 {strides = array<i32>} : memref<80xi32, #tpu.memory_space<vmem>>, vector<16xi32>,
          %and3A_187 = arith.constant 16383 : i32
          %and3A_188 = vector.broadcast %and3A_187 : i32 to vector<16xi32>
          %and3A_189 = arith.andi %get3A_179, %and3A_188 : vector<16xi32>
          %swap3A_190 = arith.constant 16 : index
          %swap3A_191 = tpu.vector_load %arg13[%swap3A_190] {strides = array<i32>} : memref<80xi32, #tpu.memory_space<vmem>>, vector<16xi32>,
          %swap3A_192 = vector.shape_cast %swap3A_191 : vector<16xi32> to vector<16xi32>
          %swap3A_193 = vector.shape_cast %and3A_189 : vector<16xi32> to vector<16xi32>
          tpu.vector_store %arg13[%swap3A_190], %swap3A_193 {strides = array<i32>} : memref<80xi32, #tpu.memory_space<vmem>>, vector<16xi32>,
          %mul3A_194 = arith.constant 80 : i32
          %mul3A_195 = arith.muli %add3A_147, %mul3A_194 : i32
          %add3A_196 = arith.constant 32 : i32
          %add3A_197 = arith.addi %mul3A_195, %add3A_196 : i32
          %get3A_198 = arith.index_cast %add3A_197 : i32 to index
          %get3A_199 = tpu.vector_load %arg7[%get3A_198] {strides = array<i32>} : memref<10240xi32, #tpu.memory_space<vmem>>, vector<16xi32>,
          %get3A_200 = vector.shape_cast %get3A_199 : vector<16xi32> to vector<16xi32>
          %shift_right_logical3A_201 = arith.constant 14 : i32
          %shift_right_logical3A_202 = vector.broadcast %shift_right_logical3A_201 : i32 to vector<16xi32>
          %shift_right_logical3A_203 = arith.shrui %get3A_200, %shift_right_logical3A_202 : vector<16xi32>
          %swap3A_204 = arith.constant 32 : index
          %swap3A_205 = tpu.vector_load %arg16[%swap3A_204] {strides = array<i32>} : memref<80xi32, #tpu.memory_space<vmem>>, vector<16xi32>,
          %swap3A_206 = vector.shape_cast %swap3A_205 : vector<16xi32> to vector<16xi32>
          %swap3A_207 = vector.shape_cast %shift_right_logical3A_203 : vector<16xi32> to vector<16xi32>
          tpu.vector_store %arg16[%swap3A_204], %swap3A_207 {strides = array<i32>} : memref<80xi32, #tpu.memory_space<vmem>>, vector<16xi32>,
          %and3A_208 = arith.constant 16383 : i32
          %and3A_209 = vector.broadcast %and3A_208 : i32 to vector<16xi32>
          %and3A_210 = arith.andi %get3A_200, %and3A_209 : vector<16xi32>
          %swap3A_211 = arith.constant 32 : index
          %swap3A_212 = tpu.vector_load %arg13[%swap3A_211] {strides = array<i32>} : memref<80xi32, #tpu.memory_space<vmem>>, vector<16xi32>,
          %swap3A_213 = vector.shape_cast %swap3A_212 : vector<16xi32> to vector<16xi32>
          %swap3A_214 = vector.shape_cast %and3A_210 : vector<16xi32> to vector<16xi32>
          tpu.vector_store %arg13[%swap3A_211], %swap3A_214 {strides = array<i32>} : memref<80xi32, #tpu.memory_space<vmem>>, vector<16xi32>,
          %mul3A_215 = arith.constant 80 : i32
          %mul3A_216 = arith.muli %add3A_147, %mul3A_215 : i32
          %add3A_217 = arith.constant 48 : i32
          %add3A_218 = arith.addi %mul3A_216, %add3A_217 : i32
          %get3A_219 = arith.index_cast %add3A_218 : i32 to index
          %get3A_220 = tpu.vector_load %arg7[%get3A_219] {strides = array<i32>} : memref<10240xi32, #tpu.memory_space<vmem>>, vector<16xi32>,
          %get3A_221 = vector.shape_cast %get3A_220 : vector<16xi32> to vector<16xi32>
          %shift_right_logical3A_222 = arith.constant 14 : i32
          %shift_right_logical3A_223 = vector.broadcast %shift_right_logical3A_222 : i32 to vector<16xi32>
          %shift_right_logical3A_224 = arith.shrui %get3A_221, %shift_right_logical3A_223 : vector<16xi32>
          %swap3A_225 = arith.constant 48 : index
          %swap3A_226 = tpu.vector_load %arg16[%swap3A_225] {strides = array<i32>} : memref<80xi32, #tpu.memory_space<vmem>>, vector<16xi32>,
          %swap3A_227 = vector.shape_cast %swap3A_226 : vector<16xi32> to vector<16xi32>
          %swap3A_228 = vector.shape_cast %shift_right_logical3A_224 : vector<16xi32> to vector<16xi32>
          tpu.vector_store %arg16[%swap3A_225], %swap3A_228 {strides = array<i32>} : memref<80xi32, #tpu.memory_space<vmem>>, vector<16xi32>,
          %and3A_229 = arith.constant 16383 : i32
          %and3A_230 = vector.broadcast %and3A_229 : i32 to vector<16xi32>
          %and3A_231 = arith.andi %get3A_221, %and3A_230 : vector<16xi32>
          %swap3A_232 = arith.constant 48 : index
          %swap3A_233 = tpu.vector_load %arg13[%swap3A_232] {strides = array<i32>} : memref<80xi32, #tpu.memory_space<vmem>>, vector<16xi32>,
          %swap3A_234 = vector.shape_cast %swap3A_233 : vector<16xi32> to vector<16xi32>
          %swap3A_235 = vector.shape_cast %and3A_231 : vector<16xi32> to vector<16xi32>
          tpu.vector_store %arg13[%swap3A_232], %swap3A_235 {strides = array<i32>} : memref<80xi32, #tpu.memory_space<vmem>>, vector<16xi32>,
          %mul3A_236 = arith.constant 80 : i32
          %mul3A_237 = arith.muli %add3A_147, %mul3A_236 : i32
          %add3A_238 = arith.constant 64 : i32
          %add3A_239 = arith.addi %mul3A_237, %add3A_238 : i32
          %get3A_240 = arith.index_cast %add3A_239 : i32 to index
          %get3A_241 = tpu.vector_load %arg7[%get3A_240] {strides = array<i32>} : memref<10240xi32, #tpu.memory_space<vmem>>, vector<16xi32>,
          %get3A_242 = vector.shape_cast %get3A_241 : vector<16xi32> to vector<16xi32>
          %shift_right_logical3A_243 = arith.constant 14 : i32
          %shift_right_logical3A_244 = vector.broadcast %shift_right_logical3A_243 : i32 to vector<16xi32>
          %shift_right_logical3A_245 = arith.shrui %get3A_242, %shift_right_logical3A_244 : vector<16xi32>
          %swap3A_246 = arith.constant 64 : index
          %swap3A_247 = tpu.vector_load %arg16[%swap3A_246] {strides = array<i32>} : memref<80xi32, #tpu.memory_space<vmem>>, vector<16xi32>,
          %swap3A_248 = vector.shape_cast %swap3A_247 : vector<16xi32> to vector<16xi32>
          %swap3A_249 = vector.shape_cast %shift_right_logical3A_245 : vector<16xi32> to vector<16xi32>
          tpu.vector_store %arg16[%swap3A_246], %swap3A_249 {strides = array<i32>} : memref<80xi32, #tpu.memory_space<vmem>>, vector<16xi32>,
          %and3A_250 = arith.constant 16383 : i32
          %and3A_251 = vector.broadcast %and3A_250 : i32 to vector<16xi32>
          %and3A_252 = arith.andi %get3A_242, %and3A_251 : vector<16xi32>
          %swap3A_253 = arith.constant 64 : index
          %swap3A_254 = tpu.vector_load %arg13[%swap3A_253] {strides = array<i32>} : memref<80xi32, #tpu.memory_space<vmem>>, vector<16xi32>,
          %swap3A_255 = vector.shape_cast %swap3A_254 : vector<16xi32> to vector<16xi32>
          %swap3A_256 = vector.shape_cast %and3A_252 : vector<16xi32> to vector<16xi32>
          tpu.vector_store %arg13[%swap3A_253], %swap3A_256 {strides = array<i32>} : memref<80xi32, #tpu.memory_space<vmem>>, vector<16xi32>,
          %dma_start3A_257 = arith.constant 0 : i32
          %dma_start3A_258 = arith.constant 0 : i32
          %dma_start3A_259 = tpu.memref_slice %arg2[%add3A_5, %dma_start3A_257, %dma_start3A_258] : memref<2x10000x128xf32, #tpu.memory_space<hbm>> -> memref<1x10000x128xf32, #tpu.memory_space<hbm>>
          %dma_start3A_260 = tpu.memref_squeeze %dma_start3A_259 : memref<1x10000x128xf32, #tpu.memory_space<hbm>> -> memref<10000x128xf32, #tpu.memory_space<hbm>>
          %dma_start3A_261 = arith.constant 0 : i32
          %dma_start3A_262 = arith.constant 0 : i32
          %dma_start3A_263 = tpu.memref_slice %dma_start3A_260[%dma_start3A_261, %dma_start3A_262] : memref<10000x128xf32, #tpu.memory_space<hbm>> -> memref<10000x128xf32, #tpu.memory_space<hbm>>
          tpu.enqueue_indirect_dma source(%dma_start3A_263 : memref<10000x128xf32, #tpu.memory_space<hbm>>) target(%arg10 : memref<80x128xf32, #tpu.memory_space<vmem>>) offsets(%arg13 : memref<80xi32, #tpu.memory_space<vmem>>) semaphore(%arg19 : memref<!tpu.dma_semaphore, #tpu.memory_space<semaphore_mem>>)
        } else {
        }
        %dma_wait3A_136 = arith.constant 0 : i32
        %dma_wait3A_137 = arith.constant 0 : i32
        %dma_wait3A_138 = tpu.memref_slice %arg2[%add3A_5, %dma_wait3A_136, %dma_wait3A_137] : memref<2x10000x128xf32, #tpu.memory_space<hbm>> -> memref<1x10000x128xf32, #tpu.memory_space<hbm>>
        %dma_wait3A_139 = tpu.memref_squeeze %dma_wait3A_138 : memref<1x10000x128xf32, #tpu.memory_space<hbm>> -> memref<10000x128xf32, #tpu.memory_space<hbm>>
        %dma_wait3A_140 = arith.constant 0 : i32
        %dma_wait3A_141 = arith.constant 0 : i32
        %dma_wait3A_142 = tpu.memref_slice %dma_wait3A_139[%dma_wait3A_140, %dma_wait3A_141] : memref<10000x128xf32, #tpu.memory_space<hbm>> -> memref<10000x128xf32, #tpu.memory_space<hbm>>
        tpu.wait_indirect_dma semaphore(%arg18 : memref<!tpu.dma_semaphore, #tpu.memory_space<semaphore_mem>>) src(%dma_wait3A_142 : memref<10000x128xf32, #tpu.memory_space<hbm>>) dst(%arg9 : memref<80x128xf32, #tpu.memory_space<vmem>>)
        %dma_start3A_143 = arith.constant 0 : i32
        %dma_start3A_144 = arith.constant 0 : i32
        %dma_start3A_145 = tpu.memref_slice %arg6[%dma_start3A_143, %dma_start3A_144] : memref<10288x128xf32, #tpu.memory_space<vmem_shared>> -> memref<10288x128xf32, #tpu.memory_space<vmem_shared>>
        tpu.enqueue_indirect_dma source(%arg9 : memref<80x128xf32, #tpu.memory_space<vmem>>) target(%dma_start3A_145 : memref<10288x128xf32, #tpu.memory_space<vmem_shared>>) offsets(%arg15 : memref<80xi32, #tpu.memory_space<vmem>>) semaphore(%arg21 : memref<!tpu.dma_semaphore, #tpu.memory_space<semaphore_mem>>) {add = true}
      } else {
      }
      %add3A_122 = arith.constant 2 : i32
      %add3A_123 = arith.addi %mul3A_112, %add3A_122 : i32
      %lt3A_124 = arith.constant 128 : i32
      %lt3A_125 = arith.cmpi slt, %add3A_123, %lt3A_124 : i32
      %convert_element_type3A_126 = arith.extui %lt3A_125 : i1 to i32
      %cond3A_127 = arith.constant 0 : i32
      %cond3A_128 = arith.cmpi ne, %convert_element_type3A_126, %cond3A_127 : i32
      scf.if %cond3A_128 {
        %add3A_129 = arith.constant 1 : i32
        %add3A_130 = arith.addi %add3A_123, %add3A_129 : i32
        %lt3A_131 = arith.constant 128 : i32
        %lt3A_132 = arith.cmpi slt, %add3A_130, %lt3A_131 : i32
        %convert_element_type3A_133 = arith.extui %lt3A_132 : i1 to i32
        %cond3A_134 = arith.constant 0 : i32
        %cond3A_135 = arith.cmpi ne, %convert_element_type3A_133, %cond3A_134 : i32
        scf.if %cond3A_135 {
          %add3A_146 = arith.constant 1 : i32
          %add3A_147 = arith.addi %add3A_123, %add3A_146 : i32
          %ge3A = arith.constant 3 : i32
          %ge3A_148 = arith.cmpi sge, %add3A_147, %ge3A : i32
          %convert_element_type3A_149 = arith.extui %ge3A_148 : i1 to i32
          %cond3A_150 = arith.constant 0 : i32
          %cond3A_151 = arith.cmpi ne, %convert_element_type3A_149, %cond3A_150 : i32
          scf.if %cond3A_151 {
            %dma_wait3A_264 = arith.constant 0 : i32
            %dma_wait3A_265 = arith.constant 0 : i32
            %dma_wait3A_266 = tpu.memref_slice %arg6[%dma_wait3A_264, %dma_wait3A_265] : memref<10288x128xf32, #tpu.memory_space<vmem_shared>> -> memref<10288x128xf32, #tpu.memory_space<vmem_shared>>
            tpu.wait_indirect_dma semaphore(%arg20 : memref<!tpu.dma_semaphore, #tpu.memory_space<semaphore_mem>>) src(%arg8 : memref<80x128xf32, #tpu.memory_space<vmem>>) dst(%dma_wait3A_266 : memref<10288x128xf32, #tpu.memory_space<vmem_shared>>)
          } else {
          }
          %mul3A_152 = arith.constant 80 : i32
          %mul3A_153 = arith.muli %add3A_147, %mul3A_152 : i32
          %add3A_154 = arith.constant 0 : i32
          %add3A_155 = arith.addi %mul3A_153, %add3A_154 : i32
          %get3A_156 = arith.index_cast %add3A_155 : i32 to index
          %get3A_157 = tpu.vector_load %arg7[%get3A_156] {strides = array<i32>} : memref<10240xi32, #tpu.memory_space<vmem>>, vector<16xi32>,
          %get3A_158 = vector.shape_cast %get3A_157 : vector<16xi32> to vector<16xi32>
          %shift_right_logical3A_159 = arith.constant 14 : i32
          %shift_right_logical3A_160 = vector.broadcast %shift_right_logical3A_159 : i32 to vector<16xi32>
          %shift_right_logical3A_161 = arith.shrui %get3A_158, %shift_right_logical3A_160 : vector<16xi32>
          %swap3A_162 = arith.constant 0 : index
          %swap3A_163 = tpu.vector_load %arg14[%swap3A_162] {strides = array<i32>} : memref<80xi32, #tpu.memory_space<vmem>>, vector<16xi32>,
          %swap3A_164 = vector.shape_cast %swap3A_163 : vector<16xi32> to vector<16xi32>
          %swap3A_165 = vector.shape_cast %shift_right_logical3A_161 : vector<16xi32> to vector<16xi32>
          tpu.vector_store %arg14[%swap3A_162], %swap3A_165 {strides = array<i32>} : memref<80xi32, #tpu.memory_space<vmem>>, vector<16xi32>,
          %and3A_166 = arith.constant 16383 : i32
          %and3A_167 = vector.broadcast %and3A_166 : i32 to vector<16xi32>
          %and3A_168 = arith.andi %get3A_158, %and3A_167 : vector<16xi32>
          %swap3A_169 = arith.constant 0 : index
          %swap3A_170 = tpu.vector_load %arg11[%swap3A_169] {strides = array<i32>} : memref<80xi32, #tpu.memory_space<vmem>>, vector<16xi32>,
          %swap3A_171 = vector.shape_cast %swap3A_170 : vector<16xi32> to vector<16xi32>
          %swap3A_172 = vector.shape_cast %and3A_168 : vector<16xi32> to vector<16xi32>
          tpu.vector_store %arg11[%swap3A_169], %swap3A_172 {strides = array<i32>} : memref<80xi32, #tpu.memory_space<vmem>>, vector<16xi32>,
          %mul3A_173 = arith.constant 80 : i32
          %mul3A_174 = arith.muli %add3A_147, %mul3A_173 : i32
          %add3A_175 = arith.constant 16 : i32
          %add3A_176 = arith.addi %mul3A_174, %add3A_175 : i32
          %get3A_177 = arith.index_cast %add3A_176 : i32 to index
          %get3A_178 = tpu.vector_load %arg7[%get3A_177] {strides = array<i32>} : memref<10240xi32, #tpu.memory_space<vmem>>, vector<16xi32>,
          %get3A_179 = vector.shape_cast %get3A_178 : vector<16xi32> to vector<16xi32>
          %shift_right_logical3A_180 = arith.constant 14 : i32
          %shift_right_logical3A_181 = vector.broadcast %shift_right_logical3A_180 : i32 to vector<16xi32>
          %shift_right_logical3A_182 = arith.shrui %get3A_179, %shift_right_logical3A_181 : vector<16xi32>
          %swap3A_183 = arith.constant 16 : index
          %swap3A_184 = tpu.vector_load %arg14[%swap3A_183] {strides = array<i32>} : memref<80xi32, #tpu.memory_space<vmem>>, vector<16xi32>,
          %swap3A_185 = vector.shape_cast %swap3A_184 : vector<16xi32> to vector<16xi32>
          %swap3A_186 = vector.shape_cast %shift_right_logical3A_182 : vector<16xi32> to vector<16xi32>
          tpu.vector_store %arg14[%swap3A_183], %swap3A_186 {strides = array<i32>} : memref<80xi32, #tpu.memory_space<vmem>>, vector<16xi32>,
          %and3A_187 = arith.constant 16383 : i32
          %and3A_188 = vector.broadcast %and3A_187 : i32 to vector<16xi32>
          %and3A_189 = arith.andi %get3A_179, %and3A_188 : vector<16xi32>
          %swap3A_190 = arith.constant 16 : index
          %swap3A_191 = tpu.vector_load %arg11[%swap3A_190] {strides = array<i32>} : memref<80xi32, #tpu.memory_space<vmem>>, vector<16xi32>,
          %swap3A_192 = vector.shape_cast %swap3A_191 : vector<16xi32> to vector<16xi32>
          %swap3A_193 = vector.shape_cast %and3A_189 : vector<16xi32> to vector<16xi32>
          tpu.vector_store %arg11[%swap3A_190], %swap3A_193 {strides = array<i32>} : memref<80xi32, #tpu.memory_space<vmem>>, vector<16xi32>,
          %mul3A_194 = arith.constant 80 : i32
          %mul3A_195 = arith.muli %add3A_147, %mul3A_194 : i32
          %add3A_196 = arith.constant 32 : i32
          %add3A_197 = arith.addi %mul3A_195, %add3A_196 : i32
          %get3A_198 = arith.index_cast %add3A_197 : i32 to index
          %get3A_199 = tpu.vector_load %arg7[%get3A_198] {strides = array<i32>} : memref<10240xi32, #tpu.memory_space<vmem>>, vector<16xi32>,
          %get3A_200 = vector.shape_cast %get3A_199 : vector<16xi32> to vector<16xi32>
          %shift_right_logical3A_201 = arith.constant 14 : i32
          %shift_right_logical3A_202 = vector.broadcast %shift_right_logical3A_201 : i32 to vector<16xi32>
          %shift_right_logical3A_203 = arith.shrui %get3A_200, %shift_right_logical3A_202 : vector<16xi32>
          %swap3A_204 = arith.constant 32 : index
          %swap3A_205 = tpu.vector_load %arg14[%swap3A_204] {strides = array<i32>} : memref<80xi32, #tpu.memory_space<vmem>>, vector<16xi32>,
          %swap3A_206 = vector.shape_cast %swap3A_205 : vector<16xi32> to vector<16xi32>
          %swap3A_207 = vector.shape_cast %shift_right_logical3A_203 : vector<16xi32> to vector<16xi32>
          tpu.vector_store %arg14[%swap3A_204], %swap3A_207 {strides = array<i32>} : memref<80xi32, #tpu.memory_space<vmem>>, vector<16xi32>,
          %and3A_208 = arith.constant 16383 : i32
          %and3A_209 = vector.broadcast %and3A_208 : i32 to vector<16xi32>
          %and3A_210 = arith.andi %get3A_200, %and3A_209 : vector<16xi32>
          %swap3A_211 = arith.constant 32 : index
          %swap3A_212 = tpu.vector_load %arg11[%swap3A_211] {strides = array<i32>} : memref<80xi32, #tpu.memory_space<vmem>>, vector<16xi32>,
          %swap3A_213 = vector.shape_cast %swap3A_212 : vector<16xi32> to vector<16xi32>
          %swap3A_214 = vector.shape_cast %and3A_210 : vector<16xi32> to vector<16xi32>
          tpu.vector_store %arg11[%swap3A_211], %swap3A_214 {strides = array<i32>} : memref<80xi32, #tpu.memory_space<vmem>>, vector<16xi32>,
          %mul3A_215 = arith.constant 80 : i32
          %mul3A_216 = arith.muli %add3A_147, %mul3A_215 : i32
          %add3A_217 = arith.constant 48 : i32
          %add3A_218 = arith.addi %mul3A_216, %add3A_217 : i32
          %get3A_219 = arith.index_cast %add3A_218 : i32 to index
          %get3A_220 = tpu.vector_load %arg7[%get3A_219] {strides = array<i32>} : memref<10240xi32, #tpu.memory_space<vmem>>, vector<16xi32>,
          %get3A_221 = vector.shape_cast %get3A_220 : vector<16xi32> to vector<16xi32>
          %shift_right_logical3A_222 = arith.constant 14 : i32
          %shift_right_logical3A_223 = vector.broadcast %shift_right_logical3A_222 : i32 to vector<16xi32>
          %shift_right_logical3A_224 = arith.shrui %get3A_221, %shift_right_logical3A_223 : vector<16xi32>
          %swap3A_225 = arith.constant 48 : index
          %swap3A_226 = tpu.vector_load %arg14[%swap3A_225] {strides = array<i32>} : memref<80xi32, #tpu.memory_space<vmem>>, vector<16xi32>,
          %swap3A_227 = vector.shape_cast %swap3A_226 : vector<16xi32> to vector<16xi32>
          %swap3A_228 = vector.shape_cast %shift_right_logical3A_224 : vector<16xi32> to vector<16xi32>
          tpu.vector_store %arg14[%swap3A_225], %swap3A_228 {strides = array<i32>} : memref<80xi32, #tpu.memory_space<vmem>>, vector<16xi32>,
          %and3A_229 = arith.constant 16383 : i32
          %and3A_230 = vector.broadcast %and3A_229 : i32 to vector<16xi32>
          %and3A_231 = arith.andi %get3A_221, %and3A_230 : vector<16xi32>
          %swap3A_232 = arith.constant 48 : index
          %swap3A_233 = tpu.vector_load %arg11[%swap3A_232] {strides = array<i32>} : memref<80xi32, #tpu.memory_space<vmem>>, vector<16xi32>,
          %swap3A_234 = vector.shape_cast %swap3A_233 : vector<16xi32> to vector<16xi32>
          %swap3A_235 = vector.shape_cast %and3A_231 : vector<16xi32> to vector<16xi32>
          tpu.vector_store %arg11[%swap3A_232], %swap3A_235 {strides = array<i32>} : memref<80xi32, #tpu.memory_space<vmem>>, vector<16xi32>,
          %mul3A_236 = arith.constant 80 : i32
          %mul3A_237 = arith.muli %add3A_147, %mul3A_236 : i32
          %add3A_238 = arith.constant 64 : i32
          %add3A_239 = arith.addi %mul3A_237, %add3A_238 : i32
          %get3A_240 = arith.index_cast %add3A_239 : i32 to index
          %get3A_241 = tpu.vector_load %arg7[%get3A_240] {strides = array<i32>} : memref<10240xi32, #tpu.memory_space<vmem>>, vector<16xi32>,
          %get3A_242 = vector.shape_cast %get3A_241 : vector<16xi32> to vector<16xi32>
          %shift_right_logical3A_243 = arith.constant 14 : i32
          %shift_right_logical3A_244 = vector.broadcast %shift_right_logical3A_243 : i32 to vector<16xi32>
          %shift_right_logical3A_245 = arith.shrui %get3A_242, %shift_right_logical3A_244 : vector<16xi32>
          %swap3A_246 = arith.constant 64 : index
          %swap3A_247 = tpu.vector_load %arg14[%swap3A_246] {strides = array<i32>} : memref<80xi32, #tpu.memory_space<vmem>>, vector<16xi32>,
          %swap3A_248 = vector.shape_cast %swap3A_247 : vector<16xi32> to vector<16xi32>
          %swap3A_249 = vector.shape_cast %shift_right_logical3A_245 : vector<16xi32> to vector<16xi32>
          tpu.vector_store %arg14[%swap3A_246], %swap3A_249 {strides = array<i32>} : memref<80xi32, #tpu.memory_space<vmem>>, vector<16xi32>,
          %and3A_250 = arith.constant 16383 : i32
          %and3A_251 = vector.broadcast %and3A_250 : i32 to vector<16xi32>
          %and3A_252 = arith.andi %get3A_242, %and3A_251 : vector<16xi32>
          %swap3A_253 = arith.constant 64 : index
          %swap3A_254 = tpu.vector_load %arg11[%swap3A_253] {strides = array<i32>} : memref<80xi32, #tpu.memory_space<vmem>>, vector<16xi32>,
          %swap3A_255 = vector.shape_cast %swap3A_254 : vector<16xi32> to vector<16xi32>
          %swap3A_256 = vector.shape_cast %and3A_252 : vector<16xi32> to vector<16xi32>
          tpu.vector_store %arg11[%swap3A_253], %swap3A_256 {strides = array<i32>} : memref<80xi32, #tpu.memory_space<vmem>>, vector<16xi32>,
          %dma_start3A_257 = arith.constant 0 : i32
          %dma_start3A_258 = arith.constant 0 : i32
          %dma_start3A_259 = tpu.memref_slice %arg2[%add3A_5, %dma_start3A_257, %dma_start3A_258] : memref<2x10000x128xf32, #tpu.memory_space<hbm>> -> memref<1x10000x128xf32, #tpu.memory_space<hbm>>
          %dma_start3A_260 = tpu.memref_squeeze %dma_start3A_259 : memref<1x10000x128xf32, #tpu.memory_space<hbm>> -> memref<10000x128xf32, #tpu.memory_space<hbm>>
          %dma_start3A_261 = arith.constant 0 : i32
          %dma_start3A_262 = arith.constant 0 : i32
          %dma_start3A_263 = tpu.memref_slice %dma_start3A_260[%dma_start3A_261, %dma_start3A_262] : memref<10000x128xf32, #tpu.memory_space<hbm>> -> memref<10000x128xf32, #tpu.memory_space<hbm>>
          tpu.enqueue_indirect_dma source(%dma_start3A_263 : memref<10000x128xf32, #tpu.memory_space<hbm>>) target(%arg8 : memref<80x128xf32, #tpu.memory_space<vmem>>) offsets(%arg11 : memref<80xi32, #tpu.memory_space<vmem>>) semaphore(%arg17 : memref<!tpu.dma_semaphore, #tpu.memory_space<semaphore_mem>>)
        } else {
        }
        %dma_wait3A_136 = arith.constant 0 : i32
        %dma_wait3A_137 = arith.constant 0 : i32
        %dma_wait3A_138 = tpu.memref_slice %arg2[%add3A_5, %dma_wait3A_136, %dma_wait3A_137] : memref<2x10000x128xf32, #tpu.memory_space<hbm>> -> memref<1x10000x128xf32, #tpu.memory_space<hbm>>
        %dma_wait3A_139 = tpu.memref_squeeze %dma_wait3A_138 : memref<1x10000x128xf32, #tpu.memory_space<hbm>> -> memref<10000x128xf32, #tpu.memory_space<hbm>>
        %dma_wait3A_140 = arith.constant 0 : i32
        %dma_wait3A_141 = arith.constant 0 : i32
        %dma_wait3A_142 = tpu.memref_slice %dma_wait3A_139[%dma_wait3A_140, %dma_wait3A_141] : memref<10000x128xf32, #tpu.memory_space<hbm>> -> memref<10000x128xf32, #tpu.memory_space<hbm>>
        tpu.wait_indirect_dma semaphore(%arg19 : memref<!tpu.dma_semaphore, #tpu.memory_space<semaphore_mem>>) src(%dma_wait3A_142 : memref<10000x128xf32, #tpu.memory_space<hbm>>) dst(%arg10 : memref<80x128xf32, #tpu.memory_space<vmem>>)
        %dma_start3A_143 = arith.constant 0 : i32
        %dma_start3A_144 = arith.constant 0 : i32
        %dma_start3A_145 = tpu.memref_slice %arg6[%dma_start3A_143, %dma_start3A_144] : memref<10288x128xf32, #tpu.memory_space<vmem_shared>> -> memref<10288x128xf32, #tpu.memory_space<vmem_shared>>
        tpu.enqueue_indirect_dma source(%arg10 : memref<80x128xf32, #tpu.memory_space<vmem>>) target(%dma_start3A_145 : memref<10288x128xf32, #tpu.memory_space<vmem_shared>>) offsets(%arg16 : memref<80xi32, #tpu.memory_space<vmem>>) semaphore(%arg22 : memref<!tpu.dma_semaphore, #tpu.memory_space<semaphore_mem>>) {add = true}
      } else {
      }
    }
    %scan3A_97 = arith.constant 43 : i32
    %dma_wait3A = arith.constant 0 : i32
    %dma_wait3A_98 = arith.constant 0 : i32
    %dma_wait3A_99 = tpu.memref_slice %arg6[%dma_wait3A, %dma_wait3A_98] : memref<10288x128xf32, #tpu.memory_space<vmem_shared>> -> memref<10288x128xf32, #tpu.memory_space<vmem_shared>>
    tpu.wait_indirect_dma semaphore(%arg20 : memref<!tpu.dma_semaphore, #tpu.memory_space<semaphore_mem>>) src(%arg8 : memref<80x128xf32, #tpu.memory_space<vmem>>) dst(%dma_wait3A_99 : memref<10288x128xf32, #tpu.memory_space<vmem_shared>>)
    %dma_wait3A_100 = arith.constant 0 : i32
    %dma_wait3A_101 = arith.constant 0 : i32
    %dma_wait3A_102 = tpu.memref_slice %arg6[%dma_wait3A_100, %dma_wait3A_101] : memref<10288x128xf32, #tpu.memory_space<vmem_shared>> -> memref<10288x128xf32, #tpu.memory_space<vmem_shared>>
    tpu.wait_indirect_dma semaphore(%arg21 : memref<!tpu.dma_semaphore, #tpu.memory_space<semaphore_mem>>) src(%arg9 : memref<80x128xf32, #tpu.memory_space<vmem>>) dst(%dma_wait3A_102 : memref<10288x128xf32, #tpu.memory_space<vmem_shared>>)
    %dma_wait3A_103 = arith.constant 0 : i32
    %dma_wait3A_104 = arith.constant 0 : i32
    %dma_wait3A_105 = tpu.memref_slice %arg6[%dma_wait3A_103, %dma_wait3A_104] : memref<10288x128xf32, #tpu.memory_space<vmem_shared>> -> memref<10288x128xf32, #tpu.memory_space<vmem_shared>>
    tpu.wait_indirect_dma semaphore(%arg22 : memref<!tpu.dma_semaphore, #tpu.memory_space<semaphore_mem>>) src(%arg10 : memref<80x128xf32, #tpu.memory_space<vmem>>) dst(%dma_wait3A_105 : memref<10288x128xf32, #tpu.memory_space<vmem_shared>>)
    %barrier3A_106 = arith.constant 0 : index
    tpu.barrier barrier_id(%barrier3A_106)
    %mul3A_107 = arith.constant 128 : i32
    %mul3A_108 = arith.muli %add3A_5, %mul3A_107 : i32
    "tpu.region"() ({
      %run_scoped3A = tpu.sem_alloc : memref<!tpu.dma_semaphore, #tpu.memory_space<semaphore_mem>>
      %dma_start3A_110 = tpu.memref_slice %arg5[%mul3A_2, %mul3A_108] : memref<10240x256xf32, #tpu.memory_space<hbm>> -> memref<640x128xf32, #tpu.memory_space<hbm>>
      %dma_start3A_111 = arith.constant 0 : i32
      %dma_start3A_112 = tpu.memref_slice %arg6[%mul3A_2, %dma_start3A_111] : memref<10288x128xf32, #tpu.memory_space<vmem_shared>> -> memref<640x128xf32, #tpu.memory_space<vmem_shared>>
      tpu.enqueue_dma source(%dma_start3A_112 : memref<640x128xf32, #tpu.memory_space<vmem_shared>>) target(%dma_start3A_110 : memref<640x128xf32, #tpu.memory_space<hbm>>) target_semaphore(%run_scoped3A : memref<!tpu.dma_semaphore, #tpu.memory_space<semaphore_mem>>)
      %dma_wait3A_113 = tpu.memref_slice %arg5[%mul3A_2, %mul3A_108] : memref<10240x256xf32, #tpu.memory_space<hbm>> -> memref<640x128xf32, #tpu.memory_space<hbm>>
      %dma_wait3A_114 = arith.constant 0 : i32
      %dma_wait3A_115 = tpu.memref_slice %arg6[%mul3A_2, %dma_wait3A_114] : memref<10288x128xf32, #tpu.memory_space<vmem_shared>> -> memref<640x128xf32, #tpu.memory_space<vmem_shared>>
      tpu.wait_dma2 semaphore(%run_scoped3A : memref<!tpu.dma_semaphore, #tpu.memory_space<semaphore_mem>>) src(%dma_wait3A_115 : memref<640x128xf32, #tpu.memory_space<vmem_shared>>) dst(%dma_wait3A_113 : memref<640x128xf32, #tpu.memory_space<hbm>>)
      tpu.yield
    }) : () -> ()
    %barrier3A_109 = arith.constant 0 : index
    tpu.barrier barrier_id(%barrier3A_109)
    return
  }
}

#map = affine_map<(d0, d1) -> (0, 0, 0)>
#map1 = affine_map<(d0, d1) -> (0)>
#map2 = affine_map<(d0, d1) -> (0, 0)>
module attributes {stable_mosaic.version = 14 : i64} {
  func.func @body(%arg0: i32, %arg1: i32, %arg2: memref<4x10000x128xf32, #tpu.memory_space<hbm>>, %arg3: memref<163840xi32, #tpu.memory_space<hbm>>, %arg4: memref<640x128xf32, #tpu.memory_space<hbm>>, %arg5: memref<10240x512xf32, #tpu.memory_space<hbm>>, %arg6: memref<10288x128xf32, #tpu.memory_space<vmem_shared>>, %arg7: memref<10240xi32, #tpu.memory_space<vmem>>, %arg8: memref<80x128xf32, #tpu.memory_space<vmem>>, %arg9: memref<80x128xf32, #tpu.memory_space<vmem>>, %arg10: memref<80x128xf32, #tpu.memory_space<vmem>>, %arg11: memref<80xi32, #tpu.memory_space<vmem>>, %arg12: memref<80xi32, #tpu.memory_space<vmem>>, %arg13: memref<80xi32, #tpu.memory_space<vmem>>, %arg14: memref<80xi32, #tpu.memory_space<vmem>>, %arg15: memref<80xi32, #tpu.memory_space<vmem>>, %arg16: memref<80xi32, #tpu.memory_space<vmem>>, %arg17: memref<!tpu.dma_semaphore, #tpu.memory_space<semaphore_mem>>, %arg18: memref<!tpu.dma_semaphore, #tpu.memory_space<semaphore_mem>>, %arg19: memref<!tpu.dma_semaphore, #tpu.memory_space<semaphore_mem>>, %arg20: memref<!tpu.dma_semaphore, #tpu.memory_space<semaphore_mem>>, %arg21: memref<!tpu.dma_semaphore, #tpu.memory_space<semaphore_mem>>, %arg22: memref<!tpu.dma_semaphore, #tpu.memory_space<semaphore_mem>>) attributes {dimension_semantics = [#tpu.dimension_semantics<core_parallel>, #tpu.dimension_semantics<subcore_parallel>], iteration_bounds = array<i64: 2, 16>, scalar_prefetch = 0 : i64, scratch_operands = 17 : i64, tpu.core_type = #tpu.core_type<sc_vector_subcore>, window_params = [{transform_indices = #map}, {transform_indices = #map1}, {transform_indices = #map2}, {transform_indices = #map2}]} {
    %mul3A = arith.constant 10240 : i32
    %mul3A_0 = arith.muli %arg1, %mul3A : i32
    %multiple_of3A = tpu.assume_multiple %mul3A_0, 8 : i32
    "tpu.region"() ({
      %run_scoped3A = tpu.sem_alloc : memref<!tpu.dma_semaphore, #tpu.memory_space<semaphore_mem>>
      %dma_start3A_226 = tpu.memref_slice %arg3[%multiple_of3A] : memref<163840xi32, #tpu.memory_space<hbm>> -> memref<10240xi32, #tpu.memory_space<hbm>>
      %dma_start3A_227 = tpu.memref_slice %arg3[%multiple_of3A] : memref<163840xi32, #tpu.memory_space<hbm>> -> memref<10240xi32, #tpu.memory_space<hbm>>
      tpu.enqueue_dma source(%dma_start3A_227 : memref<10240xi32, #tpu.memory_space<hbm>>) target(%arg7 : memref<10240xi32, #tpu.memory_space<vmem>>) target_semaphore(%run_scoped3A : memref<!tpu.dma_semaphore, #tpu.memory_space<semaphore_mem>>)
      %dma_wait3A_228 = tpu.memref_slice %arg3[%multiple_of3A] : memref<163840xi32, #tpu.memory_space<hbm>> -> memref<10240xi32, #tpu.memory_space<hbm>>
      %dma_wait3A_229 = tpu.memref_slice %arg3[%multiple_of3A] : memref<163840xi32, #tpu.memory_space<hbm>> -> memref<10240xi32, #tpu.memory_space<hbm>>
      tpu.wait_dma2 semaphore(%run_scoped3A : memref<!tpu.dma_semaphore, #tpu.memory_space<semaphore_mem>>) src(%dma_wait3A_229 : memref<10240xi32, #tpu.memory_space<hbm>>) dst(%arg7 : memref<10240xi32, #tpu.memory_space<vmem>>)
      tpu.yield
    }) : () -> ()
    %mul3A_1 = arith.constant 640 : i32
    %mul3A_2 = arith.muli %arg1, %mul3A_1 : i32
    %mul3A_3 = arith.constant 2 : i32
    %mul3A_4 = arith.muli %arg0, %mul3A_3 : i32
    %add3A = arith.constant 0 : i32
    %add3A_5 = arith.addi %mul3A_4, %add3A : i32
    "tpu.region"() ({
      %run_scoped3A = tpu.sem_alloc : memref<!tpu.dma_semaphore, #tpu.memory_space<semaphore_mem>>
      %dma_start3A_226 = arith.constant 0 : i32
      %dma_start3A_227 = tpu.memref_slice %arg6[%mul3A_2, %dma_start3A_226] : memref<10288x128xf32, #tpu.memory_space<vmem_shared>> -> memref<640x128xf32, #tpu.memory_space<vmem_shared>>
      tpu.enqueue_dma source(%arg4 : memref<640x128xf32, #tpu.memory_space<hbm>>) target(%dma_start3A_227 : memref<640x128xf32, #tpu.memory_space<vmem_shared>>) target_semaphore(%run_scoped3A : memref<!tpu.dma_semaphore, #tpu.memory_space<semaphore_mem>>)
      %dma_wait3A_228 = arith.constant 0 : i32
      %dma_wait3A_229 = tpu.memref_slice %arg6[%mul3A_2, %dma_wait3A_228] : memref<10288x128xf32, #tpu.memory_space<vmem_shared>> -> memref<640x128xf32, #tpu.memory_space<vmem_shared>>
      tpu.wait_dma2 semaphore(%run_scoped3A : memref<!tpu.dma_semaphore, #tpu.memory_space<semaphore_mem>>) src(%arg4 : memref<640x128xf32, #tpu.memory_space<hbm>>) dst(%dma_wait3A_229 : memref<640x128xf32, #tpu.memory_space<vmem_shared>>)
      tpu.yield
    }) : () -> ()
    %barrier3A = arith.constant 0 : index
    tpu.barrier barrier_id(%barrier3A)
    %get3A = arith.constant 0 : index
    %get3A_6 = tpu.vector_load %arg7[%get3A] {strides = array<i32>} : memref<10240xi32, #tpu.memory_space<vmem>>, vector<16xi32>,
    %get3A_7 = vector.shape_cast %get3A_6 : vector<16xi32> to vector<16xi32>
    %shift_right_logical3A = arith.constant 14 : i32
    %shift_right_logical3A_8 = vector.broadcast %shift_right_logical3A : i32 to vector<16xi32>
    %shift_right_logical3A_9 = arith.shrui %get3A_7, %shift_right_logical3A_8 : vector<16xi32>
    %swap3A = arith.constant 0 : index
    %swap3A_10 = tpu.vector_load %arg14[%swap3A] {strides = array<i32>} : memref<80xi32, #tpu.memory_space<vmem>>, vector<16xi32>,
    %swap3A_11 = vector.shape_cast %swap3A_10 : vector<16xi32> to vector<16xi32>
    %swap3A_12 = vector.shape_cast %shift_right_logical3A_9 : vector<16xi32> to vector<16xi32>
    tpu.vector_store %arg14[%swap3A], %swap3A_12 {strides = array<i32>} : memref<80xi32, #tpu.memory_space<vmem>>, vector<16xi32>,
    %and3A = arith.constant 16383 : i32
    %and3A_13 = vector.broadcast %and3A : i32 to vector<16xi32>
    %and3A_14 = arith.andi %get3A_7, %and3A_13 : vector<16xi32>
    %swap3A_15 = arith.constant 0 : index
    %swap3A_16 = tpu.vector_load %arg11[%swap3A_15] {strides = array<i32>} : memref<80xi32, #tpu.memory_space<vmem>>, vector<16xi32>,
    %swap3A_17 = vector.shape_cast %swap3A_16 : vector<16xi32> to vector<16xi32>
    %swap3A_18 = vector.shape_cast %and3A_14 : vector<16xi32> to vector<16xi32>
    tpu.vector_store %arg11[%swap3A_15], %swap3A_18 {strides = array<i32>} : memref<80xi32, #tpu.memory_space<vmem>>, vector<16xi32>,
    %get3A_19 = arith.constant 16 : index
    %get3A_20 = tpu.vector_load %arg7[%get3A_19] {strides = array<i32>} : memref<10240xi32, #tpu.memory_space<vmem>>, vector<16xi32>,
    %get3A_21 = vector.shape_cast %get3A_20 : vector<16xi32> to vector<16xi32>
    %shift_right_logical3A_22 = arith.constant 14 : i32
    %shift_right_logical3A_23 = vector.broadcast %shift_right_logical3A_22 : i32 to vector<16xi32>
    %shift_right_logical3A_24 = arith.shrui %get3A_21, %shift_right_logical3A_23 : vector<16xi32>
    %swap3A_25 = arith.constant 16 : index
    %swap3A_26 = tpu.vector_load %arg14[%swap3A_25] {strides = array<i32>} : memref<80xi32, #tpu.memory_space<vmem>>, vector<16xi32>,
    %swap3A_27 = vector.shape_cast %swap3A_26 : vector<16xi32> to vector<16xi32>
    %swap3A_28 = vector.shape_cast %shift_right_logical3A_24 : vector<16xi32> to vector<16xi32>
    tpu.vector_store %arg14[%swap3A_25], %swap3A_28 {strides = array<i32>} : memref<80xi32, #tpu.memory_space<vmem>>, vector<16xi32>,
    %and3A_29 = arith.constant 16383 : i32
    %and3A_30 = vector.broadcast %and3A_29 : i32 to vector<16xi32>
    %and3A_31 = arith.andi %get3A_21, %and3A_30 : vector<16xi32>
    %swap3A_32 = arith.constant 16 : index
    %swap3A_33 = tpu.vector_load %arg11[%swap3A_32] {strides = array<i32>} : memref<80xi32, #tpu.memory_space<vmem>>, vector<16xi32>,
    %swap3A_34 = vector.shape_cast %swap3A_33 : vector<16xi32> to vector<16xi32>
    %swap3A_35 = vector.shape_cast %and3A_31 : vector<16xi32> to vector<16xi32>
    tpu.vector_store %arg11[%swap3A_32], %swap3A_35 {strides = array<i32>} : memref<80xi32, #tpu.memory_space<vmem>>, vector<16xi32>,
    %get3A_36 = arith.constant 32 : index
    %get3A_37 = tpu.vector_load %arg7[%get3A_36] {strides = array<i32>} : memref<10240xi32, #tpu.memory_space<vmem>>, vector<16xi32>,
    %get3A_38 = vector.shape_cast %get3A_37 : vector<16xi32> to vector<16xi32>
    %shift_right_logical3A_39 = arith.constant 14 : i32
    %shift_right_logical3A_40 = vector.broadcast %shift_right_logical3A_39 : i32 to vector<16xi32>
    %shift_right_logical3A_41 = arith.shrui %get3A_38, %shift_right_logical3A_40 : vector<16xi32>
    %swap3A_42 = arith.constant 32 : index
    %swap3A_43 = tpu.vector_load %arg14[%swap3A_42] {strides = array<i32>} : memref<80xi32, #tpu.memory_space<vmem>>, vector<16xi32>,
    %swap3A_44 = vector.shape_cast %swap3A_43 : vector<16xi32> to vector<16xi32>
    %swap3A_45 = vector.shape_cast %shift_right_logical3A_41 : vector<16xi32> to vector<16xi32>
    tpu.vector_store %arg14[%swap3A_42], %swap3A_45 {strides = array<i32>} : memref<80xi32, #tpu.memory_space<vmem>>, vector<16xi32>,
    %and3A_46 = arith.constant 16383 : i32
    %and3A_47 = vector.broadcast %and3A_46 : i32 to vector<16xi32>
    %and3A_48 = arith.andi %get3A_38, %and3A_47 : vector<16xi32>
    %swap3A_49 = arith.constant 32 : index
    %swap3A_50 = tpu.vector_load %arg11[%swap3A_49] {strides = array<i32>} : memref<80xi32, #tpu.memory_space<vmem>>, vector<16xi32>,
    %swap3A_51 = vector.shape_cast %swap3A_50 : vector<16xi32> to vector<16xi32>
    %swap3A_52 = vector.shape_cast %and3A_48 : vector<16xi32> to vector<16xi32>
    tpu.vector_store %arg11[%swap3A_49], %swap3A_52 {strides = array<i32>} : memref<80xi32, #tpu.memory_space<vmem>>, vector<16xi32>,
    %get3A_53 = arith.constant 48 : index
    %get3A_54 = tpu.vector_load %arg7[%get3A_53] {strides = array<i32>} : memref<10240xi32, #tpu.memory_space<vmem>>, vector<16xi32>,
    %get3A_55 = vector.shape_cast %get3A_54 : vector<16xi32> to vector<16xi32>
    %shift_right_logical3A_56 = arith.constant 14 : i32
    %shift_right_logical3A_57 = vector.broadcast %shift_right_logical3A_56 : i32 to vector<16xi32>
    %shift_right_logical3A_58 = arith.shrui %get3A_55, %shift_right_logical3A_57 : vector<16xi32>
    %swap3A_59 = arith.constant 48 : index
    %swap3A_60 = tpu.vector_load %arg14[%swap3A_59] {strides = array<i32>} : memref<80xi32, #tpu.memory_space<vmem>>, vector<16xi32>,
    %swap3A_61 = vector.shape_cast %swap3A_60 : vector<16xi32> to vector<16xi32>
    %swap3A_62 = vector.shape_cast %shift_right_logical3A_58 : vector<16xi32> to vector<16xi32>
    tpu.vector_store %arg14[%swap3A_59], %swap3A_62 {strides = array<i32>} : memref<80xi32, #tpu.memory_space<vmem>>, vector<16xi32>,
    %and3A_63 = arith.constant 16383 : i32
    %and3A_64 = vector.broadcast %and3A_63 : i32 to vector<16xi32>
    %and3A_65 = arith.andi %get3A_55, %and3A_64 : vector<16xi32>
    %swap3A_66 = arith.constant 48 : index
    %swap3A_67 = tpu.vector_load %arg11[%swap3A_66] {strides = array<i32>} : memref<80xi32, #tpu.memory_space<vmem>>, vector<16xi32>,
    %swap3A_68 = vector.shape_cast %swap3A_67 : vector<16xi32> to vector<16xi32>
    %swap3A_69 = vector.shape_cast %and3A_65 : vector<16xi32> to vector<16xi32>
    tpu.vector_store %arg11[%swap3A_66], %swap3A_69 {strides = array<i32>} : memref<80xi32, #tpu.memory_space<vmem>>, vector<16xi32>,
    %get3A_70 = arith.constant 64 : index
    %get3A_71 = tpu.vector_load %arg7[%get3A_70] {strides = array<i32>} : memref<10240xi32, #tpu.memory_space<vmem>>, vector<16xi32>,
    %get3A_72 = vector.shape_cast %get3A_71 : vector<16xi32> to vector<16xi32>
    %shift_right_logical3A_73 = arith.constant 14 : i32
    %shift_right_logical3A_74 = vector.broadcast %shift_right_logical3A_73 : i32 to vector<16xi32>
    %shift_right_logical3A_75 = arith.shrui %get3A_72, %shift_right_logical3A_74 : vector<16xi32>
    %swap3A_76 = arith.constant 64 : index
    %swap3A_77 = tpu.vector_load %arg14[%swap3A_76] {strides = array<i32>} : memref<80xi32, #tpu.memory_space<vmem>>, vector<16xi32>,
    %swap3A_78 = vector.shape_cast %swap3A_77 : vector<16xi32> to vector<16xi32>
    %swap3A_79 = vector.shape_cast %shift_right_logical3A_75 : vector<16xi32> to vector<16xi32>
    tpu.vector_store %arg14[%swap3A_76], %swap3A_79 {strides = array<i32>} : memref<80xi32, #tpu.memory_space<vmem>>, vector<16xi32>,
    %and3A_80 = arith.constant 16383 : i32
    %and3A_81 = vector.broadcast %and3A_80 : i32 to vector<16xi32>
    %and3A_82 = arith.andi %get3A_72, %and3A_81 : vector<16xi32>
    %swap3A_83 = arith.constant 64 : index
    %swap3A_84 = tpu.vector_load %arg11[%swap3A_83] {strides = array<i32>} : memref<80xi32, #tpu.memory_space<vmem>>, vector<16xi32>,
    %swap3A_85 = vector.shape_cast %swap3A_84 : vector<16xi32> to vector<16xi32>
    %swap3A_86 = vector.shape_cast %and3A_82 : vector<16xi32> to vector<16xi32>
    tpu.vector_store %arg11[%swap3A_83], %swap3A_86 {strides = array<i32>} : memref<80xi32, #tpu.memory_space<vmem>>, vector<16xi32>,
    %dma_start3A = arith.constant 0 : i32
    %dma_start3A_87 = arith.constant 0 : i32
    %dma_start3A_88 = tpu.memref_slice %arg2[%add3A_5, %dma_start3A, %dma_start3A_87] : memref<4x10000x128xf32, #tpu.memory_space<hbm>> -> memref<1x10000x128xf32, #tpu.memory_space<hbm>>
    %dma_start3A_89 = tpu.memref_squeeze %dma_start3A_88 : memref<1x10000x128xf32, #tpu.memory_space<hbm>> -> memref<10000x128xf32, #tpu.memory_space<hbm>>
    %dma_start3A_90 = arith.constant 0 : i32
    %dma_start3A_91 = arith.constant 0 : i32
    %dma_start3A_92 = tpu.memref_slice %dma_start3A_89[%dma_start3A_90, %dma_start3A_91] : memref<10000x128xf32, #tpu.memory_space<hbm>> -> memref<10000x128xf32, #tpu.memory_space<hbm>>
    tpu.enqueue_indirect_dma source(%dma_start3A_92 : memref<10000x128xf32, #tpu.memory_space<hbm>>) target(%arg8 : memref<80x128xf32, #tpu.memory_space<vmem>>) offsets(%arg11 : memref<80xi32, #tpu.memory_space<vmem>>) semaphore(%arg17 : memref<!tpu.dma_semaphore, #tpu.memory_space<semaphore_mem>>)
    %scan3A = arith.constant 0 : i32
    %scan3A_93 = arith.constant 0 : i32
    %scan3A_94 = arith.constant 43 : i32
    %scan3A_95 = arith.addi %scan3A_93, %scan3A_94 : i32
    %scan3A_96 = arith.constant 1 : i32
    scf.for %scan3A_226 = %scan3A_93 to %scan3A_95 step %scan3A_96  : i32 {
      %mul3A_227 = arith.constant 3 : i32
      %mul3A_228 = arith.muli %mul3A_227, %scan3A_226 : i32
      %lt3A = arith.constant 128 : i32
      %lt3A_229 = arith.cmpi slt, %mul3A_228, %lt3A : i32
      %convert_element_type3A = arith.extui %lt3A_229 : i1 to i32
      %cond3A = arith.constant 0 : i32
      %cond3A_230 = arith.cmpi ne, %convert_element_type3A, %cond3A : i32
      scf.if %cond3A_230 {
        %add3A_245 = arith.constant 1 : i32
        %add3A_246 = arith.addi %mul3A_228, %add3A_245 : i32
        %lt3A_247 = arith.constant 128 : i32
        %lt3A_248 = arith.cmpi slt, %add3A_246, %lt3A_247 : i32
        %convert_element_type3A_249 = arith.extui %lt3A_248 : i1 to i32
        %cond3A_250 = arith.constant 0 : i32
        %cond3A_251 = arith.cmpi ne, %convert_element_type3A_249, %cond3A_250 : i32
        scf.if %cond3A_251 {
          %add3A_262 = arith.constant 1 : i32
          %add3A_263 = arith.addi %mul3A_228, %add3A_262 : i32
          %ge3A = arith.constant 3 : i32
          %ge3A_264 = arith.cmpi sge, %add3A_263, %ge3A : i32
          %convert_element_type3A_265 = arith.extui %ge3A_264 : i1 to i32
          %cond3A_266 = arith.constant 0 : i32
          %cond3A_267 = arith.cmpi ne, %convert_element_type3A_265, %cond3A_266 : i32
          scf.if %cond3A_267 {
            %dma_wait3A_380 = arith.constant 0 : i32
            %dma_wait3A_381 = arith.constant 0 : i32
            %dma_wait3A_382 = tpu.memref_slice %arg6[%dma_wait3A_380, %dma_wait3A_381] : memref<10288x128xf32, #tpu.memory_space<vmem_shared>> -> memref<10288x128xf32, #tpu.memory_space<vmem_shared>>
            tpu.wait_indirect_dma semaphore(%arg21 : memref<!tpu.dma_semaphore, #tpu.memory_space<semaphore_mem>>) src(%arg9 : memref<80x128xf32, #tpu.memory_space<vmem>>) dst(%dma_wait3A_382 : memref<10288x128xf32, #tpu.memory_space<vmem_shared>>)
          } else {
          }
          %mul3A_268 = arith.constant 80 : i32
          %mul3A_269 = arith.muli %add3A_263, %mul3A_268 : i32
          %add3A_270 = arith.constant 0 : i32
          %add3A_271 = arith.addi %mul3A_269, %add3A_270 : i32
          %get3A_272 = arith.index_cast %add3A_271 : i32 to index
          %get3A_273 = tpu.vector_load %arg7[%get3A_272] {strides = array<i32>} : memref<10240xi32, #tpu.memory_space<vmem>>, vector<16xi32>,
          %get3A_274 = vector.shape_cast %get3A_273 : vector<16xi32> to vector<16xi32>
          %shift_right_logical3A_275 = arith.constant 14 : i32
          %shift_right_logical3A_276 = vector.broadcast %shift_right_logical3A_275 : i32 to vector<16xi32>
          %shift_right_logical3A_277 = arith.shrui %get3A_274, %shift_right_logical3A_276 : vector<16xi32>
          %swap3A_278 = arith.constant 0 : index
          %swap3A_279 = tpu.vector_load %arg15[%swap3A_278] {strides = array<i32>} : memref<80xi32, #tpu.memory_space<vmem>>, vector<16xi32>,
          %swap3A_280 = vector.shape_cast %swap3A_279 : vector<16xi32> to vector<16xi32>
          %swap3A_281 = vector.shape_cast %shift_right_logical3A_277 : vector<16xi32> to vector<16xi32>
          tpu.vector_store %arg15[%swap3A_278], %swap3A_281 {strides = array<i32>} : memref<80xi32, #tpu.memory_space<vmem>>, vector<16xi32>,
          %and3A_282 = arith.constant 16383 : i32
          %and3A_283 = vector.broadcast %and3A_282 : i32 to vector<16xi32>
          %and3A_284 = arith.andi %get3A_274, %and3A_283 : vector<16xi32>
          %swap3A_285 = arith.constant 0 : index
          %swap3A_286 = tpu.vector_load %arg12[%swap3A_285] {strides = array<i32>} : memref<80xi32, #tpu.memory_space<vmem>>, vector<16xi32>,
          %swap3A_287 = vector.shape_cast %swap3A_286 : vector<16xi32> to vector<16xi32>
          %swap3A_288 = vector.shape_cast %and3A_284 : vector<16xi32> to vector<16xi32>
          tpu.vector_store %arg12[%swap3A_285], %swap3A_288 {strides = array<i32>} : memref<80xi32, #tpu.memory_space<vmem>>, vector<16xi32>,
          %mul3A_289 = arith.constant 80 : i32
          %mul3A_290 = arith.muli %add3A_263, %mul3A_289 : i32
          %add3A_291 = arith.constant 16 : i32
          %add3A_292 = arith.addi %mul3A_290, %add3A_291 : i32
          %get3A_293 = arith.index_cast %add3A_292 : i32 to index
          %get3A_294 = tpu.vector_load %arg7[%get3A_293] {strides = array<i32>} : memref<10240xi32, #tpu.memory_space<vmem>>, vector<16xi32>,
          %get3A_295 = vector.shape_cast %get3A_294 : vector<16xi32> to vector<16xi32>
          %shift_right_logical3A_296 = arith.constant 14 : i32
          %shift_right_logical3A_297 = vector.broadcast %shift_right_logical3A_296 : i32 to vector<16xi32>
          %shift_right_logical3A_298 = arith.shrui %get3A_295, %shift_right_logical3A_297 : vector<16xi32>
          %swap3A_299 = arith.constant 16 : index
          %swap3A_300 = tpu.vector_load %arg15[%swap3A_299] {strides = array<i32>} : memref<80xi32, #tpu.memory_space<vmem>>, vector<16xi32>,
          %swap3A_301 = vector.shape_cast %swap3A_300 : vector<16xi32> to vector<16xi32>
          %swap3A_302 = vector.shape_cast %shift_right_logical3A_298 : vector<16xi32> to vector<16xi32>
          tpu.vector_store %arg15[%swap3A_299], %swap3A_302 {strides = array<i32>} : memref<80xi32, #tpu.memory_space<vmem>>, vector<16xi32>,
          %and3A_303 = arith.constant 16383 : i32
          %and3A_304 = vector.broadcast %and3A_303 : i32 to vector<16xi32>
          %and3A_305 = arith.andi %get3A_295, %and3A_304 : vector<16xi32>
          %swap3A_306 = arith.constant 16 : index
          %swap3A_307 = tpu.vector_load %arg12[%swap3A_306] {strides = array<i32>} : memref<80xi32, #tpu.memory_space<vmem>>, vector<16xi32>,
          %swap3A_308 = vector.shape_cast %swap3A_307 : vector<16xi32> to vector<16xi32>
          %swap3A_309 = vector.shape_cast %and3A_305 : vector<16xi32> to vector<16xi32>
          tpu.vector_store %arg12[%swap3A_306], %swap3A_309 {strides = array<i32>} : memref<80xi32, #tpu.memory_space<vmem>>, vector<16xi32>,
          %mul3A_310 = arith.constant 80 : i32
          %mul3A_311 = arith.muli %add3A_263, %mul3A_310 : i32
          %add3A_312 = arith.constant 32 : i32
          %add3A_313 = arith.addi %mul3A_311, %add3A_312 : i32
          %get3A_314 = arith.index_cast %add3A_313 : i32 to index
          %get3A_315 = tpu.vector_load %arg7[%get3A_314] {strides = array<i32>} : memref<10240xi32, #tpu.memory_space<vmem>>, vector<16xi32>,
          %get3A_316 = vector.shape_cast %get3A_315 : vector<16xi32> to vector<16xi32>
          %shift_right_logical3A_317 = arith.constant 14 : i32
          %shift_right_logical3A_318 = vector.broadcast %shift_right_logical3A_317 : i32 to vector<16xi32>
          %shift_right_logical3A_319 = arith.shrui %get3A_316, %shift_right_logical3A_318 : vector<16xi32>
          %swap3A_320 = arith.constant 32 : index
          %swap3A_321 = tpu.vector_load %arg15[%swap3A_320] {strides = array<i32>} : memref<80xi32, #tpu.memory_space<vmem>>, vector<16xi32>,
          %swap3A_322 = vector.shape_cast %swap3A_321 : vector<16xi32> to vector<16xi32>
          %swap3A_323 = vector.shape_cast %shift_right_logical3A_319 : vector<16xi32> to vector<16xi32>
          tpu.vector_store %arg15[%swap3A_320], %swap3A_323 {strides = array<i32>} : memref<80xi32, #tpu.memory_space<vmem>>, vector<16xi32>,
          %and3A_324 = arith.constant 16383 : i32
          %and3A_325 = vector.broadcast %and3A_324 : i32 to vector<16xi32>
          %and3A_326 = arith.andi %get3A_316, %and3A_325 : vector<16xi32>
          %swap3A_327 = arith.constant 32 : index
          %swap3A_328 = tpu.vector_load %arg12[%swap3A_327] {strides = array<i32>} : memref<80xi32, #tpu.memory_space<vmem>>, vector<16xi32>,
          %swap3A_329 = vector.shape_cast %swap3A_328 : vector<16xi32> to vector<16xi32>
          %swap3A_330 = vector.shape_cast %and3A_326 : vector<16xi32> to vector<16xi32>
          tpu.vector_store %arg12[%swap3A_327], %swap3A_330 {strides = array<i32>} : memref<80xi32, #tpu.memory_space<vmem>>, vector<16xi32>,
          %mul3A_331 = arith.constant 80 : i32
          %mul3A_332 = arith.muli %add3A_263, %mul3A_331 : i32
          %add3A_333 = arith.constant 48 : i32
          %add3A_334 = arith.addi %mul3A_332, %add3A_333 : i32
          %get3A_335 = arith.index_cast %add3A_334 : i32 to index
          %get3A_336 = tpu.vector_load %arg7[%get3A_335] {strides = array<i32>} : memref<10240xi32, #tpu.memory_space<vmem>>, vector<16xi32>,
          %get3A_337 = vector.shape_cast %get3A_336 : vector<16xi32> to vector<16xi32>
          %shift_right_logical3A_338 = arith.constant 14 : i32
          %shift_right_logical3A_339 = vector.broadcast %shift_right_logical3A_338 : i32 to vector<16xi32>
          %shift_right_logical3A_340 = arith.shrui %get3A_337, %shift_right_logical3A_339 : vector<16xi32>
          %swap3A_341 = arith.constant 48 : index
          %swap3A_342 = tpu.vector_load %arg15[%swap3A_341] {strides = array<i32>} : memref<80xi32, #tpu.memory_space<vmem>>, vector<16xi32>,
          %swap3A_343 = vector.shape_cast %swap3A_342 : vector<16xi32> to vector<16xi32>
          %swap3A_344 = vector.shape_cast %shift_right_logical3A_340 : vector<16xi32> to vector<16xi32>
          tpu.vector_store %arg15[%swap3A_341], %swap3A_344 {strides = array<i32>} : memref<80xi32, #tpu.memory_space<vmem>>, vector<16xi32>,
          %and3A_345 = arith.constant 16383 : i32
          %and3A_346 = vector.broadcast %and3A_345 : i32 to vector<16xi32>
          %and3A_347 = arith.andi %get3A_337, %and3A_346 : vector<16xi32>
          %swap3A_348 = arith.constant 48 : index
          %swap3A_349 = tpu.vector_load %arg12[%swap3A_348] {strides = array<i32>} : memref<80xi32, #tpu.memory_space<vmem>>, vector<16xi32>,
          %swap3A_350 = vector.shape_cast %swap3A_349 : vector<16xi32> to vector<16xi32>
          %swap3A_351 = vector.shape_cast %and3A_347 : vector<16xi32> to vector<16xi32>
          tpu.vector_store %arg12[%swap3A_348], %swap3A_351 {strides = array<i32>} : memref<80xi32, #tpu.memory_space<vmem>>, vector<16xi32>,
          %mul3A_352 = arith.constant 80 : i32
          %mul3A_353 = arith.muli %add3A_263, %mul3A_352 : i32
          %add3A_354 = arith.constant 64 : i32
          %add3A_355 = arith.addi %mul3A_353, %add3A_354 : i32
          %get3A_356 = arith.index_cast %add3A_355 : i32 to index
          %get3A_357 = tpu.vector_load %arg7[%get3A_356] {strides = array<i32>} : memref<10240xi32, #tpu.memory_space<vmem>>, vector<16xi32>,
          %get3A_358 = vector.shape_cast %get3A_357 : vector<16xi32> to vector<16xi32>
          %shift_right_logical3A_359 = arith.constant 14 : i32
          %shift_right_logical3A_360 = vector.broadcast %shift_right_logical3A_359 : i32 to vector<16xi32>
          %shift_right_logical3A_361 = arith.shrui %get3A_358, %shift_right_logical3A_360 : vector<16xi32>
          %swap3A_362 = arith.constant 64 : index
          %swap3A_363 = tpu.vector_load %arg15[%swap3A_362] {strides = array<i32>} : memref<80xi32, #tpu.memory_space<vmem>>, vector<16xi32>,
          %swap3A_364 = vector.shape_cast %swap3A_363 : vector<16xi32> to vector<16xi32>
          %swap3A_365 = vector.shape_cast %shift_right_logical3A_361 : vector<16xi32> to vector<16xi32>
          tpu.vector_store %arg15[%swap3A_362], %swap3A_365 {strides = array<i32>} : memref<80xi32, #tpu.memory_space<vmem>>, vector<16xi32>,
          %and3A_366 = arith.constant 16383 : i32
          %and3A_367 = vector.broadcast %and3A_366 : i32 to vector<16xi32>
          %and3A_368 = arith.andi %get3A_358, %and3A_367 : vector<16xi32>
          %swap3A_369 = arith.constant 64 : index
          %swap3A_370 = tpu.vector_load %arg12[%swap3A_369] {strides = array<i32>} : memref<80xi32, #tpu.memory_space<vmem>>, vector<16xi32>,
          %swap3A_371 = vector.shape_cast %swap3A_370 : vector<16xi32> to vector<16xi32>
          %swap3A_372 = vector.shape_cast %and3A_368 : vector<16xi32> to vector<16xi32>
          tpu.vector_store %arg12[%swap3A_369], %swap3A_372 {strides = array<i32>} : memref<80xi32, #tpu.memory_space<vmem>>, vector<16xi32>,
          %dma_start3A_373 = arith.constant 0 : i32
          %dma_start3A_374 = arith.constant 0 : i32
          %dma_start3A_375 = tpu.memref_slice %arg2[%add3A_5, %dma_start3A_373, %dma_start3A_374] : memref<4x10000x128xf32, #tpu.memory_space<hbm>> -> memref<1x10000x128xf32, #tpu.memory_space<hbm>>
          %dma_start3A_376 = tpu.memref_squeeze %dma_start3A_375 : memref<1x10000x128xf32, #tpu.memory_space<hbm>> -> memref<10000x128xf32, #tpu.memory_space<hbm>>
          %dma_start3A_377 = arith.constant 0 : i32
          %dma_start3A_378 = arith.constant 0 : i32
          %dma_start3A_379 = tpu.memref_slice %dma_start3A_376[%dma_start3A_377, %dma_start3A_378] : memref<10000x128xf32, #tpu.memory_space<hbm>> -> memref<10000x128xf32, #tpu.memory_space<hbm>>
          tpu.enqueue_indirect_dma source(%dma_start3A_379 : memref<10000x128xf32, #tpu.memory_space<hbm>>) target(%arg9 : memref<80x128xf32, #tpu.memory_space<vmem>>) offsets(%arg12 : memref<80xi32, #tpu.memory_space<vmem>>) semaphore(%arg18 : memref<!tpu.dma_semaphore, #tpu.memory_space<semaphore_mem>>)
        } else {
        }
        %dma_wait3A_252 = arith.constant 0 : i32
        %dma_wait3A_253 = arith.constant 0 : i32
        %dma_wait3A_254 = tpu.memref_slice %arg2[%add3A_5, %dma_wait3A_252, %dma_wait3A_253] : memref<4x10000x128xf32, #tpu.memory_space<hbm>> -> memref<1x10000x128xf32, #tpu.memory_space<hbm>>
        %dma_wait3A_255 = tpu.memref_squeeze %dma_wait3A_254 : memref<1x10000x128xf32, #tpu.memory_space<hbm>> -> memref<10000x128xf32, #tpu.memory_space<hbm>>
        %dma_wait3A_256 = arith.constant 0 : i32
        %dma_wait3A_257 = arith.constant 0 : i32
        %dma_wait3A_258 = tpu.memref_slice %dma_wait3A_255[%dma_wait3A_256, %dma_wait3A_257] : memref<10000x128xf32, #tpu.memory_space<hbm>> -> memref<10000x128xf32, #tpu.memory_space<hbm>>
        tpu.wait_indirect_dma semaphore(%arg17 : memref<!tpu.dma_semaphore, #tpu.memory_space<semaphore_mem>>) src(%dma_wait3A_258 : memref<10000x128xf32, #tpu.memory_space<hbm>>) dst(%arg8 : memref<80x128xf32, #tpu.memory_space<vmem>>)
        %dma_start3A_259 = arith.constant 0 : i32
        %dma_start3A_260 = arith.constant 0 : i32
        %dma_start3A_261 = tpu.memref_slice %arg6[%dma_start3A_259, %dma_start3A_260] : memref<10288x128xf32, #tpu.memory_space<vmem_shared>> -> memref<10288x128xf32, #tpu.memory_space<vmem_shared>>
        tpu.enqueue_indirect_dma source(%arg8 : memref<80x128xf32, #tpu.memory_space<vmem>>) target(%dma_start3A_261 : memref<10288x128xf32, #tpu.memory_space<vmem_shared>>) offsets(%arg14 : memref<80xi32, #tpu.memory_space<vmem>>) semaphore(%arg20 : memref<!tpu.dma_semaphore, #tpu.memory_space<semaphore_mem>>) {add = true}
      } else {
      }
      %add3A_231 = arith.constant 1 : i32
      %add3A_232 = arith.addi %mul3A_228, %add3A_231 : i32
      %lt3A_233 = arith.constant 128 : i32
      %lt3A_234 = arith.cmpi slt, %add3A_232, %lt3A_233 : i32
      %convert_element_type3A_235 = arith.extui %lt3A_234 : i1 to i32
      %cond3A_236 = arith.constant 0 : i32
      %cond3A_237 = arith.cmpi ne, %convert_element_type3A_235, %cond3A_236 : i32
      scf.if %cond3A_237 {
        %add3A_245 = arith.constant 1 : i32
        %add3A_246 = arith.addi %add3A_232, %add3A_245 : i32
        %lt3A_247 = arith.constant 128 : i32
        %lt3A_248 = arith.cmpi slt, %add3A_246, %lt3A_247 : i32
        %convert_element_type3A_249 = arith.extui %lt3A_248 : i1 to i32
        %cond3A_250 = arith.constant 0 : i32
        %cond3A_251 = arith.cmpi ne, %convert_element_type3A_249, %cond3A_250 : i32
        scf.if %cond3A_251 {
          %add3A_262 = arith.constant 1 : i32
          %add3A_263 = arith.addi %add3A_232, %add3A_262 : i32
          %ge3A = arith.constant 3 : i32
          %ge3A_264 = arith.cmpi sge, %add3A_263, %ge3A : i32
          %convert_element_type3A_265 = arith.extui %ge3A_264 : i1 to i32
          %cond3A_266 = arith.constant 0 : i32
          %cond3A_267 = arith.cmpi ne, %convert_element_type3A_265, %cond3A_266 : i32
          scf.if %cond3A_267 {
            %dma_wait3A_380 = arith.constant 0 : i32
            %dma_wait3A_381 = arith.constant 0 : i32
            %dma_wait3A_382 = tpu.memref_slice %arg6[%dma_wait3A_380, %dma_wait3A_381] : memref<10288x128xf32, #tpu.memory_space<vmem_shared>> -> memref<10288x128xf32, #tpu.memory_space<vmem_shared>>
            tpu.wait_indirect_dma semaphore(%arg22 : memref<!tpu.dma_semaphore, #tpu.memory_space<semaphore_mem>>) src(%arg10 : memref<80x128xf32, #tpu.memory_space<vmem>>) dst(%dma_wait3A_382 : memref<10288x128xf32, #tpu.memory_space<vmem_shared>>)
          } else {
          }
          %mul3A_268 = arith.constant 80 : i32
          %mul3A_269 = arith.muli %add3A_263, %mul3A_268 : i32
          %add3A_270 = arith.constant 0 : i32
          %add3A_271 = arith.addi %mul3A_269, %add3A_270 : i32
          %get3A_272 = arith.index_cast %add3A_271 : i32 to index
          %get3A_273 = tpu.vector_load %arg7[%get3A_272] {strides = array<i32>} : memref<10240xi32, #tpu.memory_space<vmem>>, vector<16xi32>,
          %get3A_274 = vector.shape_cast %get3A_273 : vector<16xi32> to vector<16xi32>
          %shift_right_logical3A_275 = arith.constant 14 : i32
          %shift_right_logical3A_276 = vector.broadcast %shift_right_logical3A_275 : i32 to vector<16xi32>
          %shift_right_logical3A_277 = arith.shrui %get3A_274, %shift_right_logical3A_276 : vector<16xi32>
          %swap3A_278 = arith.constant 0 : index
          %swap3A_279 = tpu.vector_load %arg16[%swap3A_278] {strides = array<i32>} : memref<80xi32, #tpu.memory_space<vmem>>, vector<16xi32>,
          %swap3A_280 = vector.shape_cast %swap3A_279 : vector<16xi32> to vector<16xi32>
          %swap3A_281 = vector.shape_cast %shift_right_logical3A_277 : vector<16xi32> to vector<16xi32>
          tpu.vector_store %arg16[%swap3A_278], %swap3A_281 {strides = array<i32>} : memref<80xi32, #tpu.memory_space<vmem>>, vector<16xi32>,
          %and3A_282 = arith.constant 16383 : i32
          %and3A_283 = vector.broadcast %and3A_282 : i32 to vector<16xi32>
          %and3A_284 = arith.andi %get3A_274, %and3A_283 : vector<16xi32>
          %swap3A_285 = arith.constant 0 : index
          %swap3A_286 = tpu.vector_load %arg13[%swap3A_285] {strides = array<i32>} : memref<80xi32, #tpu.memory_space<vmem>>, vector<16xi32>,
          %swap3A_287 = vector.shape_cast %swap3A_286 : vector<16xi32> to vector<16xi32>
          %swap3A_288 = vector.shape_cast %and3A_284 : vector<16xi32> to vector<16xi32>
          tpu.vector_store %arg13[%swap3A_285], %swap3A_288 {strides = array<i32>} : memref<80xi32, #tpu.memory_space<vmem>>, vector<16xi32>,
          %mul3A_289 = arith.constant 80 : i32
          %mul3A_290 = arith.muli %add3A_263, %mul3A_289 : i32
          %add3A_291 = arith.constant 16 : i32
          %add3A_292 = arith.addi %mul3A_290, %add3A_291 : i32
          %get3A_293 = arith.index_cast %add3A_292 : i32 to index
          %get3A_294 = tpu.vector_load %arg7[%get3A_293] {strides = array<i32>} : memref<10240xi32, #tpu.memory_space<vmem>>, vector<16xi32>,
          %get3A_295 = vector.shape_cast %get3A_294 : vector<16xi32> to vector<16xi32>
          %shift_right_logical3A_296 = arith.constant 14 : i32
          %shift_right_logical3A_297 = vector.broadcast %shift_right_logical3A_296 : i32 to vector<16xi32>
          %shift_right_logical3A_298 = arith.shrui %get3A_295, %shift_right_logical3A_297 : vector<16xi32>
          %swap3A_299 = arith.constant 16 : index
          %swap3A_300 = tpu.vector_load %arg16[%swap3A_299] {strides = array<i32>} : memref<80xi32, #tpu.memory_space<vmem>>, vector<16xi32>,
          %swap3A_301 = vector.shape_cast %swap3A_300 : vector<16xi32> to vector<16xi32>
          %swap3A_302 = vector.shape_cast %shift_right_logical3A_298 : vector<16xi32> to vector<16xi32>
          tpu.vector_store %arg16[%swap3A_299], %swap3A_302 {strides = array<i32>} : memref<80xi32, #tpu.memory_space<vmem>>, vector<16xi32>,
          %and3A_303 = arith.constant 16383 : i32
          %and3A_304 = vector.broadcast %and3A_303 : i32 to vector<16xi32>
          %and3A_305 = arith.andi %get3A_295, %and3A_304 : vector<16xi32>
          %swap3A_306 = arith.constant 16 : index
          %swap3A_307 = tpu.vector_load %arg13[%swap3A_306] {strides = array<i32>} : memref<80xi32, #tpu.memory_space<vmem>>, vector<16xi32>,
          %swap3A_308 = vector.shape_cast %swap3A_307 : vector<16xi32> to vector<16xi32>
          %swap3A_309 = vector.shape_cast %and3A_305 : vector<16xi32> to vector<16xi32>
          tpu.vector_store %arg13[%swap3A_306], %swap3A_309 {strides = array<i32>} : memref<80xi32, #tpu.memory_space<vmem>>, vector<16xi32>,
          %mul3A_310 = arith.constant 80 : i32
          %mul3A_311 = arith.muli %add3A_263, %mul3A_310 : i32
          %add3A_312 = arith.constant 32 : i32
          %add3A_313 = arith.addi %mul3A_311, %add3A_312 : i32
          %get3A_314 = arith.index_cast %add3A_313 : i32 to index
          %get3A_315 = tpu.vector_load %arg7[%get3A_314] {strides = array<i32>} : memref<10240xi32, #tpu.memory_space<vmem>>, vector<16xi32>,
          %get3A_316 = vector.shape_cast %get3A_315 : vector<16xi32> to vector<16xi32>
          %shift_right_logical3A_317 = arith.constant 14 : i32
          %shift_right_logical3A_318 = vector.broadcast %shift_right_logical3A_317 : i32 to vector<16xi32>
          %shift_right_logical3A_319 = arith.shrui %get3A_316, %shift_right_logical3A_318 : vector<16xi32>
          %swap3A_320 = arith.constant 32 : index
          %swap3A_321 = tpu.vector_load %arg16[%swap3A_320] {strides = array<i32>} : memref<80xi32, #tpu.memory_space<vmem>>, vector<16xi32>,
          %swap3A_322 = vector.shape_cast %swap3A_321 : vector<16xi32> to vector<16xi32>
          %swap3A_323 = vector.shape_cast %shift_right_logical3A_319 : vector<16xi32> to vector<16xi32>
          tpu.vector_store %arg16[%swap3A_320], %swap3A_323 {strides = array<i32>} : memref<80xi32, #tpu.memory_space<vmem>>, vector<16xi32>,
          %and3A_324 = arith.constant 16383 : i32
          %and3A_325 = vector.broadcast %and3A_324 : i32 to vector<16xi32>
          %and3A_326 = arith.andi %get3A_316, %and3A_325 : vector<16xi32>
          %swap3A_327 = arith.constant 32 : index
          %swap3A_328 = tpu.vector_load %arg13[%swap3A_327] {strides = array<i32>} : memref<80xi32, #tpu.memory_space<vmem>>, vector<16xi32>,
          %swap3A_329 = vector.shape_cast %swap3A_328 : vector<16xi32> to vector<16xi32>
          %swap3A_330 = vector.shape_cast %and3A_326 : vector<16xi32> to vector<16xi32>
          tpu.vector_store %arg13[%swap3A_327], %swap3A_330 {strides = array<i32>} : memref<80xi32, #tpu.memory_space<vmem>>, vector<16xi32>,
          %mul3A_331 = arith.constant 80 : i32
          %mul3A_332 = arith.muli %add3A_263, %mul3A_331 : i32
          %add3A_333 = arith.constant 48 : i32
          %add3A_334 = arith.addi %mul3A_332, %add3A_333 : i32
          %get3A_335 = arith.index_cast %add3A_334 : i32 to index
          %get3A_336 = tpu.vector_load %arg7[%get3A_335] {strides = array<i32>} : memref<10240xi32, #tpu.memory_space<vmem>>, vector<16xi32>,
          %get3A_337 = vector.shape_cast %get3A_336 : vector<16xi32> to vector<16xi32>
          %shift_right_logical3A_338 = arith.constant 14 : i32
          %shift_right_logical3A_339 = vector.broadcast %shift_right_logical3A_338 : i32 to vector<16xi32>
          %shift_right_logical3A_340 = arith.shrui %get3A_337, %shift_right_logical3A_339 : vector<16xi32>
          %swap3A_341 = arith.constant 48 : index
          %swap3A_342 = tpu.vector_load %arg16[%swap3A_341] {strides = array<i32>} : memref<80xi32, #tpu.memory_space<vmem>>, vector<16xi32>,
          %swap3A_343 = vector.shape_cast %swap3A_342 : vector<16xi32> to vector<16xi32>
          %swap3A_344 = vector.shape_cast %shift_right_logical3A_340 : vector<16xi32> to vector<16xi32>
          tpu.vector_store %arg16[%swap3A_341], %swap3A_344 {strides = array<i32>} : memref<80xi32, #tpu.memory_space<vmem>>, vector<16xi32>,
          %and3A_345 = arith.constant 16383 : i32
          %and3A_346 = vector.broadcast %and3A_345 : i32 to vector<16xi32>
          %and3A_347 = arith.andi %get3A_337, %and3A_346 : vector<16xi32>
          %swap3A_348 = arith.constant 48 : index
          %swap3A_349 = tpu.vector_load %arg13[%swap3A_348] {strides = array<i32>} : memref<80xi32, #tpu.memory_space<vmem>>, vector<16xi32>,
          %swap3A_350 = vector.shape_cast %swap3A_349 : vector<16xi32> to vector<16xi32>
          %swap3A_351 = vector.shape_cast %and3A_347 : vector<16xi32> to vector<16xi32>
          tpu.vector_store %arg13[%swap3A_348], %swap3A_351 {strides = array<i32>} : memref<80xi32, #tpu.memory_space<vmem>>, vector<16xi32>,
          %mul3A_352 = arith.constant 80 : i32
          %mul3A_353 = arith.muli %add3A_263, %mul3A_352 : i32
          %add3A_354 = arith.constant 64 : i32
          %add3A_355 = arith.addi %mul3A_353, %add3A_354 : i32
          %get3A_356 = arith.index_cast %add3A_355 : i32 to index
          %get3A_357 = tpu.vector_load %arg7[%get3A_356] {strides = array<i32>} : memref<10240xi32, #tpu.memory_space<vmem>>, vector<16xi32>,
          %get3A_358 = vector.shape_cast %get3A_357 : vector<16xi32> to vector<16xi32>
          %shift_right_logical3A_359 = arith.constant 14 : i32
          %shift_right_logical3A_360 = vector.broadcast %shift_right_logical3A_359 : i32 to vector<16xi32>
          %shift_right_logical3A_361 = arith.shrui %get3A_358, %shift_right_logical3A_360 : vector<16xi32>
          %swap3A_362 = arith.constant 64 : index
          %swap3A_363 = tpu.vector_load %arg16[%swap3A_362] {strides = array<i32>} : memref<80xi32, #tpu.memory_space<vmem>>, vector<16xi32>,
          %swap3A_364 = vector.shape_cast %swap3A_363 : vector<16xi32> to vector<16xi32>
          %swap3A_365 = vector.shape_cast %shift_right_logical3A_361 : vector<16xi32> to vector<16xi32>
          tpu.vector_store %arg16[%swap3A_362], %swap3A_365 {strides = array<i32>} : memref<80xi32, #tpu.memory_space<vmem>>, vector<16xi32>,
          %and3A_366 = arith.constant 16383 : i32
          %and3A_367 = vector.broadcast %and3A_366 : i32 to vector<16xi32>
          %and3A_368 = arith.andi %get3A_358, %and3A_367 : vector<16xi32>
          %swap3A_369 = arith.constant 64 : index
          %swap3A_370 = tpu.vector_load %arg13[%swap3A_369] {strides = array<i32>} : memref<80xi32, #tpu.memory_space<vmem>>, vector<16xi32>,
          %swap3A_371 = vector.shape_cast %swap3A_370 : vector<16xi32> to vector<16xi32>
          %swap3A_372 = vector.shape_cast %and3A_368 : vector<16xi32> to vector<16xi32>
          tpu.vector_store %arg13[%swap3A_369], %swap3A_372 {strides = array<i32>} : memref<80xi32, #tpu.memory_space<vmem>>, vector<16xi32>,
          %dma_start3A_373 = arith.constant 0 : i32
          %dma_start3A_374 = arith.constant 0 : i32
          %dma_start3A_375 = tpu.memref_slice %arg2[%add3A_5, %dma_start3A_373, %dma_start3A_374] : memref<4x10000x128xf32, #tpu.memory_space<hbm>> -> memref<1x10000x128xf32, #tpu.memory_space<hbm>>
          %dma_start3A_376 = tpu.memref_squeeze %dma_start3A_375 : memref<1x10000x128xf32, #tpu.memory_space<hbm>> -> memref<10000x128xf32, #tpu.memory_space<hbm>>
          %dma_start3A_377 = arith.constant 0 : i32
          %dma_start3A_378 = arith.constant 0 : i32
          %dma_start3A_379 = tpu.memref_slice %dma_start3A_376[%dma_start3A_377, %dma_start3A_378] : memref<10000x128xf32, #tpu.memory_space<hbm>> -> memref<10000x128xf32, #tpu.memory_space<hbm>>
          tpu.enqueue_indirect_dma source(%dma_start3A_379 : memref<10000x128xf32, #tpu.memory_space<hbm>>) target(%arg10 : memref<80x128xf32, #tpu.memory_space<vmem>>) offsets(%arg13 : memref<80xi32, #tpu.memory_space<vmem>>) semaphore(%arg19 : memref<!tpu.dma_semaphore, #tpu.memory_space<semaphore_mem>>)
        } else {
        }
        %dma_wait3A_252 = arith.constant 0 : i32
        %dma_wait3A_253 = arith.constant 0 : i32
        %dma_wait3A_254 = tpu.memref_slice %arg2[%add3A_5, %dma_wait3A_252, %dma_wait3A_253] : memref<4x10000x128xf32, #tpu.memory_space<hbm>> -> memref<1x10000x128xf32, #tpu.memory_space<hbm>>
        %dma_wait3A_255 = tpu.memref_squeeze %dma_wait3A_254 : memref<1x10000x128xf32, #tpu.memory_space<hbm>> -> memref<10000x128xf32, #tpu.memory_space<hbm>>
        %dma_wait3A_256 = arith.constant 0 : i32
        %dma_wait3A_257 = arith.constant 0 : i32
        %dma_wait3A_258 = tpu.memref_slice %dma_wait3A_255[%dma_wait3A_256, %dma_wait3A_257] : memref<10000x128xf32, #tpu.memory_space<hbm>> -> memref<10000x128xf32, #tpu.memory_space<hbm>>
        tpu.wait_indirect_dma semaphore(%arg18 : memref<!tpu.dma_semaphore, #tpu.memory_space<semaphore_mem>>) src(%dma_wait3A_258 : memref<10000x128xf32, #tpu.memory_space<hbm>>) dst(%arg9 : memref<80x128xf32, #tpu.memory_space<vmem>>)
        %dma_start3A_259 = arith.constant 0 : i32
        %dma_start3A_260 = arith.constant 0 : i32
        %dma_start3A_261 = tpu.memref_slice %arg6[%dma_start3A_259, %dma_start3A_260] : memref<10288x128xf32, #tpu.memory_space<vmem_shared>> -> memref<10288x128xf32, #tpu.memory_space<vmem_shared>>
        tpu.enqueue_indirect_dma source(%arg9 : memref<80x128xf32, #tpu.memory_space<vmem>>) target(%dma_start3A_261 : memref<10288x128xf32, #tpu.memory_space<vmem_shared>>) offsets(%arg15 : memref<80xi32, #tpu.memory_space<vmem>>) semaphore(%arg21 : memref<!tpu.dma_semaphore, #tpu.memory_space<semaphore_mem>>) {add = true}
      } else {
      }
      %add3A_238 = arith.constant 2 : i32
      %add3A_239 = arith.addi %mul3A_228, %add3A_238 : i32
      %lt3A_240 = arith.constant 128 : i32
      %lt3A_241 = arith.cmpi slt, %add3A_239, %lt3A_240 : i32
      %convert_element_type3A_242 = arith.extui %lt3A_241 : i1 to i32
      %cond3A_243 = arith.constant 0 : i32
      %cond3A_244 = arith.cmpi ne, %convert_element_type3A_242, %cond3A_243 : i32
      scf.if %cond3A_244 {
        %add3A_245 = arith.constant 1 : i32
        %add3A_246 = arith.addi %add3A_239, %add3A_245 : i32
        %lt3A_247 = arith.constant 128 : i32
        %lt3A_248 = arith.cmpi slt, %add3A_246, %lt3A_247 : i32
        %convert_element_type3A_249 = arith.extui %lt3A_248 : i1 to i32
        %cond3A_250 = arith.constant 0 : i32
        %cond3A_251 = arith.cmpi ne, %convert_element_type3A_249, %cond3A_250 : i32
        scf.if %cond3A_251 {
          %add3A_262 = arith.constant 1 : i32
          %add3A_263 = arith.addi %add3A_239, %add3A_262 : i32
          %ge3A = arith.constant 3 : i32
          %ge3A_264 = arith.cmpi sge, %add3A_263, %ge3A : i32
          %convert_element_type3A_265 = arith.extui %ge3A_264 : i1 to i32
          %cond3A_266 = arith.constant 0 : i32
          %cond3A_267 = arith.cmpi ne, %convert_element_type3A_265, %cond3A_266 : i32
          scf.if %cond3A_267 {
            %dma_wait3A_380 = arith.constant 0 : i32
            %dma_wait3A_381 = arith.constant 0 : i32
            %dma_wait3A_382 = tpu.memref_slice %arg6[%dma_wait3A_380, %dma_wait3A_381] : memref<10288x128xf32, #tpu.memory_space<vmem_shared>> -> memref<10288x128xf32, #tpu.memory_space<vmem_shared>>
            tpu.wait_indirect_dma semaphore(%arg20 : memref<!tpu.dma_semaphore, #tpu.memory_space<semaphore_mem>>) src(%arg8 : memref<80x128xf32, #tpu.memory_space<vmem>>) dst(%dma_wait3A_382 : memref<10288x128xf32, #tpu.memory_space<vmem_shared>>)
          } else {
          }
          %mul3A_268 = arith.constant 80 : i32
          %mul3A_269 = arith.muli %add3A_263, %mul3A_268 : i32
          %add3A_270 = arith.constant 0 : i32
          %add3A_271 = arith.addi %mul3A_269, %add3A_270 : i32
          %get3A_272 = arith.index_cast %add3A_271 : i32 to index
          %get3A_273 = tpu.vector_load %arg7[%get3A_272] {strides = array<i32>} : memref<10240xi32, #tpu.memory_space<vmem>>, vector<16xi32>,
          %get3A_274 = vector.shape_cast %get3A_273 : vector<16xi32> to vector<16xi32>
          %shift_right_logical3A_275 = arith.constant 14 : i32
          %shift_right_logical3A_276 = vector.broadcast %shift_right_logical3A_275 : i32 to vector<16xi32>
          %shift_right_logical3A_277 = arith.shrui %get3A_274, %shift_right_logical3A_276 : vector<16xi32>
          %swap3A_278 = arith.constant 0 : index
          %swap3A_279 = tpu.vector_load %arg14[%swap3A_278] {strides = array<i32>} : memref<80xi32, #tpu.memory_space<vmem>>, vector<16xi32>,
          %swap3A_280 = vector.shape_cast %swap3A_279 : vector<16xi32> to vector<16xi32>
          %swap3A_281 = vector.shape_cast %shift_right_logical3A_277 : vector<16xi32> to vector<16xi32>
          tpu.vector_store %arg14[%swap3A_278], %swap3A_281 {strides = array<i32>} : memref<80xi32, #tpu.memory_space<vmem>>, vector<16xi32>,
          %and3A_282 = arith.constant 16383 : i32
          %and3A_283 = vector.broadcast %and3A_282 : i32 to vector<16xi32>
          %and3A_284 = arith.andi %get3A_274, %and3A_283 : vector<16xi32>
          %swap3A_285 = arith.constant 0 : index
          %swap3A_286 = tpu.vector_load %arg11[%swap3A_285] {strides = array<i32>} : memref<80xi32, #tpu.memory_space<vmem>>, vector<16xi32>,
          %swap3A_287 = vector.shape_cast %swap3A_286 : vector<16xi32> to vector<16xi32>
          %swap3A_288 = vector.shape_cast %and3A_284 : vector<16xi32> to vector<16xi32>
          tpu.vector_store %arg11[%swap3A_285], %swap3A_288 {strides = array<i32>} : memref<80xi32, #tpu.memory_space<vmem>>, vector<16xi32>,
          %mul3A_289 = arith.constant 80 : i32
          %mul3A_290 = arith.muli %add3A_263, %mul3A_289 : i32
          %add3A_291 = arith.constant 16 : i32
          %add3A_292 = arith.addi %mul3A_290, %add3A_291 : i32
          %get3A_293 = arith.index_cast %add3A_292 : i32 to index
          %get3A_294 = tpu.vector_load %arg7[%get3A_293] {strides = array<i32>} : memref<10240xi32, #tpu.memory_space<vmem>>, vector<16xi32>,
          %get3A_295 = vector.shape_cast %get3A_294 : vector<16xi32> to vector<16xi32>
          %shift_right_logical3A_296 = arith.constant 14 : i32
          %shift_right_logical3A_297 = vector.broadcast %shift_right_logical3A_296 : i32 to vector<16xi32>
          %shift_right_logical3A_298 = arith.shrui %get3A_295, %shift_right_logical3A_297 : vector<16xi32>
          %swap3A_299 = arith.constant 16 : index
          %swap3A_300 = tpu.vector_load %arg14[%swap3A_299] {strides = array<i32>} : memref<80xi32, #tpu.memory_space<vmem>>, vector<16xi32>,
          %swap3A_301 = vector.shape_cast %swap3A_300 : vector<16xi32> to vector<16xi32>
          %swap3A_302 = vector.shape_cast %shift_right_logical3A_298 : vector<16xi32> to vector<16xi32>
          tpu.vector_store %arg14[%swap3A_299], %swap3A_302 {strides = array<i32>} : memref<80xi32, #tpu.memory_space<vmem>>, vector<16xi32>,
          %and3A_303 = arith.constant 16383 : i32
          %and3A_304 = vector.broadcast %and3A_303 : i32 to vector<16xi32>
          %and3A_305 = arith.andi %get3A_295, %and3A_304 : vector<16xi32>
          %swap3A_306 = arith.constant 16 : index
          %swap3A_307 = tpu.vector_load %arg11[%swap3A_306] {strides = array<i32>} : memref<80xi32, #tpu.memory_space<vmem>>, vector<16xi32>,
          %swap3A_308 = vector.shape_cast %swap3A_307 : vector<16xi32> to vector<16xi32>
          %swap3A_309 = vector.shape_cast %and3A_305 : vector<16xi32> to vector<16xi32>
          tpu.vector_store %arg11[%swap3A_306], %swap3A_309 {strides = array<i32>} : memref<80xi32, #tpu.memory_space<vmem>>, vector<16xi32>,
          %mul3A_310 = arith.constant 80 : i32
          %mul3A_311 = arith.muli %add3A_263, %mul3A_310 : i32
          %add3A_312 = arith.constant 32 : i32
          %add3A_313 = arith.addi %mul3A_311, %add3A_312 : i32
          %get3A_314 = arith.index_cast %add3A_313 : i32 to index
          %get3A_315 = tpu.vector_load %arg7[%get3A_314] {strides = array<i32>} : memref<10240xi32, #tpu.memory_space<vmem>>, vector<16xi32>,
          %get3A_316 = vector.shape_cast %get3A_315 : vector<16xi32> to vector<16xi32>
          %shift_right_logical3A_317 = arith.constant 14 : i32
          %shift_right_logical3A_318 = vector.broadcast %shift_right_logical3A_317 : i32 to vector<16xi32>
          %shift_right_logical3A_319 = arith.shrui %get3A_316, %shift_right_logical3A_318 : vector<16xi32>
          %swap3A_320 = arith.constant 32 : index
          %swap3A_321 = tpu.vector_load %arg14[%swap3A_320] {strides = array<i32>} : memref<80xi32, #tpu.memory_space<vmem>>, vector<16xi32>,
          %swap3A_322 = vector.shape_cast %swap3A_321 : vector<16xi32> to vector<16xi32>
          %swap3A_323 = vector.shape_cast %shift_right_logical3A_319 : vector<16xi32> to vector<16xi32>
          tpu.vector_store %arg14[%swap3A_320], %swap3A_323 {strides = array<i32>} : memref<80xi32, #tpu.memory_space<vmem>>, vector<16xi32>,
          %and3A_324 = arith.constant 16383 : i32
          %and3A_325 = vector.broadcast %and3A_324 : i32 to vector<16xi32>
          %and3A_326 = arith.andi %get3A_316, %and3A_325 : vector<16xi32>
          %swap3A_327 = arith.constant 32 : index
          %swap3A_328 = tpu.vector_load %arg11[%swap3A_327] {strides = array<i32>} : memref<80xi32, #tpu.memory_space<vmem>>, vector<16xi32>,
          %swap3A_329 = vector.shape_cast %swap3A_328 : vector<16xi32> to vector<16xi32>
          %swap3A_330 = vector.shape_cast %and3A_326 : vector<16xi32> to vector<16xi32>
          tpu.vector_store %arg11[%swap3A_327], %swap3A_330 {strides = array<i32>} : memref<80xi32, #tpu.memory_space<vmem>>, vector<16xi32>,
          %mul3A_331 = arith.constant 80 : i32
          %mul3A_332 = arith.muli %add3A_263, %mul3A_331 : i32
          %add3A_333 = arith.constant 48 : i32
          %add3A_334 = arith.addi %mul3A_332, %add3A_333 : i32
          %get3A_335 = arith.index_cast %add3A_334 : i32 to index
          %get3A_336 = tpu.vector_load %arg7[%get3A_335] {strides = array<i32>} : memref<10240xi32, #tpu.memory_space<vmem>>, vector<16xi32>,
          %get3A_337 = vector.shape_cast %get3A_336 : vector<16xi32> to vector<16xi32>
          %shift_right_logical3A_338 = arith.constant 14 : i32
          %shift_right_logical3A_339 = vector.broadcast %shift_right_logical3A_338 : i32 to vector<16xi32>
          %shift_right_logical3A_340 = arith.shrui %get3A_337, %shift_right_logical3A_339 : vector<16xi32>
          %swap3A_341 = arith.constant 48 : index
          %swap3A_342 = tpu.vector_load %arg14[%swap3A_341] {strides = array<i32>} : memref<80xi32, #tpu.memory_space<vmem>>, vector<16xi32>,
          %swap3A_343 = vector.shape_cast %swap3A_342 : vector<16xi32> to vector<16xi32>
          %swap3A_344 = vector.shape_cast %shift_right_logical3A_340 : vector<16xi32> to vector<16xi32>
          tpu.vector_store %arg14[%swap3A_341], %swap3A_344 {strides = array<i32>} : memref<80xi32, #tpu.memory_space<vmem>>, vector<16xi32>,
          %and3A_345 = arith.constant 16383 : i32
          %and3A_346 = vector.broadcast %and3A_345 : i32 to vector<16xi32>
          %and3A_347 = arith.andi %get3A_337, %and3A_346 : vector<16xi32>
          %swap3A_348 = arith.constant 48 : index
          %swap3A_349 = tpu.vector_load %arg11[%swap3A_348] {strides = array<i32>} : memref<80xi32, #tpu.memory_space<vmem>>, vector<16xi32>,
          %swap3A_350 = vector.shape_cast %swap3A_349 : vector<16xi32> to vector<16xi32>
          %swap3A_351 = vector.shape_cast %and3A_347 : vector<16xi32> to vector<16xi32>
          tpu.vector_store %arg11[%swap3A_348], %swap3A_351 {strides = array<i32>} : memref<80xi32, #tpu.memory_space<vmem>>, vector<16xi32>,
          %mul3A_352 = arith.constant 80 : i32
          %mul3A_353 = arith.muli %add3A_263, %mul3A_352 : i32
          %add3A_354 = arith.constant 64 : i32
          %add3A_355 = arith.addi %mul3A_353, %add3A_354 : i32
          %get3A_356 = arith.index_cast %add3A_355 : i32 to index
          %get3A_357 = tpu.vector_load %arg7[%get3A_356] {strides = array<i32>} : memref<10240xi32, #tpu.memory_space<vmem>>, vector<16xi32>,
          %get3A_358 = vector.shape_cast %get3A_357 : vector<16xi32> to vector<16xi32>
          %shift_right_logical3A_359 = arith.constant 14 : i32
          %shift_right_logical3A_360 = vector.broadcast %shift_right_logical3A_359 : i32 to vector<16xi32>
          %shift_right_logical3A_361 = arith.shrui %get3A_358, %shift_right_logical3A_360 : vector<16xi32>
          %swap3A_362 = arith.constant 64 : index
          %swap3A_363 = tpu.vector_load %arg14[%swap3A_362] {strides = array<i32>} : memref<80xi32, #tpu.memory_space<vmem>>, vector<16xi32>,
          %swap3A_364 = vector.shape_cast %swap3A_363 : vector<16xi32> to vector<16xi32>
          %swap3A_365 = vector.shape_cast %shift_right_logical3A_361 : vector<16xi32> to vector<16xi32>
          tpu.vector_store %arg14[%swap3A_362], %swap3A_365 {strides = array<i32>} : memref<80xi32, #tpu.memory_space<vmem>>, vector<16xi32>,
          %and3A_366 = arith.constant 16383 : i32
          %and3A_367 = vector.broadcast %and3A_366 : i32 to vector<16xi32>
          %and3A_368 = arith.andi %get3A_358, %and3A_367 : vector<16xi32>
          %swap3A_369 = arith.constant 64 : index
          %swap3A_370 = tpu.vector_load %arg11[%swap3A_369] {strides = array<i32>} : memref<80xi32, #tpu.memory_space<vmem>>, vector<16xi32>,
          %swap3A_371 = vector.shape_cast %swap3A_370 : vector<16xi32> to vector<16xi32>
          %swap3A_372 = vector.shape_cast %and3A_368 : vector<16xi32> to vector<16xi32>
          tpu.vector_store %arg11[%swap3A_369], %swap3A_372 {strides = array<i32>} : memref<80xi32, #tpu.memory_space<vmem>>, vector<16xi32>,
          %dma_start3A_373 = arith.constant 0 : i32
          %dma_start3A_374 = arith.constant 0 : i32
          %dma_start3A_375 = tpu.memref_slice %arg2[%add3A_5, %dma_start3A_373, %dma_start3A_374] : memref<4x10000x128xf32, #tpu.memory_space<hbm>> -> memref<1x10000x128xf32, #tpu.memory_space<hbm>>
          %dma_start3A_376 = tpu.memref_squeeze %dma_start3A_375 : memref<1x10000x128xf32, #tpu.memory_space<hbm>> -> memref<10000x128xf32, #tpu.memory_space<hbm>>
          %dma_start3A_377 = arith.constant 0 : i32
          %dma_start3A_378 = arith.constant 0 : i32
          %dma_start3A_379 = tpu.memref_slice %dma_start3A_376[%dma_start3A_377, %dma_start3A_378] : memref<10000x128xf32, #tpu.memory_space<hbm>> -> memref<10000x128xf32, #tpu.memory_space<hbm>>
          tpu.enqueue_indirect_dma source(%dma_start3A_379 : memref<10000x128xf32, #tpu.memory_space<hbm>>) target(%arg8 : memref<80x128xf32, #tpu.memory_space<vmem>>) offsets(%arg11 : memref<80xi32, #tpu.memory_space<vmem>>) semaphore(%arg17 : memref<!tpu.dma_semaphore, #tpu.memory_space<semaphore_mem>>)
        } else {
        }
        %dma_wait3A_252 = arith.constant 0 : i32
        %dma_wait3A_253 = arith.constant 0 : i32
        %dma_wait3A_254 = tpu.memref_slice %arg2[%add3A_5, %dma_wait3A_252, %dma_wait3A_253] : memref<4x10000x128xf32, #tpu.memory_space<hbm>> -> memref<1x10000x128xf32, #tpu.memory_space<hbm>>
        %dma_wait3A_255 = tpu.memref_squeeze %dma_wait3A_254 : memref<1x10000x128xf32, #tpu.memory_space<hbm>> -> memref<10000x128xf32, #tpu.memory_space<hbm>>
        %dma_wait3A_256 = arith.constant 0 : i32
        %dma_wait3A_257 = arith.constant 0 : i32
        %dma_wait3A_258 = tpu.memref_slice %dma_wait3A_255[%dma_wait3A_256, %dma_wait3A_257] : memref<10000x128xf32, #tpu.memory_space<hbm>> -> memref<10000x128xf32, #tpu.memory_space<hbm>>
        tpu.wait_indirect_dma semaphore(%arg19 : memref<!tpu.dma_semaphore, #tpu.memory_space<semaphore_mem>>) src(%dma_wait3A_258 : memref<10000x128xf32, #tpu.memory_space<hbm>>) dst(%arg10 : memref<80x128xf32, #tpu.memory_space<vmem>>)
        %dma_start3A_259 = arith.constant 0 : i32
        %dma_start3A_260 = arith.constant 0 : i32
        %dma_start3A_261 = tpu.memref_slice %arg6[%dma_start3A_259, %dma_start3A_260] : memref<10288x128xf32, #tpu.memory_space<vmem_shared>> -> memref<10288x128xf32, #tpu.memory_space<vmem_shared>>
        tpu.enqueue_indirect_dma source(%arg10 : memref<80x128xf32, #tpu.memory_space<vmem>>) target(%dma_start3A_261 : memref<10288x128xf32, #tpu.memory_space<vmem_shared>>) offsets(%arg16 : memref<80xi32, #tpu.memory_space<vmem>>) semaphore(%arg22 : memref<!tpu.dma_semaphore, #tpu.memory_space<semaphore_mem>>) {add = true}
      } else {
      }
    }
    %scan3A_97 = arith.constant 43 : i32
    %dma_wait3A = arith.constant 0 : i32
    %dma_wait3A_98 = arith.constant 0 : i32
    %dma_wait3A_99 = tpu.memref_slice %arg6[%dma_wait3A, %dma_wait3A_98] : memref<10288x128xf32, #tpu.memory_space<vmem_shared>> -> memref<10288x128xf32, #tpu.memory_space<vmem_shared>>
    tpu.wait_indirect_dma semaphore(%arg20 : memref<!tpu.dma_semaphore, #tpu.memory_space<semaphore_mem>>) src(%arg8 : memref<80x128xf32, #tpu.memory_space<vmem>>) dst(%dma_wait3A_99 : memref<10288x128xf32, #tpu.memory_space<vmem_shared>>)
    %dma_wait3A_100 = arith.constant 0 : i32
    %dma_wait3A_101 = arith.constant 0 : i32
    %dma_wait3A_102 = tpu.memref_slice %arg6[%dma_wait3A_100, %dma_wait3A_101] : memref<10288x128xf32, #tpu.memory_space<vmem_shared>> -> memref<10288x128xf32, #tpu.memory_space<vmem_shared>>
    tpu.wait_indirect_dma semaphore(%arg21 : memref<!tpu.dma_semaphore, #tpu.memory_space<semaphore_mem>>) src(%arg9 : memref<80x128xf32, #tpu.memory_space<vmem>>) dst(%dma_wait3A_102 : memref<10288x128xf32, #tpu.memory_space<vmem_shared>>)
    %dma_wait3A_103 = arith.constant 0 : i32
    %dma_wait3A_104 = arith.constant 0 : i32
    %dma_wait3A_105 = tpu.memref_slice %arg6[%dma_wait3A_103, %dma_wait3A_104] : memref<10288x128xf32, #tpu.memory_space<vmem_shared>> -> memref<10288x128xf32, #tpu.memory_space<vmem_shared>>
    tpu.wait_indirect_dma semaphore(%arg22 : memref<!tpu.dma_semaphore, #tpu.memory_space<semaphore_mem>>) src(%arg10 : memref<80x128xf32, #tpu.memory_space<vmem>>) dst(%dma_wait3A_105 : memref<10288x128xf32, #tpu.memory_space<vmem_shared>>)
    %barrier3A_106 = arith.constant 0 : index
    tpu.barrier barrier_id(%barrier3A_106)
    %mul3A_107 = arith.constant 128 : i32
    %mul3A_108 = arith.muli %add3A_5, %mul3A_107 : i32
    "tpu.region"() ({
      %run_scoped3A = tpu.sem_alloc : memref<!tpu.dma_semaphore, #tpu.memory_space<semaphore_mem>>
      %dma_start3A_226 = tpu.memref_slice %arg5[%mul3A_2, %mul3A_108] : memref<10240x512xf32, #tpu.memory_space<hbm>> -> memref<640x128xf32, #tpu.memory_space<hbm>>
      %dma_start3A_227 = arith.constant 0 : i32
      %dma_start3A_228 = tpu.memref_slice %arg6[%mul3A_2, %dma_start3A_227] : memref<10288x128xf32, #tpu.memory_space<vmem_shared>> -> memref<640x128xf32, #tpu.memory_space<vmem_shared>>
      tpu.enqueue_dma source(%dma_start3A_228 : memref<640x128xf32, #tpu.memory_space<vmem_shared>>) target(%dma_start3A_226 : memref<640x128xf32, #tpu.memory_space<hbm>>) target_semaphore(%run_scoped3A : memref<!tpu.dma_semaphore, #tpu.memory_space<semaphore_mem>>)
      %dma_wait3A_229 = tpu.memref_slice %arg5[%mul3A_2, %mul3A_108] : memref<10240x512xf32, #tpu.memory_space<hbm>> -> memref<640x128xf32, #tpu.memory_space<hbm>>
      %dma_wait3A_230 = arith.constant 0 : i32
      %dma_wait3A_231 = tpu.memref_slice %arg6[%mul3A_2, %dma_wait3A_230] : memref<10288x128xf32, #tpu.memory_space<vmem_shared>> -> memref<640x128xf32, #tpu.memory_space<vmem_shared>>
      tpu.wait_dma2 semaphore(%run_scoped3A : memref<!tpu.dma_semaphore, #tpu.memory_space<semaphore_mem>>) src(%dma_wait3A_231 : memref<640x128xf32, #tpu.memory_space<vmem_shared>>) dst(%dma_wait3A_229 : memref<640x128xf32, #tpu.memory_space<hbm>>)
      tpu.yield
    }) : () -> ()
    %barrier3A_109 = arith.constant 0 : index
    tpu.barrier barrier_id(%barrier3A_109)
    %mul3A_110 = arith.constant 2 : i32
    %mul3A_111 = arith.muli %arg0, %mul3A_110 : i32
    %add3A_112 = arith.constant 1 : i32
    %add3A_113 = arith.addi %mul3A_111, %add3A_112 : i32
    "tpu.region"() ({
      %run_scoped3A = tpu.sem_alloc : memref<!tpu.dma_semaphore, #tpu.memory_space<semaphore_mem>>
      %dma_start3A_226 = arith.constant 0 : i32
      %dma_start3A_227 = tpu.memref_slice %arg6[%mul3A_2, %dma_start3A_226] : memref<10288x128xf32, #tpu.memory_space<vmem_shared>> -> memref<640x128xf32, #tpu.memory_space<vmem_shared>>
      tpu.enqueue_dma source(%arg4 : memref<640x128xf32, #tpu.memory_space<hbm>>) target(%dma_start3A_227 : memref<640x128xf32, #tpu.memory_space<vmem_shared>>) target_semaphore(%run_scoped3A : memref<!tpu.dma_semaphore, #tpu.memory_space<semaphore_mem>>)
      %dma_wait3A_228 = arith.constant 0 : i32
      %dma_wait3A_229 = tpu.memref_slice %arg6[%mul3A_2, %dma_wait3A_228] : memref<10288x128xf32, #tpu.memory_space<vmem_shared>> -> memref<640x128xf32, #tpu.memory_space<vmem_shared>>
      tpu.wait_dma2 semaphore(%run_scoped3A : memref<!tpu.dma_semaphore, #tpu.memory_space<semaphore_mem>>) src(%arg4 : memref<640x128xf32, #tpu.memory_space<hbm>>) dst(%dma_wait3A_229 : memref<640x128xf32, #tpu.memory_space<vmem_shared>>)
      tpu.yield
    }) : () -> ()
    %barrier3A_114 = arith.constant 0 : index
    tpu.barrier barrier_id(%barrier3A_114)
    %get3A_115 = arith.constant 0 : index
    %get3A_116 = tpu.vector_load %arg7[%get3A_115] {strides = array<i32>} : memref<10240xi32, #tpu.memory_space<vmem>>, vector<16xi32>,
    %get3A_117 = vector.shape_cast %get3A_116 : vector<16xi32> to vector<16xi32>
    %shift_right_logical3A_118 = arith.constant 14 : i32
    %shift_right_logical3A_119 = vector.broadcast %shift_right_logical3A_118 : i32 to vector<16xi32>
    %shift_right_logical3A_120 = arith.shrui %get3A_117, %shift_right_logical3A_119 : vector<16xi32>
    %swap3A_121 = arith.constant 0 : index
    %swap3A_122 = tpu.vector_load %arg14[%swap3A_121] {strides = array<i32>} : memref<80xi32, #tpu.memory_space<vmem>>, vector<16xi32>,
    %swap3A_123 = vector.shape_cast %swap3A_122 : vector<16xi32> to vector<16xi32>
    %swap3A_124 = vector.shape_cast %shift_right_logical3A_120 : vector<16xi32> to vector<16xi32>
    tpu.vector_store %arg14[%swap3A_121], %swap3A_124 {strides = array<i32>} : memref<80xi32, #tpu.memory_space<vmem>>, vector<16xi32>,
    %and3A_125 = arith.constant 16383 : i32
    %and3A_126 = vector.broadcast %and3A_125 : i32 to vector<16xi32>
    %and3A_127 = arith.andi %get3A_117, %and3A_126 : vector<16xi32>
    %swap3A_128 = arith.constant 0 : index
    %swap3A_129 = tpu.vector_load %arg11[%swap3A_128] {strides = array<i32>} : memref<80xi32, #tpu.memory_space<vmem>>, vector<16xi32>,
    %swap3A_130 = vector.shape_cast %swap3A_129 : vector<16xi32> to vector<16xi32>
    %swap3A_131 = vector.shape_cast %and3A_127 : vector<16xi32> to vector<16xi32>
    tpu.vector_store %arg11[%swap3A_128], %swap3A_131 {strides = array<i32>} : memref<80xi32, #tpu.memory_space<vmem>>, vector<16xi32>,
    %get3A_132 = arith.constant 16 : index
    %get3A_133 = tpu.vector_load %arg7[%get3A_132] {strides = array<i32>} : memref<10240xi32, #tpu.memory_space<vmem>>, vector<16xi32>,
    %get3A_134 = vector.shape_cast %get3A_133 : vector<16xi32> to vector<16xi32>
    %shift_right_logical3A_135 = arith.constant 14 : i32
    %shift_right_logical3A_136 = vector.broadcast %shift_right_logical3A_135 : i32 to vector<16xi32>
    %shift_right_logical3A_137 = arith.shrui %get3A_134, %shift_right_logical3A_136 : vector<16xi32>
    %swap3A_138 = arith.constant 16 : index
    %swap3A_139 = tpu.vector_load %arg14[%swap3A_138] {strides = array<i32>} : memref<80xi32, #tpu.memory_space<vmem>>, vector<16xi32>,
    %swap3A_140 = vector.shape_cast %swap3A_139 : vector<16xi32> to vector<16xi32>
    %swap3A_141 = vector.shape_cast %shift_right_logical3A_137 : vector<16xi32> to vector<16xi32>
    tpu.vector_store %arg14[%swap3A_138], %swap3A_141 {strides = array<i32>} : memref<80xi32, #tpu.memory_space<vmem>>, vector<16xi32>,
    %and3A_142 = arith.constant 16383 : i32
    %and3A_143 = vector.broadcast %and3A_142 : i32 to vector<16xi32>
    %and3A_144 = arith.andi %get3A_134, %and3A_143 : vector<16xi32>
    %swap3A_145 = arith.constant 16 : index
    %swap3A_146 = tpu.vector_load %arg11[%swap3A_145] {strides = array<i32>} : memref<80xi32, #tpu.memory_space<vmem>>, vector<16xi32>,
    %swap3A_147 = vector.shape_cast %swap3A_146 : vector<16xi32> to vector<16xi32>
    %swap3A_148 = vector.shape_cast %and3A_144 : vector<16xi32> to vector<16xi32>
    tpu.vector_store %arg11[%swap3A_145], %swap3A_148 {strides = array<i32>} : memref<80xi32, #tpu.memory_space<vmem>>, vector<16xi32>,
    %get3A_149 = arith.constant 32 : index
    %get3A_150 = tpu.vector_load %arg7[%get3A_149] {strides = array<i32>} : memref<10240xi32, #tpu.memory_space<vmem>>, vector<16xi32>,
    %get3A_151 = vector.shape_cast %get3A_150 : vector<16xi32> to vector<16xi32>
    %shift_right_logical3A_152 = arith.constant 14 : i32
    %shift_right_logical3A_153 = vector.broadcast %shift_right_logical3A_152 : i32 to vector<16xi32>
    %shift_right_logical3A_154 = arith.shrui %get3A_151, %shift_right_logical3A_153 : vector<16xi32>
    %swap3A_155 = arith.constant 32 : index
    %swap3A_156 = tpu.vector_load %arg14[%swap3A_155] {strides = array<i32>} : memref<80xi32, #tpu.memory_space<vmem>>, vector<16xi32>,
    %swap3A_157 = vector.shape_cast %swap3A_156 : vector<16xi32> to vector<16xi32>
    %swap3A_158 = vector.shape_cast %shift_right_logical3A_154 : vector<16xi32> to vector<16xi32>
    tpu.vector_store %arg14[%swap3A_155], %swap3A_158 {strides = array<i32>} : memref<80xi32, #tpu.memory_space<vmem>>, vector<16xi32>,
    %and3A_159 = arith.constant 16383 : i32
    %and3A_160 = vector.broadcast %and3A_159 : i32 to vector<16xi32>
    %and3A_161 = arith.andi %get3A_151, %and3A_160 : vector<16xi32>
    %swap3A_162 = arith.constant 32 : index
    %swap3A_163 = tpu.vector_load %arg11[%swap3A_162] {strides = array<i32>} : memref<80xi32, #tpu.memory_space<vmem>>, vector<16xi32>,
    %swap3A_164 = vector.shape_cast %swap3A_163 : vector<16xi32> to vector<16xi32>
    %swap3A_165 = vector.shape_cast %and3A_161 : vector<16xi32> to vector<16xi32>
    tpu.vector_store %arg11[%swap3A_162], %swap3A_165 {strides = array<i32>} : memref<80xi32, #tpu.memory_space<vmem>>, vector<16xi32>,
    %get3A_166 = arith.constant 48 : index
    %get3A_167 = tpu.vector_load %arg7[%get3A_166] {strides = array<i32>} : memref<10240xi32, #tpu.memory_space<vmem>>, vector<16xi32>,
    %get3A_168 = vector.shape_cast %get3A_167 : vector<16xi32> to vector<16xi32>
    %shift_right_logical3A_169 = arith.constant 14 : i32
    %shift_right_logical3A_170 = vector.broadcast %shift_right_logical3A_169 : i32 to vector<16xi32>
    %shift_right_logical3A_171 = arith.shrui %get3A_168, %shift_right_logical3A_170 : vector<16xi32>
    %swap3A_172 = arith.constant 48 : index
    %swap3A_173 = tpu.vector_load %arg14[%swap3A_172] {strides = array<i32>} : memref<80xi32, #tpu.memory_space<vmem>>, vector<16xi32>,
    %swap3A_174 = vector.shape_cast %swap3A_173 : vector<16xi32> to vector<16xi32>
    %swap3A_175 = vector.shape_cast %shift_right_logical3A_171 : vector<16xi32> to vector<16xi32>
    tpu.vector_store %arg14[%swap3A_172], %swap3A_175 {strides = array<i32>} : memref<80xi32, #tpu.memory_space<vmem>>, vector<16xi32>,
    %and3A_176 = arith.constant 16383 : i32
    %and3A_177 = vector.broadcast %and3A_176 : i32 to vector<16xi32>
    %and3A_178 = arith.andi %get3A_168, %and3A_177 : vector<16xi32>
    %swap3A_179 = arith.constant 48 : index
    %swap3A_180 = tpu.vector_load %arg11[%swap3A_179] {strides = array<i32>} : memref<80xi32, #tpu.memory_space<vmem>>, vector<16xi32>,
    %swap3A_181 = vector.shape_cast %swap3A_180 : vector<16xi32> to vector<16xi32>
    %swap3A_182 = vector.shape_cast %and3A_178 : vector<16xi32> to vector<16xi32>
    tpu.vector_store %arg11[%swap3A_179], %swap3A_182 {strides = array<i32>} : memref<80xi32, #tpu.memory_space<vmem>>, vector<16xi32>,
    %get3A_183 = arith.constant 64 : index
    %get3A_184 = tpu.vector_load %arg7[%get3A_183] {strides = array<i32>} : memref<10240xi32, #tpu.memory_space<vmem>>, vector<16xi32>,
    %get3A_185 = vector.shape_cast %get3A_184 : vector<16xi32> to vector<16xi32>
    %shift_right_logical3A_186 = arith.constant 14 : i32
    %shift_right_logical3A_187 = vector.broadcast %shift_right_logical3A_186 : i32 to vector<16xi32>
    %shift_right_logical3A_188 = arith.shrui %get3A_185, %shift_right_logical3A_187 : vector<16xi32>
    %swap3A_189 = arith.constant 64 : index
    %swap3A_190 = tpu.vector_load %arg14[%swap3A_189] {strides = array<i32>} : memref<80xi32, #tpu.memory_space<vmem>>, vector<16xi32>,
    %swap3A_191 = vector.shape_cast %swap3A_190 : vector<16xi32> to vector<16xi32>
    %swap3A_192 = vector.shape_cast %shift_right_logical3A_188 : vector<16xi32> to vector<16xi32>
    tpu.vector_store %arg14[%swap3A_189], %swap3A_192 {strides = array<i32>} : memref<80xi32, #tpu.memory_space<vmem>>, vector<16xi32>,
    %and3A_193 = arith.constant 16383 : i32
    %and3A_194 = vector.broadcast %and3A_193 : i32 to vector<16xi32>
    %and3A_195 = arith.andi %get3A_185, %and3A_194 : vector<16xi32>
    %swap3A_196 = arith.constant 64 : index
    %swap3A_197 = tpu.vector_load %arg11[%swap3A_196] {strides = array<i32>} : memref<80xi32, #tpu.memory_space<vmem>>, vector<16xi32>,
    %swap3A_198 = vector.shape_cast %swap3A_197 : vector<16xi32> to vector<16xi32>
    %swap3A_199 = vector.shape_cast %and3A_195 : vector<16xi32> to vector<16xi32>
    tpu.vector_store %arg11[%swap3A_196], %swap3A_199 {strides = array<i32>} : memref<80xi32, #tpu.memory_space<vmem>>, vector<16xi32>,
    %dma_start3A_200 = arith.constant 0 : i32
    %dma_start3A_201 = arith.constant 0 : i32
    %dma_start3A_202 = tpu.memref_slice %arg2[%add3A_113, %dma_start3A_200, %dma_start3A_201] : memref<4x10000x128xf32, #tpu.memory_space<hbm>> -> memref<1x10000x128xf32, #tpu.memory_space<hbm>>
    %dma_start3A_203 = tpu.memref_squeeze %dma_start3A_202 : memref<1x10000x128xf32, #tpu.memory_space<hbm>> -> memref<10000x128xf32, #tpu.memory_space<hbm>>
    %dma_start3A_204 = arith.constant 0 : i32
    %dma_start3A_205 = arith.constant 0 : i32
    %dma_start3A_206 = tpu.memref_slice %dma_start3A_203[%dma_start3A_204, %dma_start3A_205] : memref<10000x128xf32, #tpu.memory_space<hbm>> -> memref<10000x128xf32, #tpu.memory_space<hbm>>
    tpu.enqueue_indirect_dma source(%dma_start3A_206 : memref<10000x128xf32, #tpu.memory_space<hbm>>) target(%arg8 : memref<80x128xf32, #tpu.memory_space<vmem>>) offsets(%arg11 : memref<80xi32, #tpu.memory_space<vmem>>) semaphore(%arg17 : memref<!tpu.dma_semaphore, #tpu.memory_space<semaphore_mem>>)
    %scan3A_207 = arith.constant 0 : i32
    %scan3A_208 = arith.constant 0 : i32
    %scan3A_209 = arith.constant 43 : i32
    %scan3A_210 = arith.addi %scan3A_208, %scan3A_209 : i32
    %scan3A_211 = arith.constant 1 : i32
    scf.for %scan3A_226 = %scan3A_208 to %scan3A_210 step %scan3A_211  : i32 {
      %mul3A_227 = arith.constant 3 : i32
      %mul3A_228 = arith.muli %mul3A_227, %scan3A_226 : i32
      %lt3A = arith.constant 128 : i32
      %lt3A_229 = arith.cmpi slt, %mul3A_228, %lt3A : i32
      %convert_element_type3A = arith.extui %lt3A_229 : i1 to i32
      %cond3A = arith.constant 0 : i32
      %cond3A_230 = arith.cmpi ne, %convert_element_type3A, %cond3A : i32
      scf.if %cond3A_230 {
        %add3A_245 = arith.constant 1 : i32
        %add3A_246 = arith.addi %mul3A_228, %add3A_245 : i32
        %lt3A_247 = arith.constant 128 : i32
        %lt3A_248 = arith.cmpi slt, %add3A_246, %lt3A_247 : i32
        %convert_element_type3A_249 = arith.extui %lt3A_248 : i1 to i32
        %cond3A_250 = arith.constant 0 : i32
        %cond3A_251 = arith.cmpi ne, %convert_element_type3A_249, %cond3A_250 : i32
        scf.if %cond3A_251 {
          %add3A_262 = arith.constant 1 : i32
          %add3A_263 = arith.addi %mul3A_228, %add3A_262 : i32
          %ge3A = arith.constant 3 : i32
          %ge3A_264 = arith.cmpi sge, %add3A_263, %ge3A : i32
          %convert_element_type3A_265 = arith.extui %ge3A_264 : i1 to i32
          %cond3A_266 = arith.constant 0 : i32
          %cond3A_267 = arith.cmpi ne, %convert_element_type3A_265, %cond3A_266 : i32
          scf.if %cond3A_267 {
            %dma_wait3A_380 = arith.constant 0 : i32
            %dma_wait3A_381 = arith.constant 0 : i32
            %dma_wait3A_382 = tpu.memref_slice %arg6[%dma_wait3A_380, %dma_wait3A_381] : memref<10288x128xf32, #tpu.memory_space<vmem_shared>> -> memref<10288x128xf32, #tpu.memory_space<vmem_shared>>
            tpu.wait_indirect_dma semaphore(%arg21 : memref<!tpu.dma_semaphore, #tpu.memory_space<semaphore_mem>>) src(%arg9 : memref<80x128xf32, #tpu.memory_space<vmem>>) dst(%dma_wait3A_382 : memref<10288x128xf32, #tpu.memory_space<vmem_shared>>)
          } else {
          }
          %mul3A_268 = arith.constant 80 : i32
          %mul3A_269 = arith.muli %add3A_263, %mul3A_268 : i32
          %add3A_270 = arith.constant 0 : i32
          %add3A_271 = arith.addi %mul3A_269, %add3A_270 : i32
          %get3A_272 = arith.index_cast %add3A_271 : i32 to index
          %get3A_273 = tpu.vector_load %arg7[%get3A_272] {strides = array<i32>} : memref<10240xi32, #tpu.memory_space<vmem>>, vector<16xi32>,
          %get3A_274 = vector.shape_cast %get3A_273 : vector<16xi32> to vector<16xi32>
          %shift_right_logical3A_275 = arith.constant 14 : i32
          %shift_right_logical3A_276 = vector.broadcast %shift_right_logical3A_275 : i32 to vector<16xi32>
          %shift_right_logical3A_277 = arith.shrui %get3A_274, %shift_right_logical3A_276 : vector<16xi32>
          %swap3A_278 = arith.constant 0 : index
          %swap3A_279 = tpu.vector_load %arg15[%swap3A_278] {strides = array<i32>} : memref<80xi32, #tpu.memory_space<vmem>>, vector<16xi32>,
          %swap3A_280 = vector.shape_cast %swap3A_279 : vector<16xi32> to vector<16xi32>
          %swap3A_281 = vector.shape_cast %shift_right_logical3A_277 : vector<16xi32> to vector<16xi32>
          tpu.vector_store %arg15[%swap3A_278], %swap3A_281 {strides = array<i32>} : memref<80xi32, #tpu.memory_space<vmem>>, vector<16xi32>,
          %and3A_282 = arith.constant 16383 : i32
          %and3A_283 = vector.broadcast %and3A_282 : i32 to vector<16xi32>
          %and3A_284 = arith.andi %get3A_274, %and3A_283 : vector<16xi32>
          %swap3A_285 = arith.constant 0 : index
          %swap3A_286 = tpu.vector_load %arg12[%swap3A_285] {strides = array<i32>} : memref<80xi32, #tpu.memory_space<vmem>>, vector<16xi32>,
          %swap3A_287 = vector.shape_cast %swap3A_286 : vector<16xi32> to vector<16xi32>
          %swap3A_288 = vector.shape_cast %and3A_284 : vector<16xi32> to vector<16xi32>
          tpu.vector_store %arg12[%swap3A_285], %swap3A_288 {strides = array<i32>} : memref<80xi32, #tpu.memory_space<vmem>>, vector<16xi32>,
          %mul3A_289 = arith.constant 80 : i32
          %mul3A_290 = arith.muli %add3A_263, %mul3A_289 : i32
          %add3A_291 = arith.constant 16 : i32
          %add3A_292 = arith.addi %mul3A_290, %add3A_291 : i32
          %get3A_293 = arith.index_cast %add3A_292 : i32 to index
          %get3A_294 = tpu.vector_load %arg7[%get3A_293] {strides = array<i32>} : memref<10240xi32, #tpu.memory_space<vmem>>, vector<16xi32>,
          %get3A_295 = vector.shape_cast %get3A_294 : vector<16xi32> to vector<16xi32>
          %shift_right_logical3A_296 = arith.constant 14 : i32
          %shift_right_logical3A_297 = vector.broadcast %shift_right_logical3A_296 : i32 to vector<16xi32>
          %shift_right_logical3A_298 = arith.shrui %get3A_295, %shift_right_logical3A_297 : vector<16xi32>
          %swap3A_299 = arith.constant 16 : index
          %swap3A_300 = tpu.vector_load %arg15[%swap3A_299] {strides = array<i32>} : memref<80xi32, #tpu.memory_space<vmem>>, vector<16xi32>,
          %swap3A_301 = vector.shape_cast %swap3A_300 : vector<16xi32> to vector<16xi32>
          %swap3A_302 = vector.shape_cast %shift_right_logical3A_298 : vector<16xi32> to vector<16xi32>
          tpu.vector_store %arg15[%swap3A_299], %swap3A_302 {strides = array<i32>} : memref<80xi32, #tpu.memory_space<vmem>>, vector<16xi32>,
          %and3A_303 = arith.constant 16383 : i32
          %and3A_304 = vector.broadcast %and3A_303 : i32 to vector<16xi32>
          %and3A_305 = arith.andi %get3A_295, %and3A_304 : vector<16xi32>
          %swap3A_306 = arith.constant 16 : index
          %swap3A_307 = tpu.vector_load %arg12[%swap3A_306] {strides = array<i32>} : memref<80xi32, #tpu.memory_space<vmem>>, vector<16xi32>,
          %swap3A_308 = vector.shape_cast %swap3A_307 : vector<16xi32> to vector<16xi32>
          %swap3A_309 = vector.shape_cast %and3A_305 : vector<16xi32> to vector<16xi32>
          tpu.vector_store %arg12[%swap3A_306], %swap3A_309 {strides = array<i32>} : memref<80xi32, #tpu.memory_space<vmem>>, vector<16xi32>,
          %mul3A_310 = arith.constant 80 : i32
          %mul3A_311 = arith.muli %add3A_263, %mul3A_310 : i32
          %add3A_312 = arith.constant 32 : i32
          %add3A_313 = arith.addi %mul3A_311, %add3A_312 : i32
          %get3A_314 = arith.index_cast %add3A_313 : i32 to index
          %get3A_315 = tpu.vector_load %arg7[%get3A_314] {strides = array<i32>} : memref<10240xi32, #tpu.memory_space<vmem>>, vector<16xi32>,
          %get3A_316 = vector.shape_cast %get3A_315 : vector<16xi32> to vector<16xi32>
          %shift_right_logical3A_317 = arith.constant 14 : i32
          %shift_right_logical3A_318 = vector.broadcast %shift_right_logical3A_317 : i32 to vector<16xi32>
          %shift_right_logical3A_319 = arith.shrui %get3A_316, %shift_right_logical3A_318 : vector<16xi32>
          %swap3A_320 = arith.constant 32 : index
          %swap3A_321 = tpu.vector_load %arg15[%swap3A_320] {strides = array<i32>} : memref<80xi32, #tpu.memory_space<vmem>>, vector<16xi32>,
          %swap3A_322 = vector.shape_cast %swap3A_321 : vector<16xi32> to vector<16xi32>
          %swap3A_323 = vector.shape_cast %shift_right_logical3A_319 : vector<16xi32> to vector<16xi32>
          tpu.vector_store %arg15[%swap3A_320], %swap3A_323 {strides = array<i32>} : memref<80xi32, #tpu.memory_space<vmem>>, vector<16xi32>,
          %and3A_324 = arith.constant 16383 : i32
          %and3A_325 = vector.broadcast %and3A_324 : i32 to vector<16xi32>
          %and3A_326 = arith.andi %get3A_316, %and3A_325 : vector<16xi32>
          %swap3A_327 = arith.constant 32 : index
          %swap3A_328 = tpu.vector_load %arg12[%swap3A_327] {strides = array<i32>} : memref<80xi32, #tpu.memory_space<vmem>>, vector<16xi32>,
          %swap3A_329 = vector.shape_cast %swap3A_328 : vector<16xi32> to vector<16xi32>
          %swap3A_330 = vector.shape_cast %and3A_326 : vector<16xi32> to vector<16xi32>
          tpu.vector_store %arg12[%swap3A_327], %swap3A_330 {strides = array<i32>} : memref<80xi32, #tpu.memory_space<vmem>>, vector<16xi32>,
          %mul3A_331 = arith.constant 80 : i32
          %mul3A_332 = arith.muli %add3A_263, %mul3A_331 : i32
          %add3A_333 = arith.constant 48 : i32
          %add3A_334 = arith.addi %mul3A_332, %add3A_333 : i32
          %get3A_335 = arith.index_cast %add3A_334 : i32 to index
          %get3A_336 = tpu.vector_load %arg7[%get3A_335] {strides = array<i32>} : memref<10240xi32, #tpu.memory_space<vmem>>, vector<16xi32>,
          %get3A_337 = vector.shape_cast %get3A_336 : vector<16xi32> to vector<16xi32>
          %shift_right_logical3A_338 = arith.constant 14 : i32
          %shift_right_logical3A_339 = vector.broadcast %shift_right_logical3A_338 : i32 to vector<16xi32>
          %shift_right_logical3A_340 = arith.shrui %get3A_337, %shift_right_logical3A_339 : vector<16xi32>
          %swap3A_341 = arith.constant 48 : index
          %swap3A_342 = tpu.vector_load %arg15[%swap3A_341] {strides = array<i32>} : memref<80xi32, #tpu.memory_space<vmem>>, vector<16xi32>,
          %swap3A_343 = vector.shape_cast %swap3A_342 : vector<16xi32> to vector<16xi32>
          %swap3A_344 = vector.shape_cast %shift_right_logical3A_340 : vector<16xi32> to vector<16xi32>
          tpu.vector_store %arg15[%swap3A_341], %swap3A_344 {strides = array<i32>} : memref<80xi32, #tpu.memory_space<vmem>>, vector<16xi32>,
          %and3A_345 = arith.constant 16383 : i32
          %and3A_346 = vector.broadcast %and3A_345 : i32 to vector<16xi32>
          %and3A_347 = arith.andi %get3A_337, %and3A_346 : vector<16xi32>
          %swap3A_348 = arith.constant 48 : index
          %swap3A_349 = tpu.vector_load %arg12[%swap3A_348] {strides = array<i32>} : memref<80xi32, #tpu.memory_space<vmem>>, vector<16xi32>,
          %swap3A_350 = vector.shape_cast %swap3A_349 : vector<16xi32> to vector<16xi32>
          %swap3A_351 = vector.shape_cast %and3A_347 : vector<16xi32> to vector<16xi32>
          tpu.vector_store %arg12[%swap3A_348], %swap3A_351 {strides = array<i32>} : memref<80xi32, #tpu.memory_space<vmem>>, vector<16xi32>,
          %mul3A_352 = arith.constant 80 : i32
          %mul3A_353 = arith.muli %add3A_263, %mul3A_352 : i32
          %add3A_354 = arith.constant 64 : i32
          %add3A_355 = arith.addi %mul3A_353, %add3A_354 : i32
          %get3A_356 = arith.index_cast %add3A_355 : i32 to index
          %get3A_357 = tpu.vector_load %arg7[%get3A_356] {strides = array<i32>} : memref<10240xi32, #tpu.memory_space<vmem>>, vector<16xi32>,
          %get3A_358 = vector.shape_cast %get3A_357 : vector<16xi32> to vector<16xi32>
          %shift_right_logical3A_359 = arith.constant 14 : i32
          %shift_right_logical3A_360 = vector.broadcast %shift_right_logical3A_359 : i32 to vector<16xi32>
          %shift_right_logical3A_361 = arith.shrui %get3A_358, %shift_right_logical3A_360 : vector<16xi32>
          %swap3A_362 = arith.constant 64 : index
          %swap3A_363 = tpu.vector_load %arg15[%swap3A_362] {strides = array<i32>} : memref<80xi32, #tpu.memory_space<vmem>>, vector<16xi32>,
          %swap3A_364 = vector.shape_cast %swap3A_363 : vector<16xi32> to vector<16xi32>
          %swap3A_365 = vector.shape_cast %shift_right_logical3A_361 : vector<16xi32> to vector<16xi32>
          tpu.vector_store %arg15[%swap3A_362], %swap3A_365 {strides = array<i32>} : memref<80xi32, #tpu.memory_space<vmem>>, vector<16xi32>,
          %and3A_366 = arith.constant 16383 : i32
          %and3A_367 = vector.broadcast %and3A_366 : i32 to vector<16xi32>
          %and3A_368 = arith.andi %get3A_358, %and3A_367 : vector<16xi32>
          %swap3A_369 = arith.constant 64 : index
          %swap3A_370 = tpu.vector_load %arg12[%swap3A_369] {strides = array<i32>} : memref<80xi32, #tpu.memory_space<vmem>>, vector<16xi32>,
          %swap3A_371 = vector.shape_cast %swap3A_370 : vector<16xi32> to vector<16xi32>
          %swap3A_372 = vector.shape_cast %and3A_368 : vector<16xi32> to vector<16xi32>
          tpu.vector_store %arg12[%swap3A_369], %swap3A_372 {strides = array<i32>} : memref<80xi32, #tpu.memory_space<vmem>>, vector<16xi32>,
          %dma_start3A_373 = arith.constant 0 : i32
          %dma_start3A_374 = arith.constant 0 : i32
          %dma_start3A_375 = tpu.memref_slice %arg2[%add3A_113, %dma_start3A_373, %dma_start3A_374] : memref<4x10000x128xf32, #tpu.memory_space<hbm>> -> memref<1x10000x128xf32, #tpu.memory_space<hbm>>
          %dma_start3A_376 = tpu.memref_squeeze %dma_start3A_375 : memref<1x10000x128xf32, #tpu.memory_space<hbm>> -> memref<10000x128xf32, #tpu.memory_space<hbm>>
          %dma_start3A_377 = arith.constant 0 : i32
          %dma_start3A_378 = arith.constant 0 : i32
          %dma_start3A_379 = tpu.memref_slice %dma_start3A_376[%dma_start3A_377, %dma_start3A_378] : memref<10000x128xf32, #tpu.memory_space<hbm>> -> memref<10000x128xf32, #tpu.memory_space<hbm>>
          tpu.enqueue_indirect_dma source(%dma_start3A_379 : memref<10000x128xf32, #tpu.memory_space<hbm>>) target(%arg9 : memref<80x128xf32, #tpu.memory_space<vmem>>) offsets(%arg12 : memref<80xi32, #tpu.memory_space<vmem>>) semaphore(%arg18 : memref<!tpu.dma_semaphore, #tpu.memory_space<semaphore_mem>>)
        } else {
        }
        %dma_wait3A_252 = arith.constant 0 : i32
        %dma_wait3A_253 = arith.constant 0 : i32
        %dma_wait3A_254 = tpu.memref_slice %arg2[%add3A_113, %dma_wait3A_252, %dma_wait3A_253] : memref<4x10000x128xf32, #tpu.memory_space<hbm>> -> memref<1x10000x128xf32, #tpu.memory_space<hbm>>
        %dma_wait3A_255 = tpu.memref_squeeze %dma_wait3A_254 : memref<1x10000x128xf32, #tpu.memory_space<hbm>> -> memref<10000x128xf32, #tpu.memory_space<hbm>>
        %dma_wait3A_256 = arith.constant 0 : i32
        %dma_wait3A_257 = arith.constant 0 : i32
        %dma_wait3A_258 = tpu.memref_slice %dma_wait3A_255[%dma_wait3A_256, %dma_wait3A_257] : memref<10000x128xf32, #tpu.memory_space<hbm>> -> memref<10000x128xf32, #tpu.memory_space<hbm>>
        tpu.wait_indirect_dma semaphore(%arg17 : memref<!tpu.dma_semaphore, #tpu.memory_space<semaphore_mem>>) src(%dma_wait3A_258 : memref<10000x128xf32, #tpu.memory_space<hbm>>) dst(%arg8 : memref<80x128xf32, #tpu.memory_space<vmem>>)
        %dma_start3A_259 = arith.constant 0 : i32
        %dma_start3A_260 = arith.constant 0 : i32
        %dma_start3A_261 = tpu.memref_slice %arg6[%dma_start3A_259, %dma_start3A_260] : memref<10288x128xf32, #tpu.memory_space<vmem_shared>> -> memref<10288x128xf32, #tpu.memory_space<vmem_shared>>
        tpu.enqueue_indirect_dma source(%arg8 : memref<80x128xf32, #tpu.memory_space<vmem>>) target(%dma_start3A_261 : memref<10288x128xf32, #tpu.memory_space<vmem_shared>>) offsets(%arg14 : memref<80xi32, #tpu.memory_space<vmem>>) semaphore(%arg20 : memref<!tpu.dma_semaphore, #tpu.memory_space<semaphore_mem>>) {add = true}
      } else {
      }
      %add3A_231 = arith.constant 1 : i32
      %add3A_232 = arith.addi %mul3A_228, %add3A_231 : i32
      %lt3A_233 = arith.constant 128 : i32
      %lt3A_234 = arith.cmpi slt, %add3A_232, %lt3A_233 : i32
      %convert_element_type3A_235 = arith.extui %lt3A_234 : i1 to i32
      %cond3A_236 = arith.constant 0 : i32
      %cond3A_237 = arith.cmpi ne, %convert_element_type3A_235, %cond3A_236 : i32
      scf.if %cond3A_237 {
        %add3A_245 = arith.constant 1 : i32
        %add3A_246 = arith.addi %add3A_232, %add3A_245 : i32
        %lt3A_247 = arith.constant 128 : i32
        %lt3A_248 = arith.cmpi slt, %add3A_246, %lt3A_247 : i32
        %convert_element_type3A_249 = arith.extui %lt3A_248 : i1 to i32
        %cond3A_250 = arith.constant 0 : i32
        %cond3A_251 = arith.cmpi ne, %convert_element_type3A_249, %cond3A_250 : i32
        scf.if %cond3A_251 {
          %add3A_262 = arith.constant 1 : i32
          %add3A_263 = arith.addi %add3A_232, %add3A_262 : i32
          %ge3A = arith.constant 3 : i32
          %ge3A_264 = arith.cmpi sge, %add3A_263, %ge3A : i32
          %convert_element_type3A_265 = arith.extui %ge3A_264 : i1 to i32
          %cond3A_266 = arith.constant 0 : i32
          %cond3A_267 = arith.cmpi ne, %convert_element_type3A_265, %cond3A_266 : i32
          scf.if %cond3A_267 {
            %dma_wait3A_380 = arith.constant 0 : i32
            %dma_wait3A_381 = arith.constant 0 : i32
            %dma_wait3A_382 = tpu.memref_slice %arg6[%dma_wait3A_380, %dma_wait3A_381] : memref<10288x128xf32, #tpu.memory_space<vmem_shared>> -> memref<10288x128xf32, #tpu.memory_space<vmem_shared>>
            tpu.wait_indirect_dma semaphore(%arg22 : memref<!tpu.dma_semaphore, #tpu.memory_space<semaphore_mem>>) src(%arg10 : memref<80x128xf32, #tpu.memory_space<vmem>>) dst(%dma_wait3A_382 : memref<10288x128xf32, #tpu.memory_space<vmem_shared>>)
          } else {
          }
          %mul3A_268 = arith.constant 80 : i32
          %mul3A_269 = arith.muli %add3A_263, %mul3A_268 : i32
          %add3A_270 = arith.constant 0 : i32
          %add3A_271 = arith.addi %mul3A_269, %add3A_270 : i32
          %get3A_272 = arith.index_cast %add3A_271 : i32 to index
          %get3A_273 = tpu.vector_load %arg7[%get3A_272] {strides = array<i32>} : memref<10240xi32, #tpu.memory_space<vmem>>, vector<16xi32>,
          %get3A_274 = vector.shape_cast %get3A_273 : vector<16xi32> to vector<16xi32>
          %shift_right_logical3A_275 = arith.constant 14 : i32
          %shift_right_logical3A_276 = vector.broadcast %shift_right_logical3A_275 : i32 to vector<16xi32>
          %shift_right_logical3A_277 = arith.shrui %get3A_274, %shift_right_logical3A_276 : vector<16xi32>
          %swap3A_278 = arith.constant 0 : index
          %swap3A_279 = tpu.vector_load %arg16[%swap3A_278] {strides = array<i32>} : memref<80xi32, #tpu.memory_space<vmem>>, vector<16xi32>,
          %swap3A_280 = vector.shape_cast %swap3A_279 : vector<16xi32> to vector<16xi32>
          %swap3A_281 = vector.shape_cast %shift_right_logical3A_277 : vector<16xi32> to vector<16xi32>
          tpu.vector_store %arg16[%swap3A_278], %swap3A_281 {strides = array<i32>} : memref<80xi32, #tpu.memory_space<vmem>>, vector<16xi32>,
          %and3A_282 = arith.constant 16383 : i32
          %and3A_283 = vector.broadcast %and3A_282 : i32 to vector<16xi32>
          %and3A_284 = arith.andi %get3A_274, %and3A_283 : vector<16xi32>
          %swap3A_285 = arith.constant 0 : index
          %swap3A_286 = tpu.vector_load %arg13[%swap3A_285] {strides = array<i32>} : memref<80xi32, #tpu.memory_space<vmem>>, vector<16xi32>,
          %swap3A_287 = vector.shape_cast %swap3A_286 : vector<16xi32> to vector<16xi32>
          %swap3A_288 = vector.shape_cast %and3A_284 : vector<16xi32> to vector<16xi32>
          tpu.vector_store %arg13[%swap3A_285], %swap3A_288 {strides = array<i32>} : memref<80xi32, #tpu.memory_space<vmem>>, vector<16xi32>,
          %mul3A_289 = arith.constant 80 : i32
          %mul3A_290 = arith.muli %add3A_263, %mul3A_289 : i32
          %add3A_291 = arith.constant 16 : i32
          %add3A_292 = arith.addi %mul3A_290, %add3A_291 : i32
          %get3A_293 = arith.index_cast %add3A_292 : i32 to index
          %get3A_294 = tpu.vector_load %arg7[%get3A_293] {strides = array<i32>} : memref<10240xi32, #tpu.memory_space<vmem>>, vector<16xi32>,
          %get3A_295 = vector.shape_cast %get3A_294 : vector<16xi32> to vector<16xi32>
          %shift_right_logical3A_296 = arith.constant 14 : i32
          %shift_right_logical3A_297 = vector.broadcast %shift_right_logical3A_296 : i32 to vector<16xi32>
          %shift_right_logical3A_298 = arith.shrui %get3A_295, %shift_right_logical3A_297 : vector<16xi32>
          %swap3A_299 = arith.constant 16 : index
          %swap3A_300 = tpu.vector_load %arg16[%swap3A_299] {strides = array<i32>} : memref<80xi32, #tpu.memory_space<vmem>>, vector<16xi32>,
          %swap3A_301 = vector.shape_cast %swap3A_300 : vector<16xi32> to vector<16xi32>
          %swap3A_302 = vector.shape_cast %shift_right_logical3A_298 : vector<16xi32> to vector<16xi32>
          tpu.vector_store %arg16[%swap3A_299], %swap3A_302 {strides = array<i32>} : memref<80xi32, #tpu.memory_space<vmem>>, vector<16xi32>,
          %and3A_303 = arith.constant 16383 : i32
          %and3A_304 = vector.broadcast %and3A_303 : i32 to vector<16xi32>
          %and3A_305 = arith.andi %get3A_295, %and3A_304 : vector<16xi32>
          %swap3A_306 = arith.constant 16 : index
          %swap3A_307 = tpu.vector_load %arg13[%swap3A_306] {strides = array<i32>} : memref<80xi32, #tpu.memory_space<vmem>>, vector<16xi32>,
          %swap3A_308 = vector.shape_cast %swap3A_307 : vector<16xi32> to vector<16xi32>
          %swap3A_309 = vector.shape_cast %and3A_305 : vector<16xi32> to vector<16xi32>
          tpu.vector_store %arg13[%swap3A_306], %swap3A_309 {strides = array<i32>} : memref<80xi32, #tpu.memory_space<vmem>>, vector<16xi32>,
          %mul3A_310 = arith.constant 80 : i32
          %mul3A_311 = arith.muli %add3A_263, %mul3A_310 : i32
          %add3A_312 = arith.constant 32 : i32
          %add3A_313 = arith.addi %mul3A_311, %add3A_312 : i32
          %get3A_314 = arith.index_cast %add3A_313 : i32 to index
          %get3A_315 = tpu.vector_load %arg7[%get3A_314] {strides = array<i32>} : memref<10240xi32, #tpu.memory_space<vmem>>, vector<16xi32>,
          %get3A_316 = vector.shape_cast %get3A_315 : vector<16xi32> to vector<16xi32>
          %shift_right_logical3A_317 = arith.constant 14 : i32
          %shift_right_logical3A_318 = vector.broadcast %shift_right_logical3A_317 : i32 to vector<16xi32>
          %shift_right_logical3A_319 = arith.shrui %get3A_316, %shift_right_logical3A_318 : vector<16xi32>
          %swap3A_320 = arith.constant 32 : index
          %swap3A_321 = tpu.vector_load %arg16[%swap3A_320] {strides = array<i32>} : memref<80xi32, #tpu.memory_space<vmem>>, vector<16xi32>,
          %swap3A_322 = vector.shape_cast %swap3A_321 : vector<16xi32> to vector<16xi32>
          %swap3A_323 = vector.shape_cast %shift_right_logical3A_319 : vector<16xi32> to vector<16xi32>
          tpu.vector_store %arg16[%swap3A_320], %swap3A_323 {strides = array<i32>} : memref<80xi32, #tpu.memory_space<vmem>>, vector<16xi32>,
          %and3A_324 = arith.constant 16383 : i32
          %and3A_325 = vector.broadcast %and3A_324 : i32 to vector<16xi32>
          %and3A_326 = arith.andi %get3A_316, %and3A_325 : vector<16xi32>
          %swap3A_327 = arith.constant 32 : index
          %swap3A_328 = tpu.vector_load %arg13[%swap3A_327] {strides = array<i32>} : memref<80xi32, #tpu.memory_space<vmem>>, vector<16xi32>,
          %swap3A_329 = vector.shape_cast %swap3A_328 : vector<16xi32> to vector<16xi32>
          %swap3A_330 = vector.shape_cast %and3A_326 : vector<16xi32> to vector<16xi32>
          tpu.vector_store %arg13[%swap3A_327], %swap3A_330 {strides = array<i32>} : memref<80xi32, #tpu.memory_space<vmem>>, vector<16xi32>,
          %mul3A_331 = arith.constant 80 : i32
          %mul3A_332 = arith.muli %add3A_263, %mul3A_331 : i32
          %add3A_333 = arith.constant 48 : i32
          %add3A_334 = arith.addi %mul3A_332, %add3A_333 : i32
          %get3A_335 = arith.index_cast %add3A_334 : i32 to index
          %get3A_336 = tpu.vector_load %arg7[%get3A_335] {strides = array<i32>} : memref<10240xi32, #tpu.memory_space<vmem>>, vector<16xi32>,
          %get3A_337 = vector.shape_cast %get3A_336 : vector<16xi32> to vector<16xi32>
          %shift_right_logical3A_338 = arith.constant 14 : i32
          %shift_right_logical3A_339 = vector.broadcast %shift_right_logical3A_338 : i32 to vector<16xi32>
          %shift_right_logical3A_340 = arith.shrui %get3A_337, %shift_right_logical3A_339 : vector<16xi32>
          %swap3A_341 = arith.constant 48 : index
          %swap3A_342 = tpu.vector_load %arg16[%swap3A_341] {strides = array<i32>} : memref<80xi32, #tpu.memory_space<vmem>>, vector<16xi32>,
          %swap3A_343 = vector.shape_cast %swap3A_342 : vector<16xi32> to vector<16xi32>
          %swap3A_344 = vector.shape_cast %shift_right_logical3A_340 : vector<16xi32> to vector<16xi32>
          tpu.vector_store %arg16[%swap3A_341], %swap3A_344 {strides = array<i32>} : memref<80xi32, #tpu.memory_space<vmem>>, vector<16xi32>,
          %and3A_345 = arith.constant 16383 : i32
          %and3A_346 = vector.broadcast %and3A_345 : i32 to vector<16xi32>
          %and3A_347 = arith.andi %get3A_337, %and3A_346 : vector<16xi32>
          %swap3A_348 = arith.constant 48 : index
          %swap3A_349 = tpu.vector_load %arg13[%swap3A_348] {strides = array<i32>} : memref<80xi32, #tpu.memory_space<vmem>>, vector<16xi32>,
          %swap3A_350 = vector.shape_cast %swap3A_349 : vector<16xi32> to vector<16xi32>
          %swap3A_351 = vector.shape_cast %and3A_347 : vector<16xi32> to vector<16xi32>
          tpu.vector_store %arg13[%swap3A_348], %swap3A_351 {strides = array<i32>} : memref<80xi32, #tpu.memory_space<vmem>>, vector<16xi32>,
          %mul3A_352 = arith.constant 80 : i32
          %mul3A_353 = arith.muli %add3A_263, %mul3A_352 : i32
          %add3A_354 = arith.constant 64 : i32
          %add3A_355 = arith.addi %mul3A_353, %add3A_354 : i32
          %get3A_356 = arith.index_cast %add3A_355 : i32 to index
          %get3A_357 = tpu.vector_load %arg7[%get3A_356] {strides = array<i32>} : memref<10240xi32, #tpu.memory_space<vmem>>, vector<16xi32>,
          %get3A_358 = vector.shape_cast %get3A_357 : vector<16xi32> to vector<16xi32>
          %shift_right_logical3A_359 = arith.constant 14 : i32
          %shift_right_logical3A_360 = vector.broadcast %shift_right_logical3A_359 : i32 to vector<16xi32>
          %shift_right_logical3A_361 = arith.shrui %get3A_358, %shift_right_logical3A_360 : vector<16xi32>
          %swap3A_362 = arith.constant 64 : index
          %swap3A_363 = tpu.vector_load %arg16[%swap3A_362] {strides = array<i32>} : memref<80xi32, #tpu.memory_space<vmem>>, vector<16xi32>,
          %swap3A_364 = vector.shape_cast %swap3A_363 : vector<16xi32> to vector<16xi32>
          %swap3A_365 = vector.shape_cast %shift_right_logical3A_361 : vector<16xi32> to vector<16xi32>
          tpu.vector_store %arg16[%swap3A_362], %swap3A_365 {strides = array<i32>} : memref<80xi32, #tpu.memory_space<vmem>>, vector<16xi32>,
          %and3A_366 = arith.constant 16383 : i32
          %and3A_367 = vector.broadcast %and3A_366 : i32 to vector<16xi32>
          %and3A_368 = arith.andi %get3A_358, %and3A_367 : vector<16xi32>
          %swap3A_369 = arith.constant 64 : index
          %swap3A_370 = tpu.vector_load %arg13[%swap3A_369] {strides = array<i32>} : memref<80xi32, #tpu.memory_space<vmem>>, vector<16xi32>,
          %swap3A_371 = vector.shape_cast %swap3A_370 : vector<16xi32> to vector<16xi32>
          %swap3A_372 = vector.shape_cast %and3A_368 : vector<16xi32> to vector<16xi32>
          tpu.vector_store %arg13[%swap3A_369], %swap3A_372 {strides = array<i32>} : memref<80xi32, #tpu.memory_space<vmem>>, vector<16xi32>,
          %dma_start3A_373 = arith.constant 0 : i32
          %dma_start3A_374 = arith.constant 0 : i32
          %dma_start3A_375 = tpu.memref_slice %arg2[%add3A_113, %dma_start3A_373, %dma_start3A_374] : memref<4x10000x128xf32, #tpu.memory_space<hbm>> -> memref<1x10000x128xf32, #tpu.memory_space<hbm>>
          %dma_start3A_376 = tpu.memref_squeeze %dma_start3A_375 : memref<1x10000x128xf32, #tpu.memory_space<hbm>> -> memref<10000x128xf32, #tpu.memory_space<hbm>>
          %dma_start3A_377 = arith.constant 0 : i32
          %dma_start3A_378 = arith.constant 0 : i32
          %dma_start3A_379 = tpu.memref_slice %dma_start3A_376[%dma_start3A_377, %dma_start3A_378] : memref<10000x128xf32, #tpu.memory_space<hbm>> -> memref<10000x128xf32, #tpu.memory_space<hbm>>
          tpu.enqueue_indirect_dma source(%dma_start3A_379 : memref<10000x128xf32, #tpu.memory_space<hbm>>) target(%arg10 : memref<80x128xf32, #tpu.memory_space<vmem>>) offsets(%arg13 : memref<80xi32, #tpu.memory_space<vmem>>) semaphore(%arg19 : memref<!tpu.dma_semaphore, #tpu.memory_space<semaphore_mem>>)
        } else {
        }
        %dma_wait3A_252 = arith.constant 0 : i32
        %dma_wait3A_253 = arith.constant 0 : i32
        %dma_wait3A_254 = tpu.memref_slice %arg2[%add3A_113, %dma_wait3A_252, %dma_wait3A_253] : memref<4x10000x128xf32, #tpu.memory_space<hbm>> -> memref<1x10000x128xf32, #tpu.memory_space<hbm>>
        %dma_wait3A_255 = tpu.memref_squeeze %dma_wait3A_254 : memref<1x10000x128xf32, #tpu.memory_space<hbm>> -> memref<10000x128xf32, #tpu.memory_space<hbm>>
        %dma_wait3A_256 = arith.constant 0 : i32
        %dma_wait3A_257 = arith.constant 0 : i32
        %dma_wait3A_258 = tpu.memref_slice %dma_wait3A_255[%dma_wait3A_256, %dma_wait3A_257] : memref<10000x128xf32, #tpu.memory_space<hbm>> -> memref<10000x128xf32, #tpu.memory_space<hbm>>
        tpu.wait_indirect_dma semaphore(%arg18 : memref<!tpu.dma_semaphore, #tpu.memory_space<semaphore_mem>>) src(%dma_wait3A_258 : memref<10000x128xf32, #tpu.memory_space<hbm>>) dst(%arg9 : memref<80x128xf32, #tpu.memory_space<vmem>>)
        %dma_start3A_259 = arith.constant 0 : i32
        %dma_start3A_260 = arith.constant 0 : i32
        %dma_start3A_261 = tpu.memref_slice %arg6[%dma_start3A_259, %dma_start3A_260] : memref<10288x128xf32, #tpu.memory_space<vmem_shared>> -> memref<10288x128xf32, #tpu.memory_space<vmem_shared>>
        tpu.enqueue_indirect_dma source(%arg9 : memref<80x128xf32, #tpu.memory_space<vmem>>) target(%dma_start3A_261 : memref<10288x128xf32, #tpu.memory_space<vmem_shared>>) offsets(%arg15 : memref<80xi32, #tpu.memory_space<vmem>>) semaphore(%arg21 : memref<!tpu.dma_semaphore, #tpu.memory_space<semaphore_mem>>) {add = true}
      } else {
      }
      %add3A_238 = arith.constant 2 : i32
      %add3A_239 = arith.addi %mul3A_228, %add3A_238 : i32
      %lt3A_240 = arith.constant 128 : i32
      %lt3A_241 = arith.cmpi slt, %add3A_239, %lt3A_240 : i32
      %convert_element_type3A_242 = arith.extui %lt3A_241 : i1 to i32
      %cond3A_243 = arith.constant 0 : i32
      %cond3A_244 = arith.cmpi ne, %convert_element_type3A_242, %cond3A_243 : i32
      scf.if %cond3A_244 {
        %add3A_245 = arith.constant 1 : i32
        %add3A_246 = arith.addi %add3A_239, %add3A_245 : i32
        %lt3A_247 = arith.constant 128 : i32
        %lt3A_248 = arith.cmpi slt, %add3A_246, %lt3A_247 : i32
        %convert_element_type3A_249 = arith.extui %lt3A_248 : i1 to i32
        %cond3A_250 = arith.constant 0 : i32
        %cond3A_251 = arith.cmpi ne, %convert_element_type3A_249, %cond3A_250 : i32
        scf.if %cond3A_251 {
          %add3A_262 = arith.constant 1 : i32
          %add3A_263 = arith.addi %add3A_239, %add3A_262 : i32
          %ge3A = arith.constant 3 : i32
          %ge3A_264 = arith.cmpi sge, %add3A_263, %ge3A : i32
          %convert_element_type3A_265 = arith.extui %ge3A_264 : i1 to i32
          %cond3A_266 = arith.constant 0 : i32
          %cond3A_267 = arith.cmpi ne, %convert_element_type3A_265, %cond3A_266 : i32
          scf.if %cond3A_267 {
            %dma_wait3A_380 = arith.constant 0 : i32
            %dma_wait3A_381 = arith.constant 0 : i32
            %dma_wait3A_382 = tpu.memref_slice %arg6[%dma_wait3A_380, %dma_wait3A_381] : memref<10288x128xf32, #tpu.memory_space<vmem_shared>> -> memref<10288x128xf32, #tpu.memory_space<vmem_shared>>
            tpu.wait_indirect_dma semaphore(%arg20 : memref<!tpu.dma_semaphore, #tpu.memory_space<semaphore_mem>>) src(%arg8 : memref<80x128xf32, #tpu.memory_space<vmem>>) dst(%dma_wait3A_382 : memref<10288x128xf32, #tpu.memory_space<vmem_shared>>)
          } else {
          }
          %mul3A_268 = arith.constant 80 : i32
          %mul3A_269 = arith.muli %add3A_263, %mul3A_268 : i32
          %add3A_270 = arith.constant 0 : i32
          %add3A_271 = arith.addi %mul3A_269, %add3A_270 : i32
          %get3A_272 = arith.index_cast %add3A_271 : i32 to index
          %get3A_273 = tpu.vector_load %arg7[%get3A_272] {strides = array<i32>} : memref<10240xi32, #tpu.memory_space<vmem>>, vector<16xi32>,
          %get3A_274 = vector.shape_cast %get3A_273 : vector<16xi32> to vector<16xi32>
          %shift_right_logical3A_275 = arith.constant 14 : i32
          %shift_right_logical3A_276 = vector.broadcast %shift_right_logical3A_275 : i32 to vector<16xi32>
          %shift_right_logical3A_277 = arith.shrui %get3A_274, %shift_right_logical3A_276 : vector<16xi32>
          %swap3A_278 = arith.constant 0 : index
          %swap3A_279 = tpu.vector_load %arg14[%swap3A_278] {strides = array<i32>} : memref<80xi32, #tpu.memory_space<vmem>>, vector<16xi32>,
          %swap3A_280 = vector.shape_cast %swap3A_279 : vector<16xi32> to vector<16xi32>
          %swap3A_281 = vector.shape_cast %shift_right_logical3A_277 : vector<16xi32> to vector<16xi32>
          tpu.vector_store %arg14[%swap3A_278], %swap3A_281 {strides = array<i32>} : memref<80xi32, #tpu.memory_space<vmem>>, vector<16xi32>,
          %and3A_282 = arith.constant 16383 : i32
          %and3A_283 = vector.broadcast %and3A_282 : i32 to vector<16xi32>
          %and3A_284 = arith.andi %get3A_274, %and3A_283 : vector<16xi32>
          %swap3A_285 = arith.constant 0 : index
          %swap3A_286 = tpu.vector_load %arg11[%swap3A_285] {strides = array<i32>} : memref<80xi32, #tpu.memory_space<vmem>>, vector<16xi32>,
          %swap3A_287 = vector.shape_cast %swap3A_286 : vector<16xi32> to vector<16xi32>
          %swap3A_288 = vector.shape_cast %and3A_284 : vector<16xi32> to vector<16xi32>
          tpu.vector_store %arg11[%swap3A_285], %swap3A_288 {strides = array<i32>} : memref<80xi32, #tpu.memory_space<vmem>>, vector<16xi32>,
          %mul3A_289 = arith.constant 80 : i32
          %mul3A_290 = arith.muli %add3A_263, %mul3A_289 : i32
          %add3A_291 = arith.constant 16 : i32
          %add3A_292 = arith.addi %mul3A_290, %add3A_291 : i32
          %get3A_293 = arith.index_cast %add3A_292 : i32 to index
          %get3A_294 = tpu.vector_load %arg7[%get3A_293] {strides = array<i32>} : memref<10240xi32, #tpu.memory_space<vmem>>, vector<16xi32>,
          %get3A_295 = vector.shape_cast %get3A_294 : vector<16xi32> to vector<16xi32>
          %shift_right_logical3A_296 = arith.constant 14 : i32
          %shift_right_logical3A_297 = vector.broadcast %shift_right_logical3A_296 : i32 to vector<16xi32>
          %shift_right_logical3A_298 = arith.shrui %get3A_295, %shift_right_logical3A_297 : vector<16xi32>
          %swap3A_299 = arith.constant 16 : index
          %swap3A_300 = tpu.vector_load %arg14[%swap3A_299] {strides = array<i32>} : memref<80xi32, #tpu.memory_space<vmem>>, vector<16xi32>,
          %swap3A_301 = vector.shape_cast %swap3A_300 : vector<16xi32> to vector<16xi32>
          %swap3A_302 = vector.shape_cast %shift_right_logical3A_298 : vector<16xi32> to vector<16xi32>
          tpu.vector_store %arg14[%swap3A_299], %swap3A_302 {strides = array<i32>} : memref<80xi32, #tpu.memory_space<vmem>>, vector<16xi32>,
          %and3A_303 = arith.constant 16383 : i32
          %and3A_304 = vector.broadcast %and3A_303 : i32 to vector<16xi32>
          %and3A_305 = arith.andi %get3A_295, %and3A_304 : vector<16xi32>
          %swap3A_306 = arith.constant 16 : index
          %swap3A_307 = tpu.vector_load %arg11[%swap3A_306] {strides = array<i32>} : memref<80xi32, #tpu.memory_space<vmem>>, vector<16xi32>,
          %swap3A_308 = vector.shape_cast %swap3A_307 : vector<16xi32> to vector<16xi32>
          %swap3A_309 = vector.shape_cast %and3A_305 : vector<16xi32> to vector<16xi32>
          tpu.vector_store %arg11[%swap3A_306], %swap3A_309 {strides = array<i32>} : memref<80xi32, #tpu.memory_space<vmem>>, vector<16xi32>,
          %mul3A_310 = arith.constant 80 : i32
          %mul3A_311 = arith.muli %add3A_263, %mul3A_310 : i32
          %add3A_312 = arith.constant 32 : i32
          %add3A_313 = arith.addi %mul3A_311, %add3A_312 : i32
          %get3A_314 = arith.index_cast %add3A_313 : i32 to index
          %get3A_315 = tpu.vector_load %arg7[%get3A_314] {strides = array<i32>} : memref<10240xi32, #tpu.memory_space<vmem>>, vector<16xi32>,
          %get3A_316 = vector.shape_cast %get3A_315 : vector<16xi32> to vector<16xi32>
          %shift_right_logical3A_317 = arith.constant 14 : i32
          %shift_right_logical3A_318 = vector.broadcast %shift_right_logical3A_317 : i32 to vector<16xi32>
          %shift_right_logical3A_319 = arith.shrui %get3A_316, %shift_right_logical3A_318 : vector<16xi32>
          %swap3A_320 = arith.constant 32 : index
          %swap3A_321 = tpu.vector_load %arg14[%swap3A_320] {strides = array<i32>} : memref<80xi32, #tpu.memory_space<vmem>>, vector<16xi32>,
          %swap3A_322 = vector.shape_cast %swap3A_321 : vector<16xi32> to vector<16xi32>
          %swap3A_323 = vector.shape_cast %shift_right_logical3A_319 : vector<16xi32> to vector<16xi32>
          tpu.vector_store %arg14[%swap3A_320], %swap3A_323 {strides = array<i32>} : memref<80xi32, #tpu.memory_space<vmem>>, vector<16xi32>,
          %and3A_324 = arith.constant 16383 : i32
          %and3A_325 = vector.broadcast %and3A_324 : i32 to vector<16xi32>
          %and3A_326 = arith.andi %get3A_316, %and3A_325 : vector<16xi32>
          %swap3A_327 = arith.constant 32 : index
          %swap3A_328 = tpu.vector_load %arg11[%swap3A_327] {strides = array<i32>} : memref<80xi32, #tpu.memory_space<vmem>>, vector<16xi32>,
          %swap3A_329 = vector.shape_cast %swap3A_328 : vector<16xi32> to vector<16xi32>
          %swap3A_330 = vector.shape_cast %and3A_326 : vector<16xi32> to vector<16xi32>
          tpu.vector_store %arg11[%swap3A_327], %swap3A_330 {strides = array<i32>} : memref<80xi32, #tpu.memory_space<vmem>>, vector<16xi32>,
          %mul3A_331 = arith.constant 80 : i32
          %mul3A_332 = arith.muli %add3A_263, %mul3A_331 : i32
          %add3A_333 = arith.constant 48 : i32
          %add3A_334 = arith.addi %mul3A_332, %add3A_333 : i32
          %get3A_335 = arith.index_cast %add3A_334 : i32 to index
          %get3A_336 = tpu.vector_load %arg7[%get3A_335] {strides = array<i32>} : memref<10240xi32, #tpu.memory_space<vmem>>, vector<16xi32>,
          %get3A_337 = vector.shape_cast %get3A_336 : vector<16xi32> to vector<16xi32>
          %shift_right_logical3A_338 = arith.constant 14 : i32
          %shift_right_logical3A_339 = vector.broadcast %shift_right_logical3A_338 : i32 to vector<16xi32>
          %shift_right_logical3A_340 = arith.shrui %get3A_337, %shift_right_logical3A_339 : vector<16xi32>
          %swap3A_341 = arith.constant 48 : index
          %swap3A_342 = tpu.vector_load %arg14[%swap3A_341] {strides = array<i32>} : memref<80xi32, #tpu.memory_space<vmem>>, vector<16xi32>,
          %swap3A_343 = vector.shape_cast %swap3A_342 : vector<16xi32> to vector<16xi32>
          %swap3A_344 = vector.shape_cast %shift_right_logical3A_340 : vector<16xi32> to vector<16xi32>
          tpu.vector_store %arg14[%swap3A_341], %swap3A_344 {strides = array<i32>} : memref<80xi32, #tpu.memory_space<vmem>>, vector<16xi32>,
          %and3A_345 = arith.constant 16383 : i32
          %and3A_346 = vector.broadcast %and3A_345 : i32 to vector<16xi32>
          %and3A_347 = arith.andi %get3A_337, %and3A_346 : vector<16xi32>
          %swap3A_348 = arith.constant 48 : index
          %swap3A_349 = tpu.vector_load %arg11[%swap3A_348] {strides = array<i32>} : memref<80xi32, #tpu.memory_space<vmem>>, vector<16xi32>,
          %swap3A_350 = vector.shape_cast %swap3A_349 : vector<16xi32> to vector<16xi32>
          %swap3A_351 = vector.shape_cast %and3A_347 : vector<16xi32> to vector<16xi32>
          tpu.vector_store %arg11[%swap3A_348], %swap3A_351 {strides = array<i32>} : memref<80xi32, #tpu.memory_space<vmem>>, vector<16xi32>,
          %mul3A_352 = arith.constant 80 : i32
          %mul3A_353 = arith.muli %add3A_263, %mul3A_352 : i32
          %add3A_354 = arith.constant 64 : i32
          %add3A_355 = arith.addi %mul3A_353, %add3A_354 : i32
          %get3A_356 = arith.index_cast %add3A_355 : i32 to index
          %get3A_357 = tpu.vector_load %arg7[%get3A_356] {strides = array<i32>} : memref<10240xi32, #tpu.memory_space<vmem>>, vector<16xi32>,
          %get3A_358 = vector.shape_cast %get3A_357 : vector<16xi32> to vector<16xi32>
          %shift_right_logical3A_359 = arith.constant 14 : i32
          %shift_right_logical3A_360 = vector.broadcast %shift_right_logical3A_359 : i32 to vector<16xi32>
          %shift_right_logical3A_361 = arith.shrui %get3A_358, %shift_right_logical3A_360 : vector<16xi32>
          %swap3A_362 = arith.constant 64 : index
          %swap3A_363 = tpu.vector_load %arg14[%swap3A_362] {strides = array<i32>} : memref<80xi32, #tpu.memory_space<vmem>>, vector<16xi32>,
          %swap3A_364 = vector.shape_cast %swap3A_363 : vector<16xi32> to vector<16xi32>
          %swap3A_365 = vector.shape_cast %shift_right_logical3A_361 : vector<16xi32> to vector<16xi32>
          tpu.vector_store %arg14[%swap3A_362], %swap3A_365 {strides = array<i32>} : memref<80xi32, #tpu.memory_space<vmem>>, vector<16xi32>,
          %and3A_366 = arith.constant 16383 : i32
          %and3A_367 = vector.broadcast %and3A_366 : i32 to vector<16xi32>
          %and3A_368 = arith.andi %get3A_358, %and3A_367 : vector<16xi32>
          %swap3A_369 = arith.constant 64 : index
          %swap3A_370 = tpu.vector_load %arg11[%swap3A_369] {strides = array<i32>} : memref<80xi32, #tpu.memory_space<vmem>>, vector<16xi32>,
          %swap3A_371 = vector.shape_cast %swap3A_370 : vector<16xi32> to vector<16xi32>
          %swap3A_372 = vector.shape_cast %and3A_368 : vector<16xi32> to vector<16xi32>
          tpu.vector_store %arg11[%swap3A_369], %swap3A_372 {strides = array<i32>} : memref<80xi32, #tpu.memory_space<vmem>>, vector<16xi32>,
          %dma_start3A_373 = arith.constant 0 : i32
          %dma_start3A_374 = arith.constant 0 : i32
          %dma_start3A_375 = tpu.memref_slice %arg2[%add3A_113, %dma_start3A_373, %dma_start3A_374] : memref<4x10000x128xf32, #tpu.memory_space<hbm>> -> memref<1x10000x128xf32, #tpu.memory_space<hbm>>
          %dma_start3A_376 = tpu.memref_squeeze %dma_start3A_375 : memref<1x10000x128xf32, #tpu.memory_space<hbm>> -> memref<10000x128xf32, #tpu.memory_space<hbm>>
          %dma_start3A_377 = arith.constant 0 : i32
          %dma_start3A_378 = arith.constant 0 : i32
          %dma_start3A_379 = tpu.memref_slice %dma_start3A_376[%dma_start3A_377, %dma_start3A_378] : memref<10000x128xf32, #tpu.memory_space<hbm>> -> memref<10000x128xf32, #tpu.memory_space<hbm>>
          tpu.enqueue_indirect_dma source(%dma_start3A_379 : memref<10000x128xf32, #tpu.memory_space<hbm>>) target(%arg8 : memref<80x128xf32, #tpu.memory_space<vmem>>) offsets(%arg11 : memref<80xi32, #tpu.memory_space<vmem>>) semaphore(%arg17 : memref<!tpu.dma_semaphore, #tpu.memory_space<semaphore_mem>>)
        } else {
        }
        %dma_wait3A_252 = arith.constant 0 : i32
        %dma_wait3A_253 = arith.constant 0 : i32
        %dma_wait3A_254 = tpu.memref_slice %arg2[%add3A_113, %dma_wait3A_252, %dma_wait3A_253] : memref<4x10000x128xf32, #tpu.memory_space<hbm>> -> memref<1x10000x128xf32, #tpu.memory_space<hbm>>
        %dma_wait3A_255 = tpu.memref_squeeze %dma_wait3A_254 : memref<1x10000x128xf32, #tpu.memory_space<hbm>> -> memref<10000x128xf32, #tpu.memory_space<hbm>>
        %dma_wait3A_256 = arith.constant 0 : i32
        %dma_wait3A_257 = arith.constant 0 : i32
        %dma_wait3A_258 = tpu.memref_slice %dma_wait3A_255[%dma_wait3A_256, %dma_wait3A_257] : memref<10000x128xf32, #tpu.memory_space<hbm>> -> memref<10000x128xf32, #tpu.memory_space<hbm>>
        tpu.wait_indirect_dma semaphore(%arg19 : memref<!tpu.dma_semaphore, #tpu.memory_space<semaphore_mem>>) src(%dma_wait3A_258 : memref<10000x128xf32, #tpu.memory_space<hbm>>) dst(%arg10 : memref<80x128xf32, #tpu.memory_space<vmem>>)
        %dma_start3A_259 = arith.constant 0 : i32
        %dma_start3A_260 = arith.constant 0 : i32
        %dma_start3A_261 = tpu.memref_slice %arg6[%dma_start3A_259, %dma_start3A_260] : memref<10288x128xf32, #tpu.memory_space<vmem_shared>> -> memref<10288x128xf32, #tpu.memory_space<vmem_shared>>
        tpu.enqueue_indirect_dma source(%arg10 : memref<80x128xf32, #tpu.memory_space<vmem>>) target(%dma_start3A_261 : memref<10288x128xf32, #tpu.memory_space<vmem_shared>>) offsets(%arg16 : memref<80xi32, #tpu.memory_space<vmem>>) semaphore(%arg22 : memref<!tpu.dma_semaphore, #tpu.memory_space<semaphore_mem>>) {add = true}
      } else {
      }
    }
    %scan3A_212 = arith.constant 43 : i32
    %dma_wait3A_213 = arith.constant 0 : i32
    %dma_wait3A_214 = arith.constant 0 : i32
    %dma_wait3A_215 = tpu.memref_slice %arg6[%dma_wait3A_213, %dma_wait3A_214] : memref<10288x128xf32, #tpu.memory_space<vmem_shared>> -> memref<10288x128xf32, #tpu.memory_space<vmem_shared>>
    tpu.wait_indirect_dma semaphore(%arg20 : memref<!tpu.dma_semaphore, #tpu.memory_space<semaphore_mem>>) src(%arg8 : memref<80x128xf32, #tpu.memory_space<vmem>>) dst(%dma_wait3A_215 : memref<10288x128xf32, #tpu.memory_space<vmem_shared>>)
    %dma_wait3A_216 = arith.constant 0 : i32
    %dma_wait3A_217 = arith.constant 0 : i32
    %dma_wait3A_218 = tpu.memref_slice %arg6[%dma_wait3A_216, %dma_wait3A_217] : memref<10288x128xf32, #tpu.memory_space<vmem_shared>> -> memref<10288x128xf32, #tpu.memory_space<vmem_shared>>
    tpu.wait_indirect_dma semaphore(%arg21 : memref<!tpu.dma_semaphore, #tpu.memory_space<semaphore_mem>>) src(%arg9 : memref<80x128xf32, #tpu.memory_space<vmem>>) dst(%dma_wait3A_218 : memref<10288x128xf32, #tpu.memory_space<vmem_shared>>)
    %dma_wait3A_219 = arith.constant 0 : i32
    %dma_wait3A_220 = arith.constant 0 : i32
    %dma_wait3A_221 = tpu.memref_slice %arg6[%dma_wait3A_219, %dma_wait3A_220] : memref<10288x128xf32, #tpu.memory_space<vmem_shared>> -> memref<10288x128xf32, #tpu.memory_space<vmem_shared>>
    tpu.wait_indirect_dma semaphore(%arg22 : memref<!tpu.dma_semaphore, #tpu.memory_space<semaphore_mem>>) src(%arg10 : memref<80x128xf32, #tpu.memory_space<vmem>>) dst(%dma_wait3A_221 : memref<10288x128xf32, #tpu.memory_space<vmem_shared>>)
    %barrier3A_222 = arith.constant 0 : index
    tpu.barrier barrier_id(%barrier3A_222)
    %mul3A_223 = arith.constant 128 : i32
    %mul3A_224 = arith.muli %add3A_113, %mul3A_223 : i32
    "tpu.region"() ({
      %run_scoped3A = tpu.sem_alloc : memref<!tpu.dma_semaphore, #tpu.memory_space<semaphore_mem>>
      %dma_start3A_226 = tpu.memref_slice %arg5[%mul3A_2, %mul3A_224] : memref<10240x512xf32, #tpu.memory_space<hbm>> -> memref<640x128xf32, #tpu.memory_space<hbm>>
      %dma_start3A_227 = arith.constant 0 : i32
      %dma_start3A_228 = tpu.memref_slice %arg6[%mul3A_2, %dma_start3A_227] : memref<10288x128xf32, #tpu.memory_space<vmem_shared>> -> memref<640x128xf32, #tpu.memory_space<vmem_shared>>
      tpu.enqueue_dma source(%dma_start3A_228 : memref<640x128xf32, #tpu.memory_space<vmem_shared>>) target(%dma_start3A_226 : memref<640x128xf32, #tpu.memory_space<hbm>>) target_semaphore(%run_scoped3A : memref<!tpu.dma_semaphore, #tpu.memory_space<semaphore_mem>>)
      %dma_wait3A_229 = tpu.memref_slice %arg5[%mul3A_2, %mul3A_224] : memref<10240x512xf32, #tpu.memory_space<hbm>> -> memref<640x128xf32, #tpu.memory_space<hbm>>
      %dma_wait3A_230 = arith.constant 0 : i32
      %dma_wait3A_231 = tpu.memref_slice %arg6[%mul3A_2, %dma_wait3A_230] : memref<10288x128xf32, #tpu.memory_space<vmem_shared>> -> memref<640x128xf32, #tpu.memory_space<vmem_shared>>
      tpu.wait_dma2 semaphore(%run_scoped3A : memref<!tpu.dma_semaphore, #tpu.memory_space<semaphore_mem>>) src(%dma_wait3A_231 : memref<640x128xf32, #tpu.memory_space<vmem_shared>>) dst(%dma_wait3A_229 : memref<640x128xf32, #tpu.memory_space<hbm>>)
      tpu.yield
    }) : () -> ()
    %barrier3A_225 = arith.constant 0 : index
    tpu.barrier barrier_id(%barrier3A_225)
    return
  }
}

module attributes {stable_mosaic.version = 14 : i64} {
  func.func @_prep_body(%arg0: i32, %arg1: i32, %arg2: memref<2000x128xf32, #tpu.memory_space<vmem>>, %arg3: memref<2000x1xf32, #tpu.memory_space<vmem>>, %arg4: memref<1x2000x128xf32, #tpu.memory_space<vmem>>) attributes {dimension_semantics = [#tpu.dimension_semantics<arbitrary>, #tpu.dimension_semantics<arbitrary>], iteration_bounds = array<i64: 2, 5>, scalar_prefetch = 0 : i64, scratch_operands = 0 : i64, tpu.core_type = #tpu.core_type<tc>, window_params = [{transform_indices = @transform_0, window_bounds = array<i64: 2000, 128>}, {transform_indices = @transform_1, window_bounds = array<i64: 2000, 1>}, {transform_indices = @transform_2, window_bounds = array<i64: 1, 2000, 128>}]} {
    %get3A = arith.constant 0 : index
    %get3A_0 = arith.constant 0 : index
    %get3A_1 = vector.load %arg3[%get3A, %get3A_0] : memref<2000x1xf32, #tpu.memory_space<vmem>>, vector<2000x1xf32>
    %max3A = arith.constant 1.000000e+00 : f32
    %max3A_2 = vector.broadcast %max3A : f32 to vector<2000x1xf32>
    %max3A_3 = arith.maximumf %get3A_1, %max3A_2 : vector<2000x1xf32>
    %rsqrt3A = math.rsqrt %max3A_3 : vector<2000x1xf32>
    %get3A_4 = arith.constant 0 : index
    %get3A_5 = arith.constant 0 : index
    %get3A_6 = vector.load %arg2[%get3A_4, %get3A_5] : memref<2000x128xf32, #tpu.memory_space<vmem>>, vector<2000x128xf32>
    %mul3A = vector.broadcast %rsqrt3A : vector<2000x1xf32> to vector<2000x128xf32>
    %mul3A_7 = arith.mulf %get3A_6, %mul3A : vector<2000x128xf32>
    %swap3A = arith.constant 0 : index
    %swap3A_8 = arith.constant 0 : index
    %swap3A_9 = arith.constant 0 : index
    %swap3A_10 = vector.load %arg4[%swap3A, %swap3A_8, %swap3A_9] : memref<1x2000x128xf32, #tpu.memory_space<vmem>>, vector<1x2000x128xf32>
    %swap3A_11 = vector.shape_cast %swap3A_10 : vector<1x2000x128xf32> to vector<2000x128xf32>
    %swap3A_12 = vector.shape_cast %mul3A_7 : vector<2000x128xf32> to vector<1x2000x128xf32>
    tpu.vector_store %arg4[%swap3A, %swap3A_8, %swap3A_9], %swap3A_12 {strides = array<i32>} : memref<1x2000x128xf32, #tpu.memory_space<vmem>>, vector<1x2000x128xf32>,
    return
  }
  func.func @transform_0(%arg0: i32, %arg1: i32) -> (i32, i32) {
    %c0_i32 = arith.constant 0 : i32
    return %arg1, %arg0 : i32, i32
  }
  func.func @transform_1(%arg0: i32, %arg1: i32) -> (i32, i32) {
    %c0_i32 = arith.constant 0 : i32
    %c0_i32_0 = arith.constant 0 : i32
    return %arg1, %c0_i32 : i32, i32
  }
  func.func @transform_2(%arg0: i32, %arg1: i32) -> (i32, i32, i32) {
    %c0_i32 = arith.constant 0 : i32
    %c0_i32_0 = arith.constant 0 : i32
    return %arg0, %arg1, %c0_i32 : i32, i32, i32
  }
}

module attributes {stable_mosaic.version = 14 : i64} {
  func.func @_mm1_body(%arg0: i32, %arg1: i32, %arg2: memref<2000x256xf32, #tpu.memory_space<vmem>>, %arg3: memref<2000x1xf32, #tpu.memory_space<vmem>>, %arg4: memref<2000x1xf32, #tpu.memory_space<vmem>>, %arg5: memref<256x128xbf16, #tpu.memory_space<vmem>>, %arg6: memref<1x128xf32, #tpu.memory_space<vmem>>, %arg7: memref<1x2000x128xf32, #tpu.memory_space<vmem>>, %arg8: memref<2000x256xbf16, #tpu.memory_space<vmem>>) attributes {dimension_semantics = [#tpu.dimension_semantics<arbitrary>, #tpu.dimension_semantics<arbitrary>], iteration_bounds = array<i64: 5, 4>, scalar_prefetch = 0 : i64, scratch_operands = 1 : i64, tpu.core_type = #tpu.core_type<tc>, window_params = [{transform_indices = @transform_0, window_bounds = array<i64: 2000, 256>}, {transform_indices = @transform_1, window_bounds = array<i64: 2000, 1>}, {transform_indices = @transform_2, window_bounds = array<i64: 2000, 1>}, {transform_indices = @transform_3, window_bounds = array<i64: 256, 128>}, {transform_indices = @transform_4, window_bounds = array<i64: 1, 128>}, {transform_indices = @transform_5, window_bounds = array<i64: 1, 2000, 128>}]} {
    %eq3A = arith.constant 0 : i32
    %eq3A_0 = arith.cmpi eq, %arg1, %eq3A : i32
    %convert_element_type3A = arith.extui %eq3A_0 : i1 to i32
    %cond3A = arith.constant 0 : i32
    %cond3A_1 = arith.cmpi ne, %convert_element_type3A, %cond3A : i32
    scf.if %cond3A_1 {
      %get3A_35 = arith.constant 0 : index
      %get3A_36 = arith.constant 0 : index
      %get3A_37 = vector.load %arg2[%get3A_35, %get3A_36] : memref<2000x256xf32, #tpu.memory_space<vmem>>, vector<2000x256xf32>
      %convert_element_type3A_38 = arith.truncf %get3A_37 : vector<2000x256xf32> to vector<2000x256xbf16>
      %swap3A_39 = arith.constant 0 : index
      %swap3A_40 = arith.constant 0 : index
      %swap3A_41 = vector.load %arg8[%swap3A_39, %swap3A_40] : memref<2000x256xbf16, #tpu.memory_space<vmem>>, vector<2000x256xbf16>
      tpu.vector_store %arg8[%swap3A_39, %swap3A_40], %convert_element_type3A_38 {strides = array<i32>} : memref<2000x256xbf16, #tpu.memory_space<vmem>>, vector<2000x256xbf16>,
    } else {
    }
    %get3A = arith.constant 0 : index
    %get3A_2 = arith.constant 0 : index
    %get3A_3 = vector.load %arg8[%get3A, %get3A_2] : memref<2000x256xbf16, #tpu.memory_space<vmem>>, vector<2000x256xbf16>
    %get3A_4 = arith.constant 0 : index
    %get3A_5 = arith.constant 0 : index
    %get3A_6 = vector.load %arg5[%get3A_4, %get3A_5] : memref<256x128xbf16, #tpu.memory_space<vmem>>, vector<256x128xbf16>
    %dot_general3A = arith.constant dense<0.000000e+00> : vector<2000x128xf32>
    %dot_general3A_7 = tpu.matmul %get3A_3, %get3A_6, %dot_general3A {dimension_numbers = #tpu.dot_dimension_numbers<[1], [0], [0], [1], [0, 0, 1, 1], [], []>, transpose_lhs_hint = false} : vector<2000x256xbf16>, vector<256x128xbf16>, vector<2000x128xf32> -> vector<2000x128xf32>
    %get3A_8 = arith.constant 0 : index
    %get3A_9 = arith.constant 0 : index
    %get3A_10 = vector.load %arg3[%get3A_8, %get3A_9] : memref<2000x1xf32, #tpu.memory_space<vmem>>, vector<2000x1xf32>
    %max3A = arith.constant 1.000000e+00 : f32
    %max3A_11 = vector.broadcast %max3A : f32 to vector<2000x1xf32>
    %max3A_12 = arith.maximumf %get3A_10, %max3A_11 : vector<2000x1xf32>
    %rsqrt3A = math.rsqrt %max3A_12 : vector<2000x1xf32>
    %get3A_13 = arith.constant 0 : index
    %get3A_14 = arith.constant 0 : index
    %get3A_15 = vector.load %arg4[%get3A_13, %get3A_14] : memref<2000x1xf32, #tpu.memory_space<vmem>>, vector<2000x1xf32>
    %max3A_16 = arith.constant 1.000000e+00 : f32
    %max3A_17 = vector.broadcast %max3A_16 : f32 to vector<2000x1xf32>
    %max3A_18 = arith.maximumf %get3A_15, %max3A_17 : vector<2000x1xf32>
    %rsqrt3A_19 = math.rsqrt %max3A_18 : vector<2000x1xf32>
    %mul3A = vector.broadcast %rsqrt3A : vector<2000x1xf32> to vector<2000x128xf32>
    %mul3A_20 = arith.mulf %dot_general3A_7, %mul3A : vector<2000x128xf32>
    %get3A_21 = arith.constant 0 : index
    %get3A_22 = arith.constant 0 : index
    %get3A_23 = vector.load %arg6[%get3A_21, %get3A_22] : memref<1x128xf32, #tpu.memory_space<vmem>>, vector<1x128xf32>
    %add3A = vector.broadcast %get3A_23 : vector<1x128xf32> to vector<2000x128xf32>
    %add3A_24 = arith.addf %mul3A_20, %add3A : vector<2000x128xf32>
    %max3A_25 = arith.constant 0.000000e+00 : f32
    %max3A_26 = vector.broadcast %max3A_25 : f32 to vector<2000x128xf32>
    %max3A_27 = arith.maximumf %add3A_24, %max3A_26 : vector<2000x128xf32>
    %mul3A_28 = vector.broadcast %rsqrt3A_19 : vector<2000x1xf32> to vector<2000x128xf32>
    %mul3A_29 = arith.mulf %max3A_27, %mul3A_28 : vector<2000x128xf32>
    %swap3A = arith.constant 0 : index
    %swap3A_30 = arith.constant 0 : index
    %swap3A_31 = arith.constant 0 : index
    %swap3A_32 = vector.load %arg7[%swap3A, %swap3A_30, %swap3A_31] : memref<1x2000x128xf32, #tpu.memory_space<vmem>>, vector<1x2000x128xf32>
    %swap3A_33 = vector.shape_cast %swap3A_32 : vector<1x2000x128xf32> to vector<2000x128xf32>
    %swap3A_34 = vector.shape_cast %mul3A_29 : vector<2000x128xf32> to vector<1x2000x128xf32>
    tpu.vector_store %arg7[%swap3A, %swap3A_30, %swap3A_31], %swap3A_34 {strides = array<i32>} : memref<1x2000x128xf32, #tpu.memory_space<vmem>>, vector<1x2000x128xf32>,
    return
  }
  func.func @transform_0(%arg0: i32, %arg1: i32) -> (i32, i32) {
    %c0_i32 = arith.constant 0 : i32
    %c0_i32_0 = arith.constant 0 : i32
    return %arg0, %c0_i32 : i32, i32
  }
  func.func @transform_1(%arg0: i32, %arg1: i32) -> (i32, i32) {
    %c0_i32 = arith.constant 0 : i32
    %c0_i32_0 = arith.constant 0 : i32
    return %arg0, %c0_i32 : i32, i32
  }
  func.func @transform_2(%arg0: i32, %arg1: i32) -> (i32, i32) {
    %c0_i32 = arith.constant 0 : i32
    %c0_i32_0 = arith.constant 0 : i32
    return %arg0, %c0_i32 : i32, i32
  }
  func.func @transform_3(%arg0: i32, %arg1: i32) -> (i32, i32) {
    %c0_i32 = arith.constant 0 : i32
    %c0_i32_0 = arith.constant 0 : i32
    return %c0_i32, %arg1 : i32, i32
  }
  func.func @transform_4(%arg0: i32, %arg1: i32) -> (i32, i32) {
    %c0_i32 = arith.constant 0 : i32
    %c0_i32_0 = arith.constant 0 : i32
    return %c0_i32, %arg1 : i32, i32
  }
  func.func @transform_5(%arg0: i32, %arg1: i32) -> (i32, i32, i32) {
    %c0_i32 = arith.constant 0 : i32
    %c0_i32_0 = arith.constant 0 : i32
    return %arg1, %arg0, %c0_i32 : i32, i32, i32
  }
}

module attributes {stable_mosaic.version = 14 : i64} {
  func.func @_mm2_body(%arg0: i32, %arg1: i32, %arg2: memref<2000x512xf32, #tpu.memory_space<vmem>>, %arg3: memref<2000x512xf32, #tpu.memory_space<vmem>>, %arg4: memref<2000x1xf32, #tpu.memory_space<vmem>>, %arg5: memref<512x128xbf16, #tpu.memory_space<vmem>>, %arg6: memref<512x128xbf16, #tpu.memory_space<vmem>>, %arg7: memref<1x128xf32, #tpu.memory_space<vmem>>, %arg8: memref<128x128xf32, #tpu.memory_space<vmem>>, %arg9: memref<1x128xf32, #tpu.memory_space<vmem>>, %arg10: memref<1x128xf32, #tpu.memory_space<vmem>>, %arg11: memref<8x128xf32, #tpu.memory_space<vmem>>, %arg12: memref<2000x512xbf16, #tpu.memory_space<vmem>>, %arg13: memref<2000x512xbf16, #tpu.memory_space<vmem>>) attributes {dimension_semantics = [#tpu.dimension_semantics<arbitrary>, #tpu.dimension_semantics<arbitrary>], iteration_bounds = array<i64: 5, 8>, scalar_prefetch = 0 : i64, scratch_operands = 3 : i64, tpu.core_type = #tpu.core_type<tc>, window_params = [{transform_indices = @transform_0, window_bounds = array<i64: 2000, 512>}, {transform_indices = @transform_1, window_bounds = array<i64: 2000, 512>}, {transform_indices = @transform_2, window_bounds = array<i64: 2000, 1>}, {transform_indices = @transform_3, window_bounds = array<i64: 512, 128>}, {transform_indices = @transform_4, window_bounds = array<i64: 512, 128>}, {transform_indices = @transform_5, window_bounds = array<i64: 1, 128>}, {transform_indices = @transform_6, window_bounds = array<i64: 128, 128>}, {pipeline_mode = #tpu.pipeline_mode<synchronous>, transform_indices = @transform_7, window_bounds = array<i64: 1, 128>}, {pipeline_mode = #tpu.pipeline_mode<synchronous>, transform_indices = @transform_8, window_bounds = array<i64: 1, 128>}]} {
    %eq3A = arith.constant 0 : i32
    %eq3A_0 = arith.cmpi eq, %arg1, %eq3A : i32
    %convert_element_type3A = arith.extui %eq3A_0 : i1 to i32
    %cond3A = arith.constant 0 : i32
    %cond3A_1 = arith.cmpi ne, %convert_element_type3A, %cond3A : i32
    scf.if %cond3A_1 {
      %get3A_162 = arith.constant 0 : index
      %get3A_163 = arith.constant 0 : index
      %get3A_164 = vector.load %arg2[%get3A_162, %get3A_163] : memref<2000x512xf32, #tpu.memory_space<vmem>>, vector<2000x512xf32>
      %convert_element_type3A_165 = arith.truncf %get3A_164 : vector<2000x512xf32> to vector<2000x512xbf16>
      %swap3A = arith.constant 0 : index
      %swap3A_166 = arith.constant 0 : index
      %swap3A_167 = vector.load %arg12[%swap3A, %swap3A_166] : memref<2000x512xbf16, #tpu.memory_space<vmem>>, vector<2000x512xbf16>
      tpu.vector_store %arg12[%swap3A, %swap3A_166], %convert_element_type3A_165 {strides = array<i32>} : memref<2000x512xbf16, #tpu.memory_space<vmem>>, vector<2000x512xbf16>,
      %get3A_168 = arith.constant 0 : index
      %get3A_169 = arith.constant 0 : index
      %get3A_170 = vector.load %arg3[%get3A_168, %get3A_169] : memref<2000x512xf32, #tpu.memory_space<vmem>>, vector<2000x512xf32>
      %convert_element_type3A_171 = arith.truncf %get3A_170 : vector<2000x512xf32> to vector<2000x512xbf16>
      %swap3A_172 = arith.constant 0 : index
      %swap3A_173 = arith.constant 0 : index
      %swap3A_174 = vector.load %arg13[%swap3A_172, %swap3A_173] : memref<2000x512xbf16, #tpu.memory_space<vmem>>, vector<2000x512xbf16>
      tpu.vector_store %arg13[%swap3A_172, %swap3A_173], %convert_element_type3A_171 {strides = array<i32>} : memref<2000x512xbf16, #tpu.memory_space<vmem>>, vector<2000x512xbf16>,
    } else {
    }
    %get3A = arith.constant 0 : index
    %get3A_2 = arith.constant 0 : index
    %get3A_3 = vector.load %arg12[%get3A, %get3A_2] : memref<2000x512xbf16, #tpu.memory_space<vmem>>, vector<2000x512xbf16>
    %get3A_4 = arith.constant 0 : index
    %get3A_5 = arith.constant 0 : index
    %get3A_6 = vector.load %arg5[%get3A_4, %get3A_5] : memref<512x128xbf16, #tpu.memory_space<vmem>>, vector<512x128xbf16>
    %dot_general3A = arith.constant dense<0.000000e+00> : vector<2000x128xf32>
    %dot_general3A_7 = tpu.matmul %get3A_3, %get3A_6, %dot_general3A {dimension_numbers = #tpu.dot_dimension_numbers<[1], [0], [0], [1], [0, 0, 1, 1], [], []>, transpose_lhs_hint = false} : vector<2000x512xbf16>, vector<512x128xbf16>, vector<2000x128xf32> -> vector<2000x128xf32>
    %get3A_8 = arith.constant 0 : index
    %get3A_9 = arith.constant 0 : index
    %get3A_10 = vector.load %arg13[%get3A_8, %get3A_9] : memref<2000x512xbf16, #tpu.memory_space<vmem>>, vector<2000x512xbf16>
    %get3A_11 = arith.constant 0 : index
    %get3A_12 = arith.constant 0 : index
    %get3A_13 = vector.load %arg6[%get3A_11, %get3A_12] : memref<512x128xbf16, #tpu.memory_space<vmem>>, vector<512x128xbf16>
    %dot_general3A_14 = arith.constant dense<0.000000e+00> : vector<2000x128xf32>
    %dot_general3A_15 = tpu.matmul %get3A_10, %get3A_13, %dot_general3A_14 {dimension_numbers = #tpu.dot_dimension_numbers<[1], [0], [0], [1], [0, 0, 1, 1], [], []>, transpose_lhs_hint = false} : vector<2000x512xbf16>, vector<512x128xbf16>, vector<2000x128xf32> -> vector<2000x128xf32>
    %add3A = arith.addf %dot_general3A_7, %dot_general3A_15 : vector<2000x128xf32>
    %get3A_16 = arith.constant 0 : index
    %get3A_17 = arith.constant 0 : index
    %get3A_18 = vector.load %arg4[%get3A_16, %get3A_17] : memref<2000x1xf32, #tpu.memory_space<vmem>>, vector<2000x1xf32>
    %max3A = arith.constant 1.000000e+00 : f32
    %max3A_19 = vector.broadcast %max3A : f32 to vector<2000x1xf32>
    %max3A_20 = arith.maximumf %get3A_18, %max3A_19 : vector<2000x1xf32>
    %rsqrt3A = math.rsqrt %max3A_20 : vector<2000x1xf32>
    %mul3A = vector.broadcast %rsqrt3A : vector<2000x1xf32> to vector<2000x128xf32>
    %mul3A_21 = arith.mulf %add3A, %mul3A : vector<2000x128xf32>
    %get3A_22 = arith.constant 0 : index
    %get3A_23 = arith.constant 0 : index
    %get3A_24 = vector.load %arg7[%get3A_22, %get3A_23] : memref<1x128xf32, #tpu.memory_space<vmem>>, vector<1x128xf32>
    %add3A_25 = vector.broadcast %get3A_24 : vector<1x128xf32> to vector<2000x128xf32>
    %add3A_26 = arith.addf %mul3A_21, %add3A_25 : vector<2000x128xf32>
    %max3A_27 = arith.constant 0.000000e+00 : f32
    %max3A_28 = vector.broadcast %max3A_27 : f32 to vector<2000x128xf32>
    %max3A_29 = arith.maximumf %add3A_26, %max3A_28 : vector<2000x128xf32>
    %reduce_sum3A = arith.constant dense<0.000000e+00> : vector<128xf32>
    %reduce_sum3A_30 = vector.multi_reduction <add>, %max3A_29, %reduce_sum3A [0] : vector<2000x128xf32> to vector<128xf32>
    %broadcast_in_dim3A = vector.shape_cast %reduce_sum3A_30 : vector<128xf32> to vector<1x128xf32>
    %eq3A_31 = arith.constant 0 : i32
    %eq3A_32 = arith.cmpi eq, %arg1, %eq3A_31 : i32
    %eq3A_33 = arith.constant 0 : i32
    %eq3A_34 = arith.cmpi eq, %arg0, %eq3A_33 : i32
    %and3A = arith.andi %eq3A_32, %eq3A_34 : i1
    %convert_element_type3A_35 = arith.extui %and3A : i1 to i32
    %cond3A_36 = arith.constant 0 : i32
    %cond3A_37 = arith.cmpi ne, %convert_element_type3A_35, %cond3A_36 : i32
    scf.if %cond3A_37 {
      %swap3A = arith.constant 0 : index
      %swap3A_162 = arith.constant 0 : index
      %swap3A_163 = vector.load %arg11[%swap3A, %swap3A_162] : memref<8x128xf32, #tpu.memory_space<vmem>>, vector<1x128xf32>
      tpu.vector_store %arg11[%swap3A, %swap3A_162], %broadcast_in_dim3A {strides = array<i32>} : memref<8x128xf32, #tpu.memory_space<vmem>>, vector<1x128xf32>,
    } else {
    }
    %eq3A_38 = arith.constant 0 : i32
    %eq3A_39 = arith.cmpi eq, %arg1, %eq3A_38 : i32
    %gt3A = arith.constant 0 : i32
    %gt3A_40 = arith.cmpi sgt, %arg0, %gt3A : i32
    %and3A_41 = arith.andi %eq3A_39, %gt3A_40 : i1
    %convert_element_type3A_42 = arith.extui %and3A_41 : i1 to i32
    %cond3A_43 = arith.constant 0 : i32
    %cond3A_44 = arith.cmpi ne, %convert_element_type3A_42, %cond3A_43 : i32
    scf.if %cond3A_44 {
      %get3A_162 = arith.constant 0 : index
      %get3A_163 = arith.constant 0 : index
      %get3A_164 = vector.load %arg11[%get3A_162, %get3A_163] : memref<8x128xf32, #tpu.memory_space<vmem>>, vector<1x128xf32>
      %add3A_165 = arith.addf %get3A_164, %broadcast_in_dim3A : vector<1x128xf32>
      %swap3A = arith.constant 0 : index
      %swap3A_166 = arith.constant 0 : index
      %swap3A_167 = vector.load %arg11[%swap3A, %swap3A_166] : memref<8x128xf32, #tpu.memory_space<vmem>>, vector<1x128xf32>
      tpu.vector_store %arg11[%swap3A, %swap3A_166], %add3A_165 {strides = array<i32>} : memref<8x128xf32, #tpu.memory_space<vmem>>, vector<1x128xf32>,
    } else {
    }
    %eq3A_45 = arith.constant 1 : i32
    %eq3A_46 = arith.cmpi eq, %arg1, %eq3A_45 : i32
    %eq3A_47 = arith.constant 0 : i32
    %eq3A_48 = arith.cmpi eq, %arg0, %eq3A_47 : i32
    %and3A_49 = arith.andi %eq3A_46, %eq3A_48 : i1
    %convert_element_type3A_50 = arith.extui %and3A_49 : i1 to i32
    %cond3A_51 = arith.constant 0 : i32
    %cond3A_52 = arith.cmpi ne, %convert_element_type3A_50, %cond3A_51 : i32
    scf.if %cond3A_52 {
      %swap3A = arith.constant 1 : index
      %swap3A_162 = arith.constant 0 : index
      %swap3A_163 = vector.load %arg11[%swap3A, %swap3A_162] : memref<8x128xf32, #tpu.memory_space<vmem>>, vector<1x128xf32>
      tpu.vector_store %arg11[%swap3A, %swap3A_162], %broadcast_in_dim3A {strides = array<i32>} : memref<8x128xf32, #tpu.memory_space<vmem>>, vector<1x128xf32>,
    } else {
    }
    %eq3A_53 = arith.constant 1 : i32
    %eq3A_54 = arith.cmpi eq, %arg1, %eq3A_53 : i32
    %gt3A_55 = arith.constant 0 : i32
    %gt3A_56 = arith.cmpi sgt, %arg0, %gt3A_55 : i32
    %and3A_57 = arith.andi %eq3A_54, %gt3A_56 : i1
    %convert_element_type3A_58 = arith.extui %and3A_57 : i1 to i32
    %cond3A_59 = arith.constant 0 : i32
    %cond3A_60 = arith.cmpi ne, %convert_element_type3A_58, %cond3A_59 : i32
    scf.if %cond3A_60 {
      %get3A_162 = arith.constant 1 : index
      %get3A_163 = arith.constant 0 : index
      %get3A_164 = vector.load %arg11[%get3A_162, %get3A_163] : memref<8x128xf32, #tpu.memory_space<vmem>>, vector<1x128xf32>
      %add3A_165 = arith.addf %get3A_164, %broadcast_in_dim3A : vector<1x128xf32>
      %swap3A = arith.constant 1 : index
      %swap3A_166 = arith.constant 0 : index
      %swap3A_167 = vector.load %arg11[%swap3A, %swap3A_166] : memref<8x128xf32, #tpu.memory_space<vmem>>, vector<1x128xf32>
      tpu.vector_store %arg11[%swap3A, %swap3A_166], %add3A_165 {strides = array<i32>} : memref<8x128xf32, #tpu.memory_space<vmem>>, vector<1x128xf32>,
    } else {
    }
    %eq3A_61 = arith.constant 2 : i32
    %eq3A_62 = arith.cmpi eq, %arg1, %eq3A_61 : i32
    %eq3A_63 = arith.constant 0 : i32
    %eq3A_64 = arith.cmpi eq, %arg0, %eq3A_63 : i32
    %and3A_65 = arith.andi %eq3A_62, %eq3A_64 : i1
    %convert_element_type3A_66 = arith.extui %and3A_65 : i1 to i32
    %cond3A_67 = arith.constant 0 : i32
    %cond3A_68 = arith.cmpi ne, %convert_element_type3A_66, %cond3A_67 : i32
    scf.if %cond3A_68 {
      %swap3A = arith.constant 2 : index
      %swap3A_162 = arith.constant 0 : index
      %swap3A_163 = vector.load %arg11[%swap3A, %swap3A_162] : memref<8x128xf32, #tpu.memory_space<vmem>>, vector<1x128xf32>
      tpu.vector_store %arg11[%swap3A, %swap3A_162], %broadcast_in_dim3A {strides = array<i32>} : memref<8x128xf32, #tpu.memory_space<vmem>>, vector<1x128xf32>,
    } else {
    }
    %eq3A_69 = arith.constant 2 : i32
    %eq3A_70 = arith.cmpi eq, %arg1, %eq3A_69 : i32
    %gt3A_71 = arith.constant 0 : i32
    %gt3A_72 = arith.cmpi sgt, %arg0, %gt3A_71 : i32
    %and3A_73 = arith.andi %eq3A_70, %gt3A_72 : i1
    %convert_element_type3A_74 = arith.extui %and3A_73 : i1 to i32
    %cond3A_75 = arith.constant 0 : i32
    %cond3A_76 = arith.cmpi ne, %convert_element_type3A_74, %cond3A_75 : i32
    scf.if %cond3A_76 {
      %get3A_162 = arith.constant 2 : index
      %get3A_163 = arith.constant 0 : index
      %get3A_164 = vector.load %arg11[%get3A_162, %get3A_163] : memref<8x128xf32, #tpu.memory_space<vmem>>, vector<1x128xf32>
      %add3A_165 = arith.addf %get3A_164, %broadcast_in_dim3A : vector<1x128xf32>
      %swap3A = arith.constant 2 : index
      %swap3A_166 = arith.constant 0 : index
      %swap3A_167 = vector.load %arg11[%swap3A, %swap3A_166] : memref<8x128xf32, #tpu.memory_space<vmem>>, vector<1x128xf32>
      tpu.vector_store %arg11[%swap3A, %swap3A_166], %add3A_165 {strides = array<i32>} : memref<8x128xf32, #tpu.memory_space<vmem>>, vector<1x128xf32>,
    } else {
    }
    %eq3A_77 = arith.constant 3 : i32
    %eq3A_78 = arith.cmpi eq, %arg1, %eq3A_77 : i32
    %eq3A_79 = arith.constant 0 : i32
    %eq3A_80 = arith.cmpi eq, %arg0, %eq3A_79 : i32
    %and3A_81 = arith.andi %eq3A_78, %eq3A_80 : i1
    %convert_element_type3A_82 = arith.extui %and3A_81 : i1 to i32
    %cond3A_83 = arith.constant 0 : i32
    %cond3A_84 = arith.cmpi ne, %convert_element_type3A_82, %cond3A_83 : i32
    scf.if %cond3A_84 {
      %swap3A = arith.constant 3 : index
      %swap3A_162 = arith.constant 0 : index
      %swap3A_163 = vector.load %arg11[%swap3A, %swap3A_162] : memref<8x128xf32, #tpu.memory_space<vmem>>, vector<1x128xf32>
      tpu.vector_store %arg11[%swap3A, %swap3A_162], %broadcast_in_dim3A {strides = array<i32>} : memref<8x128xf32, #tpu.memory_space<vmem>>, vector<1x128xf32>,
    } else {
    }
    %eq3A_85 = arith.constant 3 : i32
    %eq3A_86 = arith.cmpi eq, %arg1, %eq3A_85 : i32
    %gt3A_87 = arith.constant 0 : i32
    %gt3A_88 = arith.cmpi sgt, %arg0, %gt3A_87 : i32
    %and3A_89 = arith.andi %eq3A_86, %gt3A_88 : i1
    %convert_element_type3A_90 = arith.extui %and3A_89 : i1 to i32
    %cond3A_91 = arith.constant 0 : i32
    %cond3A_92 = arith.cmpi ne, %convert_element_type3A_90, %cond3A_91 : i32
    scf.if %cond3A_92 {
      %get3A_162 = arith.constant 3 : index
      %get3A_163 = arith.constant 0 : index
      %get3A_164 = vector.load %arg11[%get3A_162, %get3A_163] : memref<8x128xf32, #tpu.memory_space<vmem>>, vector<1x128xf32>
      %add3A_165 = arith.addf %get3A_164, %broadcast_in_dim3A : vector<1x128xf32>
      %swap3A = arith.constant 3 : index
      %swap3A_166 = arith.constant 0 : index
      %swap3A_167 = vector.load %arg11[%swap3A, %swap3A_166] : memref<8x128xf32, #tpu.memory_space<vmem>>, vector<1x128xf32>
      tpu.vector_store %arg11[%swap3A, %swap3A_166], %add3A_165 {strides = array<i32>} : memref<8x128xf32, #tpu.memory_space<vmem>>, vector<1x128xf32>,
    } else {
    }
    %eq3A_93 = arith.constant 4 : i32
    %eq3A_94 = arith.cmpi eq, %arg1, %eq3A_93 : i32
    %eq3A_95 = arith.constant 0 : i32
    %eq3A_96 = arith.cmpi eq, %arg0, %eq3A_95 : i32
    %and3A_97 = arith.andi %eq3A_94, %eq3A_96 : i1
    %convert_element_type3A_98 = arith.extui %and3A_97 : i1 to i32
    %cond3A_99 = arith.constant 0 : i32
    %cond3A_100 = arith.cmpi ne, %convert_element_type3A_98, %cond3A_99 : i32
    scf.if %cond3A_100 {
      %swap3A = arith.constant 4 : index
      %swap3A_162 = arith.constant 0 : index
      %swap3A_163 = vector.load %arg11[%swap3A, %swap3A_162] : memref<8x128xf32, #tpu.memory_space<vmem>>, vector<1x128xf32>
      tpu.vector_store %arg11[%swap3A, %swap3A_162], %broadcast_in_dim3A {strides = array<i32>} : memref<8x128xf32, #tpu.memory_space<vmem>>, vector<1x128xf32>,
    } else {
    }
    %eq3A_101 = arith.constant 4 : i32
    %eq3A_102 = arith.cmpi eq, %arg1, %eq3A_101 : i32
    %gt3A_103 = arith.constant 0 : i32
    %gt3A_104 = arith.cmpi sgt, %arg0, %gt3A_103 : i32
    %and3A_105 = arith.andi %eq3A_102, %gt3A_104 : i1
    %convert_element_type3A_106 = arith.extui %and3A_105 : i1 to i32
    %cond3A_107 = arith.constant 0 : i32
    %cond3A_108 = arith.cmpi ne, %convert_element_type3A_106, %cond3A_107 : i32
    scf.if %cond3A_108 {
      %get3A_162 = arith.constant 4 : index
      %get3A_163 = arith.constant 0 : index
      %get3A_164 = vector.load %arg11[%get3A_162, %get3A_163] : memref<8x128xf32, #tpu.memory_space<vmem>>, vector<1x128xf32>
      %add3A_165 = arith.addf %get3A_164, %broadcast_in_dim3A : vector<1x128xf32>
      %swap3A = arith.constant 4 : index
      %swap3A_166 = arith.constant 0 : index
      %swap3A_167 = vector.load %arg11[%swap3A, %swap3A_166] : memref<8x128xf32, #tpu.memory_space<vmem>>, vector<1x128xf32>
      tpu.vector_store %arg11[%swap3A, %swap3A_166], %add3A_165 {strides = array<i32>} : memref<8x128xf32, #tpu.memory_space<vmem>>, vector<1x128xf32>,
    } else {
    }
    %eq3A_109 = arith.constant 5 : i32
    %eq3A_110 = arith.cmpi eq, %arg1, %eq3A_109 : i32
    %eq3A_111 = arith.constant 0 : i32
    %eq3A_112 = arith.cmpi eq, %arg0, %eq3A_111 : i32
    %and3A_113 = arith.andi %eq3A_110, %eq3A_112 : i1
    %convert_element_type3A_114 = arith.extui %and3A_113 : i1 to i32
    %cond3A_115 = arith.constant 0 : i32
    %cond3A_116 = arith.cmpi ne, %convert_element_type3A_114, %cond3A_115 : i32
    scf.if %cond3A_116 {
      %swap3A = arith.constant 5 : index
      %swap3A_162 = arith.constant 0 : index
      %swap3A_163 = vector.load %arg11[%swap3A, %swap3A_162] : memref<8x128xf32, #tpu.memory_space<vmem>>, vector<1x128xf32>
      tpu.vector_store %arg11[%swap3A, %swap3A_162], %broadcast_in_dim3A {strides = array<i32>} : memref<8x128xf32, #tpu.memory_space<vmem>>, vector<1x128xf32>,
    } else {
    }
    %eq3A_117 = arith.constant 5 : i32
    %eq3A_118 = arith.cmpi eq, %arg1, %eq3A_117 : i32
    %gt3A_119 = arith.constant 0 : i32
    %gt3A_120 = arith.cmpi sgt, %arg0, %gt3A_119 : i32
    %and3A_121 = arith.andi %eq3A_118, %gt3A_120 : i1
    %convert_element_type3A_122 = arith.extui %and3A_121 : i1 to i32
    %cond3A_123 = arith.constant 0 : i32
    %cond3A_124 = arith.cmpi ne, %convert_element_type3A_122, %cond3A_123 : i32
    scf.if %cond3A_124 {
      %get3A_162 = arith.constant 5 : index
      %get3A_163 = arith.constant 0 : index
      %get3A_164 = vector.load %arg11[%get3A_162, %get3A_163] : memref<8x128xf32, #tpu.memory_space<vmem>>, vector<1x128xf32>
      %add3A_165 = arith.addf %get3A_164, %broadcast_in_dim3A : vector<1x128xf32>
      %swap3A = arith.constant 5 : index
      %swap3A_166 = arith.constant 0 : index
      %swap3A_167 = vector.load %arg11[%swap3A, %swap3A_166] : memref<8x128xf32, #tpu.memory_space<vmem>>, vector<1x128xf32>
      tpu.vector_store %arg11[%swap3A, %swap3A_166], %add3A_165 {strides = array<i32>} : memref<8x128xf32, #tpu.memory_space<vmem>>, vector<1x128xf32>,
    } else {
    }
    %eq3A_125 = arith.constant 6 : i32
    %eq3A_126 = arith.cmpi eq, %arg1, %eq3A_125 : i32
    %eq3A_127 = arith.constant 0 : i32
    %eq3A_128 = arith.cmpi eq, %arg0, %eq3A_127 : i32
    %and3A_129 = arith.andi %eq3A_126, %eq3A_128 : i1
    %convert_element_type3A_130 = arith.extui %and3A_129 : i1 to i32
    %cond3A_131 = arith.constant 0 : i32
    %cond3A_132 = arith.cmpi ne, %convert_element_type3A_130, %cond3A_131 : i32
    scf.if %cond3A_132 {
      %swap3A = arith.constant 6 : index
      %swap3A_162 = arith.constant 0 : index
      %swap3A_163 = vector.load %arg11[%swap3A, %swap3A_162] : memref<8x128xf32, #tpu.memory_space<vmem>>, vector<1x128xf32>
      tpu.vector_store %arg11[%swap3A, %swap3A_162], %broadcast_in_dim3A {strides = array<i32>} : memref<8x128xf32, #tpu.memory_space<vmem>>, vector<1x128xf32>,
    } else {
    }
    %eq3A_133 = arith.constant 6 : i32
    %eq3A_134 = arith.cmpi eq, %arg1, %eq3A_133 : i32
    %gt3A_135 = arith.constant 0 : i32
    %gt3A_136 = arith.cmpi sgt, %arg0, %gt3A_135 : i32
    %and3A_137 = arith.andi %eq3A_134, %gt3A_136 : i1
    %convert_element_type3A_138 = arith.extui %and3A_137 : i1 to i32
    %cond3A_139 = arith.constant 0 : i32
    %cond3A_140 = arith.cmpi ne, %convert_element_type3A_138, %cond3A_139 : i32
    scf.if %cond3A_140 {
      %get3A_162 = arith.constant 6 : index
      %get3A_163 = arith.constant 0 : index
      %get3A_164 = vector.load %arg11[%get3A_162, %get3A_163] : memref<8x128xf32, #tpu.memory_space<vmem>>, vector<1x128xf32>
      %add3A_165 = arith.addf %get3A_164, %broadcast_in_dim3A : vector<1x128xf32>
      %swap3A = arith.constant 6 : index
      %swap3A_166 = arith.constant 0 : index
      %swap3A_167 = vector.load %arg11[%swap3A, %swap3A_166] : memref<8x128xf32, #tpu.memory_space<vmem>>, vector<1x128xf32>
      tpu.vector_store %arg11[%swap3A, %swap3A_166], %add3A_165 {strides = array<i32>} : memref<8x128xf32, #tpu.memory_space<vmem>>, vector<1x128xf32>,
    } else {
    }
    %eq3A_141 = arith.constant 7 : i32
    %eq3A_142 = arith.cmpi eq, %arg1, %eq3A_141 : i32
    %eq3A_143 = arith.constant 0 : i32
    %eq3A_144 = arith.cmpi eq, %arg0, %eq3A_143 : i32
    %and3A_145 = arith.andi %eq3A_142, %eq3A_144 : i1
    %convert_element_type3A_146 = arith.extui %and3A_145 : i1 to i32
    %cond3A_147 = arith.constant 0 : i32
    %cond3A_148 = arith.cmpi ne, %convert_element_type3A_146, %cond3A_147 : i32
    scf.if %cond3A_148 {
      %swap3A = arith.constant 7 : index
      %swap3A_162 = arith.constant 0 : index
      %swap3A_163 = vector.load %arg11[%swap3A, %swap3A_162] : memref<8x128xf32, #tpu.memory_space<vmem>>, vector<1x128xf32>
      tpu.vector_store %arg11[%swap3A, %swap3A_162], %broadcast_in_dim3A {strides = array<i32>} : memref<8x128xf32, #tpu.memory_space<vmem>>, vector<1x128xf32>,
    } else {
    }
    %eq3A_149 = arith.constant 7 : i32
    %eq3A_150 = arith.cmpi eq, %arg1, %eq3A_149 : i32
    %gt3A_151 = arith.constant 0 : i32
    %gt3A_152 = arith.cmpi sgt, %arg0, %gt3A_151 : i32
    %and3A_153 = arith.andi %eq3A_150, %gt3A_152 : i1
    %convert_element_type3A_154 = arith.extui %and3A_153 : i1 to i32
    %cond3A_155 = arith.constant 0 : i32
    %cond3A_156 = arith.cmpi ne, %convert_element_type3A_154, %cond3A_155 : i32
    scf.if %cond3A_156 {
      %get3A_162 = arith.constant 7 : index
      %get3A_163 = arith.constant 0 : index
      %get3A_164 = vector.load %arg11[%get3A_162, %get3A_163] : memref<8x128xf32, #tpu.memory_space<vmem>>, vector<1x128xf32>
      %add3A_165 = arith.addf %get3A_164, %broadcast_in_dim3A : vector<1x128xf32>
      %swap3A = arith.constant 7 : index
      %swap3A_166 = arith.constant 0 : index
      %swap3A_167 = vector.load %arg11[%swap3A, %swap3A_166] : memref<8x128xf32, #tpu.memory_space<vmem>>, vector<1x128xf32>
      tpu.vector_store %arg11[%swap3A, %swap3A_166], %add3A_165 {strides = array<i32>} : memref<8x128xf32, #tpu.memory_space<vmem>>, vector<1x128xf32>,
    } else {
    }
    %eq3A_157 = arith.constant 4 : i32
    %eq3A_158 = arith.cmpi eq, %arg0, %eq3A_157 : i32
    %convert_element_type3A_159 = arith.extui %eq3A_158 : i1 to i32
    %cond3A_160 = arith.constant 0 : i32
    %cond3A_161 = arith.cmpi ne, %convert_element_type3A_159, %cond3A_160 : i32
    scf.if %cond3A_161 {
      %eq3A_162 = arith.constant 0 : i32
      %eq3A_163 = arith.cmpi eq, %arg1, %eq3A_162 : i32
      %convert_element_type3A_164 = arith.extui %eq3A_163 : i1 to i32
      %cond3A_165 = arith.constant 0 : i32
      %cond3A_166 = arith.cmpi ne, %convert_element_type3A_164, %cond3A_165 : i32
      scf.if %cond3A_166 {
        %get3A_202 = arith.constant 0 : index
        %get3A_203 = arith.constant 0 : index
        %get3A_204 = vector.load %arg11[%get3A_202, %get3A_203] : memref<8x128xf32, #tpu.memory_space<vmem>>, vector<1x128xf32>
        %mul3A_205 = arith.constant 9.99999974E-5 : f32
        %mul3A_206 = vector.broadcast %mul3A_205 : f32 to vector<1x128xf32>
        %mul3A_207 = arith.mulf %get3A_204, %mul3A_206 : vector<1x128xf32>
        %get3A_208 = arith.constant 0 : index
        %get3A_209 = arith.constant 0 : index
        %get3A_210 = vector.load %arg8[%get3A_208, %get3A_209] : memref<128x128xf32, #tpu.memory_space<vmem>>, vector<128x128xf32>
        %dot_general3A_211 = arith.constant dense<0.000000e+00> : vector<1x128xf32>
        %dot_general3A_212 = tpu.matmul %mul3A_207, %get3A_210, %dot_general3A_211 {dimension_numbers = #tpu.dot_dimension_numbers<[1], [0], [0], [1], [0, 0, 1, 1], [], []>, transpose_lhs_hint = false} : vector<1x128xf32>, vector<128x128xf32>, vector<1x128xf32> -> vector<1x128xf32>
        %eq3A_213 = arith.constant 0 : i32
        %eq3A_214 = arith.cmpi eq, %arg1, %eq3A_213 : i32
        %convert_element_type3A_215 = arith.extui %eq3A_214 : i1 to i32
        %cond3A_216 = arith.constant 0 : i32
        %cond3A_217 = arith.cmpi ne, %convert_element_type3A_215, %cond3A_216 : i32
        scf.if %cond3A_217 {
          %get3A_223 = arith.constant 0 : index
          %get3A_224 = arith.constant 0 : index
          %get3A_225 = vector.load %arg9[%get3A_223, %get3A_224] : memref<1x128xf32, #tpu.memory_space<vmem>>, vector<1x128xf32>
          %add3A_226 = arith.addf %dot_general3A_212, %get3A_225 : vector<1x128xf32>
          %swap3A = arith.constant 0 : index
          %swap3A_227 = arith.constant 0 : index
          %swap3A_228 = vector.load %arg10[%swap3A, %swap3A_227] : memref<1x128xf32, #tpu.memory_space<vmem>>, vector<1x128xf32>
          tpu.vector_store %arg10[%swap3A, %swap3A_227], %add3A_226 {strides = array<i32>} : memref<1x128xf32, #tpu.memory_space<vmem>>, vector<1x128xf32>,
        } else {
        }
        %gt3A_218 = arith.constant 0 : i32
        %gt3A_219 = arith.cmpi sgt, %arg1, %gt3A_218 : i32
        %convert_element_type3A_220 = arith.extui %gt3A_219 : i1 to i32
        %cond3A_221 = arith.constant 0 : i32
        %cond3A_222 = arith.cmpi ne, %convert_element_type3A_220, %cond3A_221 : i32
        scf.if %cond3A_222 {
          %get3A_223 = arith.constant 0 : index
          %get3A_224 = arith.constant 0 : index
          %get3A_225 = vector.load %arg10[%get3A_223, %get3A_224] : memref<1x128xf32, #tpu.memory_space<vmem>>, vector<1x128xf32>
          %add3A_226 = arith.addf %get3A_225, %dot_general3A_212 : vector<1x128xf32>
          %swap3A = arith.constant 0 : index
          %swap3A_227 = arith.constant 0 : index
          %swap3A_228 = vector.load %arg10[%swap3A, %swap3A_227] : memref<1x128xf32, #tpu.memory_space<vmem>>, vector<1x128xf32>
          tpu.vector_store %arg10[%swap3A, %swap3A_227], %add3A_226 {strides = array<i32>} : memref<1x128xf32, #tpu.memory_space<vmem>>, vector<1x128xf32>,
        } else {
        }
      } else {
      }
      %eq3A_167 = arith.constant 1 : i32
      %eq3A_168 = arith.cmpi eq, %arg1, %eq3A_167 : i32
      %convert_element_type3A_169 = arith.extui %eq3A_168 : i1 to i32
      %cond3A_170 = arith.constant 0 : i32
      %cond3A_171 = arith.cmpi ne, %convert_element_type3A_169, %cond3A_170 : i32
      scf.if %cond3A_171 {
        %get3A_202 = arith.constant 1 : index
        %get3A_203 = arith.constant 0 : index
        %get3A_204 = vector.load %arg11[%get3A_202, %get3A_203] : memref<8x128xf32, #tpu.memory_space<vmem>>, vector<1x128xf32>
        %mul3A_205 = arith.constant 9.99999974E-5 : f32
        %mul3A_206 = vector.broadcast %mul3A_205 : f32 to vector<1x128xf32>
        %mul3A_207 = arith.mulf %get3A_204, %mul3A_206 : vector<1x128xf32>
        %get3A_208 = arith.constant 0 : index
        %get3A_209 = arith.constant 0 : index
        %get3A_210 = vector.load %arg8[%get3A_208, %get3A_209] : memref<128x128xf32, #tpu.memory_space<vmem>>, vector<128x128xf32>
        %dot_general3A_211 = arith.constant dense<0.000000e+00> : vector<1x128xf32>
        %dot_general3A_212 = tpu.matmul %mul3A_207, %get3A_210, %dot_general3A_211 {dimension_numbers = #tpu.dot_dimension_numbers<[1], [0], [0], [1], [0, 0, 1, 1], [], []>, transpose_lhs_hint = false} : vector<1x128xf32>, vector<128x128xf32>, vector<1x128xf32> -> vector<1x128xf32>
        %eq3A_213 = arith.constant 0 : i32
        %eq3A_214 = arith.cmpi eq, %arg1, %eq3A_213 : i32
        %convert_element_type3A_215 = arith.extui %eq3A_214 : i1 to i32
        %cond3A_216 = arith.constant 0 : i32
        %cond3A_217 = arith.cmpi ne, %convert_element_type3A_215, %cond3A_216 : i32
        scf.if %cond3A_217 {
          %get3A_223 = arith.constant 0 : index
          %get3A_224 = arith.constant 0 : index
          %get3A_225 = vector.load %arg9[%get3A_223, %get3A_224] : memref<1x128xf32, #tpu.memory_space<vmem>>, vector<1x128xf32>
          %add3A_226 = arith.addf %dot_general3A_212, %get3A_225 : vector<1x128xf32>
          %swap3A = arith.constant 0 : index
          %swap3A_227 = arith.constant 0 : index
          %swap3A_228 = vector.load %arg10[%swap3A, %swap3A_227] : memref<1x128xf32, #tpu.memory_space<vmem>>, vector<1x128xf32>
          tpu.vector_store %arg10[%swap3A, %swap3A_227], %add3A_226 {strides = array<i32>} : memref<1x128xf32, #tpu.memory_space<vmem>>, vector<1x128xf32>,
        } else {
        }
        %gt3A_218 = arith.constant 0 : i32
        %gt3A_219 = arith.cmpi sgt, %arg1, %gt3A_218 : i32
        %convert_element_type3A_220 = arith.extui %gt3A_219 : i1 to i32
        %cond3A_221 = arith.constant 0 : i32
        %cond3A_222 = arith.cmpi ne, %convert_element_type3A_220, %cond3A_221 : i32
        scf.if %cond3A_222 {
          %get3A_223 = arith.constant 0 : index
          %get3A_224 = arith.constant 0 : index
          %get3A_225 = vector.load %arg10[%get3A_223, %get3A_224] : memref<1x128xf32, #tpu.memory_space<vmem>>, vector<1x128xf32>
          %add3A_226 = arith.addf %get3A_225, %dot_general3A_212 : vector<1x128xf32>
          %swap3A = arith.constant 0 : index
          %swap3A_227 = arith.constant 0 : index
          %swap3A_228 = vector.load %arg10[%swap3A, %swap3A_227] : memref<1x128xf32, #tpu.memory_space<vmem>>, vector<1x128xf32>
          tpu.vector_store %arg10[%swap3A, %swap3A_227], %add3A_226 {strides = array<i32>} : memref<1x128xf32, #tpu.memory_space<vmem>>, vector<1x128xf32>,
        } else {
        }
      } else {
      }
      %eq3A_172 = arith.constant 2 : i32
      %eq3A_173 = arith.cmpi eq, %arg1, %eq3A_172 : i32
      %convert_element_type3A_174 = arith.extui %eq3A_173 : i1 to i32
      %cond3A_175 = arith.constant 0 : i32
      %cond3A_176 = arith.cmpi ne, %convert_element_type3A_174, %cond3A_175 : i32
      scf.if %cond3A_176 {
        %get3A_202 = arith.constant 2 : index
        %get3A_203 = arith.constant 0 : index
        %get3A_204 = vector.load %arg11[%get3A_202, %get3A_203] : memref<8x128xf32, #tpu.memory_space<vmem>>, vector<1x128xf32>
        %mul3A_205 = arith.constant 9.99999974E-5 : f32
        %mul3A_206 = vector.broadcast %mul3A_205 : f32 to vector<1x128xf32>
        %mul3A_207 = arith.mulf %get3A_204, %mul3A_206 : vector<1x128xf32>
        %get3A_208 = arith.constant 0 : index
        %get3A_209 = arith.constant 0 : index
        %get3A_210 = vector.load %arg8[%get3A_208, %get3A_209] : memref<128x128xf32, #tpu.memory_space<vmem>>, vector<128x128xf32>
        %dot_general3A_211 = arith.constant dense<0.000000e+00> : vector<1x128xf32>
        %dot_general3A_212 = tpu.matmul %mul3A_207, %get3A_210, %dot_general3A_211 {dimension_numbers = #tpu.dot_dimension_numbers<[1], [0], [0], [1], [0, 0, 1, 1], [], []>, transpose_lhs_hint = false} : vector<1x128xf32>, vector<128x128xf32>, vector<1x128xf32> -> vector<1x128xf32>
        %eq3A_213 = arith.constant 0 : i32
        %eq3A_214 = arith.cmpi eq, %arg1, %eq3A_213 : i32
        %convert_element_type3A_215 = arith.extui %eq3A_214 : i1 to i32
        %cond3A_216 = arith.constant 0 : i32
        %cond3A_217 = arith.cmpi ne, %convert_element_type3A_215, %cond3A_216 : i32
        scf.if %cond3A_217 {
          %get3A_223 = arith.constant 0 : index
          %get3A_224 = arith.constant 0 : index
          %get3A_225 = vector.load %arg9[%get3A_223, %get3A_224] : memref<1x128xf32, #tpu.memory_space<vmem>>, vector<1x128xf32>
          %add3A_226 = arith.addf %dot_general3A_212, %get3A_225 : vector<1x128xf32>
          %swap3A = arith.constant 0 : index
          %swap3A_227 = arith.constant 0 : index
          %swap3A_228 = vector.load %arg10[%swap3A, %swap3A_227] : memref<1x128xf32, #tpu.memory_space<vmem>>, vector<1x128xf32>
          tpu.vector_store %arg10[%swap3A, %swap3A_227], %add3A_226 {strides = array<i32>} : memref<1x128xf32, #tpu.memory_space<vmem>>, vector<1x128xf32>,
        } else {
        }
        %gt3A_218 = arith.constant 0 : i32
        %gt3A_219 = arith.cmpi sgt, %arg1, %gt3A_218 : i32
        %convert_element_type3A_220 = arith.extui %gt3A_219 : i1 to i32
        %cond3A_221 = arith.constant 0 : i32
        %cond3A_222 = arith.cmpi ne, %convert_element_type3A_220, %cond3A_221 : i32
        scf.if %cond3A_222 {
          %get3A_223 = arith.constant 0 : index
          %get3A_224 = arith.constant 0 : index
          %get3A_225 = vector.load %arg10[%get3A_223, %get3A_224] : memref<1x128xf32, #tpu.memory_space<vmem>>, vector<1x128xf32>
          %add3A_226 = arith.addf %get3A_225, %dot_general3A_212 : vector<1x128xf32>
          %swap3A = arith.constant 0 : index
          %swap3A_227 = arith.constant 0 : index
          %swap3A_228 = vector.load %arg10[%swap3A, %swap3A_227] : memref<1x128xf32, #tpu.memory_space<vmem>>, vector<1x128xf32>
          tpu.vector_store %arg10[%swap3A, %swap3A_227], %add3A_226 {strides = array<i32>} : memref<1x128xf32, #tpu.memory_space<vmem>>, vector<1x128xf32>,
        } else {
        }
      } else {
      }
      %eq3A_177 = arith.constant 3 : i32
      %eq3A_178 = arith.cmpi eq, %arg1, %eq3A_177 : i32
      %convert_element_type3A_179 = arith.extui %eq3A_178 : i1 to i32
      %cond3A_180 = arith.constant 0 : i32
      %cond3A_181 = arith.cmpi ne, %convert_element_type3A_179, %cond3A_180 : i32
      scf.if %cond3A_181 {
        %get3A_202 = arith.constant 3 : index
        %get3A_203 = arith.constant 0 : index
        %get3A_204 = vector.load %arg11[%get3A_202, %get3A_203] : memref<8x128xf32, #tpu.memory_space<vmem>>, vector<1x128xf32>
        %mul3A_205 = arith.constant 9.99999974E-5 : f32
        %mul3A_206 = vector.broadcast %mul3A_205 : f32 to vector<1x128xf32>
        %mul3A_207 = arith.mulf %get3A_204, %mul3A_206 : vector<1x128xf32>
        %get3A_208 = arith.constant 0 : index
        %get3A_209 = arith.constant 0 : index
        %get3A_210 = vector.load %arg8[%get3A_208, %get3A_209] : memref<128x128xf32, #tpu.memory_space<vmem>>, vector<128x128xf32>
        %dot_general3A_211 = arith.constant dense<0.000000e+00> : vector<1x128xf32>
        %dot_general3A_212 = tpu.matmul %mul3A_207, %get3A_210, %dot_general3A_211 {dimension_numbers = #tpu.dot_dimension_numbers<[1], [0], [0], [1], [0, 0, 1, 1], [], []>, transpose_lhs_hint = false} : vector<1x128xf32>, vector<128x128xf32>, vector<1x128xf32> -> vector<1x128xf32>
        %eq3A_213 = arith.constant 0 : i32
        %eq3A_214 = arith.cmpi eq, %arg1, %eq3A_213 : i32
        %convert_element_type3A_215 = arith.extui %eq3A_214 : i1 to i32
        %cond3A_216 = arith.constant 0 : i32
        %cond3A_217 = arith.cmpi ne, %convert_element_type3A_215, %cond3A_216 : i32
        scf.if %cond3A_217 {
          %get3A_223 = arith.constant 0 : index
          %get3A_224 = arith.constant 0 : index
          %get3A_225 = vector.load %arg9[%get3A_223, %get3A_224] : memref<1x128xf32, #tpu.memory_space<vmem>>, vector<1x128xf32>
          %add3A_226 = arith.addf %dot_general3A_212, %get3A_225 : vector<1x128xf32>
          %swap3A = arith.constant 0 : index
          %swap3A_227 = arith.constant 0 : index
          %swap3A_228 = vector.load %arg10[%swap3A, %swap3A_227] : memref<1x128xf32, #tpu.memory_space<vmem>>, vector<1x128xf32>
          tpu.vector_store %arg10[%swap3A, %swap3A_227], %add3A_226 {strides = array<i32>} : memref<1x128xf32, #tpu.memory_space<vmem>>, vector<1x128xf32>,
        } else {
        }
        %gt3A_218 = arith.constant 0 : i32
        %gt3A_219 = arith.cmpi sgt, %arg1, %gt3A_218 : i32
        %convert_element_type3A_220 = arith.extui %gt3A_219 : i1 to i32
        %cond3A_221 = arith.constant 0 : i32
        %cond3A_222 = arith.cmpi ne, %convert_element_type3A_220, %cond3A_221 : i32
        scf.if %cond3A_222 {
          %get3A_223 = arith.constant 0 : index
          %get3A_224 = arith.constant 0 : index
          %get3A_225 = vector.load %arg10[%get3A_223, %get3A_224] : memref<1x128xf32, #tpu.memory_space<vmem>>, vector<1x128xf32>
          %add3A_226 = arith.addf %get3A_225, %dot_general3A_212 : vector<1x128xf32>
          %swap3A = arith.constant 0 : index
          %swap3A_227 = arith.constant 0 : index
          %swap3A_228 = vector.load %arg10[%swap3A, %swap3A_227] : memref<1x128xf32, #tpu.memory_space<vmem>>, vector<1x128xf32>
          tpu.vector_store %arg10[%swap3A, %swap3A_227], %add3A_226 {strides = array<i32>} : memref<1x128xf32, #tpu.memory_space<vmem>>, vector<1x128xf32>,
        } else {
        }
      } else {
      }
      %eq3A_182 = arith.constant 4 : i32
      %eq3A_183 = arith.cmpi eq, %arg1, %eq3A_182 : i32
      %convert_element_type3A_184 = arith.extui %eq3A_183 : i1 to i32
      %cond3A_185 = arith.constant 0 : i32
      %cond3A_186 = arith.cmpi ne, %convert_element_type3A_184, %cond3A_185 : i32
      scf.if %cond3A_186 {
        %get3A_202 = arith.constant 4 : index
        %get3A_203 = arith.constant 0 : index
        %get3A_204 = vector.load %arg11[%get3A_202, %get3A_203] : memref<8x128xf32, #tpu.memory_space<vmem>>, vector<1x128xf32>
        %mul3A_205 = arith.constant 9.99999974E-5 : f32
        %mul3A_206 = vector.broadcast %mul3A_205 : f32 to vector<1x128xf32>
        %mul3A_207 = arith.mulf %get3A_204, %mul3A_206 : vector<1x128xf32>
        %get3A_208 = arith.constant 0 : index
        %get3A_209 = arith.constant 0 : index
        %get3A_210 = vector.load %arg8[%get3A_208, %get3A_209] : memref<128x128xf32, #tpu.memory_space<vmem>>, vector<128x128xf32>
        %dot_general3A_211 = arith.constant dense<0.000000e+00> : vector<1x128xf32>
        %dot_general3A_212 = tpu.matmul %mul3A_207, %get3A_210, %dot_general3A_211 {dimension_numbers = #tpu.dot_dimension_numbers<[1], [0], [0], [1], [0, 0, 1, 1], [], []>, transpose_lhs_hint = false} : vector<1x128xf32>, vector<128x128xf32>, vector<1x128xf32> -> vector<1x128xf32>
        %eq3A_213 = arith.constant 0 : i32
        %eq3A_214 = arith.cmpi eq, %arg1, %eq3A_213 : i32
        %convert_element_type3A_215 = arith.extui %eq3A_214 : i1 to i32
        %cond3A_216 = arith.constant 0 : i32
        %cond3A_217 = arith.cmpi ne, %convert_element_type3A_215, %cond3A_216 : i32
        scf.if %cond3A_217 {
          %get3A_223 = arith.constant 0 : index
          %get3A_224 = arith.constant 0 : index
          %get3A_225 = vector.load %arg9[%get3A_223, %get3A_224] : memref<1x128xf32, #tpu.memory_space<vmem>>, vector<1x128xf32>
          %add3A_226 = arith.addf %dot_general3A_212, %get3A_225 : vector<1x128xf32>
          %swap3A = arith.constant 0 : index
          %swap3A_227 = arith.constant 0 : index
          %swap3A_228 = vector.load %arg10[%swap3A, %swap3A_227] : memref<1x128xf32, #tpu.memory_space<vmem>>, vector<1x128xf32>
          tpu.vector_store %arg10[%swap3A, %swap3A_227], %add3A_226 {strides = array<i32>} : memref<1x128xf32, #tpu.memory_space<vmem>>, vector<1x128xf32>,
        } else {
        }
        %gt3A_218 = arith.constant 0 : i32
        %gt3A_219 = arith.cmpi sgt, %arg1, %gt3A_218 : i32
        %convert_element_type3A_220 = arith.extui %gt3A_219 : i1 to i32
        %cond3A_221 = arith.constant 0 : i32
        %cond3A_222 = arith.cmpi ne, %convert_element_type3A_220, %cond3A_221 : i32
        scf.if %cond3A_222 {
          %get3A_223 = arith.constant 0 : index
          %get3A_224 = arith.constant 0 : index
          %get3A_225 = vector.load %arg10[%get3A_223, %get3A_224] : memref<1x128xf32, #tpu.memory_space<vmem>>, vector<1x128xf32>
          %add3A_226 = arith.addf %get3A_225, %dot_general3A_212 : vector<1x128xf32>
          %swap3A = arith.constant 0 : index
          %swap3A_227 = arith.constant 0 : index
          %swap3A_228 = vector.load %arg10[%swap3A, %swap3A_227] : memref<1x128xf32, #tpu.memory_space<vmem>>, vector<1x128xf32>
          tpu.vector_store %arg10[%swap3A, %swap3A_227], %add3A_226 {strides = array<i32>} : memref<1x128xf32, #tpu.memory_space<vmem>>, vector<1x128xf32>,
        } else {
        }
      } else {
      }
      %eq3A_187 = arith.constant 5 : i32
      %eq3A_188 = arith.cmpi eq, %arg1, %eq3A_187 : i32
      %convert_element_type3A_189 = arith.extui %eq3A_188 : i1 to i32
      %cond3A_190 = arith.constant 0 : i32
      %cond3A_191 = arith.cmpi ne, %convert_element_type3A_189, %cond3A_190 : i32
      scf.if %cond3A_191 {
        %get3A_202 = arith.constant 5 : index
        %get3A_203 = arith.constant 0 : index
        %get3A_204 = vector.load %arg11[%get3A_202, %get3A_203] : memref<8x128xf32, #tpu.memory_space<vmem>>, vector<1x128xf32>
        %mul3A_205 = arith.constant 9.99999974E-5 : f32
        %mul3A_206 = vector.broadcast %mul3A_205 : f32 to vector<1x128xf32>
        %mul3A_207 = arith.mulf %get3A_204, %mul3A_206 : vector<1x128xf32>
        %get3A_208 = arith.constant 0 : index
        %get3A_209 = arith.constant 0 : index
        %get3A_210 = vector.load %arg8[%get3A_208, %get3A_209] : memref<128x128xf32, #tpu.memory_space<vmem>>, vector<128x128xf32>
        %dot_general3A_211 = arith.constant dense<0.000000e+00> : vector<1x128xf32>
        %dot_general3A_212 = tpu.matmul %mul3A_207, %get3A_210, %dot_general3A_211 {dimension_numbers = #tpu.dot_dimension_numbers<[1], [0], [0], [1], [0, 0, 1, 1], [], []>, transpose_lhs_hint = false} : vector<1x128xf32>, vector<128x128xf32>, vector<1x128xf32> -> vector<1x128xf32>
        %eq3A_213 = arith.constant 0 : i32
        %eq3A_214 = arith.cmpi eq, %arg1, %eq3A_213 : i32
        %convert_element_type3A_215 = arith.extui %eq3A_214 : i1 to i32
        %cond3A_216 = arith.constant 0 : i32
        %cond3A_217 = arith.cmpi ne, %convert_element_type3A_215, %cond3A_216 : i32
        scf.if %cond3A_217 {
          %get3A_223 = arith.constant 0 : index
          %get3A_224 = arith.constant 0 : index
          %get3A_225 = vector.load %arg9[%get3A_223, %get3A_224] : memref<1x128xf32, #tpu.memory_space<vmem>>, vector<1x128xf32>
          %add3A_226 = arith.addf %dot_general3A_212, %get3A_225 : vector<1x128xf32>
          %swap3A = arith.constant 0 : index
          %swap3A_227 = arith.constant 0 : index
          %swap3A_228 = vector.load %arg10[%swap3A, %swap3A_227] : memref<1x128xf32, #tpu.memory_space<vmem>>, vector<1x128xf32>
          tpu.vector_store %arg10[%swap3A, %swap3A_227], %add3A_226 {strides = array<i32>} : memref<1x128xf32, #tpu.memory_space<vmem>>, vector<1x128xf32>,
        } else {
        }
        %gt3A_218 = arith.constant 0 : i32
        %gt3A_219 = arith.cmpi sgt, %arg1, %gt3A_218 : i32
        %convert_element_type3A_220 = arith.extui %gt3A_219 : i1 to i32
        %cond3A_221 = arith.constant 0 : i32
        %cond3A_222 = arith.cmpi ne, %convert_element_type3A_220, %cond3A_221 : i32
        scf.if %cond3A_222 {
          %get3A_223 = arith.constant 0 : index
          %get3A_224 = arith.constant 0 : index
          %get3A_225 = vector.load %arg10[%get3A_223, %get3A_224] : memref<1x128xf32, #tpu.memory_space<vmem>>, vector<1x128xf32>
          %add3A_226 = arith.addf %get3A_225, %dot_general3A_212 : vector<1x128xf32>
          %swap3A = arith.constant 0 : index
          %swap3A_227 = arith.constant 0 : index
          %swap3A_228 = vector.load %arg10[%swap3A, %swap3A_227] : memref<1x128xf32, #tpu.memory_space<vmem>>, vector<1x128xf32>
          tpu.vector_store %arg10[%swap3A, %swap3A_227], %add3A_226 {strides = array<i32>} : memref<1x128xf32, #tpu.memory_space<vmem>>, vector<1x128xf32>,
        } else {
        }
      } else {
      }
      %eq3A_192 = arith.constant 6 : i32
      %eq3A_193 = arith.cmpi eq, %arg1, %eq3A_192 : i32
      %convert_element_type3A_194 = arith.extui %eq3A_193 : i1 to i32
      %cond3A_195 = arith.constant 0 : i32
      %cond3A_196 = arith.cmpi ne, %convert_element_type3A_194, %cond3A_195 : i32
      scf.if %cond3A_196 {
        %get3A_202 = arith.constant 6 : index
        %get3A_203 = arith.constant 0 : index
        %get3A_204 = vector.load %arg11[%get3A_202, %get3A_203] : memref<8x128xf32, #tpu.memory_space<vmem>>, vector<1x128xf32>
        %mul3A_205 = arith.constant 9.99999974E-5 : f32
        %mul3A_206 = vector.broadcast %mul3A_205 : f32 to vector<1x128xf32>
        %mul3A_207 = arith.mulf %get3A_204, %mul3A_206 : vector<1x128xf32>
        %get3A_208 = arith.constant 0 : index
        %get3A_209 = arith.constant 0 : index
        %get3A_210 = vector.load %arg8[%get3A_208, %get3A_209] : memref<128x128xf32, #tpu.memory_space<vmem>>, vector<128x128xf32>
        %dot_general3A_211 = arith.constant dense<0.000000e+00> : vector<1x128xf32>
        %dot_general3A_212 = tpu.matmul %mul3A_207, %get3A_210, %dot_general3A_211 {dimension_numbers = #tpu.dot_dimension_numbers<[1], [0], [0], [1], [0, 0, 1, 1], [], []>, transpose_lhs_hint = false} : vector<1x128xf32>, vector<128x128xf32>, vector<1x128xf32> -> vector<1x128xf32>
        %eq3A_213 = arith.constant 0 : i32
        %eq3A_214 = arith.cmpi eq, %arg1, %eq3A_213 : i32
        %convert_element_type3A_215 = arith.extui %eq3A_214 : i1 to i32
        %cond3A_216 = arith.constant 0 : i32
        %cond3A_217 = arith.cmpi ne, %convert_element_type3A_215, %cond3A_216 : i32
        scf.if %cond3A_217 {
          %get3A_223 = arith.constant 0 : index
          %get3A_224 = arith.constant 0 : index
          %get3A_225 = vector.load %arg9[%get3A_223, %get3A_224] : memref<1x128xf32, #tpu.memory_space<vmem>>, vector<1x128xf32>
          %add3A_226 = arith.addf %dot_general3A_212, %get3A_225 : vector<1x128xf32>
          %swap3A = arith.constant 0 : index
          %swap3A_227 = arith.constant 0 : index
          %swap3A_228 = vector.load %arg10[%swap3A, %swap3A_227] : memref<1x128xf32, #tpu.memory_space<vmem>>, vector<1x128xf32>
          tpu.vector_store %arg10[%swap3A, %swap3A_227], %add3A_226 {strides = array<i32>} : memref<1x128xf32, #tpu.memory_space<vmem>>, vector<1x128xf32>,
        } else {
        }
        %gt3A_218 = arith.constant 0 : i32
        %gt3A_219 = arith.cmpi sgt, %arg1, %gt3A_218 : i32
        %convert_element_type3A_220 = arith.extui %gt3A_219 : i1 to i32
        %cond3A_221 = arith.constant 0 : i32
        %cond3A_222 = arith.cmpi ne, %convert_element_type3A_220, %cond3A_221 : i32
        scf.if %cond3A_222 {
          %get3A_223 = arith.constant 0 : index
          %get3A_224 = arith.constant 0 : index
          %get3A_225 = vector.load %arg10[%get3A_223, %get3A_224] : memref<1x128xf32, #tpu.memory_space<vmem>>, vector<1x128xf32>
          %add3A_226 = arith.addf %get3A_225, %dot_general3A_212 : vector<1x128xf32>
          %swap3A = arith.constant 0 : index
          %swap3A_227 = arith.constant 0 : index
          %swap3A_228 = vector.load %arg10[%swap3A, %swap3A_227] : memref<1x128xf32, #tpu.memory_space<vmem>>, vector<1x128xf32>
          tpu.vector_store %arg10[%swap3A, %swap3A_227], %add3A_226 {strides = array<i32>} : memref<1x128xf32, #tpu.memory_space<vmem>>, vector<1x128xf32>,
        } else {
        }
      } else {
      }
      %eq3A_197 = arith.constant 7 : i32
      %eq3A_198 = arith.cmpi eq, %arg1, %eq3A_197 : i32
      %convert_element_type3A_199 = arith.extui %eq3A_198 : i1 to i32
      %cond3A_200 = arith.constant 0 : i32
      %cond3A_201 = arith.cmpi ne, %convert_element_type3A_199, %cond3A_200 : i32
      scf.if %cond3A_201 {
        %get3A_202 = arith.constant 7 : index
        %get3A_203 = arith.constant 0 : index
        %get3A_204 = vector.load %arg11[%get3A_202, %get3A_203] : memref<8x128xf32, #tpu.memory_space<vmem>>, vector<1x128xf32>
        %mul3A_205 = arith.constant 9.99999974E-5 : f32
        %mul3A_206 = vector.broadcast %mul3A_205 : f32 to vector<1x128xf32>
        %mul3A_207 = arith.mulf %get3A_204, %mul3A_206 : vector<1x128xf32>
        %get3A_208 = arith.constant 0 : index
        %get3A_209 = arith.constant 0 : index
        %get3A_210 = vector.load %arg8[%get3A_208, %get3A_209] : memref<128x128xf32, #tpu.memory_space<vmem>>, vector<128x128xf32>
        %dot_general3A_211 = arith.constant dense<0.000000e+00> : vector<1x128xf32>
        %dot_general3A_212 = tpu.matmul %mul3A_207, %get3A_210, %dot_general3A_211 {dimension_numbers = #tpu.dot_dimension_numbers<[1], [0], [0], [1], [0, 0, 1, 1], [], []>, transpose_lhs_hint = false} : vector<1x128xf32>, vector<128x128xf32>, vector<1x128xf32> -> vector<1x128xf32>
        %eq3A_213 = arith.constant 0 : i32
        %eq3A_214 = arith.cmpi eq, %arg1, %eq3A_213 : i32
        %convert_element_type3A_215 = arith.extui %eq3A_214 : i1 to i32
        %cond3A_216 = arith.constant 0 : i32
        %cond3A_217 = arith.cmpi ne, %convert_element_type3A_215, %cond3A_216 : i32
        scf.if %cond3A_217 {
          %get3A_223 = arith.constant 0 : index
          %get3A_224 = arith.constant 0 : index
          %get3A_225 = vector.load %arg9[%get3A_223, %get3A_224] : memref<1x128xf32, #tpu.memory_space<vmem>>, vector<1x128xf32>
          %add3A_226 = arith.addf %dot_general3A_212, %get3A_225 : vector<1x128xf32>
          %swap3A = arith.constant 0 : index
          %swap3A_227 = arith.constant 0 : index
          %swap3A_228 = vector.load %arg10[%swap3A, %swap3A_227] : memref<1x128xf32, #tpu.memory_space<vmem>>, vector<1x128xf32>
          tpu.vector_store %arg10[%swap3A, %swap3A_227], %add3A_226 {strides = array<i32>} : memref<1x128xf32, #tpu.memory_space<vmem>>, vector<1x128xf32>,
        } else {
        }
        %gt3A_218 = arith.constant 0 : i32
        %gt3A_219 = arith.cmpi sgt, %arg1, %gt3A_218 : i32
        %convert_element_type3A_220 = arith.extui %gt3A_219 : i1 to i32
        %cond3A_221 = arith.constant 0 : i32
        %cond3A_222 = arith.cmpi ne, %convert_element_type3A_220, %cond3A_221 : i32
        scf.if %cond3A_222 {
          %get3A_223 = arith.constant 0 : index
          %get3A_224 = arith.constant 0 : index
          %get3A_225 = vector.load %arg10[%get3A_223, %get3A_224] : memref<1x128xf32, #tpu.memory_space<vmem>>, vector<1x128xf32>
          %add3A_226 = arith.addf %get3A_225, %dot_general3A_212 : vector<1x128xf32>
          %swap3A = arith.constant 0 : index
          %swap3A_227 = arith.constant 0 : index
          %swap3A_228 = vector.load %arg10[%swap3A, %swap3A_227] : memref<1x128xf32, #tpu.memory_space<vmem>>, vector<1x128xf32>
          tpu.vector_store %arg10[%swap3A, %swap3A_227], %add3A_226 {strides = array<i32>} : memref<1x128xf32, #tpu.memory_space<vmem>>, vector<1x128xf32>,
        } else {
        }
      } else {
      }
    } else {
    }
    return
  }
  func.func @transform_0(%arg0: i32, %arg1: i32) -> (i32, i32) {
    %c0_i32 = arith.constant 0 : i32
    %c0_i32_0 = arith.constant 0 : i32
    return %arg0, %c0_i32 : i32, i32
  }
  func.func @transform_1(%arg0: i32, %arg1: i32) -> (i32, i32) {
    %c0_i32 = arith.constant 0 : i32
    %c0_i32_0 = arith.constant 0 : i32
    return %arg0, %c0_i32 : i32, i32
  }
  func.func @transform_2(%arg0: i32, %arg1: i32) -> (i32, i32) {
    %c0_i32 = arith.constant 0 : i32
    %c0_i32_0 = arith.constant 0 : i32
    return %arg0, %c0_i32 : i32, i32
  }
  func.func @transform_3(%arg0: i32, %arg1: i32) -> (i32, i32) {
    %c0_i32 = arith.constant 0 : i32
    %c0_i32_0 = arith.constant 0 : i32
    return %c0_i32, %arg1 : i32, i32
  }
  func.func @transform_4(%arg0: i32, %arg1: i32) -> (i32, i32) {
    %c0_i32 = arith.constant 0 : i32
    %c0_i32_0 = arith.constant 0 : i32
    return %c0_i32, %arg1 : i32, i32
  }
  func.func @transform_5(%arg0: i32, %arg1: i32) -> (i32, i32) {
    %c0_i32 = arith.constant 0 : i32
    %c0_i32_0 = arith.constant 0 : i32
    return %c0_i32, %arg1 : i32, i32
  }
  func.func @transform_6(%arg0: i32, %arg1: i32) -> (i32, i32) {
    %c0_i32 = arith.constant 0 : i32
    %c0_i32_0 = arith.constant 0 : i32
    return %arg1, %c0_i32 : i32, i32
  }
  func.func @transform_7(%arg0: i32, %arg1: i32) -> (i32, i32) {
    %c0_i32 = arith.constant 0 : i32
    %c0_i32_0 = arith.constant 0 : i32
    %c0_i32_1 = arith.constant 0 : i32
    return %c0_i32, %c0_i32_0 : i32, i32
  }
  func.func @transform_8(%arg0: i32, %arg1: i32) -> (i32, i32) {
    %c0_i32 = arith.constant 0 : i32
    %c0_i32_0 = arith.constant 0 : i32
    %c0_i32_1 = arith.constant 0 : i32
    return %c0_i32, %c0_i32_0 : i32, i32
  }
}

</mosaic_0001>

<sc_bundles>
// kernel: kernel.10.cloned.1.call-start
scs
__scs_entry_jumppad:
0x0: {  	(pc) =	sbr.rel $0x88, $3  }
0x1: {  	(tag) =	ssettag $0x0;
	lr =	simm.s32 $0x1  }
0x2: {  	[smem:$0x3F99] =	sst lr;
	_ =	strace $0xD0000000  }
0x3: {  	_ = 	snop  }
0x4: {  	_ = 	snop  }
0x5: {  	_ = 	snop  }
0x6: {  	_ = 	snop  }
0x7: {  	_ = 	snop  }
__scs_overlays_trampoline_lowered:
0x8: {  	[smem:$0x3FA8] =	sst s0  }
0x9: {  	[smem:$0x3FA9] =	sst s1  }
0xa: {  	[smem:$0x3FAA] =	sst s2  }
0xb: {  	[smem:$0x3FAB] =	sst s3  }
0xc: {  	[smem:$0x3FAC] =	sst s4  }
0xd: {  	[smem:$0x3FAD] =	sst s5  }
0xe: {  	[smem:$0x3FAE] =	sst s6  }
0xf: {  	[smem:$0x3FAF] =	sst s7  }
0x10: {  	[smem:$0x3FB0] =	sst s8  }
0x11: {  	[smem:$0x3FB1] =	sst s9;
	s0 =	simm.s32 @!p0 $0x0  }
0x12: {  	s1 =	sld [smem:$0x3F97];
	s0 =	simm.s32 @p0 $0x1  }
0x13: {  	[smem:$0x3FB2] =	sst s0;
	s0 =	simm.s32 @!p1 $0x0  }
0x14: {  	s2 =	sld [smem:$0x3F96];
	s0 =	simm.s32 @p1 $0x1  }
0x15: {  	[smem:$0x3FB3] =	sst s0;
	s0 =	simm.s32 @!p2 $0x0  }
0x16: {  	s3 =	sld [smem:$0x3FDB];
	s0 =	simm.s32 @p2 $0x1  }
0x17: {  	s4 =	simm.s32 $0x1BF5;
	[smem:$0x3FB5] =	sst s0  }
0x18: {  	s0 =	sld [smem:$0x3F98];
	_ =	swait.ge [sflag:s4], $0x0  }
0x19: {  	s7 =	sld [smem:$0x3F99]  }
0x1a: {  	s8 =	sadd.s32 $0xFFFFE003, lr  }
0x1b: {  	s9 =	sadd.s32 $0xFFFFFEF7, lr;
	s5 =	simm.s32 $0xFFFFFFFF;
	p2 =	slt.u32 s8, $0xFFFFF086  }
0x1c: {  	p1 =	slt.u32 s9, $0xF7A;
	s5 =	simm.s32 @!p2 $0x0  }
0x1d: {  	s5 =	simm.s32 @p1 $0x1;
	p0 =	seq.s32 s7, s2  }
0x1e: {  	s7 =	smul.u32 @!p0 $0xF7A, s2;
	p2 =	seq.s32 @!p0 s5, $0x0  }
0x1f: {  	s9 =	smul.u32 $0xF7A, s1;
	s8 =	simm.s32 @!p0 $0x1BF5;
	p2 =	por !p2, p0  }
0x20: {  	[sflag:s8] =	ssyncset.s32 @!p0 $0xFFFFF086;
	s6 =	sadd.s32 @!p0 s3, s7;
	s7 =	simm.s32 @!p0 $0x108  }
0x21: {  	s3 =	sadd.s32 s3, s9;
	s6 =	sadd.s32 @!p0 $0x88, s6;
	s7 =	simm.s32 @p2 $0x1082  }
0x22: {  	[simem:s7], [sflag:s8] =	dma.local @!p0 [hbm:s6], $0xF7A  }
0x23: {  	s9 =	sor.u32 $0xD0000000, s2;
	s6 =	simm.s32 $0x108;
	_ =	swait.ge @!p0 [sflag:s8], $0x0  }
0x24: {  	s3 =	sadd.s32 $0x88, s3;
	s6 =	simm.s32 @!p1 $0x1082;
	[sflag:s4] =	ssyncset.s32 $0xFFFFF086  }
0x25: {  	[simem:s6], [sflag:s4] =	dma.local [hbm:s3], $0xF7A  }
0x26: {  	[smem:$0x3F99] =	sst s1;
	(tag) =	ssettag s2;
	_ =	strace s9  }
0x27: {  	s1 =	sld [smem:$0x3FA9]  }
0x28: {  	s2 =	sld [smem:$0x3FAA]  }
0x29: {  	s4 =	sld [smem:$0x3FAC]  }
0x2a: {  	p0 =	seq.s32 s5, $0x0;
	s5 =	sld [smem:$0x3FAD]  }
0x2b: {  	s6 =	sld [smem:$0x3FAE]  }
0x2c: {  	s7 =	sld [smem:$0x3FAF]  }
0x2d: {  	s3 =	simm.s32 $0x108;
	s8 =	sld [smem:$0x3FB0]  }
0x2e: {  	s3 =	simm.s32 @!p0 $0x1082;
	s9 =	sld [smem:$0x3FB1]  }
0x2f: {  	lr =	sadd.s32 s0, s3;
	s0 =	sld [smem:$0x3FA8]  }
0x30: {  	s3 =	sld [smem:$0x3FAB]  }
0x31: {  	[smem:$0x3FB4] =	sst s10  }
0x32: {  	s10 =	sld [smem:$0x3FB2];
	_ =	sdelay $0x3  }
0x33: {  	p0 =	seq.s32 s10, $0x1;
	s10 =	sld [smem:$0x3FB4];
	_ =	sdelay $0x3  }
0x34: {  	[smem:$0x3FB4] =	sst s10  }
0x35: {  	s10 =	sld [smem:$0x3FB3];
	_ =	sdelay $0x3  }
0x36: {  	p1 =	seq.s32 s10, $0x1;
	s10 =	sld [smem:$0x3FB4];
	_ =	sdelay $0x3  }
0x37: {  	[smem:$0x3FB4] =	sst s10  }
0x38: {  	s10 =	sld [smem:$0x3FB5]  }
0x39: {  	_ = 	snop;
	(pc) =	sbr.ind lr, $3  }
0x3a: {  	_ = 	snop  }
0x3b: {  	_ = 	snop  }
0x3c: {  	p2 =	seq.s32 s10, $0x1;
	s10 =	sld [smem:$0x3FB4]  }
0x3d: {  	_ =	shalt  }
0x3e: {  	_ =	shalt  }
0x3f: {  	_ =	shalt  }
0x40: {  	_ =	shalt  }
0x41: {  	_ =	shalt  }
0x42: {  	_ =	shalt  }
0x43: {  	_ =	shalt  }
0x44: {  	_ =	shalt  }
0x45: {  	_ =	shalt  }
0x46: {  	_ =	shalt  }
0x47: {  	_ =	shalt  }
0x48: {  	_ =	shalt  }
0x49: {  	_ =	shalt  }
0x4a: {  	_ =	shalt  }
0x4b: {  	_ =	shalt  }
0x4c: {  	_ =	shalt  }
0x4d: {  	_ =	shalt  }
0x4e: {  	_ =	shalt  }
0x4f: {  	_ =	shalt  }
0x50: {  	_ =	shalt  }
0x51: {  	_ =	shalt  }
0x52: {  	_ =	shalt  }
0x53: {  	_ =	shalt  }
0x54: {  	_ =	shalt  }
0x55: {  	_ =	shalt  }
0x56: {  	_ =	shalt  }
0x57: {  	_ =	shalt  }
0x58: {  	_ =	shalt  }
0x59: {  	_ =	shalt  }
0x5a: {  	_ =	shalt  }
0x5b: {  	_ =	shalt  }
0x5c: {  	_ =	shalt  }
0x5d: {  	_ =	shalt  }
0x5e: {  	_ =	shalt  }
0x5f: {  	_ =	shalt  }
0x60: {  	_ =	shalt  }
0x61: {  	_ =	shalt  }
0x62: {  	_ =	shalt  }
0x63: {  	_ =	shalt  }
0x64: {  	_ =	shalt  }
0x65: {  	_ =	shalt  }
0x66: {  	_ =	shalt  }
0x67: {  	_ =	shalt  }
0x68: {  	_ =	shalt  }
0x69: {  	_ =	shalt  }
0x6a: {  	_ =	shalt  }
0x6b: {  	_ =	shalt  }
0x6c: {  	_ =	shalt  }
0x6d: {  	_ =	shalt  }
0x6e: {  	_ =	shalt  }
0x6f: {  	_ =	shalt  }
0x70: {  	_ =	shalt  }
0x71: {  	_ =	shalt  }
0x72: {  	_ =	shalt  }
0x73: {  	_ =	shalt  }
0x74: {  	_ =	shalt  }
0x75: {  	_ =	shalt  }
0x76: {  	_ =	shalt  }
0x77: {  	_ =	shalt  }
0x78: {  	_ =	shalt  }
0x79: {  	_ =	shalt  }
0x7a: {  	_ =	shalt  }
0x7b: {  	_ =	shalt  }
0x7c: {  	_ =	shalt  }
0x7d: {  	_ =	shalt  }
0x7e: {  	_ =	shalt  }
0x7f: {  	_ =	shalt  }
0x80: {  	_ =	shalt  }
0x81: {  	_ =	shalt  }
0x82: {  	_ =	shalt  }
0x83: {  	_ =	shalt  }
0x84: {  	_ =	shalt  }
0x85: {  	_ =	shalt  }
0x86: {  	_ =	shalt  }
0x87: {  	_ =	shalt  }
.Lfunc_end0:
.L_simem_size_0:
called_computation_lowered:
.L_overlay_start_0:
0x88: {  	s2 =	sld [smem:$0x3FD9]  }
0x89: {  	s3 =	sld [smem:$0x3FFE];
	_ =	sdelay $0x1  }
0x8a: {  	s1 =	srdreg.scid  }
0x8b: {  	s0 =	sand.u32 $0x1, s1  }
0x8c: {  	s16 =	sshll.u32 s0, $0xA;
	s2 =	sadd.s32 s3, s2  }
0x8d: {  	s2 =	sadd.s32 s2, s16  }
0x8e: {  	[smem:$0x3FC0] =	sst s2  }
0x8f: {  	_ = 	snop  }
0x90: {  	(tm) =	ssettm $0x1  }
0x91: {  	s17 =	sld [smem:$0x3FFB];
	_ =	sdelay $0x3  }
0x92: {  	_ =	strace s17  }
0x93: {  	s2 =	sld [smem:$0x3FFC];
	_ =	sdelay $0x3  }
0x94: {  	_ =	strace s2  }
0x95: {  	s2 =	sld [smem:$0x3FFD];
	_ =	sdelay $0x3  }
0x96: {  	_ =	strace s2  }
0x97: {  	_ =	strace $0x8FFFFFFF  }
0x98: {  	s18 =	sld [smem:$0x3FDB];
	_ =	sdelay $0x1  }
0x99: {  	s19 =	simm.s32 $_scs_section_size  }
0x9a: {  	s4 =	simm.s32 $_size__tile_overlayer_lowered;
	s5 =	simm.s32 $_tile_overlayer_lowered  }
0x9b: {  	s22 =	simm.s32 $0x1BFF;
	s21 =	sshll.u32 s5, $0x1;
	s2 =	sadd.s32 s19, s18  }
0x9c: {  	s6 =	simm.s32 $0x0;
	s20 =	sshll.u32 s4, $0x1;
	s4 =	sadd.s32 s21, s2  }
0x9d: {  	[timem:s6], [sflag:s22] =	dma.local [hbm:s4], s20  }
0x9e: {  	_ =	swait.ge [sflag:s22], s20  }
0x9f: {  	s3 =	ssub.s32 $0x0, s20;
	[sflag:s22] =	ssyncset.done $0x0  }
0xa0: {  	[sflag:s22] =	ssyncadd.s32 s3;
	_ =	sdelay $0x1  }
0xa1: {  	s23 =	simm.s32 $0x1B8B  }
0xa2: {  	_ =	swait.ge [sflag:s23], $0x1  }
0xa3: {  	[sflag:s23] =	ssyncset.done $0x0  }
0xa4: {  	s25 =	simm.s32 $0x1B8E;
	s24 =	sld [smem:$0x3FFE];
	[sflag:s23] =	ssyncadd.s32 $0xFFFFFFFF  }
0xa5: {  	s26 =	simm.s32 $execute0_lowered;
	[smem:$0x3FD2] =	sst s25  }
0xa6: {  	s4 =	sshll.u32 s26, $0x1;
	_ =	strace $0x80000046;
	[dreg:$0x1] =	wrdreg $0xFFFFFFFF  }
0xa7: {  	s28 =	simm.s32 $_size_execute0_lowered;
	s2 =	sadd.s32 s2, s4;
	[dreg:$0x0] =	wrdreg $0x0  }
0xa8: {  	s4 =	sshll.u32 s28, $0x1;
	[dreg:$0x2] =	wrdreg s2  }
0xa9: {  	[dreg:$0x3] =	wrdreg s4  }
0xaa: {  	[dreg:$0x4] =	wrdreg $0xC0  }
0xab: {  	_ =	task [dreg:s6], $0x5FFFF  }
0xac: {  	[dreg:$0x1] =	wrdreg $0xFFFFFFFF  }
0xad: {  	[dreg:$0x0] =	wrdreg $0x60  }
0xae: {  	[dreg:$0x2] =	wrdreg s24  }
0xaf: {  	[dreg:$0x3] =	wrdreg $0x0  }
0xb0: {  	[dreg:$0x4] =	wrdreg $0x9  }
0xb1: {  	_ =	task.clear_ibuf [dreg:s6], $0x5FFFF;
	_ =	strace $0x90000046  }
0xb2: {  	s29 =	simm.s32 $0x9;
	_ =	strace $0x80000048  }
0xb3: {  	_ =	swait.ge [sflag:s29], $0x1  }
0xb4: {  	[sflag:s29] =	ssyncadd.s32 $0xFFFFFFFF  }
0xb5: {  	_ =	strace $0x90000048  }
0xb6: {  	_ =	sfence  }
0xb7: {  	s30 =	sld [smem:$0x0];
	_ =	sdelay $0x2  }
0xb8: {  	s31 =	sshll.u32 s1, $0xD;
	s1 =	sshrl.u32 s1, $0x2  }
0xb9: {  	s3 =	sand.u32 $0x4000, s31;
	s1 =	sadd.s32 s1, s30  }
0xba: {  	s0 =	sor.u32 s3, s0;
	s1 =	sshll.u32 s1, $0x11  }
0xbb: {  	s0 =	sor.u32 s1, s0  }
0xbc: {  	s0 =	sadd.s32 $0x8F2B, s0  }
0xbd: {  	[sflag:s0] =	ssyncadd.remote.s32 $0x1  }
0xbe: {  	_ =	sfence.sel $0xFFFF  }
0xbf: {  	[dreg:$0x0] =	wrdreg $0xFFFFFFFF;
	(pc) =	sbr.abs _section_cstart, $3  }
0xc0: {  	[dreg:$0x1] =	wrdreg $0xFFFFFFFF  }
0xc1: {  	_ =	task.clear_ibuf [dreg:s6], $0x2FFFF;
	_ =	strace $0x9FFFFFFF  }
0xc2: {  	(tm) =	ssettm $0x7FFFFFFF  }
0xc3: {  	_ =	shalt  }
tec
execute0_lowered:
.L_overlay_start_1:
0x0: {  	(tag) =	ssettag $0x1  }
0x1: {  	s5 =	rddreg [dreg:$0x0]  }
0x2: {  	s1 =	rddreg [dreg:$0x1]  }
0x3: {  	s0 =	rddreg [dreg:$0x2]  }
0x4: {  	s3 =	simm.s32 $0x0;
	s4 =	srdreg.scid;
	s2 =	stileid.u32  }
0x5: {  	s13 =	simm.s32 $0x1;
	s14 =	simm.s32 $0x280;
	s15 =	simm.s32 $0x80  }
0x6: {  	s16 =	simm.s32 $0x300;
	s19 =	simm.s32 $0x0;
	[smem:$0x7FF] =	sst s3  }
0x7: {  	s12 =	sand.u32 $0x1, s4;
	s31 =	sshll.u32 s2, $0x4;
	s8 =	smul.u32 $0x280, s2  }
0x8: {  	s4 =	sadd.s32 $0xCA00, s5;
	p0 =	slt.u32 s2, $0x2;
	s17 =	sshll.u32 s2, $0x6  }
0x9: {  	_ =	strace $0x80000047;
	s6 =	ssub.s32 $0x2, s12;
	s11 =	sadd.s32 s31, s5  }
.Ltmp0:
0xa: {  	s5 =	sadd.s32 $0xD000, s5;
	s17 =	sor.u32 $0x1C01, s17;
	(pc) =	sbr.rel .LBB2_1-.Ltmp0, $4  }
0xb: {  	s7 =	sshrl.u32 s6, $0x1;
	s10 =	sadd.s32 $0x2A00, s11;
	s11 =	sadd.s32 $0x7A00, s11  }
0xc: {  	s9 =	ssub.s32 s6, s7;
	s6 =	sadd.s32 s8, s1;
	s7 =	simm.s32 $0x4F  }
0xd: {  	s8 =	sshrl.u32 s8, $0x3;
	s7 =	simm.s32 @!p0 $0x4E;
	s9 =	smax.u32 s9, $0x1  }
0xe: {  	v0 =	vimm.f32 $1.000000000e+00;
	v1 =	vimm.f32 $0.0e+00;
	p0 =	sne.s32 s12, $0x0;
	s12 =	simm.s32 $0x380;
	s18 =	sshrl.u32 s6, $0x3  }
.LBB2_7:
0xf: {  	[sflag:s13] =	ssyncadd.s32 $0xFFFFFF80;
	s20 =	smov.u32 s5  }
.LBB2_8:
0x10: {  	s19 =	sadd.s32 $0x1, s19  }
0x11: {  	p1 =	sne.s32 s19, s9  }
.Ltmp1:
0x12: {  	s20 =	sadd.s32 s20, s8;
	[bflag:$0x0] =	sbarrier.arrive $0xFFFF;
	(pc) =	sbr.rel @!p1 .LBB2_9-.Ltmp1, $4  }
0x13: {  	[hbm:s20], [sflag:s17] =	dma.local [spmem:s18], $0x50  }
0x14: {  	_ =	swait.ge [sflag:s13], $0x50  }
0x15: {  	[sflag:s13] =	ssyncset.done $0x0  }
0x16: {  	[sflag:s13] =	ssyncadd.s32 $0xFFFFFFB0  }
.LBB2_1:
0x17: {  	[tilespmem:$0x300] =	vst v0  }
0x18: {  	[tilespmem:$0x310] =	vst v0  }
0x19: {  	[tilespmem:$0x320] =	vst v0  }
0x1a: {  	[tilespmem:$0x330] =	vst v0  }
0x1b: {  	[tilespmem:$0x340] =	vst v0  }
0x1c: {  	[tilespmem:$0x350] =	vst v0  }
0x1d: {  	[tilespmem:$0x360] =	vst v0  }
0x1e: {  	[tilespmem:$0x370] =	vst v0  }
0x1f: {  	[tilespmem:$0x380] =	vst v1  }
0x20: {  	[tilespmem:$0x390] =	vst v1  }
0x21: {  	[tilespmem:$0x3A0] =	vst v1  }
0x22: {  	[tilespmem:$0x3B0] =	vst v1  }
0x23: {  	[tilespmem:$0x3C0] =	vst v1  }
0x24: {  	[tilespmem:$0x3D0] =	vst v1  }
0x25: {  	[tilespmem:$0x3E0] =	vst v1  }
0x26: {  	[tilespmem:$0x3F0] =	vst v1  }
0x27: {  	[tilespmem:$0x400] =	vst v1  }
0x28: {  	[tilespmem:$0x410] =	vst v1  }
0x29: {  	[tilespmem:$0x420] =	vst v1  }
0x2a: {  	[tilespmem:$0x430] =	vst v1  }
0x2b: {  	[tilespmem:$0x440] =	vst v1  }
0x2c: {  	[tilespmem:$0x450] =	vst v1  }
0x2d: {  	[tilespmem:$0x460] =	vst v1  }
0x2e: {  	[tilespmem:$0x470] =	vst v1  }
0x2f: {  	[tilespmem:$0x480] =	vst v1  }
0x30: {  	[tilespmem:$0x490] =	vst v1  }
0x31: {  	[tilespmem:$0x4A0] =	vst v1  }
0x32: {  	[tilespmem:$0x4B0] =	vst v1  }
0x33: {  	[tilespmem:$0x4C0] =	vst v1  }
0x34: {  	[tilespmem:$0x4D0] =	vst v1  }
0x35: {  	[tilespmem:$0x4E0] =	vst v1  }
0x36: {  	[tilespmem:$0x4F0] =	vst v1  }
0x37: {  	[tilespmem:$0x500] =	vst v1  }
0x38: {  	[tilespmem:$0x510] =	vst v1  }
0x39: {  	[tilespmem:$0x520] =	vst v1  }
0x3a: {  	[tilespmem:$0x530] =	vst v1  }
0x3b: {  	[tilespmem:$0x540] =	vst v1  }
0x3c: {  	[tilespmem:$0x550] =	vst v1  }
0x3d: {  	[tilespmem:$0x560] =	vst v1  }
0x3e: {  	[tilespmem:$0x570] =	vst v1  }
0x3f: {  	[tilespmem:$0x580] =	vst v1  }
0x40: {  	[tilespmem:$0x590] =	vst v1  }
0x41: {  	[tilespmem:$0x5A0] =	vst v1  }
0x42: {  	[tilespmem:$0x5B0] =	vst v1  }
0x43: {  	[tilespmem:$0x5C0] =	vst v1  }
0x44: {  	[tilespmem:$0x5D0] =	vst v1  }
0x45: {  	[tilespmem:$0x5E0] =	vst v1  }
0x46: {  	[tilespmem:$0x5F0] =	vst v1  }
0x47: {  	[spmem:s6] =	stream.linear.scatter [tilespmem:s12], [sflag:$0x1], $0x280, $0x38;
	[tilespmem:$0x600] =	vst v63  }
.Ltmp2:
0x48: {  	_ =	swait.ge [sflag:s13], $0x280;
	(pc) =	sbr.rel @p0 .LBB2_5-.Ltmp2, $3  }
0x49: {  	[sflag:s13] =	ssyncset.done $0x0  }
0x4a: {  	[sflag:s13] =	ssyncadd.s32 $0xFFFFFD80  }
0x4b: {  	[bflag:$0x0] =	sbarrier.arrive $0xFFFF;
	_ =	sdelay $0x1  }
0x4c: {  	[tilespmem:s14], [sflag:$0x1] =	stream.linear.gather [hbm4b:s11+s3], $0x80, $0x38;
	[tilespmem:$0x600] =	vst v63  }
0x4d: {  	p1 =	seq.s32 s7, $0x1;
	_ =	swait.ge [sflag:s13], $0x80  }
.Ltmp3:
0x4e: {  	[sflag:s13] =	ssyncset.done $0x0;
	(pc) =	sbr.rel @p1 .LBB2_4-.Ltmp3, $4  }
0x4f: {  	[sflag:s13] =	ssyncadd.s32 $0xFFFFFF80  }
0x50: {  	[spmem:s1] =	stream.indirect.scatter.add.f32 [tilespmem:s16], [sflag:$0x1], $0x1, s14, s15, $0xb8;
	[tilespmem:$0x600] =	vst v63  }
0x51: {  	_ =	swait.ge [sflag:s13], $0x80  }
0x52: {  	s20 =	sadd.s32 $0xFFFFFFFF, s7;
	s21 =	smov.u32 s11;
	[sflag:s13] =	ssyncset.done $0x0  }
.LBB2_3:
0x53: {  	p1 =	seq.s32 s20, $0x1;
	[sflag:s13] =	ssyncadd.s32 $0xFFFFFF80;
	s21 =	sadd.s32 $0x100, s21  }
0x54: {  	[tilespmem:s14], [sflag:$0x1] =	stream.linear.gather [hbm4b:s21+s3], $0x80, $0x38;
	[tilespmem:$0x600] =	vst v63  }
0x55: {  	s20 =	sadd.s32 $0xFFFFFFFF, s20;
	_ =	swait.ge [sflag:s13], $0x80  }
.Ltmp4:
0x56: {  	[sflag:s13] =	ssyncset.done $0x0;
	(pc) =	sbr.rel @!p1 .LBB2_3-.Ltmp4, $4  }
0x57: {  	[sflag:s13] =	ssyncadd.s32 $0xFFFFFF80  }
0x58: {  	[spmem:s1] =	stream.indirect.scatter.add.f32 [tilespmem:s16], [sflag:$0x1], $0x1, s14, s15, $0xb8;
	[tilespmem:$0x600] =	vst v63  }
0x59: {  	_ =	swait.ge [sflag:s13], $0x80  }
0x5a: {  	[sflag:s13] =	ssyncset.done $0x0  }
.LBB2_4:
.Ltmp5:
0x5b: {  	(pc) =	sbr.rel .LBB2_8-.Ltmp5, $2  }
0x5c: {  	_ =	sdelay $0x2  }
0x5d: {  	[sflag:s13] =	ssyncadd.s32 $0xFFFFFF80;
	s20 =	smov.u32 s4  }
.LBB2_5:
0x5e: {  	[tilespmem:s14], [sflag:$0x1] =	stream.linear.gather [hbm4b:s10+s3], $0x80, $0x38;
	[tilespmem:$0x600] =	vst v63  }
0x5f: {  	p1 =	sne.s32 s7, $0x1;
	_ =	swait.ge [sflag:s13], $0x80  }
.Ltmp6:
0x60: {  	[sflag:s13] =	ssyncset.done $0x0;
	(pc) =	sbr.rel @!p1 .LBB2_7-.Ltmp6, $4  }
0x61: {  	[sflag:s13] =	ssyncadd.s32 $0xFFFFFF80  }
0x62: {  	[spmem:s1] =	stream.indirect.scatter.add.f32 [tilespmem:s16], [sflag:$0x1], $0x1, s14, s15, $0xb8;
	[tilespmem:$0x600] =	vst v63  }
0x63: {  	_ =	swait.ge [sflag:s13], $0x80  }
0x64: {  	s20 =	sadd.s32 $0xFFFFFFFF, s7;
	s21 =	smov.u32 s10;
	[sflag:s13] =	ssyncset.done $0x0  }
.LBB2_6:
0x65: {  	p1 =	sne.s32 s20, $0x1;
	[sflag:s13] =	ssyncadd.s32 $0xFFFFFF80;
	s21 =	sadd.s32 $0x100, s21  }
0x66: {  	[tilespmem:s14], [sflag:$0x1] =	stream.linear.gather [hbm4b:s21+s3], $0x80, $0x38;
	[tilespmem:$0x600] =	vst v63  }
0x67: {  	s20 =	sadd.s32 $0xFFFFFFFF, s20;
	_ =	swait.ge [sflag:s13], $0x80  }
.Ltmp7:
0x68: {  	[sflag:s13] =	ssyncset.done $0x0;
	(pc) =	sbr.rel @p1 .LBB2_6-.Ltmp7, $4  }
0x69: {  	[sflag:s13] =	ssyncadd.s32 $0xFFFFFF80  }
0x6a: {  	[spmem:s1] =	stream.indirect.scatter.add.f32 [tilespmem:s16], [sflag:$0x1], $0x1, s14, s15, $0xb8;
	[tilespmem:$0x600] =	vst v63  }
0x6b: {  	_ =	swait.ge [sflag:s13], $0x80  }
0x6c: {  	[sflag:s13] =	ssyncset.done $0x0  }
.Ltmp8:
0x6d: {  	_ = 	snop;
	(pc) =	sbr.rel .LBB2_7-.Ltmp8, $1  }
0x6e: {  	_ =	sdelay $0x3  }
.LBB2_9:
0x6f: {  	_ =	sfence.sel $0x180000  }
0x70: {  	[bflag:$0x0] =	sbarrier.arrive $0xFFFF  }
0x71: {  	p0 =	sne.s32 s2, $0x0;
	_ =	strace $0x90000047  }
0x72: {  	s0 =	sadd.s32 @!p0 $0x100000, s0;
	[bflag:$0x2] =	sbarrier.arrive $0xFFFF  }
0x73: {  	[sflag:s0] =	ssyncadd.tile.s32 @!p0 $0x1;
	_ =	shalt  }
.Lfunc_end2:
_tile_overlayer_lowered:
.L_overlay_start_2:
0x74: {  	(tag) =	ssettag $0x2  }
0x75: {  	s0 =	rddreg [dreg:$0x0];
	s2 =	stileid.u32  }
0x76: {  	s1 =	rddreg [dreg:$0x1];
	p0 =	sne.s32 s2, $0x0  }
0x77: {  	s3 =	rddreg [dreg:$0x2];
	[bflag:$0x3] =	sbarrier.arrive $0xFFFF;
	s2 =	simm.s32 @!p0 $0x1C01  }
0x78: {  	[timem:s3], [sflag:s2] =	dma.local @!p0 [hbm:s0], s1  }
0x79: {  	s0 =	simm.s32 @!p0 $0x1  }
0x7a: {  	_ =	swait.ge @!p0 [sflag:s0], s1  }
0x7b: {  	s1 =	ssub.s32 @!p0 $0x0, s1;
	[sflag:s0] =	ssyncset.done @!p0 $0x0  }
0x7c: {  	[sflag:s0] =	ssyncadd.s32 @!p0 s1  }
0x7d: {  	[bflag:$0x3] =	sbarrier.arrive $0xFFFF  }
0x7e: {  	_ =	shalt  }

// kernel: kernel.13.cloned.1.call-start
scs
__scs_entry_jumppad:
0x0: {  	(pc) =	sbr.rel $0x88, $3  }
0x1: {  	(tag) =	ssettag $0x0;
	lr =	simm.s32 $0x1  }
0x2: {  	[smem:$0x3F99] =	sst lr;
	_ =	strace $0xD0000000  }
0x3: {  	_ = 	snop  }
0x4: {  	_ = 	snop  }
0x5: {  	_ = 	snop  }
0x6: {  	_ = 	snop  }
0x7: {  	_ = 	snop  }
__scs_overlays_trampoline_lowered:
0x8: {  	[smem:$0x3FA8] =	sst s0  }
0x9: {  	[smem:$0x3FA9] =	sst s1  }
0xa: {  	[smem:$0x3FAA] =	sst s2  }
0xb: {  	[smem:$0x3FAB] =	sst s3  }
0xc: {  	[smem:$0x3FAC] =	sst s4  }
0xd: {  	[smem:$0x3FAD] =	sst s5  }
0xe: {  	[smem:$0x3FAE] =	sst s6  }
0xf: {  	[smem:$0x3FAF] =	sst s7  }
0x10: {  	[smem:$0x3FB0] =	sst s8  }
0x11: {  	[smem:$0x3FB1] =	sst s9;
	s0 =	simm.s32 @!p0 $0x0  }
0x12: {  	s1 =	sld [smem:$0x3F97];
	s0 =	simm.s32 @p0 $0x1  }
0x13: {  	[smem:$0x3FB2] =	sst s0;
	s0 =	simm.s32 @!p1 $0x0  }
0x14: {  	s2 =	sld [smem:$0x3F96];
	s0 =	simm.s32 @p1 $0x1  }
0x15: {  	[smem:$0x3FB3] =	sst s0;
	s0 =	simm.s32 @!p2 $0x0  }
0x16: {  	s3 =	sld [smem:$0x3FDB];
	s0 =	simm.s32 @p2 $0x1  }
0x17: {  	s4 =	simm.s32 $0x1BF5;
	[smem:$0x3FB5] =	sst s0  }
0x18: {  	s0 =	sld [smem:$0x3F98];
	_ =	swait.ge [sflag:s4], $0x0  }
0x19: {  	s7 =	sld [smem:$0x3F99]  }
0x1a: {  	s8 =	sadd.s32 $0xFFFFE003, lr  }
0x1b: {  	s9 =	sadd.s32 $0xFFFFFEF7, lr;
	s5 =	simm.s32 $0xFFFFFFFF;
	p2 =	slt.u32 s8, $0xFFFFF086  }
0x1c: {  	p1 =	slt.u32 s9, $0xF7A;
	s5 =	simm.s32 @!p2 $0x0  }
0x1d: {  	s5 =	simm.s32 @p1 $0x1;
	p0 =	seq.s32 s7, s2  }
0x1e: {  	s7 =	smul.u32 @!p0 $0xF7A, s2;
	p2 =	seq.s32 @!p0 s5, $0x0  }
0x1f: {  	s9 =	smul.u32 $0xF7A, s1;
	s8 =	simm.s32 @!p0 $0x1BF5;
	p2 =	por !p2, p0  }
0x20: {  	[sflag:s8] =	ssyncset.s32 @!p0 $0xFFFFF086;
	s6 =	sadd.s32 @!p0 s3, s7;
	s7 =	simm.s32 @!p0 $0x108  }
0x21: {  	s3 =	sadd.s32 s3, s9;
	s6 =	sadd.s32 @!p0 $0x88, s6;
	s7 =	simm.s32 @p2 $0x1082  }
0x22: {  	[simem:s7], [sflag:s8] =	dma.local @!p0 [hbm:s6], $0xF7A  }
0x23: {  	s9 =	sor.u32 $0xD0000000, s2;
	s6 =	simm.s32 $0x108;
	_ =	swait.ge @!p0 [sflag:s8], $0x0  }
0x24: {  	s3 =	sadd.s32 $0x88, s3;
	s6 =	simm.s32 @!p1 $0x1082;
	[sflag:s4] =	ssyncset.s32 $0xFFFFF086  }
0x25: {  	[simem:s6], [sflag:s4] =	dma.local [hbm:s3], $0xF7A  }
0x26: {  	[smem:$0x3F99] =	sst s1;
	(tag) =	ssettag s2;
	_ =	strace s9  }
0x27: {  	s1 =	sld [smem:$0x3FA9]  }
0x28: {  	s2 =	sld [smem:$0x3FAA]  }
0x29: {  	s4 =	sld [smem:$0x3FAC]  }
0x2a: {  	p0 =	seq.s32 s5, $0x0;
	s5 =	sld [smem:$0x3FAD]  }
0x2b: {  	s6 =	sld [smem:$0x3FAE]  }
0x2c: {  	s7 =	sld [smem:$0x3FAF]  }
0x2d: {  	s3 =	simm.s32 $0x108;
	s8 =	sld [smem:$0x3FB0]  }
0x2e: {  	s3 =	simm.s32 @!p0 $0x1082;
	s9 =	sld [smem:$0x3FB1]  }
0x2f: {  	lr =	sadd.s32 s0, s3;
	s0 =	sld [smem:$0x3FA8]  }
0x30: {  	s3 =	sld [smem:$0x3FAB]  }
0x31: {  	[smem:$0x3FB4] =	sst s10  }
0x32: {  	s10 =	sld [smem:$0x3FB2];
	_ =	sdelay $0x3  }
0x33: {  	p0 =	seq.s32 s10, $0x1;
	s10 =	sld [smem:$0x3FB4];
	_ =	sdelay $0x3  }
0x34: {  	[smem:$0x3FB4] =	sst s10  }
0x35: {  	s10 =	sld [smem:$0x3FB3];
	_ =	sdelay $0x3  }
0x36: {  	p1 =	seq.s32 s10, $0x1;
	s10 =	sld [smem:$0x3FB4];
	_ =	sdelay $0x3  }
0x37: {  	[smem:$0x3FB4] =	sst s10  }
0x38: {  	s10 =	sld [smem:$0x3FB5]  }
0x39: {  	_ = 	snop;
	(pc) =	sbr.ind lr, $3  }
0x3a: {  	_ = 	snop  }
0x3b: {  	_ = 	snop  }
0x3c: {  	p2 =	seq.s32 s10, $0x1;
	s10 =	sld [smem:$0x3FB4]  }
0x3d: {  	_ =	shalt  }
0x3e: {  	_ =	shalt  }
0x3f: {  	_ =	shalt  }
0x40: {  	_ =	shalt  }
0x41: {  	_ =	shalt  }
0x42: {  	_ =	shalt  }
0x43: {  	_ =	shalt  }
0x44: {  	_ =	shalt  }
0x45: {  	_ =	shalt  }
0x46: {  	_ =	shalt  }
0x47: {  	_ =	shalt  }
0x48: {  	_ =	shalt  }
0x49: {  	_ =	shalt  }
0x4a: {  	_ =	shalt  }
0x4b: {  	_ =	shalt  }
0x4c: {  	_ =	shalt  }
0x4d: {  	_ =	shalt  }
0x4e: {  	_ =	shalt  }
0x4f: {  	_ =	shalt  }
0x50: {  	_ =	shalt  }
0x51: {  	_ =	shalt  }
0x52: {  	_ =	shalt  }
0x53: {  	_ =	shalt  }
0x54: {  	_ =	shalt  }
0x55: {  	_ =	shalt  }
0x56: {  	_ =	shalt  }
0x57: {  	_ =	shalt  }
0x58: {  	_ =	shalt  }
0x59: {  	_ =	shalt  }
0x5a: {  	_ =	shalt  }
0x5b: {  	_ =	shalt  }
0x5c: {  	_ =	shalt  }
0x5d: {  	_ =	shalt  }
0x5e: {  	_ =	shalt  }
0x5f: {  	_ =	shalt  }
0x60: {  	_ =	shalt  }
0x61: {  	_ =	shalt  }
0x62: {  	_ =	shalt  }
0x63: {  	_ =	shalt  }
0x64: {  	_ =	shalt  }
0x65: {  	_ =	shalt  }
0x66: {  	_ =	shalt  }
0x67: {  	_ =	shalt  }
0x68: {  	_ =	shalt  }
0x69: {  	_ =	shalt  }
0x6a: {  	_ =	shalt  }
0x6b: {  	_ =	shalt  }
0x6c: {  	_ =	shalt  }
0x6d: {  	_ =	shalt  }
0x6e: {  	_ =	shalt  }
0x6f: {  	_ =	shalt  }
0x70: {  	_ =	shalt  }
0x71: {  	_ =	shalt  }
0x72: {  	_ =	shalt  }
0x73: {  	_ =	shalt  }
0x74: {  	_ =	shalt  }
0x75: {  	_ =	shalt  }
0x76: {  	_ =	shalt  }
0x77: {  	_ =	shalt  }
0x78: {  	_ =	shalt  }
0x79: {  	_ =	shalt  }
0x7a: {  	_ =	shalt  }
0x7b: {  	_ =	shalt  }
0x7c: {  	_ =	shalt  }
0x7d: {  	_ =	shalt  }
0x7e: {  	_ =	shalt  }
0x7f: {  	_ =	shalt  }
0x80: {  	_ =	shalt  }
0x81: {  	_ =	shalt  }
0x82: {  	_ =	shalt  }
0x83: {  	_ =	shalt  }
0x84: {  	_ =	shalt  }
0x85: {  	_ =	shalt  }
0x86: {  	_ =	shalt  }
0x87: {  	_ =	shalt  }
.Lfunc_end0:
.L_simem_size_0:
called_computation.1_lowered:
.L_overlay_start_0:
0x88: {  	s2 =	sld [smem:$0x3FD9]  }
0x89: {  	s3 =	sld [smem:$0x3FFE];
	_ =	sdelay $0x1  }
0x8a: {  	s1 =	srdreg.scid  }
0x8b: {  	s0 =	sand.u32 $0x1, s1  }
0x8c: {  	s16 =	sshll.u32 s0, $0xA;
	s2 =	sadd.s32 s3, s2  }
0x8d: {  	s2 =	sadd.s32 s2, s16  }
0x8e: {  	[smem:$0x3FC0] =	sst s2  }
0x8f: {  	_ = 	snop  }
0x90: {  	(tm) =	ssettm $0x1  }
0x91: {  	s17 =	sld [smem:$0x3FFB];
	_ =	sdelay $0x3  }
0x92: {  	_ =	strace s17  }
0x93: {  	s2 =	sld [smem:$0x3FFC];
	_ =	sdelay $0x3  }
0x94: {  	_ =	strace s2  }
0x95: {  	s2 =	sld [smem:$0x3FFD];
	_ =	sdelay $0x3  }
0x96: {  	_ =	strace s2  }
0x97: {  	_ =	strace $0x8FFFFFFF  }
0x98: {  	s18 =	sld [smem:$0x3FDB];
	_ =	sdelay $0x1  }
0x99: {  	s19 =	simm.s32 $_scs_section_size  }
0x9a: {  	s4 =	simm.s32 $_size__tile_overlayer_lowered;
	s5 =	simm.s32 $_tile_overlayer_lowered  }
0x9b: {  	s22 =	simm.s32 $0x1BFF;
	s21 =	sshll.u32 s5, $0x1;
	s2 =	sadd.s32 s19, s18  }
0x9c: {  	s6 =	simm.s32 $0x0;
	s20 =	sshll.u32 s4, $0x1;
	s4 =	sadd.s32 s21, s2  }
0x9d: {  	[timem:s6], [sflag:s22] =	dma.local [hbm:s4], s20  }
0x9e: {  	_ =	swait.ge [sflag:s22], s20  }
0x9f: {  	s3 =	ssub.s32 $0x0, s20;
	[sflag:s22] =	ssyncset.done $0x0  }
0xa0: {  	[sflag:s22] =	ssyncadd.s32 s3;
	_ =	sdelay $0x1  }
0xa1: {  	s23 =	simm.s32 $0x1B8B  }
0xa2: {  	_ =	swait.ge [sflag:s23], $0x1  }
0xa3: {  	[sflag:s23] =	ssyncset.done $0x0  }
0xa4: {  	s25 =	simm.s32 $0x1B8E;
	s24 =	sld [smem:$0x3FFE];
	[sflag:s23] =	ssyncadd.s32 $0xFFFFFFFF  }
0xa5: {  	s26 =	simm.s32 $execute0_lowered;
	[smem:$0x3FD2] =	sst s25  }
0xa6: {  	s4 =	sshll.u32 s26, $0x1;
	_ =	strace $0x80000049;
	[dreg:$0x1] =	wrdreg $0xFFFFFFFF  }
0xa7: {  	s28 =	simm.s32 $_size_execute0_lowered;
	s2 =	sadd.s32 s2, s4;
	[dreg:$0x0] =	wrdreg $0x0  }
0xa8: {  	s4 =	sshll.u32 s28, $0x1;
	[dreg:$0x2] =	wrdreg s2  }
0xa9: {  	[dreg:$0x3] =	wrdreg s4  }
0xaa: {  	[dreg:$0x4] =	wrdreg $0xC0  }
0xab: {  	_ =	task [dreg:s6], $0x5FFFF  }
0xac: {  	[dreg:$0x1] =	wrdreg $0xFFFFFFFF  }
0xad: {  	[dreg:$0x0] =	wrdreg $0x60  }
0xae: {  	[dreg:$0x2] =	wrdreg s24  }
0xaf: {  	[dreg:$0x3] =	wrdreg $0x0  }
0xb0: {  	[dreg:$0x4] =	wrdreg $0x9  }
0xb1: {  	_ =	task.clear_ibuf [dreg:s6], $0x5FFFF;
	_ =	strace $0x90000049  }
0xb2: {  	s29 =	simm.s32 $0x9;
	_ =	strace $0x8000004B  }
0xb3: {  	_ =	swait.ge [sflag:s29], $0x1  }
0xb4: {  	[sflag:s29] =	ssyncadd.s32 $0xFFFFFFFF  }
0xb5: {  	_ =	strace $0x9000004B  }
0xb6: {  	_ =	sfence  }
0xb7: {  	s30 =	sld [smem:$0x0];
	_ =	sdelay $0x2  }
0xb8: {  	s31 =	sshll.u32 s1, $0xD;
	s1 =	sshrl.u32 s1, $0x2  }
0xb9: {  	s3 =	sand.u32 $0x4000, s31;
	s1 =	sadd.s32 s1, s30  }
0xba: {  	s0 =	sor.u32 s3, s0;
	s1 =	sshll.u32 s1, $0x11  }
0xbb: {  	s0 =	sor.u32 s1, s0  }
0xbc: {  	s0 =	sadd.s32 $0x8F2B, s0  }
0xbd: {  	[sflag:s0] =	ssyncadd.remote.s32 $0x1  }
0xbe: {  	_ =	sfence.sel $0xFFFF  }
0xbf: {  	[dreg:$0x0] =	wrdreg $0xFFFFFFFF;
	(pc) =	sbr.abs _section_cstart, $3  }
0xc0: {  	[dreg:$0x1] =	wrdreg $0xFFFFFFFF  }
0xc1: {  	_ =	task.clear_ibuf [dreg:s6], $0x2FFFF;
	_ =	strace $0x9FFFFFFF  }
0xc2: {  	(tm) =	ssettm $0x7FFFFFFF  }
0xc3: {  	_ =	shalt  }
tec
execute0_lowered:
.L_overlay_start_1:
0x0: {  	(tag) =	ssettag $0x1  }
0x1: {  	s0 =	rddreg [dreg:$0x0]  }
0x2: {  	s1 =	rddreg [dreg:$0x1];
	s2 =	srdreg.scid;
	s4 =	simm.s32 $0x0  }
0x3: {  	s10 =	stileid.u32;
	s13 =	simm.s32 $0x50;
	s14 =	simm.s32 $0x1E180  }
0x4: {  	s15 =	simm.s32 $0x16980;
	s16 =	simm.s32 $0x1E200;
	s17 =	simm.s32 $0x19180  }
0x5: {  	s18 =	simm.s32 $0x1;
	s19 =	simm.s32 $0x1E300;
	s20 =	simm.s32 $0x1E280  }
0x6: {  	s21 =	simm.s32 $0x1B980;
	s22 =	simm.s32 $0x2;
	s23 =	simm.s32 $0x1E380  }
0x7: {  	s24 =	simm.s32 $0x4;
	s29 =	simm.s32 $0x100;
	s25 =	smul.u32 $0x500, s10  }
0x8: {  	s30 =	simm.s32 $0x80;
	s31 =	simm.s32 $0x3;
	s5 =	smul.u32 $0x28000, s10  }
0x9: {  	s2 =	sand.u32 $0x1, s2;
	[smem:$0x7FF] =	sst s4;
	s7 =	smul.u32 $0x50000, s10  }
0xa: {  	s4 =	sadd.s32 $0x2A00, s0;
	s28 =	sshll.u32 s10, $0x6;
	s10 =	simm.s32 $0x7  }
0xb: {  	s3 =	smul.u32 $0x27100, s2;
	_ =	strace $0x8000004A;
	s26 =	sshll.u32 s2, $0xA  }
0xc: {  	s2 =	ssub.s32 $0x2, s2;
	s11 =	sor.u32 $0x1C07, s28;
	s6 =	sadd.s32 s25, s0  }
0xd: {  	s5 =	sor.u32 s26, s5;
	s8 =	sshrl.u32 s2, $0x1;
	s7 =	sshrl.u32 s7, $0x2  }
.Ltmp0:
0xe: {  	s25 =	simm.s32 $0x5;
	s26 =	simm.s32 $0x6;
	(pc) =	sbr.rel .LBB2_1-.Ltmp0, $4  }
0xf: {  	s3 =	sadd.s32 s3, s0;
	s5 =	sshrl.u32 s5, $0x3;
	s2 =	ssub.s32 s2, s8  }
0x10: {  	s9 =	sadd.s32 s7, s1;
	s0 =	sadd.s32 s5, s0;
	s5 =	sadd.s32 $0xD600, s6  }
0x11: {  	s6 =	sadd.s32 $0x3A600, s3;
	s8 =	smax.u32 s2, $0x1;
	s12 =	sshrl.u32 s9, $0x3  }
0x12: {  	s2 =	simm.s32 $0x0;
	s7 =	sadd.s32 $0x88800, s0;
	s0 =	simm.s32 $0x1E400  }
.LBB2_8:
0x13: {  	_ =	swait.ge [sflag:s25], $0x2800  }
0x14: {  	[sflag:s25] =	ssyncset.done $0x0  }
0x15: {  	[sflag:s25] =	ssyncadd.s32 $0xFFFFD800  }
0x16: {  	_ =	swait.ge [sflag:s26], $0x2800  }
0x17: {  	[sflag:s26] =	ssyncset.done $0x0  }
0x18: {  	s2 =	sadd.s32 $0x1, s2;
	[sflag:s26] =	ssyncadd.s32 $0xFFFFD800  }
0x19: {  	s3 =	simm.s32 $0x8;
	p0 =	sne.s32 s2, s8;
	[bflag:$0x0] =	sbarrier.arrive $0xFFFF  }
0x1a: {  	[hbm:s7@s29], [sflag:s11] =	dma.strided [spmem:s12@s30], $0x2800, s3, $0x10   }
.Ltmp1:
0x1b: {  	_ =	swait.ge [sflag:s10], $0x2800;
	(pc) =	sbr.rel @!p0 .LBB2_9-.Ltmp1, $3  }
0x1c: {  	[sflag:s10] =	ssyncset.done $0x0  }
0x1d: {  	[sflag:s10] =	ssyncadd.s32 $0xFFFFD800  }
0x1e: {  	[bflag:$0x0] =	sbarrier.arrive $0xFFFF;
	_ =	sdelay $0x1  }
.LBB2_1:
0x1f: {  	s3 =	simm.s32 $0x0;
	s9 =	simm.s32 $0x14180  }
0x20: {  	[tilespmem:s9], [sflag:$0x7] =	stream.linear.gather [hbm4b:s5+s3], $0x2800, $0x38;
	[tilespmem:$0x1E480] =	vst v63  }
0x21: {  	_ =	swait.ge [sflag:s10], $0x2800  }
0x22: {  	[sflag:s10] =	ssyncset.done $0x0  }
0x23: {  	[sflag:s10] =	ssyncadd.s32 $0xFFFFD800  }
0x24: {  	[spmem:s12], [sflag:s11] =	dma.local [hbm:s4], $0x2800  }
0x25: {  	_ =	swait.ge [sflag:s10], $0x2800  }
0x26: {  	[sflag:s10] =	ssyncset.done $0x0  }
0x27: {  	[sflag:s10] =	ssyncadd.s32 $0xFFFFD800  }
0x28: {  	[bflag:$0x0] =	sbarrier.arrive $0xFFFF  }
0x29: {  	v0 =	vld [tilespmem:$0x14180];
	_ =	sdelay $0x1  }
0x2a: {  	v1 =	vld [tilespmem:$0x14190];
	_ =	sdelay $0x1  }
0x2b: {  	v2 =	vld [tilespmem:$0x141A0]  }
0x2c: {  	v3 =	vshrl.u32 v0, $0xE  }
0x2d: {  	v54 =	vld [tilespmem:$0x141B0];
	v0 =	vand.u32 $0x3FFF, v0;
	[tilespmem:$0x1E300] =	vst v3  }
0x2e: {  	v55 =	vshrl.u32 v1, $0xE;
	[tilespmem:$0x1E180] =	vst v0  }
0x2f: {  	v57 =	vld [tilespmem:$0x141C0];
	v56 =	vand.u32 $0x3FFF, v1;
	[tilespmem:$0x1E310] =	vst v55  }
0x30: {  	v58 =	vshrl.u32 v2, $0xE;
	[tilespmem:$0x1E190] =	vst v56  }
0x31: {  	v59 =	vand.u32 $0x3FFF, v2;
	[tilespmem:$0x1E320] =	vst v58  }
0x32: {  	v60 =	vshrl.u32 v54, $0xE;
	[tilespmem:$0x1E1A0] =	vst v59  }
0x33: {  	v61 =	vand.u32 $0x3FFF, v54;
	[tilespmem:$0x1E330] =	vst v60  }
0x34: {  	v62 =	vshrl.u32 v57, $0xE;
	[tilespmem:$0x1E1B0] =	vst v61  }
0x35: {  	v63 =	vand.u32 $0x3FFF, v57;
	[tilespmem:$0x1E340] =	vst v62  }
0x36: {  	s3 =	simm.s32 $0x14220;
	s9 =	simm.s32 $0x0;
	[tilespmem:$0x1E1C0] =	vst v63  }
0x37: {  	[tilespmem:s15], [sflag:$0x1] =	stream.indirect.gather [hbm4b:s6+s13], $0x80, s14, s13, $0xb8;
	[tilespmem:$0x1E480] =	vst v63  }
.LBB2_2:
0x38: {  	p0 =	seq.s32 s9, $0x0  }
0x39: {  	s28 =	simm.s32 @!p0 $0x5  }
0x3a: {  	_ =	swait.ge @!p0 [sflag:s28], $0x2800  }
0x3b: {  	[sflag:s28] =	ssyncset.done @!p0 $0x0  }
0x3c: {  	[sflag:s28] =	ssyncadd.s32 @!p0 $0xFFFFD800  }
0x3d: {  	v0 =	vld [tilespmem:s3+$0xFFFFFFB0];
	_ =	sdelay $0x4  }
0x3e: {  	v1 =	vshrl.u32 v0, $0xE  }
0x3f: {  	v0 =	vand.u32 $0x3FFF, v0;
	[tilespmem:$0x1E380] =	vst v1  }
0x40: {  	[tilespmem:$0x1E200] =	vst v0  }
0x41: {  	v0 =	vld [tilespmem:s3+$0xFFFFFFC0];
	_ =	sdelay $0x4  }
0x42: {  	v60 =	vshrl.u32 v0, $0xE  }
0x43: {  	v0 =	vand.u32 $0x3FFF, v0;
	[tilespmem:$0x1E390] =	vst v60  }
0x44: {  	[tilespmem:$0x1E210] =	vst v0  }
0x45: {  	v0 =	vld [tilespmem:s3+$0xFFFFFFD0];
	_ =	sdelay $0x4  }
0x46: {  	v61 =	vshrl.u32 v0, $0xE  }
0x47: {  	v0 =	vand.u32 $0x3FFF, v0;
	[tilespmem:$0x1E3A0] =	vst v61  }
0x48: {  	[tilespmem:$0x1E220] =	vst v0  }
0x49: {  	v0 =	vld [tilespmem:s3+$0xFFFFFFE0];
	_ =	sdelay $0x4  }
0x4a: {  	v62 =	vshrl.u32 v0, $0xE  }
0x4b: {  	v0 =	vand.u32 $0x3FFF, v0;
	[tilespmem:$0x1E3B0] =	vst v62  }
0x4c: {  	[tilespmem:$0x1E230] =	vst v0  }
0x4d: {  	v0 =	vld [tilespmem:s3+$0xFFFFFFF0];
	_ =	sdelay $0x4  }
0x4e: {  	v63 =	vshrl.u32 v0, $0xE  }
0x4f: {  	v0 =	vand.u32 $0x3FFF, v0;
	[tilespmem:$0x1E3C0] =	vst v63  }
0x50: {  	[tilespmem:$0x1E240] =	vst v0  }
0x51: {  	[tilespmem:s17], [sflag:$0x2] =	stream.indirect.gather [hbm4b:s6+s13], $0x80, s16, s13, $0xb8;
	[tilespmem:$0x1E480] =	vst v63  }
.Ltmp2:
0x52: {  	_ = 	snop;
	(pc) =	sbr.rel @p0 .LBB2_5-.Ltmp2, $4  }
0x53: {  	_ =	swait.ge [sflag:s18], $0x2800  }
0x54: {  	[sflag:s18] =	ssyncset.done $0x0  }
0x55: {  	[sflag:s18] =	ssyncadd.s32 $0xFFFFD800  }
0x56: {  	[spmem:s1] =	stream.indirect.scatter.add.f32 [tilespmem:s15], [sflag:$0x4], $0x80, s19, s13, $0xb8;
	[tilespmem:$0x1E480] =	vst v63  }
0x57: {  	p0 =	seq.s32 s9, $0x2A  }
.Ltmp3:
0x58: {  	_ = 	snop;
	(pc) =	sbr.rel @p0 .LBB2_6-.Ltmp3, $1  }
0x59: {  	_ =	sdelay $0x3  }
0x5a: {  	_ =	swait.ge [sflag:s26], $0x2800  }
0x5b: {  	[sflag:s26] =	ssyncset.done $0x0  }
0x5c: {  	[sflag:s26] =	ssyncadd.s32 $0xFFFFD800  }
.LBB2_5:
0x5d: {  	v0 =	vld [tilespmem:s3+$0x0];
	_ =	sdelay $0x4  }
0x5e: {  	v1 =	vshrl.u32 v0, $0xE  }
0x5f: {  	v0 =	vand.u32 $0x3FFF, v0;
	[tilespmem:$0x1E400] =	vst v1  }
0x60: {  	[tilespmem:$0x1E280] =	vst v0  }
0x61: {  	v0 =	vld [tilespmem:s3+$0x10];
	_ =	sdelay $0x4  }
0x62: {  	v60 =	vshrl.u32 v0, $0xE  }
0x63: {  	v0 =	vand.u32 $0x3FFF, v0;
	[tilespmem:$0x1E410] =	vst v60  }
0x64: {  	[tilespmem:$0x1E290] =	vst v0  }
0x65: {  	v0 =	vld [tilespmem:s3+$0x20];
	_ =	sdelay $0x4  }
0x66: {  	v61 =	vshrl.u32 v0, $0xE  }
0x67: {  	v0 =	vand.u32 $0x3FFF, v0;
	[tilespmem:$0x1E420] =	vst v61  }
0x68: {  	[tilespmem:$0x1E2A0] =	vst v0  }
0x69: {  	v0 =	vld [tilespmem:s3+$0x30];
	_ =	sdelay $0x4  }
0x6a: {  	v62 =	vshrl.u32 v0, $0xE  }
0x6b: {  	v0 =	vand.u32 $0x3FFF, v0;
	[tilespmem:$0x1E430] =	vst v62  }
0x6c: {  	[tilespmem:$0x1E2B0] =	vst v0  }
0x6d: {  	v0 =	vld [tilespmem:s3+$0x40];
	_ =	sdelay $0x4  }
0x6e: {  	v63 =	vshrl.u32 v0, $0xE  }
0x6f: {  	v0 =	vand.u32 $0x3FFF, v0;
	[tilespmem:$0x1E440] =	vst v63  }
0x70: {  	[tilespmem:$0x1E2C0] =	vst v0  }
0x71: {  	[tilespmem:s21], [sflag:$0x3] =	stream.indirect.gather [hbm4b:s6+s13], $0x80, s20, s13, $0xb8;
	[tilespmem:$0x1E480] =	vst v63  }
.LBB2_6:
0x72: {  	_ =	swait.ge [sflag:s22], $0x2800  }
0x73: {  	p0 =	seq.s32 s9, $0x2A;
	[sflag:s22] =	ssyncset.done $0x0  }
.Ltmp4:
0x74: {  	[sflag:s22] =	ssyncadd.s32 $0xFFFFD800;
	(pc) =	sbr.rel @p0 .LBB2_8-.Ltmp4, $4  }
0x75: {  	[spmem:s1] =	stream.indirect.scatter.add.f32 [tilespmem:s17], [sflag:$0x5], $0x80, s23, s13, $0xb8;
	[tilespmem:$0x1E480] =	vst v63  }
0x76: {  	_ =	swait.ge [sflag:s24], $0x2800  }
0x77: {  	[sflag:s24] =	ssyncset.done $0x0  }
0x78: {  	[sflag:s24] =	ssyncadd.s32 $0xFFFFD800  }
0x79: {  	v0 =	vld [tilespmem:s3+$0x50];
	_ =	sdelay $0x4  }
0x7a: {  	v1 =	vshrl.u32 v0, $0xE  }
0x7b: {  	v0 =	vand.u32 $0x3FFF, v0;
	[tilespmem:$0x1E300] =	vst v1  }
0x7c: {  	[tilespmem:$0x1E180] =	vst v0  }
0x7d: {  	v0 =	vld [tilespmem:s3+$0x60];
	_ =	sdelay $0x4  }
0x7e: {  	v60 =	vshrl.u32 v0, $0xE  }
0x7f: {  	v0 =	vand.u32 $0x3FFF, v0;
	[tilespmem:$0x1E310] =	vst v60  }
0x80: {  	[tilespmem:$0x1E190] =	vst v0  }
0x81: {  	v0 =	vld [tilespmem:s3+$0x70];
	_ =	sdelay $0x4  }
0x82: {  	v61 =	vshrl.u32 v0, $0xE  }
0x83: {  	v0 =	vand.u32 $0x3FFF, v0;
	[tilespmem:$0x1E320] =	vst v61  }
0x84: {  	[tilespmem:$0x1E1A0] =	vst v0  }
0x85: {  	v0 =	vld [tilespmem:s3+$0x80];
	_ =	sdelay $0x4  }
0x86: {  	v62 =	vshrl.u32 v0, $0xE  }
0x87: {  	v0 =	vand.u32 $0x3FFF, v0;
	[tilespmem:$0x1E330] =	vst v62  }
0x88: {  	[tilespmem:$0x1E1B0] =	vst v0  }
0x89: {  	v0 =	vld [tilespmem:s3+$0x90];
	_ =	sdelay $0x4  }
0x8a: {  	v63 =	vshrl.u32 v0, $0xE  }
0x8b: {  	v0 =	vand.u32 $0x3FFF, v0;
	[tilespmem:$0x1E340] =	vst v63  }
0x8c: {  	[tilespmem:$0x1E1C0] =	vst v0  }
0x8d: {  	[tilespmem:s15], [sflag:$0x1] =	stream.indirect.gather [hbm4b:s6+s13], $0x80, s14, s13, $0xb8;
	[tilespmem:$0x1E480] =	vst v63  }
.Ltmp5:
0x8e: {  	_ = 	snop;
	(pc) =	sbr.rel .LBB2_2-.Ltmp5, $4  }
0x8f: {  	_ =	swait.ge [sflag:s31], $0x2800  }
0x90: {  	[sflag:s31] =	ssyncset.done $0x0  }
0x91: {  	s9 =	sadd.s32 $0x1, s9;
	s3 =	sadd.s32 $0xF0, s3;
	[sflag:s31] =	ssyncadd.s32 $0xFFFFD800  }
0x92: {  	[spmem:s1] =	stream.indirect.scatter.add.f32 [tilespmem:s21], [sflag:$0x6], $0x80, s0, s13, $0xb8;
	[tilespmem:$0x1E480] =	vst v63  }
.LBB2_9:
0x93: {  	_ =	sfence.sel $0x180000  }
0x94: {  	[bflag:$0x0] =	sbarrier.arrive $0xFFFF  }
0x95: {  	_ =	strace $0x9000004A  }
0x96: {  	s0 =	stileid.u32;
	[bflag:$0x2] =	sbarrier.arrive $0xFFFF  }
0x97: {  	p0 =	sne.s32 s0, $0x0;
	s0 =	rddreg [dreg:$0x2]  }
0x98: {  	s0 =	sadd.s32 @!p0 $0x100000, s0  }
0x99: {  	[sflag:s0] =	ssyncadd.tile.s32 @!p0 $0x1;
	_ =	shalt  }
.Lfunc_end2:
_tile_overlayer_lowered:
.L_overlay_start_2:
0x9a: {  	(tag) =	ssettag $0x2  }
0x9b: {  	s0 =	rddreg [dreg:$0x0];
	s2 =	stileid.u32  }
0x9c: {  	s1 =	rddreg [dreg:$0x1];
	p0 =	sne.s32 s2, $0x0  }
0x9d: {  	s3 =	rddreg [dreg:$0x2];
	[bflag:$0x3] =	sbarrier.arrive $0xFFFF;
	s2 =	simm.s32 @!p0 $0x1C07  }
0x9e: {  	[timem:s3], [sflag:s2] =	dma.local @!p0 [hbm:s0], s1  }
0x9f: {  	s0 =	simm.s32 @!p0 $0x7  }
0xa0: {  	_ =	swait.ge @!p0 [sflag:s0], s1  }
0xa1: {  	s1 =	ssub.s32 @!p0 $0x0, s1;
	[sflag:s0] =	ssyncset.done @!p0 $0x0  }
0xa2: {  	[sflag:s0] =	ssyncadd.s32 @!p0 s1  }
0xa3: {  	[bflag:$0x3] =	sbarrier.arrive $0xFFFF  }
0xa4: {  	_ =	shalt  }

// kernel: kernel.16.cloned.1.call-start
scs
__scs_entry_jumppad:
0x0: {  	(pc) =	sbr.rel $0x88, $3  }
0x1: {  	(tag) =	ssettag $0x0;
	lr =	simm.s32 $0x1  }
0x2: {  	[smem:$0x3F99] =	sst lr;
	_ =	strace $0xD0000000  }
0x3: {  	_ = 	snop  }
0x4: {  	_ = 	snop  }
0x5: {  	_ = 	snop  }
0x6: {  	_ = 	snop  }
0x7: {  	_ = 	snop  }
__scs_overlays_trampoline_lowered:
0x8: {  	[smem:$0x3FA8] =	sst s0  }
0x9: {  	[smem:$0x3FA9] =	sst s1  }
0xa: {  	[smem:$0x3FAA] =	sst s2  }
0xb: {  	[smem:$0x3FAB] =	sst s3  }
0xc: {  	[smem:$0x3FAC] =	sst s4  }
0xd: {  	[smem:$0x3FAD] =	sst s5  }
0xe: {  	[smem:$0x3FAE] =	sst s6  }
0xf: {  	[smem:$0x3FAF] =	sst s7  }
0x10: {  	[smem:$0x3FB0] =	sst s8  }
0x11: {  	[smem:$0x3FB1] =	sst s9;
	s0 =	simm.s32 @!p0 $0x0  }
0x12: {  	s1 =	sld [smem:$0x3F97];
	s0 =	simm.s32 @p0 $0x1  }
0x13: {  	[smem:$0x3FB2] =	sst s0;
	s0 =	simm.s32 @!p1 $0x0  }
0x14: {  	s2 =	sld [smem:$0x3F96];
	s0 =	simm.s32 @p1 $0x1  }
0x15: {  	[smem:$0x3FB3] =	sst s0;
	s0 =	simm.s32 @!p2 $0x0  }
0x16: {  	s3 =	sld [smem:$0x3FDB];
	s0 =	simm.s32 @p2 $0x1  }
0x17: {  	s4 =	simm.s32 $0x1BF5;
	[smem:$0x3FB5] =	sst s0  }
0x18: {  	s0 =	sld [smem:$0x3F98];
	_ =	swait.ge [sflag:s4], $0x0  }
0x19: {  	s7 =	sld [smem:$0x3F99]  }
0x1a: {  	s8 =	sadd.s32 $0xFFFFE003, lr  }
0x1b: {  	s9 =	sadd.s32 $0xFFFFFEF7, lr;
	s5 =	simm.s32 $0xFFFFFFFF;
	p2 =	slt.u32 s8, $0xFFFFF086  }
0x1c: {  	p1 =	slt.u32 s9, $0xF7A;
	s5 =	simm.s32 @!p2 $0x0  }
0x1d: {  	s5 =	simm.s32 @p1 $0x1;
	p0 =	seq.s32 s7, s2  }
0x1e: {  	s7 =	smul.u32 @!p0 $0xF7A, s2;
	p2 =	seq.s32 @!p0 s5, $0x0  }
0x1f: {  	s9 =	smul.u32 $0xF7A, s1;
	s8 =	simm.s32 @!p0 $0x1BF5;
	p2 =	por !p2, p0  }
0x20: {  	[sflag:s8] =	ssyncset.s32 @!p0 $0xFFFFF086;
	s6 =	sadd.s32 @!p0 s3, s7;
	s7 =	simm.s32 @!p0 $0x108  }
0x21: {  	s3 =	sadd.s32 s3, s9;
	s6 =	sadd.s32 @!p0 $0x88, s6;
	s7 =	simm.s32 @p2 $0x1082  }
0x22: {  	[simem:s7], [sflag:s8] =	dma.local @!p0 [hbm:s6], $0xF7A  }
0x23: {  	s9 =	sor.u32 $0xD0000000, s2;
	s6 =	simm.s32 $0x108;
	_ =	swait.ge @!p0 [sflag:s8], $0x0  }
0x24: {  	s3 =	sadd.s32 $0x88, s3;
	s6 =	simm.s32 @!p1 $0x1082;
	[sflag:s4] =	ssyncset.s32 $0xFFFFF086  }
0x25: {  	[simem:s6], [sflag:s4] =	dma.local [hbm:s3], $0xF7A  }
0x26: {  	[smem:$0x3F99] =	sst s1;
	(tag) =	ssettag s2;
	_ =	strace s9  }
0x27: {  	s1 =	sld [smem:$0x3FA9]  }
0x28: {  	s2 =	sld [smem:$0x3FAA]  }
0x29: {  	s4 =	sld [smem:$0x3FAC]  }
0x2a: {  	p0 =	seq.s32 s5, $0x0;
	s5 =	sld [smem:$0x3FAD]  }
0x2b: {  	s6 =	sld [smem:$0x3FAE]  }
0x2c: {  	s7 =	sld [smem:$0x3FAF]  }
0x2d: {  	s3 =	simm.s32 $0x108;
	s8 =	sld [smem:$0x3FB0]  }
0x2e: {  	s3 =	simm.s32 @!p0 $0x1082;
	s9 =	sld [smem:$0x3FB1]  }
0x2f: {  	lr =	sadd.s32 s0, s3;
	s0 =	sld [smem:$0x3FA8]  }
0x30: {  	s3 =	sld [smem:$0x3FAB]  }
0x31: {  	[smem:$0x3FB4] =	sst s10  }
0x32: {  	s10 =	sld [smem:$0x3FB2];
	_ =	sdelay $0x3  }
0x33: {  	p0 =	seq.s32 s10, $0x1;
	s10 =	sld [smem:$0x3FB4];
	_ =	sdelay $0x3  }
0x34: {  	[smem:$0x3FB4] =	sst s10  }
0x35: {  	s10 =	sld [smem:$0x3FB3];
	_ =	sdelay $0x3  }
0x36: {  	p1 =	seq.s32 s10, $0x1;
	s10 =	sld [smem:$0x3FB4];
	_ =	sdelay $0x3  }
0x37: {  	[smem:$0x3FB4] =	sst s10  }
0x38: {  	s10 =	sld [smem:$0x3FB5]  }
0x39: {  	_ = 	snop;
	(pc) =	sbr.ind lr, $3  }
0x3a: {  	_ = 	snop  }
0x3b: {  	_ = 	snop  }
0x3c: {  	p2 =	seq.s32 s10, $0x1;
	s10 =	sld [smem:$0x3FB4]  }
0x3d: {  	_ =	shalt  }
0x3e: {  	_ =	shalt  }
0x3f: {  	_ =	shalt  }
0x40: {  	_ =	shalt  }
0x41: {  	_ =	shalt  }
0x42: {  	_ =	shalt  }
0x43: {  	_ =	shalt  }
0x44: {  	_ =	shalt  }
0x45: {  	_ =	shalt  }
0x46: {  	_ =	shalt  }
0x47: {  	_ =	shalt  }
0x48: {  	_ =	shalt  }
0x49: {  	_ =	shalt  }
0x4a: {  	_ =	shalt  }
0x4b: {  	_ =	shalt  }
0x4c: {  	_ =	shalt  }
0x4d: {  	_ =	shalt  }
0x4e: {  	_ =	shalt  }
0x4f: {  	_ =	shalt  }
0x50: {  	_ =	shalt  }
0x51: {  	_ =	shalt  }
0x52: {  	_ =	shalt  }
0x53: {  	_ =	shalt  }
0x54: {  	_ =	shalt  }
0x55: {  	_ =	shalt  }
0x56: {  	_ =	shalt  }
0x57: {  	_ =	shalt  }
0x58: {  	_ =	shalt  }
0x59: {  	_ =	shalt  }
0x5a: {  	_ =	shalt  }
0x5b: {  	_ =	shalt  }
0x5c: {  	_ =	shalt  }
0x5d: {  	_ =	shalt  }
0x5e: {  	_ =	shalt  }
0x5f: {  	_ =	shalt  }
0x60: {  	_ =	shalt  }
0x61: {  	_ =	shalt  }
0x62: {  	_ =	shalt  }
0x63: {  	_ =	shalt  }
0x64: {  	_ =	shalt  }
0x65: {  	_ =	shalt  }
0x66: {  	_ =	shalt  }
0x67: {  	_ =	shalt  }
0x68: {  	_ =	shalt  }
0x69: {  	_ =	shalt  }
0x6a: {  	_ =	shalt  }
0x6b: {  	_ =	shalt  }
0x6c: {  	_ =	shalt  }
0x6d: {  	_ =	shalt  }
0x6e: {  	_ =	shalt  }
0x6f: {  	_ =	shalt  }
0x70: {  	_ =	shalt  }
0x71: {  	_ =	shalt  }
0x72: {  	_ =	shalt  }
0x73: {  	_ =	shalt  }
0x74: {  	_ =	shalt  }
0x75: {  	_ =	shalt  }
0x76: {  	_ =	shalt  }
0x77: {  	_ =	shalt  }
0x78: {  	_ =	shalt  }
0x79: {  	_ =	shalt  }
0x7a: {  	_ =	shalt  }
0x7b: {  	_ =	shalt  }
0x7c: {  	_ =	shalt  }
0x7d: {  	_ =	shalt  }
0x7e: {  	_ =	shalt  }
0x7f: {  	_ =	shalt  }
0x80: {  	_ =	shalt  }
0x81: {  	_ =	shalt  }
0x82: {  	_ =	shalt  }
0x83: {  	_ =	shalt  }
0x84: {  	_ =	shalt  }
0x85: {  	_ =	shalt  }
0x86: {  	_ =	shalt  }
0x87: {  	_ =	shalt  }
.Lfunc_end0:
.L_simem_size_0:
called_computation.2_lowered:
.L_overlay_start_0:
0x88: {  	s2 =	sld [smem:$0x3FD9]  }
0x89: {  	s3 =	sld [smem:$0x3FFE];
	_ =	sdelay $0x1  }
0x8a: {  	s1 =	srdreg.scid  }
0x8b: {  	s0 =	sand.u32 $0x1, s1  }
0x8c: {  	s17 =	sshll.u32 s0, $0xA;
	s2 =	sadd.s32 s3, s2  }
0x8d: {  	s2 =	sadd.s32 s2, s17  }
0x8e: {  	[smem:$0x3FC0] =	sst s2  }
0x8f: {  	_ = 	snop  }
0x90: {  	(tm) =	ssettm $0x1  }
0x91: {  	s18 =	sld [smem:$0x3FFB];
	_ =	sdelay $0x3  }
0x92: {  	_ =	strace s18  }
0x93: {  	s2 =	sld [smem:$0x3FFC];
	_ =	sdelay $0x3  }
0x94: {  	_ =	strace s2  }
0x95: {  	s2 =	sld [smem:$0x3FFD];
	_ =	sdelay $0x3  }
0x96: {  	_ =	strace s2  }
0x97: {  	_ =	strace $0x8FFFFFFF  }
0x98: {  	s19 =	sld [smem:$0x3FDB];
	_ =	sdelay $0x1  }
0x99: {  	s20 =	simm.s32 $_scs_section_size  }
0x9a: {  	s4 =	simm.s32 $_size__tile_overlayer_lowered;
	s5 =	simm.s32 $_tile_overlayer_lowered  }
0x9b: {  	s6 =	simm.s32 $0x1BFF;
	s21 =	sshll.u32 s5, $0x1;
	s3 =	sadd.s32 s20, s19  }
0x9c: {  	s22 =	simm.s32 $0x0;
	s4 =	sshll.u32 s4, $0x1;
	s5 =	sadd.s32 s21, s3  }
0x9d: {  	[timem:s22], [sflag:s6] =	dma.local [hbm:s5], s4  }
0x9e: {  	_ =	swait.ge [sflag:s6], s4  }
0x9f: {  	s4 =	ssub.s32 $0x0, s4;
	[sflag:s6] =	ssyncset.done $0x0  }
0xa0: {  	[sflag:s6] =	ssyncadd.s32 s4;
	_ =	sdelay $0x1  }
0xa1: {  	s23 =	simm.s32 $0x1B8B  }
0xa2: {  	_ =	swait.ge [sflag:s23], $0x1  }
0xa3: {  	[sflag:s23] =	ssyncset.done $0x0  }
0xa4: {  	[sflag:s23] =	ssyncadd.s32 $0xFFFFFFFF  }
0xa5: {  	s4 =	sld [smem:$0x0]  }
0xa6: {  	s5 =	sand.u32 $0xFFFFFFFE, s1  }
0xa7: {  	p0 =	sne.s32 s1, s5  }
0xa8: {  	s5 =	sshll.u32 @p0 s5, $0xE  }
0xa9: {  	s5 =	sadd.s32 @p0 $0x11B8D, s5;
	s6 =	sshll.u32 @p0 s4, $0x11  }
0xaa: {  	s5 =	sor.u32 @p0 s6, s5  }
0xab: {  	[sflag:s5] =	ssyncadd.remote.s32 @p0 $0x1;
	_ =	sdelay $0x1  }
0xac: {  	s5 =	simm.s32 @p0 $0x1B8D  }
0xad: {  	_ =	swait.eq @p0 [sflag:s5], $0x1  }
0xae: {  	[sflag:s5] =	ssyncadd.s32 @p0 $0xFFFFFFFF  }
0xaf: {  	s6 =	sshll.u32 @!p0 s1, $0xE  }
0xb0: {  	s6 =	sor.u32 @!p0 $0x4000, s6;
	s5 =	simm.s32 @!p0 $0x1B8D  }
0xb1: {  	s4 =	sshll.u32 @!p0 s4, $0x11;
	s6 =	sadd.s32 @!p0 $0x11B8D, s6;
	_ =	swait.eq @!p0 [sflag:s5], $0x1  }
0xb2: {  	s4 =	sor.u32 @!p0 s4, s6;
	[sflag:s5] =	ssyncadd.s32 @!p0 $0xFFFFFFFF  }
0xb3: {  	s25 =	simm.s32 $0x1B8E;
	s24 =	sld [smem:$0x3FFE];
	[sflag:s4] =	ssyncadd.remote.s32 @!p0 $0x1  }
0xb4: {  	s26 =	simm.s32 $execute0_lowered;
	[smem:$0x3FD2] =	sst s25  }
0xb5: {  	s5 =	sshll.u32 s26, $0x1;
	_ =	strace $0x8000004F;
	[dreg:$0x1] =	wrdreg $0xFFFFFFFF  }
0xb6: {  	s28 =	simm.s32 $_size_execute0_lowered;
	s3 =	sadd.s32 s3, s5;
	[dreg:$0x0] =	wrdreg $0x0  }
0xb7: {  	s5 =	sshll.u32 s28, $0x1;
	[dreg:$0x2] =	wrdreg s3  }
0xb8: {  	[dreg:$0x3] =	wrdreg s5  }
0xb9: {  	[dreg:$0x4] =	wrdreg $0xC0  }
0xba: {  	_ =	task [dreg:s22], $0x5FFFF  }
0xbb: {  	[dreg:$0x1] =	wrdreg $0xFFFFFFFF  }
0xbc: {  	[dreg:$0x0] =	wrdreg $0x60  }
0xbd: {  	[dreg:$0x2] =	wrdreg s24  }
0xbe: {  	[dreg:$0x3] =	wrdreg $0x0  }
0xbf: {  	[dreg:$0x4] =	wrdreg $0x9  }
0xc0: {  	_ =	task.clear_ibuf [dreg:s22], $0x5FFFF;
	_ =	strace $0x9000004F  }
0xc1: {  	s29 =	simm.s32 $0x9;
	_ =	strace $0x80000051  }
0xc2: {  	_ =	swait.ge [sflag:s29], $0x1  }
0xc3: {  	[sflag:s29] =	ssyncadd.s32 $0xFFFFFFFF  }
0xc4: {  	_ =	strace $0x90000051  }
0xc5: {  	_ =	sfence  }
0xc6: {  	s30 =	sld [smem:$0x0];
	_ =	sdelay $0x2  }
0xc7: {  	s31 =	sshll.u32 s1, $0xD;
	s1 =	sshrl.u32 s1, $0x2  }
0xc8: {  	s4 =	sand.u32 $0x4000, s31;
	s1 =	sadd.s32 s1, s30  }
0xc9: {  	s0 =	sor.u32 s4, s0;
	s1 =	sshll.u32 s1, $0x11  }
0xca: {  	s0 =	sor.u32 s1, s0  }
0xcb: {  	s0 =	sadd.s32 $0x8F2B, s0  }
0xcc: {  	[sflag:s0] =	ssyncadd.remote.s32 $0x1  }
0xcd: {  	_ =	sfence.sel $0xFFFF  }
0xce: {  	[dreg:$0x0] =	wrdreg $0xFFFFFFFF;
	(pc) =	sbr.abs _section_cstart, $3  }
0xcf: {  	[dreg:$0x1] =	wrdreg $0xFFFFFFFF  }
0xd0: {  	_ =	task.clear_ibuf [dreg:s22], $0x2FFFF;
	_ =	strace $0x9FFFFFFF  }
0xd1: {  	(tm) =	ssettm $0x7FFFFFFF  }
tec
execute0_lowered:
.L_overlay_start_1:
0x0: {  	(tag) =	ssettag $0x1  }
0x1: {  	s0 =	rddreg [dreg:$0x0]  }
0x2: {  	s2 =	rddreg [dreg:$0x1]  }
0x3: {  	s1 =	simm.s32 $0x0;
	s11 =	stileid.u32;
	s3 =	srdreg.scid  }
0x4: {  	s12 =	simm.s32 $0x7;
	s15 =	simm.s32 $0x50;
	s16 =	simm.s32 $0x1E180  }
0x5: {  	s17 =	simm.s32 $0x16980;
	s18 =	simm.s32 $0x1E200;
	s19 =	simm.s32 $0x19180  }
0x6: {  	s28 =	simm.s32 $0x5;
	s29 =	simm.s32 $0x6;
	s30 =	simm.s32 $0x8  }
0x7: {  	s31 =	simm.s32 $0x200;
	[smem:$0x7FF] =	sst s1;
	s20 =	smul.u32 $0x500, s11  }
0x8: {  	s5 =	sadd.s32 $0x12600, s0;
	s3 =	sand.u32 $0x1, s3;
	s7 =	smul.u32 $0x50000, s11  }
0x9: {  	s4 =	sadd.s32 $0x2A00, s0;
	s26 =	sshll.u32 s11, $0x6;
	s11 =	simm.s32 $0x0  }
0xa: {  	_ =	strace $0x80000050;
	s6 =	ssub.s32 $0x2, s3;
	s22 =	smul.u32 $0x4E200, s3  }
0xb: {  	s23 =	sshll.u32 s3, $0xB;
	s3 =	sshllo.u32 s3, $0x1;
	s13 =	sor.u32 $0x1C07, s26  }
0xc: {  	s26 =	simm.s32 $0x4;
	s1 =	sadd.s32 s20, s0;
	s0 =	sadd.s32 $0x23CC00, s0  }
0xd: {  	s8 =	sshrl.u32 s6, $0x1;
	s9 =	sshrl.u32 s7, $0x2;
	s24 =	smul.u32 $0x27100, s3  }
0xe: {  	s3 =	sshll.u32 s3, $0xA;
	s20 =	simm.s32 $0x1;
	s10 =	ssub.s32 s6, s8  }
0xf: {  	s1 =	sadd.s32 $0xD600, s1;
	s21 =	sadd.s32 s9, s2;
	s8 =	sor.u32 s23, s7  }
0x10: {  	s6 =	sadd.s32 s5, s22;
	s3 =	sor.u32 s7, s3;
	s22 =	simm.s32 $0x1E280  }
0x11: {  	s23 =	simm.s32 $0x1B980;
	[dreg:$0x3] =	wrdreg s1;
	s8 =	sshrl.u32 s8, $0x3  }
.Ltmp0:
0x12: {  	s3 =	sshrl.u32 s3, $0x3;
	s10 =	smax.u32 s10, $0x1;
	(pc) =	sbr.rel .LBB2_1-.Ltmp0, $4  }
0x13: {  	s14 =	sshrl.u32 s21, $0x3;
	s21 =	simm.s32 $0x1E300;
	s1 =	simm.s32 $0x3  }
0x14: {  	s25 =	sadd.s32 s0, s8;
	s8 =	sadd.s32 s5, s24;
	s0 =	sadd.s32 s0, s3  }
0x15: {  	s24 =	simm.s32 $0x2;
	s3 =	simm.s32 $0x1E400;
	[dreg:$0x4] =	wrdreg s25  }
0x16: {  	[dreg:$0x5] =	wrdreg s0;
	s25 =	simm.s32 $0x1E380;
	s0 =	simm.s32 $0x80  }
.LBB2_15:
0x17: {  	_ =	swait.ge [sflag:s28], $0x2800  }
0x18: {  	[sflag:s28] =	ssyncset.done $0x0  }
0x19: {  	[sflag:s28] =	ssyncadd.s32 $0xFFFFD800  }
0x1a: {  	_ =	swait.ge [sflag:s29], $0x2800  }
0x1b: {  	[sflag:s29] =	ssyncset.done $0x0  }
0x1c: {  	[sflag:s29] =	ssyncadd.s32 $0xFFFFD800  }
0x1d: {  	s11 =	sadd.s32 $0x1, s11;
	[bflag:$0x0] =	sbarrier.arrive $0xFFFF  }
0x1e: {  	p0 =	sne.s32 s11, s10;
	s5 =	rddreg [dreg:$0x5]  }
0x1f: {  	[hbm:s5@s31], [sflag:s13] =	dma.strided [spmem:s14@s0], $0x2800, s30, $0x10   }
.Ltmp1:
0x20: {  	_ =	swait.ge [sflag:s12], $0x2800;
	(pc) =	sbr.rel @!p0 .LBB2_16-.Ltmp1, $3  }
0x21: {  	[sflag:s12] =	ssyncset.done $0x0  }
0x22: {  	[sflag:s12] =	ssyncadd.s32 $0xFFFFD800  }
0x23: {  	[bflag:$0x0] =	sbarrier.arrive $0xFFFF;
	_ =	sdelay $0x1  }
.LBB2_1:
0x24: {  	s5 =	simm.s32 $0x0;
	s7 =	rddreg [dreg:$0x3];
	s9 =	simm.s32 $0x14180  }
0x25: {  	[tilespmem:s9], [sflag:$0x7] =	stream.linear.gather [hbm4b:s7+s5], $0x2800, $0x38;
	[tilespmem:$0x1E480] =	vst v63  }
0x26: {  	_ =	swait.ge [sflag:s12], $0x2800  }
0x27: {  	[sflag:s12] =	ssyncset.done $0x0  }
0x28: {  	[sflag:s12] =	ssyncadd.s32 $0xFFFFD800  }
0x29: {  	[spmem:s14], [sflag:s13] =	dma.local [hbm:s4], $0x2800  }
0x2a: {  	_ =	swait.ge [sflag:s12], $0x2800  }
0x2b: {  	[sflag:s12] =	ssyncset.done $0x0  }
0x2c: {  	[sflag:s12] =	ssyncadd.s32 $0xFFFFD800  }
0x2d: {  	[bflag:$0x0] =	sbarrier.arrive $0xFFFF  }
0x2e: {  	v0 =	vld [tilespmem:$0x14180];
	_ =	sdelay $0x1  }
0x2f: {  	v1 =	vld [tilespmem:$0x14190];
	_ =	sdelay $0x1  }
0x30: {  	v2 =	vld [tilespmem:$0x141A0]  }
0x31: {  	v3 =	vshrl.u32 v0, $0xE  }
0x32: {  	v54 =	vld [tilespmem:$0x141B0];
	v0 =	vand.u32 $0x3FFF, v0;
	[tilespmem:$0x1E300] =	vst v3  }
0x33: {  	v55 =	vshrl.u32 v1, $0xE;
	[tilespmem:$0x1E180] =	vst v0  }
0x34: {  	v57 =	vld [tilespmem:$0x141C0];
	v56 =	vand.u32 $0x3FFF, v1;
	[tilespmem:$0x1E310] =	vst v55  }
0x35: {  	v58 =	vshrl.u32 v2, $0xE;
	[tilespmem:$0x1E190] =	vst v56  }
0x36: {  	v59 =	vand.u32 $0x3FFF, v2;
	[tilespmem:$0x1E320] =	vst v58  }
0x37: {  	v60 =	vshrl.u32 v54, $0xE;
	[tilespmem:$0x1E1A0] =	vst v59  }
0x38: {  	v61 =	vand.u32 $0x3FFF, v54;
	[tilespmem:$0x1E330] =	vst v60  }
0x39: {  	v62 =	vshrl.u32 v57, $0xE;
	[tilespmem:$0x1E1B0] =	vst v61  }
0x3a: {  	v63 =	vand.u32 $0x3FFF, v57;
	[tilespmem:$0x1E340] =	vst v62  }
0x3b: {  	s5 =	simm.s32 $0x14220;
	s7 =	simm.s32 $0x0;
	[tilespmem:$0x1E1C0] =	vst v63  }
0x3c: {  	[tilespmem:s17], [sflag:$0x1] =	stream.indirect.gather [hbm4b:s6+s15], $0x80, s16, s15, $0xb8;
	[tilespmem:$0x1E480] =	vst v63  }
.LBB2_2:
0x3d: {  	p0 =	seq.s32 s7, $0x0  }
0x3e: {  	s9 =	simm.s32 @!p0 $0x5  }
0x3f: {  	_ =	swait.ge @!p0 [sflag:s9], $0x2800  }
0x40: {  	[sflag:s9] =	ssyncset.done @!p0 $0x0  }
0x41: {  	[sflag:s9] =	ssyncadd.s32 @!p0 $0xFFFFD800  }
0x42: {  	v0 =	vld [tilespmem:s5+$0xFFFFFFB0];
	_ =	sdelay $0x4  }
0x43: {  	v1 =	vshrl.u32 v0, $0xE  }
0x44: {  	v0 =	vand.u32 $0x3FFF, v0;
	[tilespmem:$0x1E380] =	vst v1  }
0x45: {  	[tilespmem:$0x1E200] =	vst v0  }
0x46: {  	v0 =	vld [tilespmem:s5+$0xFFFFFFC0];
	_ =	sdelay $0x4  }
0x47: {  	v60 =	vshrl.u32 v0, $0xE  }
0x48: {  	v0 =	vand.u32 $0x3FFF, v0;
	[tilespmem:$0x1E390] =	vst v60  }
0x49: {  	[tilespmem:$0x1E210] =	vst v0  }
0x4a: {  	v0 =	vld [tilespmem:s5+$0xFFFFFFD0];
	_ =	sdelay $0x4  }
0x4b: {  	v61 =	vshrl.u32 v0, $0xE  }
0x4c: {  	v0 =	vand.u32 $0x3FFF, v0;
	[tilespmem:$0x1E3A0] =	vst v61  }
0x4d: {  	[tilespmem:$0x1E220] =	vst v0  }
0x4e: {  	v0 =	vld [tilespmem:s5+$0xFFFFFFE0];
	_ =	sdelay $0x4  }
0x4f: {  	v62 =	vshrl.u32 v0, $0xE  }
0x50: {  	v0 =	vand.u32 $0x3FFF, v0;
	[tilespmem:$0x1E3B0] =	vst v62  }
0x51: {  	[tilespmem:$0x1E230] =	vst v0  }
0x52: {  	v0 =	vld [tilespmem:s5+$0xFFFFFFF0];
	_ =	sdelay $0x4  }
0x53: {  	v63 =	vshrl.u32 v0, $0xE  }
0x54: {  	v0 =	vand.u32 $0x3FFF, v0;
	[tilespmem:$0x1E3C0] =	vst v63  }
0x55: {  	[tilespmem:$0x1E240] =	vst v0  }
0x56: {  	[tilespmem:s19], [sflag:$0x2] =	stream.indirect.gather [hbm4b:s6+s15], $0x80, s18, s15, $0xb8;
	[tilespmem:$0x1E480] =	vst v63  }
.Ltmp2:
0x57: {  	_ = 	snop;
	(pc) =	sbr.rel @p0 .LBB2_5-.Ltmp2, $4  }
0x58: {  	_ =	swait.ge [sflag:s20], $0x2800  }
0x59: {  	[sflag:s20] =	ssyncset.done $0x0  }
0x5a: {  	[sflag:s20] =	ssyncadd.s32 $0xFFFFD800  }
0x5b: {  	[spmem:s2] =	stream.indirect.scatter.add.f32 [tilespmem:s17], [sflag:$0x4], $0x80, s21, s15, $0xb8;
	[tilespmem:$0x1E480] =	vst v63  }
0x5c: {  	p0 =	seq.s32 s7, $0x2A  }
.Ltmp3:
0x5d: {  	_ = 	snop;
	(pc) =	sbr.rel @p0 .LBB2_6-.Ltmp3, $1  }
0x5e: {  	_ =	sdelay $0x3  }
0x5f: {  	_ =	swait.ge [sflag:s29], $0x2800  }
0x60: {  	[sflag:s29] =	ssyncset.done $0x0  }
0x61: {  	[sflag:s29] =	ssyncadd.s32 $0xFFFFD800  }
.LBB2_5:
0x62: {  	v0 =	vld [tilespmem:s5+$0x0];
	_ =	sdelay $0x4  }
0x63: {  	v1 =	vshrl.u32 v0, $0xE  }
0x64: {  	v0 =	vand.u32 $0x3FFF, v0;
	[tilespmem:$0x1E400] =	vst v1  }
0x65: {  	[tilespmem:$0x1E280] =	vst v0  }
0x66: {  	v0 =	vld [tilespmem:s5+$0x10];
	_ =	sdelay $0x4  }
0x67: {  	v60 =	vshrl.u32 v0, $0xE  }
0x68: {  	v0 =	vand.u32 $0x3FFF, v0;
	[tilespmem:$0x1E410] =	vst v60  }
0x69: {  	[tilespmem:$0x1E290] =	vst v0  }
0x6a: {  	v0 =	vld [tilespmem:s5+$0x20];
	_ =	sdelay $0x4  }
0x6b: {  	v61 =	vshrl.u32 v0, $0xE  }
0x6c: {  	v0 =	vand.u32 $0x3FFF, v0;
	[tilespmem:$0x1E420] =	vst v61  }
0x6d: {  	[tilespmem:$0x1E2A0] =	vst v0  }
0x6e: {  	v0 =	vld [tilespmem:s5+$0x30];
	_ =	sdelay $0x4  }
0x6f: {  	v62 =	vshrl.u32 v0, $0xE  }
0x70: {  	v0 =	vand.u32 $0x3FFF, v0;
	[tilespmem:$0x1E430] =	vst v62  }
0x71: {  	[tilespmem:$0x1E2B0] =	vst v0  }
0x72: {  	v0 =	vld [tilespmem:s5+$0x40];
	_ =	sdelay $0x4  }
0x73: {  	v63 =	vshrl.u32 v0, $0xE  }
0x74: {  	v0 =	vand.u32 $0x3FFF, v0;
	[tilespmem:$0x1E440] =	vst v63  }
0x75: {  	[tilespmem:$0x1E2C0] =	vst v0  }
0x76: {  	[tilespmem:s23], [sflag:$0x3] =	stream.indirect.gather [hbm4b:s6+s15], $0x80, s22, s15, $0xb8;
	[tilespmem:$0x1E480] =	vst v63  }
.LBB2_6:
0x77: {  	_ =	swait.ge [sflag:s24], $0x2800  }
0x78: {  	p0 =	seq.s32 s7, $0x2A;
	[sflag:s24] =	ssyncset.done $0x0  }
.Ltmp4:
0x79: {  	[sflag:s24] =	ssyncadd.s32 $0xFFFFD800;
	(pc) =	sbr.rel @p0 .LBB2_8-.Ltmp4, $4  }
0x7a: {  	[spmem:s2] =	stream.indirect.scatter.add.f32 [tilespmem:s19], [sflag:$0x5], $0x80, s25, s15, $0xb8;
	[tilespmem:$0x1E480] =	vst v63  }
0x7b: {  	_ =	swait.ge [sflag:s26], $0x2800  }
0x7c: {  	[sflag:s26] =	ssyncset.done $0x0  }
0x7d: {  	[sflag:s26] =	ssyncadd.s32 $0xFFFFD800  }
0x7e: {  	v0 =	vld [tilespmem:s5+$0x50];
	_ =	sdelay $0x4  }
0x7f: {  	v1 =	vshrl.u32 v0, $0xE  }
0x80: {  	v0 =	vand.u32 $0x3FFF, v0;
	[tilespmem:$0x1E300] =	vst v1  }
0x81: {  	[tilespmem:$0x1E180] =	vst v0  }
0x82: {  	v0 =	vld [tilespmem:s5+$0x60];
	_ =	sdelay $0x4  }
0x83: {  	v60 =	vshrl.u32 v0, $0xE  }
0x84: {  	v0 =	vand.u32 $0x3FFF, v0;
	[tilespmem:$0x1E310] =	vst v60  }
0x85: {  	[tilespmem:$0x1E190] =	vst v0  }
0x86: {  	v0 =	vld [tilespmem:s5+$0x70];
	_ =	sdelay $0x4  }
0x87: {  	v61 =	vshrl.u32 v0, $0xE  }
0x88: {  	v0 =	vand.u32 $0x3FFF, v0;
	[tilespmem:$0x1E320] =	vst v61  }
0x89: {  	[tilespmem:$0x1E1A0] =	vst v0  }
0x8a: {  	v0 =	vld [tilespmem:s5+$0x80];
	_ =	sdelay $0x4  }
0x8b: {  	v62 =	vshrl.u32 v0, $0xE  }
0x8c: {  	v0 =	vand.u32 $0x3FFF, v0;
	[tilespmem:$0x1E330] =	vst v62  }
0x8d: {  	[tilespmem:$0x1E1B0] =	vst v0  }
0x8e: {  	v0 =	vld [tilespmem:s5+$0x90];
	_ =	sdelay $0x4  }
0x8f: {  	v63 =	vshrl.u32 v0, $0xE  }
0x90: {  	v0 =	vand.u32 $0x3FFF, v0;
	[tilespmem:$0x1E340] =	vst v63  }
0x91: {  	[tilespmem:$0x1E1C0] =	vst v0  }
0x92: {  	[tilespmem:s17], [sflag:$0x1] =	stream.indirect.gather [hbm4b:s6+s15], $0x80, s16, s15, $0xb8;
	[tilespmem:$0x1E480] =	vst v63  }
.Ltmp5:
0x93: {  	_ = 	snop;
	(pc) =	sbr.rel .LBB2_2-.Ltmp5, $4  }
0x94: {  	_ =	swait.ge [sflag:s1], $0x2800  }
0x95: {  	[sflag:s1] =	ssyncset.done $0x0  }
0x96: {  	s7 =	sadd.s32 $0x1, s7;
	s5 =	sadd.s32 $0xF0, s5;
	[sflag:s1] =	ssyncadd.s32 $0xFFFFD800  }
0x97: {  	[spmem:s2] =	stream.indirect.scatter.add.f32 [tilespmem:s23], [sflag:$0x6], $0x80, s3, s15, $0xb8;
	[tilespmem:$0x1E480] =	vst v63  }
.LBB2_8:
0x98: {  	_ =	swait.ge [sflag:s28], $0x2800  }
0x99: {  	[sflag:s28] =	ssyncset.done $0x0  }
0x9a: {  	[sflag:s28] =	ssyncadd.s32 $0xFFFFD800  }
0x9b: {  	_ =	swait.ge [sflag:s29], $0x2800  }
0x9c: {  	[sflag:s29] =	ssyncset.done $0x0  }
0x9d: {  	[sflag:s29] =	ssyncadd.s32 $0xFFFFD800  }
0x9e: {  	[bflag:$0x0] =	sbarrier.arrive $0xFFFF  }
0x9f: {  	s5 =	rddreg [dreg:$0x4]  }
0xa0: {  	[hbm:s5@s31], [sflag:s13] =	dma.strided [spmem:s14@s0], $0x2800, s30, $0x10   }
0xa1: {  	_ =	swait.ge [sflag:s12], $0x2800  }
0xa2: {  	[sflag:s12] =	ssyncset.done $0x0  }
0xa3: {  	[sflag:s12] =	ssyncadd.s32 $0xFFFFD800  }
0xa4: {  	[bflag:$0x0] =	sbarrier.arrive $0xFFFF  }
0xa5: {  	[spmem:s14], [sflag:s13] =	dma.local [hbm:s4], $0x2800  }
0xa6: {  	_ =	swait.ge [sflag:s12], $0x2800  }
0xa7: {  	[sflag:s12] =	ssyncset.done $0x0  }
0xa8: {  	[sflag:s12] =	ssyncadd.s32 $0xFFFFD800  }
0xa9: {  	[bflag:$0x0] =	sbarrier.arrive $0xFFFF  }
0xaa: {  	v0 =	vld [tilespmem:$0x14180];
	_ =	sdelay $0x1  }
0xab: {  	v1 =	vld [tilespmem:$0x14190];
	_ =	sdelay $0x1  }
0xac: {  	v2 =	vld [tilespmem:$0x141A0]  }
0xad: {  	v3 =	vshrl.u32 v0, $0xE  }
0xae: {  	v54 =	vld [tilespmem:$0x141B0];
	v0 =	vand.u32 $0x3FFF, v0;
	[tilespmem:$0x1E300] =	vst v3  }
0xaf: {  	v55 =	vshrl.u32 v1, $0xE;
	[tilespmem:$0x1E180] =	vst v0  }
0xb0: {  	v57 =	vld [tilespmem:$0x141C0];
	v56 =	vand.u32 $0x3FFF, v1;
	[tilespmem:$0x1E310] =	vst v55  }
0xb1: {  	v58 =	vshrl.u32 v2, $0xE;
	[tilespmem:$0x1E190] =	vst v56  }
0xb2: {  	v59 =	vand.u32 $0x3FFF, v2;
	[tilespmem:$0x1E320] =	vst v58  }
0xb3: {  	v60 =	vshrl.u32 v54, $0xE;
	[tilespmem:$0x1E1A0] =	vst v59  }
0xb4: {  	v61 =	vand.u32 $0x3FFF, v54;
	[tilespmem:$0x1E330] =	vst v60  }
0xb5: {  	v62 =	vshrl.u32 v57, $0xE;
	[tilespmem:$0x1E1B0] =	vst v61  }
0xb6: {  	v63 =	vand.u32 $0x3FFF, v57;
	[tilespmem:$0x1E340] =	vst v62  }
0xb7: {  	s7 =	simm.s32 $0x14220;
	s5 =	simm.s32 $0x0;
	[tilespmem:$0x1E1C0] =	vst v63  }
0xb8: {  	[tilespmem:s17], [sflag:$0x1] =	stream.indirect.gather [hbm4b:s8+s15], $0x80, s16, s15, $0xb8;
	[tilespmem:$0x1E480] =	vst v63  }
.LBB2_9:
0xb9: {  	p0 =	seq.s32 s5, $0x0  }
0xba: {  	s9 =	simm.s32 @!p0 $0x5  }
0xbb: {  	_ =	swait.ge @!p0 [sflag:s9], $0x2800  }
0xbc: {  	[sflag:s9] =	ssyncset.done @!p0 $0x0  }
0xbd: {  	[sflag:s9] =	ssyncadd.s32 @!p0 $0xFFFFD800  }
0xbe: {  	v0 =	vld [tilespmem:s7+$0xFFFFFFB0];
	_ =	sdelay $0x4  }
0xbf: {  	v1 =	vshrl.u32 v0, $0xE  }
0xc0: {  	v0 =	vand.u32 $0x3FFF, v0;
	[tilespmem:$0x1E380] =	vst v1  }
0xc1: {  	[tilespmem:$0x1E200] =	vst v0  }
0xc2: {  	v0 =	vld [tilespmem:s7+$0xFFFFFFC0];
	_ =	sdelay $0x4  }
0xc3: {  	v60 =	vshrl.u32 v0, $0xE  }
0xc4: {  	v0 =	vand.u32 $0x3FFF, v0;
	[tilespmem:$0x1E390] =	vst v60  }
0xc5: {  	[tilespmem:$0x1E210] =	vst v0  }
0xc6: {  	v0 =	vld [tilespmem:s7+$0xFFFFFFD0];
	_ =	sdelay $0x4  }
0xc7: {  	v61 =	vshrl.u32 v0, $0xE  }
0xc8: {  	v0 =	vand.u32 $0x3FFF, v0;
	[tilespmem:$0x1E3A0] =	vst v61  }
0xc9: {  	[tilespmem:$0x1E220] =	vst v0  }
0xca: {  	v0 =	vld [tilespmem:s7+$0xFFFFFFE0];
	_ =	sdelay $0x4  }
0xcb: {  	v62 =	vshrl.u32 v0, $0xE  }
0xcc: {  	v0 =	vand.u32 $0x3FFF, v0;
	[tilespmem:$0x1E3B0] =	vst v62  }
0xcd: {  	[tilespmem:$0x1E230] =	vst v0  }
0xce: {  	v0 =	vld [tilespmem:s7+$0xFFFFFFF0];
	_ =	sdelay $0x4  }
0xcf: {  	v63 =	vshrl.u32 v0, $0xE  }
0xd0: {  	v0 =	vand.u32 $0x3FFF, v0;
	[tilespmem:$0x1E3C0] =	vst v63  }
0xd1: {  	[tilespmem:$0x1E240] =	vst v0  }
0xd2: {  	[tilespmem:s19], [sflag:$0x2] =	stream.indirect.gather [hbm4b:s8+s15], $0x80, s18, s15, $0xb8;
	[tilespmem:$0x1E480] =	vst v63  }
.Ltmp6:
0xd3: {  	_ = 	snop;
	(pc) =	sbr.rel @p0 .LBB2_12-.Ltmp6, $4  }
0xd4: {  	_ =	swait.ge [sflag:s20], $0x2800  }
0xd5: {  	[sflag:s20] =	ssyncset.done $0x0  }
0xd6: {  	[sflag:s20] =	ssyncadd.s32 $0xFFFFD800  }
0xd7: {  	[spmem:s2] =	stream.indirect.scatter.add.f32 [tilespmem:s17], [sflag:$0x4], $0x80, s21, s15, $0xb8;
	[tilespmem:$0x1E480] =	vst v63  }
0xd8: {  	p0 =	seq.s32 s5, $0x2A  }
.Ltmp7:
0xd9: {  	_ = 	snop;
	(pc) =	sbr.rel @p0 .LBB2_13-.Ltmp7, $1  }
0xda: {  	_ =	sdelay $0x3  }
0xdb: {  	_ =	swait.ge [sflag:s29], $0x2800  }
0xdc: {  	[sflag:s29] =	ssyncset.done $0x0  }
0xdd: {  	[sflag:s29] =	ssyncadd.s32 $0xFFFFD800  }
.LBB2_12:
0xde: {  	v0 =	vld [tilespmem:s7+$0x0];
	_ =	sdelay $0x4  }
0xdf: {  	v1 =	vshrl.u32 v0, $0xE  }
0xe0: {  	v0 =	vand.u32 $0x3FFF, v0;
	[tilespmem:$0x1E400] =	vst v1  }
0xe1: {  	[tilespmem:$0x1E280] =	vst v0  }
0xe2: {  	v0 =	vld [tilespmem:s7+$0x10];
	_ =	sdelay $0x4  }
0xe3: {  	v60 =	vshrl.u32 v0, $0xE  }
0xe4: {  	v0 =	vand.u32 $0x3FFF, v0;
	[tilespmem:$0x1E410] =	vst v60  }
0xe5: {  	[tilespmem:$0x1E290] =	vst v0  }
0xe6: {  	v0 =	vld [tilespmem:s7+$0x20];
	_ =	sdelay $0x4  }
0xe7: {  	v61 =	vshrl.u32 v0, $0xE  }
0xe8: {  	v0 =	vand.u32 $0x3FFF, v0;
	[tilespmem:$0x1E420] =	vst v61  }
0xe9: {  	[tilespmem:$0x1E2A0] =	vst v0  }
0xea: {  	v0 =	vld [tilespmem:s7+$0x30];
	_ =	sdelay $0x4  }
0xeb: {  	v62 =	vshrl.u32 v0, $0xE  }
0xec: {  	v0 =	vand.u32 $0x3FFF, v0;
	[tilespmem:$0x1E430] =	vst v62  }
0xed: {  	[tilespmem:$0x1E2B0] =	vst v0  }
0xee: {  	v0 =	vld [tilespmem:s7+$0x40];
	_ =	sdelay $0x4  }
0xef: {  	v63 =	vshrl.u32 v0, $0xE  }
0xf0: {  	v0 =	vand.u32 $0x3FFF, v0;
	[tilespmem:$0x1E440] =	vst v63  }
0xf1: {  	[tilespmem:$0x1E2C0] =	vst v0  }
0xf2: {  	[tilespmem:s23], [sflag:$0x3] =	stream.indirect.gather [hbm4b:s8+s15], $0x80, s22, s15, $0xb8;
	[tilespmem:$0x1E480] =	vst v63  }
.LBB2_13:
0xf3: {  	_ =	swait.ge [sflag:s24], $0x2800  }
0xf4: {  	p0 =	seq.s32 s5, $0x2A;
	[sflag:s24] =	ssyncset.done $0x0  }
.Ltmp8:
0xf5: {  	[sflag:s24] =	ssyncadd.s32 $0xFFFFD800;
	(pc) =	sbr.rel @p0 .LBB2_15-.Ltmp8, $4  }
0xf6: {  	[spmem:s2] =	stream.indirect.scatter.add.f32 [tilespmem:s19], [sflag:$0x5], $0x80, s25, s15, $0xb8;
	[tilespmem:$0x1E480] =	vst v63  }
0xf7: {  	_ =	swait.ge [sflag:s26], $0x2800  }
0xf8: {  	[sflag:s26] =	ssyncset.done $0x0  }
0xf9: {  	[sflag:s26] =	ssyncadd.s32 $0xFFFFD800  }
0xfa: {  	v0 =	vld [tilespmem:s7+$0x50];
	_ =	sdelay $0x4  }
0xfb: {  	v1 =	vshrl.u32 v0, $0xE  }
0xfc: {  	v0 =	vand.u32 $0x3FFF, v0;
	[tilespmem:$0x1E300] =	vst v1  }
0xfd: {  	[tilespmem:$0x1E180] =	vst v0  }
0xfe: {  	v0 =	vld [tilespmem:s7+$0x60];
	_ =	sdelay $0x4  }
0xff: {  	v60 =	vshrl.u32 v0, $0xE  }
0x100: {  	v0 =	vand.u32 $0x3FFF, v0;
	[tilespmem:$0x1E310] =	vst v60  }
0x101: {  	[tilespmem:$0x1E190] =	vst v0  }
0x102: {  	v0 =	vld [tilespmem:s7+$0x70];
	_ =	sdelay $0x4  }
0x103: {  	v61 =	vshrl.u32 v0, $0xE  }
0x104: {  	v0 =	vand.u32 $0x3FFF, v0;
	[tilespmem:$0x1E320] =	vst v61  }
0x105: {  	[tilespmem:$0x1E1A0] =	vst v0  }
0x106: {  	v0 =	vld [tilespmem:s7+$0x80];
	_ =	sdelay $0x4  }
0x107: {  	v62 =	vshrl.u32 v0, $0xE  }
0x108: {  	v0 =	vand.u32 $0x3FFF, v0;
	[tilespmem:$0x1E330] =	vst v62  }
0x109: {  	[tilespmem:$0x1E1B0] =	vst v0  }
0x10a: {  	v0 =	vld [tilespmem:s7+$0x90];
	_ =	sdelay $0x4  }
0x10b: {  	v63 =	vshrl.u32 v0, $0xE  }
0x10c: {  	v0 =	vand.u32 $0x3FFF, v0;
	[tilespmem:$0x1E340] =	vst v63  }
0x10d: {  	[tilespmem:$0x1E1C0] =	vst v0  }
0x10e: {  	[tilespmem:s17], [sflag:$0x1] =	stream.indirect.gather [hbm4b:s8+s15], $0x80, s16, s15, $0xb8;
	[tilespmem:$0x1E480] =	vst v63  }
.Ltmp9:
0x10f: {  	_ = 	snop;
	(pc) =	sbr.rel .LBB2_9-.Ltmp9, $4  }
0x110: {  	_ =	swait.ge [sflag:s1], $0x2800  }
0x111: {  	[sflag:s1] =	ssyncset.done $0x0  }
0x112: {  	s5 =	sadd.s32 $0x1, s5;
	s7 =	sadd.s32 $0xF0, s7;
	[sflag:s1] =	ssyncadd.s32 $0xFFFFD800  }
0x113: {  	[spmem:s2] =	stream.indirect.scatter.add.f32 [tilespmem:s23], [sflag:$0x6], $0x80, s3, s15, $0xb8;
	[tilespmem:$0x1E480] =	vst v63  }
.LBB2_16:
0x114: {  	_ =	sfence.sel $0x180000  }
0x115: {  	[bflag:$0x0] =	sbarrier.arrive $0xFFFF  }
0x116: {  	_ =	strace $0x90000050  }
0x117: {  	s0 =	stileid.u32;
	[bflag:$0x2] =	sbarrier.arrive $0xFFFF  }
0x118: {  	p0 =	sne.s32 s0, $0x0;
	s0 =	rddreg [dreg:$0x2]  }
0x119: {  	s0 =	sadd.s32 @!p0 $0x100000, s0  }
0x11a: {  	[sflag:s0] =	ssyncadd.tile.s32 @!p0 $0x1;
	_ =	shalt  }
.Lfunc_end2:
_tile_overlayer_lowered:
.L_overlay_start_2:
0x11b: {  	(tag) =	ssettag $0x2  }
0x11c: {  	s0 =	rddreg [dreg:$0x0];
	s2 =	stileid.u32  }
0x11d: {  	s1 =	rddreg [dreg:$0x1];
	p0 =	sne.s32 s2, $0x0  }
0x11e: {  	s3 =	rddreg [dreg:$0x2];
	[bflag:$0x3] =	sbarrier.arrive $0xFFFF;
	s2 =	simm.s32 @!p0 $0x1C07  }
0x11f: {  	[timem:s3], [sflag:s2] =	dma.local @!p0 [hbm:s0], s1  }
0x120: {  	s0 =	simm.s32 @!p0 $0x7  }
0x121: {  	_ =	swait.ge @!p0 [sflag:s0], s1  }
0x122: {  	s1 =	ssub.s32 @!p0 $0x0, s1;
	[sflag:s0] =	ssyncset.done @!p0 $0x0  }
0x123: {  	[sflag:s0] =	ssyncadd.s32 @!p0 s1  }
0x124: {  	[bflag:$0x3] =	sbarrier.arrive $0xFFFF  }
0x125: {  	_ =	shalt  }

// kernel: kernel.19.cloned.1.call-start
scs
__scs_entry_jumppad:
0x0: {  	(pc) =	sbr.rel $0x88, $3  }
0x1: {  	(tag) =	ssettag $0x0;
	lr =	simm.s32 $0x1  }
0x2: {  	[smem:$0x3F99] =	sst lr;
	_ =	strace $0xD0000000  }
0x3: {  	_ = 	snop  }
0x4: {  	_ = 	snop  }
0x5: {  	_ = 	snop  }
0x6: {  	_ = 	snop  }
0x7: {  	_ = 	snop  }
__scs_overlays_trampoline_lowered:
0x8: {  	[smem:$0x3FA8] =	sst s0  }
0x9: {  	[smem:$0x3FA9] =	sst s1  }
0xa: {  	[smem:$0x3FAA] =	sst s2  }
0xb: {  	[smem:$0x3FAB] =	sst s3  }
0xc: {  	[smem:$0x3FAC] =	sst s4  }
0xd: {  	[smem:$0x3FAD] =	sst s5  }
0xe: {  	[smem:$0x3FAE] =	sst s6  }
0xf: {  	[smem:$0x3FAF] =	sst s7  }
0x10: {  	[smem:$0x3FB0] =	sst s8  }
0x11: {  	[smem:$0x3FB1] =	sst s9;
	s0 =	simm.s32 @!p0 $0x0  }
0x12: {  	s1 =	sld [smem:$0x3F97];
	s0 =	simm.s32 @p0 $0x1  }
0x13: {  	[smem:$0x3FB2] =	sst s0;
	s0 =	simm.s32 @!p1 $0x0  }
0x14: {  	s2 =	sld [smem:$0x3F96];
	s0 =	simm.s32 @p1 $0x1  }
0x15: {  	[smem:$0x3FB3] =	sst s0;
	s0 =	simm.s32 @!p2 $0x0  }
0x16: {  	s3 =	sld [smem:$0x3FDB];
	s0 =	simm.s32 @p2 $0x1  }
0x17: {  	s4 =	simm.s32 $0x1BF5;
	[smem:$0x3FB5] =	sst s0  }
0x18: {  	s0 =	sld [smem:$0x3F98];
	_ =	swait.ge [sflag:s4], $0x0  }
0x19: {  	s7 =	sld [smem:$0x3F99]  }
0x1a: {  	s8 =	sadd.s32 $0xFFFFE003, lr  }
0x1b: {  	s9 =	sadd.s32 $0xFFFFFEF7, lr;
	s5 =	simm.s32 $0xFFFFFFFF;
	p2 =	slt.u32 s8, $0xFFFFF086  }
0x1c: {  	p1 =	slt.u32 s9, $0xF7A;
	s5 =	simm.s32 @!p2 $0x0  }
0x1d: {  	s5 =	simm.s32 @p1 $0x1;
	p0 =	seq.s32 s7, s2  }
0x1e: {  	s7 =	smul.u32 @!p0 $0xF7A, s2;
	p2 =	seq.s32 @!p0 s5, $0x0  }
0x1f: {  	s9 =	smul.u32 $0xF7A, s1;
	s8 =	simm.s32 @!p0 $0x1BF5;
	p2 =	por !p2, p0  }
0x20: {  	[sflag:s8] =	ssyncset.s32 @!p0 $0xFFFFF086;
	s6 =	sadd.s32 @!p0 s3, s7;
	s7 =	simm.s32 @!p0 $0x108  }
0x21: {  	s3 =	sadd.s32 s3, s9;
	s6 =	sadd.s32 @!p0 $0x88, s6;
	s7 =	simm.s32 @p2 $0x1082  }
0x22: {  	[simem:s7], [sflag:s8] =	dma.local @!p0 [hbm:s6], $0xF7A  }
0x23: {  	s9 =	sor.u32 $0xD0000000, s2;
	s6 =	simm.s32 $0x108;
	_ =	swait.ge @!p0 [sflag:s8], $0x0  }
0x24: {  	s3 =	sadd.s32 $0x88, s3;
	s6 =	simm.s32 @!p1 $0x1082;
	[sflag:s4] =	ssyncset.s32 $0xFFFFF086  }
0x25: {  	[simem:s6], [sflag:s4] =	dma.local [hbm:s3], $0xF7A  }
0x26: {  	[smem:$0x3F99] =	sst s1;
	(tag) =	ssettag s2;
	_ =	strace s9  }
0x27: {  	s1 =	sld [smem:$0x3FA9]  }
0x28: {  	s2 =	sld [smem:$0x3FAA]  }
0x29: {  	s4 =	sld [smem:$0x3FAC]  }
0x2a: {  	p0 =	seq.s32 s5, $0x0;
	s5 =	sld [smem:$0x3FAD]  }
0x2b: {  	s6 =	sld [smem:$0x3FAE]  }
0x2c: {  	s7 =	sld [smem:$0x3FAF]  }
0x2d: {  	s3 =	simm.s32 $0x108;
	s8 =	sld [smem:$0x3FB0]  }
0x2e: {  	s3 =	simm.s32 @!p0 $0x1082;
	s9 =	sld [smem:$0x3FB1]  }
0x2f: {  	lr =	sadd.s32 s0, s3;
	s0 =	sld [smem:$0x3FA8]  }
0x30: {  	s3 =	sld [smem:$0x3FAB]  }
0x31: {  	[smem:$0x3FB4] =	sst s10  }
0x32: {  	s10 =	sld [smem:$0x3FB2];
	_ =	sdelay $0x3  }
0x33: {  	p0 =	seq.s32 s10, $0x1;
	s10 =	sld [smem:$0x3FB4];
	_ =	sdelay $0x3  }
0x34: {  	[smem:$0x3FB4] =	sst s10  }
0x35: {  	s10 =	sld [smem:$0x3FB3];
	_ =	sdelay $0x3  }
0x36: {  	p1 =	seq.s32 s10, $0x1;
	s10 =	sld [smem:$0x3FB4];
	_ =	sdelay $0x3  }
0x37: {  	[smem:$0x3FB4] =	sst s10  }
0x38: {  	s10 =	sld [smem:$0x3FB5]  }
0x39: {  	_ = 	snop;
	(pc) =	sbr.ind lr, $3  }
0x3a: {  	_ = 	snop  }
0x3b: {  	_ = 	snop  }
0x3c: {  	p2 =	seq.s32 s10, $0x1;
	s10 =	sld [smem:$0x3FB4]  }
0x3d: {  	_ =	shalt  }
0x3e: {  	_ =	shalt  }
0x3f: {  	_ =	shalt  }
0x40: {  	_ =	shalt  }
0x41: {  	_ =	shalt  }
0x42: {  	_ =	shalt  }
0x43: {  	_ =	shalt  }
0x44: {  	_ =	shalt  }
0x45: {  	_ =	shalt  }
0x46: {  	_ =	shalt  }
0x47: {  	_ =	shalt  }
0x48: {  	_ =	shalt  }
0x49: {  	_ =	shalt  }
0x4a: {  	_ =	shalt  }
0x4b: {  	_ =	shalt  }
0x4c: {  	_ =	shalt  }
0x4d: {  	_ =	shalt  }
0x4e: {  	_ =	shalt  }
0x4f: {  	_ =	shalt  }
0x50: {  	_ =	shalt  }
0x51: {  	_ =	shalt  }
0x52: {  	_ =	shalt  }
0x53: {  	_ =	shalt  }
0x54: {  	_ =	shalt  }
0x55: {  	_ =	shalt  }
0x56: {  	_ =	shalt  }
0x57: {  	_ =	shalt  }
0x58: {  	_ =	shalt  }
0x59: {  	_ =	shalt  }
0x5a: {  	_ =	shalt  }
0x5b: {  	_ =	shalt  }
0x5c: {  	_ =	shalt  }
0x5d: {  	_ =	shalt  }
0x5e: {  	_ =	shalt  }
0x5f: {  	_ =	shalt  }
0x60: {  	_ =	shalt  }
0x61: {  	_ =	shalt  }
0x62: {  	_ =	shalt  }
0x63: {  	_ =	shalt  }
0x64: {  	_ =	shalt  }
0x65: {  	_ =	shalt  }
0x66: {  	_ =	shalt  }
0x67: {  	_ =	shalt  }
0x68: {  	_ =	shalt  }
0x69: {  	_ =	shalt  }
0x6a: {  	_ =	shalt  }
0x6b: {  	_ =	shalt  }
0x6c: {  	_ =	shalt  }
0x6d: {  	_ =	shalt  }
0x6e: {  	_ =	shalt  }
0x6f: {  	_ =	shalt  }
0x70: {  	_ =	shalt  }
0x71: {  	_ =	shalt  }
0x72: {  	_ =	shalt  }
0x73: {  	_ =	shalt  }
0x74: {  	_ =	shalt  }
0x75: {  	_ =	shalt  }
0x76: {  	_ =	shalt  }
0x77: {  	_ =	shalt  }
0x78: {  	_ =	shalt  }
0x79: {  	_ =	shalt  }
0x7a: {  	_ =	shalt  }
0x7b: {  	_ =	shalt  }
0x7c: {  	_ =	shalt  }
0x7d: {  	_ =	shalt  }
0x7e: {  	_ =	shalt  }
0x7f: {  	_ =	shalt  }
0x80: {  	_ =	shalt  }
0x81: {  	_ =	shalt  }
0x82: {  	_ =	shalt  }
0x83: {  	_ =	shalt  }
0x84: {  	_ =	shalt  }
0x85: {  	_ =	shalt  }
0x86: {  	_ =	shalt  }
0x87: {  	_ =	shalt  }
.Lfunc_end0:
.L_simem_size_0:
called_computation.3_lowered:
.L_overlay_start_0:
0x88: {  	s2 =	sld [smem:$0x3FD9]  }
0x89: {  	s3 =	sld [smem:$0x3FFE];
	_ =	sdelay $0x1  }
0x8a: {  	s1 =	srdreg.scid  }
0x8b: {  	s0 =	sand.u32 $0x1, s1  }
0x8c: {  	s16 =	sshll.u32 s0, $0xA;
	s2 =	sadd.s32 s3, s2  }
0x8d: {  	s2 =	sadd.s32 s2, s16  }
0x8e: {  	[smem:$0x3FC0] =	sst s2  }
0x8f: {  	_ = 	snop  }
0x90: {  	(tm) =	ssettm $0x1  }
0x91: {  	s17 =	sld [smem:$0x3FFB];
	_ =	sdelay $0x3  }
0x92: {  	_ =	strace s17  }
0x93: {  	s2 =	sld [smem:$0x3FFC];
	_ =	sdelay $0x3  }
0x94: {  	_ =	strace s2  }
0x95: {  	s2 =	sld [smem:$0x3FFD];
	_ =	sdelay $0x3  }
0x96: {  	_ =	strace s2  }
0x97: {  	_ =	strace $0x8FFFFFFF  }
0x98: {  	s18 =	sld [smem:$0x3FDB];
	_ =	sdelay $0x1  }
0x99: {  	s19 =	simm.s32 $_scs_section_size  }
0x9a: {  	s4 =	simm.s32 $_size__tile_overlayer_lowered;
	s5 =	simm.s32 $_tile_overlayer_lowered  }
0x9b: {  	s22 =	simm.s32 $0x1BFF;
	s21 =	sshll.u32 s5, $0x1;
	s2 =	sadd.s32 s19, s18  }
0x9c: {  	s6 =	simm.s32 $0x0;
	s20 =	sshll.u32 s4, $0x1;
	s4 =	sadd.s32 s21, s2  }
0x9d: {  	[timem:s6], [sflag:s22] =	dma.local [hbm:s4], s20  }
0x9e: {  	_ =	swait.ge [sflag:s22], s20  }
0x9f: {  	s3 =	ssub.s32 $0x0, s20;
	[sflag:s22] =	ssyncset.done $0x0  }
0xa0: {  	[sflag:s22] =	ssyncadd.s32 s3;
	_ =	sdelay $0x1  }
0xa1: {  	s23 =	simm.s32 $0x1B8B  }
0xa2: {  	_ =	swait.ge [sflag:s23], $0x1  }
0xa3: {  	[sflag:s23] =	ssyncset.done $0x0  }
0xa4: {  	s25 =	simm.s32 $0x1B8E;
	s24 =	sld [smem:$0x3FFE];
	[sflag:s23] =	ssyncadd.s32 $0xFFFFFFFF  }
0xa5: {  	s26 =	simm.s32 $execute0_lowered;
	[smem:$0x3FD2] =	sst s25  }
0xa6: {  	s4 =	sshll.u32 s26, $0x1;
	_ =	strace $0x8000004C;
	[dreg:$0x1] =	wrdreg $0xFFFFFFFF  }
0xa7: {  	s28 =	simm.s32 $_size_execute0_lowered;
	s2 =	sadd.s32 s2, s4;
	[dreg:$0x0] =	wrdreg $0x0  }
0xa8: {  	s4 =	sshll.u32 s28, $0x1;
	[dreg:$0x2] =	wrdreg s2  }
0xa9: {  	[dreg:$0x3] =	wrdreg s4  }
0xaa: {  	[dreg:$0x4] =	wrdreg $0xC0  }
0xab: {  	_ =	task [dreg:s6], $0x5FFFF  }
0xac: {  	[dreg:$0x1] =	wrdreg $0xFFFFFFFF  }
0xad: {  	[dreg:$0x0] =	wrdreg $0x60  }
0xae: {  	[dreg:$0x2] =	wrdreg s24  }
0xaf: {  	[dreg:$0x3] =	wrdreg $0x0  }
0xb0: {  	[dreg:$0x4] =	wrdreg $0xA  }
0xb1: {  	_ =	task.clear_ibuf [dreg:s6], $0x5FFFF;
	_ =	strace $0x9000004C  }
0xb2: {  	s29 =	simm.s32 $0xA;
	_ =	strace $0x8000004E  }
0xb3: {  	_ =	swait.ge [sflag:s29], $0x1  }
0xb4: {  	[sflag:s29] =	ssyncadd.s32 $0xFFFFFFFF  }
0xb5: {  	_ =	strace $0x9000004E  }
0xb6: {  	_ =	sfence  }
0xb7: {  	s30 =	sld [smem:$0x0];
	_ =	sdelay $0x2  }
0xb8: {  	s31 =	sshll.u32 s1, $0xD;
	s1 =	sshrl.u32 s1, $0x2  }
0xb9: {  	s3 =	sand.u32 $0x4000, s31;
	s1 =	sadd.s32 s1, s30  }
0xba: {  	s0 =	sor.u32 s3, s0;
	s1 =	sshll.u32 s1, $0x11  }
0xbb: {  	s0 =	sor.u32 s1, s0  }
0xbc: {  	s0 =	sadd.s32 $0x8F2B, s0  }
0xbd: {  	[sflag:s0] =	ssyncadd.remote.s32 $0x1  }
0xbe: {  	_ =	sfence.sel $0xFFFF  }
0xbf: {  	[dreg:$0x0] =	wrdreg $0xFFFFFFFF;
	(pc) =	sbr.abs _section_cstart, $3  }
0xc0: {  	[dreg:$0x1] =	wrdreg $0xFFFFFFFF  }
0xc1: {  	_ =	task.clear_ibuf [dreg:s6], $0x2FFFF;
	_ =	strace $0x9FFFFFFF  }
0xc2: {  	(tm) =	ssettm $0x7FFFFFFF  }
0xc3: {  	_ =	shalt  }
tec
execute0_lowered:
.L_overlay_start_1:
0x0: {  	(tag) =	ssettag $0x1  }
0x1: {  	s0 =	rddreg [dreg:$0x0]  }
0x2: {  	s2 =	rddreg [dreg:$0x1]  }
0x3: {  	s1 =	simm.s32 $0x0;
	s11 =	stileid.u32;
	s3 =	srdreg.scid  }
0x4: {  	s12 =	simm.s32 $0x7;
	s15 =	simm.s32 $0x50;
	s16 =	simm.s32 $0x1E180  }
0x5: {  	s17 =	simm.s32 $0x16980;
	s18 =	simm.s32 $0x1E200;
	s19 =	simm.s32 $0x19180  }
0x6: {  	s28 =	simm.s32 $0x5;
	s29 =	simm.s32 $0x6;
	s30 =	simm.s32 $0x8  }
0x7: {  	s31 =	simm.s32 $0x200;
	[smem:$0x7FF] =	sst s1;
	s20 =	smul.u32 $0x500, s11  }
0x8: {  	s5 =	sadd.s32 $0x100800, s0;
	s3 =	sand.u32 $0x1, s3;
	s7 =	smul.u32 $0x50000, s11  }
0x9: {  	s4 =	sadd.s32 $0x2A00, s0;
	s26 =	sshll.u32 s11, $0x6;
	s11 =	simm.s32 $0x0  }
0xa: {  	_ =	strace $0x8000004D;
	s6 =	ssub.s32 $0x2, s3;
	s22 =	smul.u32 $0x4E200, s3  }
0xb: {  	s23 =	sshll.u32 s3, $0xB;
	s3 =	sshllo.u32 s3, $0x1;
	s13 =	sor.u32 $0x1C07, s26  }
0xc: {  	s26 =	simm.s32 $0x4;
	s1 =	sadd.s32 s20, s0;
	s0 =	sadd.s32 $0x19CC00, s0  }
0xd: {  	s8 =	sshrl.u32 s6, $0x1;
	s9 =	sshrl.u32 s7, $0x2;
	s24 =	smul.u32 $0x27100, s3  }
0xe: {  	s3 =	sshll.u32 s3, $0xA;
	s20 =	simm.s32 $0x1;
	s10 =	ssub.s32 s6, s8  }
0xf: {  	s1 =	sadd.s32 $0xD600, s1;
	s21 =	sadd.s32 s9, s2;
	s8 =	sor.u32 s23, s7  }
0x10: {  	s6 =	sadd.s32 s5, s22;
	s3 =	sor.u32 s7, s3;
	s22 =	simm.s32 $0x1E280  }
0x11: {  	s23 =	simm.s32 $0x1B980;
	[dreg:$0x3] =	wrdreg s1;
	s8 =	sshrl.u32 s8, $0x3  }
.Ltmp0:
0x12: {  	s3 =	sshrl.u32 s3, $0x3;
	s10 =	smax.u32 s10, $0x1;
	(pc) =	sbr.rel .LBB2_1-.Ltmp0, $4  }
0x13: {  	s14 =	sshrl.u32 s21, $0x3;
	s21 =	simm.s32 $0x1E300;
	s1 =	simm.s32 $0x3  }
0x14: {  	s25 =	sadd.s32 s0, s8;
	s8 =	sadd.s32 s5, s24;
	s0 =	sadd.s32 s0, s3  }
0x15: {  	s24 =	simm.s32 $0x2;
	s3 =	simm.s32 $0x1E400;
	[dreg:$0x4] =	wrdreg s25  }
0x16: {  	[dreg:$0x5] =	wrdreg s0;
	s25 =	simm.s32 $0x1E380;
	s0 =	simm.s32 $0x80  }
.LBB2_15:
0x17: {  	_ =	swait.ge [sflag:s28], $0x2800  }
0x18: {  	[sflag:s28] =	ssyncset.done $0x0  }
0x19: {  	[sflag:s28] =	ssyncadd.s32 $0xFFFFD800  }
0x1a: {  	_ =	swait.ge [sflag:s29], $0x2800  }
0x1b: {  	[sflag:s29] =	ssyncset.done $0x0  }
0x1c: {  	[sflag:s29] =	ssyncadd.s32 $0xFFFFD800  }
0x1d: {  	s11 =	sadd.s32 $0x1, s11;
	[bflag:$0x0] =	sbarrier.arrive $0xFFFF  }
0x1e: {  	p0 =	sne.s32 s11, s10;
	s5 =	rddreg [dreg:$0x5]  }
0x1f: {  	[hbm:s5@s31], [sflag:s13] =	dma.strided [spmem:s14@s0], $0x2800, s30, $0x10   }
.Ltmp1:
0x20: {  	_ =	swait.ge [sflag:s12], $0x2800;
	(pc) =	sbr.rel @!p0 .LBB2_16-.Ltmp1, $3  }
0x21: {  	[sflag:s12] =	ssyncset.done $0x0  }
0x22: {  	[sflag:s12] =	ssyncadd.s32 $0xFFFFD800  }
0x23: {  	[bflag:$0x0] =	sbarrier.arrive $0xFFFF;
	_ =	sdelay $0x1  }
.LBB2_1:
0x24: {  	s5 =	simm.s32 $0x0;
	s7 =	rddreg [dreg:$0x3];
	s9 =	simm.s32 $0x14180  }
0x25: {  	[tilespmem:s9], [sflag:$0x7] =	stream.linear.gather [hbm4b:s7+s5], $0x2800, $0x38;
	[tilespmem:$0x1E480] =	vst v63  }
0x26: {  	_ =	swait.ge [sflag:s12], $0x2800  }
0x27: {  	[sflag:s12] =	ssyncset.done $0x0  }
0x28: {  	[sflag:s12] =	ssyncadd.s32 $0xFFFFD800  }
0x29: {  	[spmem:s14], [sflag:s13] =	dma.local [hbm:s4], $0x2800  }
0x2a: {  	_ =	swait.ge [sflag:s12], $0x2800  }
0x2b: {  	[sflag:s12] =	ssyncset.done $0x0  }
0x2c: {  	[sflag:s12] =	ssyncadd.s32 $0xFFFFD800  }
0x2d: {  	[bflag:$0x0] =	sbarrier.arrive $0xFFFF  }
0x2e: {  	v0 =	vld [tilespmem:$0x14180];
	_ =	sdelay $0x1  }
0x2f: {  	v1 =	vld [tilespmem:$0x14190];
	_ =	sdelay $0x1  }
0x30: {  	v2 =	vld [tilespmem:$0x141A0]  }
0x31: {  	v3 =	vshrl.u32 v0, $0xE  }
0x32: {  	v54 =	vld [tilespmem:$0x141B0];
	v0 =	vand.u32 $0x3FFF, v0;
	[tilespmem:$0x1E300] =	vst v3  }
0x33: {  	v55 =	vshrl.u32 v1, $0xE;
	[tilespmem:$0x1E180] =	vst v0  }
0x34: {  	v57 =	vld [tilespmem:$0x141C0];
	v56 =	vand.u32 $0x3FFF, v1;
	[tilespmem:$0x1E310] =	vst v55  }
0x35: {  	v58 =	vshrl.u32 v2, $0xE;
	[tilespmem:$0x1E190] =	vst v56  }
0x36: {  	v59 =	vand.u32 $0x3FFF, v2;
	[tilespmem:$0x1E320] =	vst v58  }
0x37: {  	v60 =	vshrl.u32 v54, $0xE;
	[tilespmem:$0x1E1A0] =	vst v59  }
0x38: {  	v61 =	vand.u32 $0x3FFF, v54;
	[tilespmem:$0x1E330] =	vst v60  }
0x39: {  	v62 =	vshrl.u32 v57, $0xE;
	[tilespmem:$0x1E1B0] =	vst v61  }
0x3a: {  	v63 =	vand.u32 $0x3FFF, v57;
	[tilespmem:$0x1E340] =	vst v62  }
0x3b: {  	s5 =	simm.s32 $0x14220;
	s7 =	simm.s32 $0x0;
	[tilespmem:$0x1E1C0] =	vst v63  }
0x3c: {  	[tilespmem:s17], [sflag:$0x1] =	stream.indirect.gather [hbm4b:s6+s15], $0x80, s16, s15, $0xb8;
	[tilespmem:$0x1E480] =	vst v63  }
.LBB2_2:
0x3d: {  	p0 =	seq.s32 s7, $0x0  }
0x3e: {  	s9 =	simm.s32 @!p0 $0x5  }
0x3f: {  	_ =	swait.ge @!p0 [sflag:s9], $0x2800  }
0x40: {  	[sflag:s9] =	ssyncset.done @!p0 $0x0  }
0x41: {  	[sflag:s9] =	ssyncadd.s32 @!p0 $0xFFFFD800  }
0x42: {  	v0 =	vld [tilespmem:s5+$0xFFFFFFB0];
	_ =	sdelay $0x4  }
0x43: {  	v1 =	vshrl.u32 v0, $0xE  }
0x44: {  	v0 =	vand.u32 $0x3FFF, v0;
	[tilespmem:$0x1E380] =	vst v1  }
0x45: {  	[tilespmem:$0x1E200] =	vst v0  }
0x46: {  	v0 =	vld [tilespmem:s5+$0xFFFFFFC0];
	_ =	sdelay $0x4  }
0x47: {  	v60 =	vshrl.u32 v0, $0xE  }
0x48: {  	v0 =	vand.u32 $0x3FFF, v0;
	[tilespmem:$0x1E390] =	vst v60  }
0x49: {  	[tilespmem:$0x1E210] =	vst v0  }
0x4a: {  	v0 =	vld [tilespmem:s5+$0xFFFFFFD0];
	_ =	sdelay $0x4  }
0x4b: {  	v61 =	vshrl.u32 v0, $0xE  }
0x4c: {  	v0 =	vand.u32 $0x3FFF, v0;
	[tilespmem:$0x1E3A0] =	vst v61  }
0x4d: {  	[tilespmem:$0x1E220] =	vst v0  }
0x4e: {  	v0 =	vld [tilespmem:s5+$0xFFFFFFE0];
	_ =	sdelay $0x4  }
0x4f: {  	v62 =	vshrl.u32 v0, $0xE  }
0x50: {  	v0 =	vand.u32 $0x3FFF, v0;
	[tilespmem:$0x1E3B0] =	vst v62  }
0x51: {  	[tilespmem:$0x1E230] =	vst v0  }
0x52: {  	v0 =	vld [tilespmem:s5+$0xFFFFFFF0];
	_ =	sdelay $0x4  }
0x53: {  	v63 =	vshrl.u32 v0, $0xE  }
0x54: {  	v0 =	vand.u32 $0x3FFF, v0;
	[tilespmem:$0x1E3C0] =	vst v63  }
0x55: {  	[tilespmem:$0x1E240] =	vst v0  }
0x56: {  	[tilespmem:s19], [sflag:$0x2] =	stream.indirect.gather [hbm4b:s6+s15], $0x80, s18, s15, $0xb8;
	[tilespmem:$0x1E480] =	vst v63  }
.Ltmp2:
0x57: {  	_ = 	snop;
	(pc) =	sbr.rel @p0 .LBB2_5-.Ltmp2, $4  }
0x58: {  	_ =	swait.ge [sflag:s20], $0x2800  }
0x59: {  	[sflag:s20] =	ssyncset.done $0x0  }
0x5a: {  	[sflag:s20] =	ssyncadd.s32 $0xFFFFD800  }
0x5b: {  	[spmem:s2] =	stream.indirect.scatter.add.f32 [tilespmem:s17], [sflag:$0x4], $0x80, s21, s15, $0xb8;
	[tilespmem:$0x1E480] =	vst v63  }
0x5c: {  	p0 =	seq.s32 s7, $0x2A  }
.Ltmp3:
0x5d: {  	_ = 	snop;
	(pc) =	sbr.rel @p0 .LBB2_6-.Ltmp3, $1  }
0x5e: {  	_ =	sdelay $0x3  }
0x5f: {  	_ =	swait.ge [sflag:s29], $0x2800  }
0x60: {  	[sflag:s29] =	ssyncset.done $0x0  }
0x61: {  	[sflag:s29] =	ssyncadd.s32 $0xFFFFD800  }
.LBB2_5:
0x62: {  	v0 =	vld [tilespmem:s5+$0x0];
	_ =	sdelay $0x4  }
0x63: {  	v1 =	vshrl.u32 v0, $0xE  }
0x64: {  	v0 =	vand.u32 $0x3FFF, v0;
	[tilespmem:$0x1E400] =	vst v1  }
0x65: {  	[tilespmem:$0x1E280] =	vst v0  }
0x66: {  	v0 =	vld [tilespmem:s5+$0x10];
	_ =	sdelay $0x4  }
0x67: {  	v60 =	vshrl.u32 v0, $0xE  }
0x68: {  	v0 =	vand.u32 $0x3FFF, v0;
	[tilespmem:$0x1E410] =	vst v60  }
0x69: {  	[tilespmem:$0x1E290] =	vst v0  }
0x6a: {  	v0 =	vld [tilespmem:s5+$0x20];
	_ =	sdelay $0x4  }
0x6b: {  	v61 =	vshrl.u32 v0, $0xE  }
0x6c: {  	v0 =	vand.u32 $0x3FFF, v0;
	[tilespmem:$0x1E420] =	vst v61  }
0x6d: {  	[tilespmem:$0x1E2A0] =	vst v0  }
0x6e: {  	v0 =	vld [tilespmem:s5+$0x30];
	_ =	sdelay $0x4  }
0x6f: {  	v62 =	vshrl.u32 v0, $0xE  }
0x70: {  	v0 =	vand.u32 $0x3FFF, v0;
	[tilespmem:$0x1E430] =	vst v62  }
0x71: {  	[tilespmem:$0x1E2B0] =	vst v0  }
0x72: {  	v0 =	vld [tilespmem:s5+$0x40];
	_ =	sdelay $0x4  }
0x73: {  	v63 =	vshrl.u32 v0, $0xE  }
0x74: {  	v0 =	vand.u32 $0x3FFF, v0;
	[tilespmem:$0x1E440] =	vst v63  }
0x75: {  	[tilespmem:$0x1E2C0] =	vst v0  }
0x76: {  	[tilespmem:s23], [sflag:$0x3] =	stream.indirect.gather [hbm4b:s6+s15], $0x80, s22, s15, $0xb8;
	[tilespmem:$0x1E480] =	vst v63  }
.LBB2_6:
0x77: {  	_ =	swait.ge [sflag:s24], $0x2800  }
0x78: {  	p0 =	seq.s32 s7, $0x2A;
	[sflag:s24] =	ssyncset.done $0x0  }
.Ltmp4:
0x79: {  	[sflag:s24] =	ssyncadd.s32 $0xFFFFD800;
	(pc) =	sbr.rel @p0 .LBB2_8-.Ltmp4, $4  }
0x7a: {  	[spmem:s2] =	stream.indirect.scatter.add.f32 [tilespmem:s19], [sflag:$0x5], $0x80, s25, s15, $0xb8;
	[tilespmem:$0x1E480] =	vst v63  }
0x7b: {  	_ =	swait.ge [sflag:s26], $0x2800  }
0x7c: {  	[sflag:s26] =	ssyncset.done $0x0  }
0x7d: {  	[sflag:s26] =	ssyncadd.s32 $0xFFFFD800  }
0x7e: {  	v0 =	vld [tilespmem:s5+$0x50];
	_ =	sdelay $0x4  }
0x7f: {  	v1 =	vshrl.u32 v0, $0xE  }
0x80: {  	v0 =	vand.u32 $0x3FFF, v0;
	[tilespmem:$0x1E300] =	vst v1  }
0x81: {  	[tilespmem:$0x1E180] =	vst v0  }
0x82: {  	v0 =	vld [tilespmem:s5+$0x60];
	_ =	sdelay $0x4  }
0x83: {  	v60 =	vshrl.u32 v0, $0xE  }
0x84: {  	v0 =	vand.u32 $0x3FFF, v0;
	[tilespmem:$0x1E310] =	vst v60  }
0x85: {  	[tilespmem:$0x1E190] =	vst v0  }
0x86: {  	v0 =	vld [tilespmem:s5+$0x70];
	_ =	sdelay $0x4  }
0x87: {  	v61 =	vshrl.u32 v0, $0xE  }
0x88: {  	v0 =	vand.u32 $0x3FFF, v0;
	[tilespmem:$0x1E320] =	vst v61  }
0x89: {  	[tilespmem:$0x1E1A0] =	vst v0  }
0x8a: {  	v0 =	vld [tilespmem:s5+$0x80];
	_ =	sdelay $0x4  }
0x8b: {  	v62 =	vshrl.u32 v0, $0xE  }
0x8c: {  	v0 =	vand.u32 $0x3FFF, v0;
	[tilespmem:$0x1E330] =	vst v62  }
0x8d: {  	[tilespmem:$0x1E1B0] =	vst v0  }
0x8e: {  	v0 =	vld [tilespmem:s5+$0x90];
	_ =	sdelay $0x4  }
0x8f: {  	v63 =	vshrl.u32 v0, $0xE  }
0x90: {  	v0 =	vand.u32 $0x3FFF, v0;
	[tilespmem:$0x1E340] =	vst v63  }
0x91: {  	[tilespmem:$0x1E1C0] =	vst v0  }
0x92: {  	[tilespmem:s17], [sflag:$0x1] =	stream.indirect.gather [hbm4b:s6+s15], $0x80, s16, s15, $0xb8;
	[tilespmem:$0x1E480] =	vst v63  }
.Ltmp5:
0x93: {  	_ = 	snop;
	(pc) =	sbr.rel .LBB2_2-.Ltmp5, $4  }
0x94: {  	_ =	swait.ge [sflag:s1], $0x2800  }
0x95: {  	[sflag:s1] =	ssyncset.done $0x0  }
0x96: {  	s7 =	sadd.s32 $0x1, s7;
	s5 =	sadd.s32 $0xF0, s5;
	[sflag:s1] =	ssyncadd.s32 $0xFFFFD800  }
0x97: {  	[spmem:s2] =	stream.indirect.scatter.add.f32 [tilespmem:s23], [sflag:$0x6], $0x80, s3, s15, $0xb8;
	[tilespmem:$0x1E480] =	vst v63  }
.LBB2_8:
0x98: {  	_ =	swait.ge [sflag:s28], $0x2800  }
0x99: {  	[sflag:s28] =	ssyncset.done $0x0  }
0x9a: {  	[sflag:s28] =	ssyncadd.s32 $0xFFFFD800  }
0x9b: {  	_ =	swait.ge [sflag:s29], $0x2800  }
0x9c: {  	[sflag:s29] =	ssyncset.done $0x0  }
0x9d: {  	[sflag:s29] =	ssyncadd.s32 $0xFFFFD800  }
0x9e: {  	[bflag:$0x0] =	sbarrier.arrive $0xFFFF  }
0x9f: {  	s5 =	rddreg [dreg:$0x4]  }
0xa0: {  	[hbm:s5@s31], [sflag:s13] =	dma.strided [spmem:s14@s0], $0x2800, s30, $0x10   }
0xa1: {  	_ =	swait.ge [sflag:s12], $0x2800  }
0xa2: {  	[sflag:s12] =	ssyncset.done $0x0  }
0xa3: {  	[sflag:s12] =	ssyncadd.s32 $0xFFFFD800  }
0xa4: {  	[bflag:$0x0] =	sbarrier.arrive $0xFFFF  }
0xa5: {  	[spmem:s14], [sflag:s13] =	dma.local [hbm:s4], $0x2800  }
0xa6: {  	_ =	swait.ge [sflag:s12], $0x2800  }
0xa7: {  	[sflag:s12] =	ssyncset.done $0x0  }
0xa8: {  	[sflag:s12] =	ssyncadd.s32 $0xFFFFD800  }
0xa9: {  	[bflag:$0x0] =	sbarrier.arrive $0xFFFF  }
0xaa: {  	v0 =	vld [tilespmem:$0x14180];
	_ =	sdelay $0x1  }
0xab: {  	v1 =	vld [tilespmem:$0x14190];
	_ =	sdelay $0x1  }
0xac: {  	v2 =	vld [tilespmem:$0x141A0]  }
0xad: {  	v3 =	vshrl.u32 v0, $0xE  }
0xae: {  	v54 =	vld [tilespmem:$0x141B0];
	v0 =	vand.u32 $0x3FFF, v0;
	[tilespmem:$0x1E300] =	vst v3  }
0xaf: {  	v55 =	vshrl.u32 v1, $0xE;
	[tilespmem:$0x1E180] =	vst v0  }
0xb0: {  	v57 =	vld [tilespmem:$0x141C0];
	v56 =	vand.u32 $0x3FFF, v1;
	[tilespmem:$0x1E310] =	vst v55  }
0xb1: {  	v58 =	vshrl.u32 v2, $0xE;
	[tilespmem:$0x1E190] =	vst v56  }
0xb2: {  	v59 =	vand.u32 $0x3FFF, v2;
	[tilespmem:$0x1E320] =	vst v58  }
0xb3: {  	v60 =	vshrl.u32 v54, $0xE;
	[tilespmem:$0x1E1A0] =	vst v59  }
0xb4: {  	v61 =	vand.u32 $0x3FFF, v54;
	[tilespmem:$0x1E330] =	vst v60  }
0xb5: {  	v62 =	vshrl.u32 v57, $0xE;
	[tilespmem:$0x1E1B0] =	vst v61  }
0xb6: {  	v63 =	vand.u32 $0x3FFF, v57;
	[tilespmem:$0x1E340] =	vst v62  }
0xb7: {  	s7 =	simm.s32 $0x14220;
	s5 =	simm.s32 $0x0;
	[tilespmem:$0x1E1C0] =	vst v63  }
0xb8: {  	[tilespmem:s17], [sflag:$0x1] =	stream.indirect.gather [hbm4b:s8+s15], $0x80, s16, s15, $0xb8;
	[tilespmem:$0x1E480] =	vst v63  }
.LBB2_9:
0xb9: {  	p0 =	seq.s32 s5, $0x0  }
0xba: {  	s9 =	simm.s32 @!p0 $0x5  }
0xbb: {  	_ =	swait.ge @!p0 [sflag:s9], $0x2800  }
0xbc: {  	[sflag:s9] =	ssyncset.done @!p0 $0x0  }
0xbd: {  	[sflag:s9] =	ssyncadd.s32 @!p0 $0xFFFFD800  }
0xbe: {  	v0 =	vld [tilespmem:s7+$0xFFFFFFB0];
	_ =	sdelay $0x4  }
0xbf: {  	v1 =	vshrl.u32 v0, $0xE  }
0xc0: {  	v0 =	vand.u32 $0x3FFF, v0;
	[tilespmem:$0x1E380] =	vst v1  }
0xc1: {  	[tilespmem:$0x1E200] =	vst v0  }
0xc2: {  	v0 =	vld [tilespmem:s7+$0xFFFFFFC0];
	_ =	sdelay $0x4  }
0xc3: {  	v60 =	vshrl.u32 v0, $0xE  }
0xc4: {  	v0 =	vand.u32 $0x3FFF, v0;
	[tilespmem:$0x1E390] =	vst v60  }
0xc5: {  	[tilespmem:$0x1E210] =	vst v0  }
0xc6: {  	v0 =	vld [tilespmem:s7+$0xFFFFFFD0];
	_ =	sdelay $0x4  }
0xc7: {  	v61 =	vshrl.u32 v0, $0xE  }
0xc8: {  	v0 =	vand.u32 $0x3FFF, v0;
	[tilespmem:$0x1E3A0] =	vst v61  }
0xc9: {  	[tilespmem:$0x1E220] =	vst v0  }
0xca: {  	v0 =	vld [tilespmem:s7+$0xFFFFFFE0];
	_ =	sdelay $0x4  }
0xcb: {  	v62 =	vshrl.u32 v0, $0xE  }
0xcc: {  	v0 =	vand.u32 $0x3FFF, v0;
	[tilespmem:$0x1E3B0] =	vst v62  }
0xcd: {  	[tilespmem:$0x1E230] =	vst v0  }
0xce: {  	v0 =	vld [tilespmem:s7+$0xFFFFFFF0];
	_ =	sdelay $0x4  }
0xcf: {  	v63 =	vshrl.u32 v0, $0xE  }
0xd0: {  	v0 =	vand.u32 $0x3FFF, v0;
	[tilespmem:$0x1E3C0] =	vst v63  }
0xd1: {  	[tilespmem:$0x1E240] =	vst v0  }
0xd2: {  	[tilespmem:s19], [sflag:$0x2] =	stream.indirect.gather [hbm4b:s8+s15], $0x80, s18, s15, $0xb8;
	[tilespmem:$0x1E480] =	vst v63  }
.Ltmp6:
0xd3: {  	_ = 	snop;
	(pc) =	sbr.rel @p0 .LBB2_12-.Ltmp6, $4  }
0xd4: {  	_ =	swait.ge [sflag:s20], $0x2800  }
0xd5: {  	[sflag:s20] =	ssyncset.done $0x0  }
0xd6: {  	[sflag:s20] =	ssyncadd.s32 $0xFFFFD800  }
0xd7: {  	[spmem:s2] =	stream.indirect.scatter.add.f32 [tilespmem:s17], [sflag:$0x4], $0x80, s21, s15, $0xb8;
	[tilespmem:$0x1E480] =	vst v63  }
0xd8: {  	p0 =	seq.s32 s5, $0x2A  }
.Ltmp7:
0xd9: {  	_ = 	snop;
	(pc) =	sbr.rel @p0 .LBB2_13-.Ltmp7, $1  }
0xda: {  	_ =	sdelay $0x3  }
0xdb: {  	_ =	swait.ge [sflag:s29], $0x2800  }
0xdc: {  	[sflag:s29] =	ssyncset.done $0x0  }
0xdd: {  	[sflag:s29] =	ssyncadd.s32 $0xFFFFD800  }
.LBB2_12:
0xde: {  	v0 =	vld [tilespmem:s7+$0x0];
	_ =	sdelay $0x4  }
0xdf: {  	v1 =	vshrl.u32 v0, $0xE  }
0xe0: {  	v0 =	vand.u32 $0x3FFF, v0;
	[tilespmem:$0x1E400] =	vst v1  }
0xe1: {  	[tilespmem:$0x1E280] =	vst v0  }
0xe2: {  	v0 =	vld [tilespmem:s7+$0x10];
	_ =	sdelay $0x4  }
0xe3: {  	v60 =	vshrl.u32 v0, $0xE  }
0xe4: {  	v0 =	vand.u32 $0x3FFF, v0;
	[tilespmem:$0x1E410] =	vst v60  }
0xe5: {  	[tilespmem:$0x1E290] =	vst v0  }
0xe6: {  	v0 =	vld [tilespmem:s7+$0x20];
	_ =	sdelay $0x4  }
0xe7: {  	v61 =	vshrl.u32 v0, $0xE  }
0xe8: {  	v0 =	vand.u32 $0x3FFF, v0;
	[tilespmem:$0x1E420] =	vst v61  }
0xe9: {  	[tilespmem:$0x1E2A0] =	vst v0  }
0xea: {  	v0 =	vld [tilespmem:s7+$0x30];
	_ =	sdelay $0x4  }
0xeb: {  	v62 =	vshrl.u32 v0, $0xE  }
0xec: {  	v0 =	vand.u32 $0x3FFF, v0;
	[tilespmem:$0x1E430] =	vst v62  }
0xed: {  	[tilespmem:$0x1E2B0] =	vst v0  }
0xee: {  	v0 =	vld [tilespmem:s7+$0x40];
	_ =	sdelay $0x4  }
0xef: {  	v63 =	vshrl.u32 v0, $0xE  }
0xf0: {  	v0 =	vand.u32 $0x3FFF, v0;
	[tilespmem:$0x1E440] =	vst v63  }
0xf1: {  	[tilespmem:$0x1E2C0] =	vst v0  }
0xf2: {  	[tilespmem:s23], [sflag:$0x3] =	stream.indirect.gather [hbm4b:s8+s15], $0x80, s22, s15, $0xb8;
	[tilespmem:$0x1E480] =	vst v63  }
.LBB2_13:
0xf3: {  	_ =	swait.ge [sflag:s24], $0x2800  }
0xf4: {  	p0 =	seq.s32 s5, $0x2A;
	[sflag:s24] =	ssyncset.done $0x0  }
.Ltmp8:
0xf5: {  	[sflag:s24] =	ssyncadd.s32 $0xFFFFD800;
	(pc) =	sbr.rel @p0 .LBB2_15-.Ltmp8, $4  }
0xf6: {  	[spmem:s2] =	stream.indirect.scatter.add.f32 [tilespmem:s19], [sflag:$0x5], $0x80, s25, s15, $0xb8;
	[tilespmem:$0x1E480] =	vst v63  }
0xf7: {  	_ =	swait.ge [sflag:s26], $0x2800  }
0xf8: {  	[sflag:s26] =	ssyncset.done $0x0  }
0xf9: {  	[sflag:s26] =	ssyncadd.s32 $0xFFFFD800  }
0xfa: {  	v0 =	vld [tilespmem:s7+$0x50];
	_ =	sdelay $0x4  }
0xfb: {  	v1 =	vshrl.u32 v0, $0xE  }
0xfc: {  	v0 =	vand.u32 $0x3FFF, v0;
	[tilespmem:$0x1E300] =	vst v1  }
0xfd: {  	[tilespmem:$0x1E180] =	vst v0  }
0xfe: {  	v0 =	vld [tilespmem:s7+$0x60];
	_ =	sdelay $0x4  }
0xff: {  	v60 =	vshrl.u32 v0, $0xE  }
0x100: {  	v0 =	vand.u32 $0x3FFF, v0;
	[tilespmem:$0x1E310] =	vst v60  }
0x101: {  	[tilespmem:$0x1E190] =	vst v0  }
0x102: {  	v0 =	vld [tilespmem:s7+$0x70];
	_ =	sdelay $0x4  }
0x103: {  	v61 =	vshrl.u32 v0, $0xE  }
0x104: {  	v0 =	vand.u32 $0x3FFF, v0;
	[tilespmem:$0x1E320] =	vst v61  }
0x105: {  	[tilespmem:$0x1E1A0] =	vst v0  }
0x106: {  	v0 =	vld [tilespmem:s7+$0x80];
	_ =	sdelay $0x4  }
0x107: {  	v62 =	vshrl.u32 v0, $0xE  }
0x108: {  	v0 =	vand.u32 $0x3FFF, v0;
	[tilespmem:$0x1E330] =	vst v62  }
0x109: {  	[tilespmem:$0x1E1B0] =	vst v0  }
0x10a: {  	v0 =	vld [tilespmem:s7+$0x90];
	_ =	sdelay $0x4  }
0x10b: {  	v63 =	vshrl.u32 v0, $0xE  }
0x10c: {  	v0 =	vand.u32 $0x3FFF, v0;
	[tilespmem:$0x1E340] =	vst v63  }
0x10d: {  	[tilespmem:$0x1E1C0] =	vst v0  }
0x10e: {  	[tilespmem:s17], [sflag:$0x1] =	stream.indirect.gather [hbm4b:s8+s15], $0x80, s16, s15, $0xb8;
	[tilespmem:$0x1E480] =	vst v63  }
.Ltmp9:
0x10f: {  	_ = 	snop;
	(pc) =	sbr.rel .LBB2_9-.Ltmp9, $4  }
0x110: {  	_ =	swait.ge [sflag:s1], $0x2800  }
0x111: {  	[sflag:s1] =	ssyncset.done $0x0  }
0x112: {  	s5 =	sadd.s32 $0x1, s5;
	s7 =	sadd.s32 $0xF0, s7;
	[sflag:s1] =	ssyncadd.s32 $0xFFFFD800  }
0x113: {  	[spmem:s2] =	stream.indirect.scatter.add.f32 [tilespmem:s23], [sflag:$0x6], $0x80, s3, s15, $0xb8;
	[tilespmem:$0x1E480] =	vst v63  }
.LBB2_16:
0x114: {  	_ =	sfence.sel $0x180000  }
0x115: {  	[bflag:$0x0] =	sbarrier.arrive $0xFFFF  }
0x116: {  	_ =	strace $0x9000004D  }
0x117: {  	s0 =	stileid.u32;
	[bflag:$0x2] =	sbarrier.arrive $0xFFFF  }
0x118: {  	p0 =	sne.s32 s0, $0x0;
	s0 =	rddreg [dreg:$0x2]  }
0x119: {  	s0 =	sadd.s32 @!p0 $0x100000, s0  }
0x11a: {  	[sflag:s0] =	ssyncadd.tile.s32 @!p0 $0x1;
	_ =	shalt  }
.Lfunc_end2:
_tile_overlayer_lowered:
.L_overlay_start_2:
0x11b: {  	(tag) =	ssettag $0x2  }
0x11c: {  	s0 =	rddreg [dreg:$0x0];
	s2 =	stileid.u32  }
0x11d: {  	s1 =	rddreg [dreg:$0x1];
	p0 =	sne.s32 s2, $0x0  }
0x11e: {  	s3 =	rddreg [dreg:$0x2];
	[bflag:$0x3] =	sbarrier.arrive $0xFFFF;
	s2 =	simm.s32 @!p0 $0x1C07  }
0x11f: {  	[timem:s3], [sflag:s2] =	dma.local @!p0 [hbm:s0], s1  }
0x120: {  	s0 =	simm.s32 @!p0 $0x7  }
0x121: {  	_ =	swait.ge @!p0 [sflag:s0], s1  }
0x122: {  	s1 =	ssub.s32 @!p0 $0x0, s1;
	[sflag:s0] =	ssyncset.done @!p0 $0x0  }
0x123: {  	[sflag:s0] =	ssyncadd.s32 @!p0 s1  }
0x124: {  	[bflag:$0x3] =	sbarrier.arrive $0xFFFF  }
0x125: {  	_ =	shalt  }

</sc_bundles>
